<compile_context>
chip_gen: v7x
topology: tpu7x:2x2x1
jax: 0.10.2.dev20260603
libtpu: 0.0.44.dev20260713+nightly
codegen_flags: <defaults>
</compile_context>

<pallas_src>
import functools

import jax
import jax.numpy as jnp
from jax import lax
from jax.experimental import pallas as pl
from jax.experimental.pallas import tpu as pltpu
from jax.experimental.pallas import tpu_sc as plsc

N_NODES = 10000
FDIM = 128
BLK = 1000
GRID = N_NODES // BLK

NCORES = 2
NSUB = 16
NWORK = NCORES * NSUB
CH = 128
CPW = 80
TOT_CHUNKS = NWORK * CPW
EPAD = TOT_CHUNKS * CH
NPAD = 10240
RPT = NPAD // NSUB
GC = 8
C0 = 152
C1 = 8

_mesh = plsc.VectorSubcoreMesh(core_axis_name="c", subcore_axis_name="s")


def _seg_rows_body(p_hbm, src_hbm, dst_hbm, out_hbm,
                   src_v, dst_v, rows_a, rows_b, zbuf, acc_sh, sem_a, sem_b):
    c = lax.axis_index("c")
    s = lax.axis_index("s")
    cnt = C0 + c * (C1 - C0)
    start = c * (NSUB * C0) + s * cnt
    ngroups = (C0 // GC) + c * ((C1 // GC) - (C0 // GC))

    zero16 = jnp.zeros((16,), jnp.float32)

    def _zrow(i, _):
        for j in range(FDIM // 16):
            zbuf[i, pl.ds(j * 16, 16)] = zero16
        return 0
    lax.fori_loop(0, 16, _zrow, 0)

    def _zacc(k, _):
        pltpu.sync_copy(zbuf, acc_sh.at[pl.ds(s * RPT + k * 16, 16)])
        return 0
    lax.fori_loop(0, RPT // 16, _zacc, 0)

    plsc.subcore_barrier()

    def _group(g, _):
        pltpu.sync_copy(src_hbm.at[pl.ds(start + g * GC, GC)], src_v)
        pltpu.sync_copy(dst_hbm.at[pl.ds(start + g * GC, GC)], dst_v)
        copies = [None, None]
        bufs = [rows_a, rows_b]
        copies[0] = pltpu.async_copy(p_hbm.at[src_v.at[0]], rows_a, sem_a)
        for j in range(GC):
            if j + 1 < GC:
                copies[(j + 1) % 2] = pltpu.async_copy(
                    p_hbm.at[src_v.at[j + 1]], bufs[(j + 1) % 2], sem_b)
            copies[j % 2].wait()
            pltpu.sync_copy(bufs[j % 2], acc_sh.at[dst_v.at[j]], add=True)
        return 0
    lax.fori_loop(0, ngroups, _group, 0)

    plsc.subcore_barrier()

    pltpu.sync_copy(acc_sh.at[pl.ds(s * RPT, RPT)],
                    out_hbm.at[c, pl.ds(s * RPT, RPT)])


_seg_rows = functools.partial(
    pl.kernel, _seg_rows_body, mesh=_mesh,
    out_type=jax.ShapeDtypeStruct((NCORES, NPAD, FDIM), jnp.float32),
    scratch_types=[
        pltpu.VMEM((GC, CH), jnp.int32),
        pltpu.VMEM((GC, CH), jnp.int32),
        pltpu.VMEM((CH, FDIM), jnp.float32),
        pltpu.VMEM((CH, FDIM), jnp.float32),
        pltpu.VMEM((16, FDIM), jnp.float32),
        pltpu.VMEM_SHARED((NPAD, FDIM), jnp.float32),
        pltpu.SemaphoreType.DMA,
        pltpu.SemaphoreType.DMA,
    ],
)()


def _seg_scalar_body(p_hbm, src_hbm, dst_hbm, out_hbm,
                     src_v, dst_v, vals_v, vals_w, z1d, acc_sh, sem, sem2):
    c = lax.axis_index("c")
    s = lax.axis_index("s")
    wid = c * NSUB + s

    zero16 = jnp.zeros((16,), jnp.float32)

    def _z1(i, _):
        z1d[pl.ds(i * 16, 16)] = zero16
        return 0
    lax.fori_loop(0, RPT // 16, _z1, 0)
    pltpu.sync_copy(z1d, acc_sh.at[pl.ds(s * RPT, RPT)])

    pltpu.sync_copy(src_hbm.at[pl.ds(wid * CPW, CPW)], src_v)
    pltpu.sync_copy(dst_hbm.at[pl.ds(wid * CPW, CPW)], dst_v)

    plsc.subcore_barrier()

    def _vgroup(g, _):
        base = g * GC
        copies = [None, None]
        bufs = [vals_v, vals_w]
        copies[0] = pltpu.async_copy(p_hbm.at[src_v.at[base]], vals_v, sem)
        for j in range(GC):
            if j + 1 < GC:
                copies[(j + 1) % 2] = pltpu.async_copy(
                    p_hbm.at[src_v.at[base + j + 1]], bufs[(j + 1) % 2], sem2)
            copies[j % 2].wait()
            pltpu.sync_copy(bufs[j % 2], acc_sh.at[dst_v.at[base + j]], add=True)
        return 0
    lax.fori_loop(0, CPW // GC, _vgroup, 0)

    plsc.subcore_barrier()

    pltpu.sync_copy(acc_sh.at[pl.ds(s * RPT, RPT)],
                    out_hbm.at[c, pl.ds(s * RPT, RPT)])


_seg_scalar = functools.partial(
    pl.kernel, _seg_scalar_body, mesh=_mesh,
    out_type=jax.ShapeDtypeStruct((NCORES, NPAD), jnp.float32),
    scratch_types=[
        pltpu.VMEM((CPW, CH), jnp.int32),
        pltpu.VMEM((CPW, CH), jnp.int32),
        pltpu.VMEM((CH,), jnp.float32),
        pltpu.VMEM((CH,), jnp.float32),
        pltpu.VMEM((RPT,), jnp.float32),
        pltpu.VMEM_SHARED((NPAD,), jnp.float32),
        pltpu.SemaphoreType.DMA,
        pltpu.SemaphoreType.DMA,
    ],
)()



def _layer1_body(x_ref, ws_ref, wn_ref, b_ref, s1_ref, p1_ref):
    xb = x_ref[...]
    s1_ref[...] = jnp.dot(xb, ws_ref[...], preferred_element_type=jnp.float32) + b_ref[...]
    p1_ref[...] = jnp.dot(xb, wn_ref[...], preferred_element_type=jnp.float32)


def _layer2_body(s1_ref, a0_ref, a1_ref, d0_ref, d1_ref, ws_ref, wn_ref, b_ref,
                 s2_ref, p2_ref, invd_ref):
    deg = d0_ref[...] + d1_ref[...]
    inv = 1.0 / jnp.maximum(deg, 1.0)
    h1 = jnp.maximum(s1_ref[...] + (a0_ref[...] + a1_ref[...]) * inv, 0.0)
    s2_ref[...] = jnp.dot(h1, ws_ref[...], preferred_element_type=jnp.float32) + b_ref[...]
    p2_ref[...] = jnp.dot(h1, wn_ref[...], preferred_element_type=jnp.float32)
    invd_ref[...] = inv


def _layer3_body(s2_ref, a0_ref, a1_ref, invd_ref, ws_ref, wn_ref, b_ref,
                 q3_ref, p3_ref):
    inv = invd_ref[...]
    h2 = jnp.maximum(s2_ref[...] + (a0_ref[...] + a1_ref[...]) * inv, 0.0)
    q3_ref[...] = jnp.dot(h2, ws_ref[...], preferred_element_type=jnp.float32) + b_ref[...]
    p3_ref[...] = jnp.dot(h2, wn_ref[...], preferred_element_type=jnp.float32)


def _final_body(q3_ref, a0_ref, a1_ref, invd_ref, out_ref):
    out_ref[...] = q3_ref[...] + (a0_ref[...] + a1_ref[...]) * invd_ref[...]


def _full(shape):
    return pl.BlockSpec(shape, lambda i: tuple(0 for _ in shape))


def _rows(width):
    return pl.BlockSpec((BLK, width), lambda i: (i, 0))


_layer1 = pl.pallas_call(
    _layer1_body,
    grid=(GRID,),
    in_specs=[_rows(FDIM), _full((FDIM, FDIM)), _full((FDIM, FDIM)), _full((1, FDIM))],
    out_specs=[_rows(FDIM), _rows(FDIM)],
    out_shape=[jax.ShapeDtypeStruct((N_NODES, FDIM), jnp.float32)] * 2,
)

_layer2 = pl.pallas_call(
    _layer2_body,
    grid=(GRID,),
    in_specs=[_rows(FDIM), _rows(FDIM), _rows(FDIM), _rows(1), _rows(1),
              _full((FDIM, FDIM)), _full((FDIM, FDIM)), _full((1, FDIM))],
    out_specs=[_rows(FDIM), _rows(FDIM), _rows(1)],
    out_shape=[jax.ShapeDtypeStruct((N_NODES, FDIM), jnp.float32),
               jax.ShapeDtypeStruct((N_NODES, FDIM), jnp.float32),
               jax.ShapeDtypeStruct((N_NODES, 1), jnp.float32)],
)

_layer3 = pl.pallas_call(
    _layer3_body,
    grid=(GRID,),
    in_specs=[_rows(FDIM), _rows(FDIM), _rows(FDIM), _rows(1),
              _full((FDIM, 1)), _full((FDIM, 1)), _full((1, 1))],
    out_specs=[_rows(1), _rows(1)],
    out_shape=[jax.ShapeDtypeStruct((N_NODES, 1), jnp.float32)] * 2,
)

_final = pl.pallas_call(
    _final_body,
    grid=(GRID,),
    in_specs=[_rows(1), _rows(1), _rows(1), _rows(1)],
    out_specs=_rows(1),
    out_shape=jax.ShapeDtypeStruct((N_NODES, 1), jnp.float32),
)


def kernel(x, edge_index, W1_self, W1_neigh, b1, W2_self, W2_neigh, b2,
           W3_self, W3_neigh, b3):
    src = edge_index[0].astype(jnp.int32)
    dst = edge_index[1].astype(jnp.int32)
    e = src.shape[0]
    srcp = jnp.concatenate([src, jnp.zeros((EPAD - e,), jnp.int32)]).reshape(TOT_CHUNKS, CH)
    dstp = jnp.concatenate([dst, jnp.full((EPAD - e,), NPAD - 1, jnp.int32)]).reshape(TOT_CHUNKS, CH)

    degp = _seg_scalar(jnp.ones((N_NODES,), jnp.float32), srcp, dstp)
    d0 = degp[0, :N_NODES, None]
    d1 = degp[1, :N_NODES, None]
    s1, p1 = _layer1(x, W1_self, W1_neigh, b1.reshape(1, FDIM))
    agg1 = _seg_rows(p1, srcp, dstp)
    s2, p2, invd = _layer2(s1, agg1[0, :N_NODES], agg1[1, :N_NODES], d0, d1,
                           W2_self, W2_neigh, b2.reshape(1, FDIM))
    agg2 = _seg_rows(p2, srcp, dstp)
    q3, p3 = _layer3(s2, agg2[0, :N_NODES], agg2[1, :N_NODES], invd,
                     W3_self, W3_neigh, b3.reshape(1, 1))
    agg3 = _seg_scalar(p3[:, 0], srcp, dstp)
    return _final(q3, agg3[0, :N_NODES, None], agg3[1, :N_NODES, None], invd)

# --- scband reference (transcript-rebuilt; emitter-appended) ---
"""Pipeline reference for scband-sage-34376918237987 (READ-ONLY COPY).

The authoritative reference and input builder live on the scoring server;
editing this copy changes nothing except your own understanding.
"""

import jax, jax.numpy as jnp
import numpy as np

N, E, D, H = 10000, 320000, 128, 128


def setup_inputs(seed: int = 0) -> dict:
    key = jax.random.key(seed)
    ks = jax.random.split(key, 12)
    x = jax.random.normal(ks[0], (N, D), dtype=jnp.float32)
    edge_index = jax.random.randint(ks[1], (2, E), 0, N)
    s = 1.0 / np.sqrt(D)
    W1_self = jax.random.normal(ks[2], (D, H), dtype=jnp.float32) * s
    W1_neigh = jax.random.normal(ks[3], (D, H), dtype=jnp.float32) * s
    b1 = jnp.zeros((H,), dtype=jnp.float32)
    sh = 1.0 / np.sqrt(H)
    W2_self = jax.random.normal(ks[4], (H, H), dtype=jnp.float32) * sh
    W2_neigh = jax.random.normal(ks[5], (H, H), dtype=jnp.float32) * sh
    b2 = jnp.zeros((H,), dtype=jnp.float32)
    W3_self = jax.random.normal(ks[6], (H, 1), dtype=jnp.float32) * sh
    W3_neigh = jax.random.normal(ks[7], (H, 1), dtype=jnp.float32) * sh
    b3 = jnp.zeros((1,), dtype=jnp.float32)
    return {"x": x, "edge_index": edge_index,
            "W1_self": W1_self, "W1_neigh": W1_neigh, "b1": b1,
            "W2_self": W2_self, "W2_neigh": W2_neigh, "b2": b2,
            "W3_self": W3_self, "W3_neigh": W3_neigh, "b3": b3}


def _sage_conv(h, src, dst, W_self, W_neigh, b, n_nodes):
    # DGL SAGEConv, aggregator_type='mean':
    #   h_neigh = mean_{j in N(i)} h_j ;  out = h_i @ W_self + h_neigh @ W_neigh + b
    msg = h[src]                                                   # gather over edges
    agg = jax.ops.segment_sum(msg, dst, num_segments=n_nodes)     # scatter-add by dst
    deg = jax.ops.segment_sum(jnp.ones((src.shape[0],), h.dtype), dst, num_segments=n_nodes)
    h_neigh = agg / jnp.maximum(deg, 1.0)[:, None]
    return h @ W_self + h_neigh @ W_neigh + b


def reference(x, edge_index, W1_self, W1_neigh, b1, W2_self, W2_neigh, b2, W3_self, W3_neigh, b3):
    src = edge_index[0]
    dst = edge_index[1]
    n = x.shape[0]
    h = _sage_conv(x, src, dst, W1_self, W1_neigh, b1, n)
    h = jax.nn.relu(h)
    h = _sage_conv(h, src, dst, W2_self, W2_neigh, b2, n)
    h = jax.nn.relu(h)
    h = _sage_conv(h, src, dst, W3_self, W3_neigh, b3, n)
    return h

if __name__ == "__main__":
    import jax
    _d = setup_inputs()
    print(jax.jit(kernel)(*tuple(_d.values())))

</pallas_src>

<mosaic_0001>
#map = affine_map<(d0, d1) -> (0)>
#map1 = affine_map<(d0, d1) -> (0, 0)>
module attributes {stable_mosaic.version = 14 : i64} {
  func.func @_seg_scalar_body(%arg0: i32, %arg1: i32, %arg2: memref<10000xf32, #tpu.memory_space<hbm>>, %arg3: memref<2560x128xi32, #tpu.memory_space<hbm>>, %arg4: memref<2560x128xi32, #tpu.memory_space<hbm>>, %arg5: memref<2x10240xf32, #tpu.memory_space<hbm>>, %arg6: memref<80x128xi32, #tpu.memory_space<vmem>>, %arg7: memref<80x128xi32, #tpu.memory_space<vmem>>, %arg8: memref<128xf32, #tpu.memory_space<vmem>>, %arg9: memref<128xf32, #tpu.memory_space<vmem>>, %arg10: memref<640xf32, #tpu.memory_space<vmem>>, %arg11: memref<10240xf32, #tpu.memory_space<vmem_shared>>, %arg12: memref<!tpu.dma_semaphore, #tpu.memory_space<semaphore_mem>>, %arg13: memref<!tpu.dma_semaphore, #tpu.memory_space<semaphore_mem>>) attributes {dimension_semantics = [#tpu.dimension_semantics<core_parallel>, #tpu.dimension_semantics<subcore_parallel>], iteration_bounds = array<i64: 2, 16>, scalar_prefetch = 0 : i64, scratch_operands = 8 : i64, tpu.core_type = #tpu.core_type<sc_vector_subcore>, window_params = [{transform_indices = #map}, {transform_indices = #map1}, {transform_indices = #map1}, {transform_indices = #map1}]} {
    %mul3A = arith.constant 16 : i32
    %mul3A_0 = arith.muli %arg0, %mul3A : i32
    %add3A = arith.addi %mul3A_0, %arg1 : i32
    %broadcast_in_dim3A = arith.constant 0.000000e+00 : f32
    %broadcast_in_dim3A_1 = vector.broadcast %broadcast_in_dim3A : f32 to vector<16xf32>
    %scan3A = arith.constant 0 : i32
    %scan3A_2 = arith.constant 0 : i32
    %scan3A_3 = arith.constant 40 : i32
    %scan3A_4 = arith.addi %scan3A_2, %scan3A_3 : i32
    %scan3A_5 = arith.constant 1 : i32
    %scan3A_6 = scf.for %scan3A_26 = %scan3A_2 to %scan3A_4 step %scan3A_5 iter_args(%scan3A_27 = %scan3A) -> (i32)  : i32 {
      %mul3A_28 = arith.constant 16 : i32
      %mul3A_29 = arith.muli %scan3A_26, %mul3A_28 : i32
      %swap3A = arith.index_cast %mul3A_29 : i32 to index
      %swap3A_30 = tpu.vector_load %arg10[%swap3A] {strides = array<i32>} : memref<640xf32, #tpu.memory_space<vmem>>, vector<16xf32>,
      %swap3A_31 = vector.shape_cast %swap3A_30 : vector<16xf32> to vector<16xf32>
      %swap3A_32 = vector.shape_cast %broadcast_in_dim3A_1 : vector<16xf32> to vector<16xf32>
      tpu.vector_store %arg10[%swap3A], %swap3A_32 {strides = array<i32>} : memref<640xf32, #tpu.memory_space<vmem>>, vector<16xf32>,
      %scan3A_33 = arith.constant 0 : i32
      scf.yield %scan3A_33 : i32
    }
    %scan3A_7 = arith.constant 40 : i32
    %mul3A_8 = arith.constant 640 : i32
    %mul3A_9 = arith.muli %arg1, %mul3A_8 : i32
    "tpu.region"() ({
      %run_scoped3A = tpu.sem_alloc : memref<!tpu.dma_semaphore, #tpu.memory_space<semaphore_mem>>
      %dma_start3A = tpu.memref_slice %arg11[%mul3A_9] : memref<10240xf32, #tpu.memory_space<vmem_shared>> -> memref<640xf32, #tpu.memory_space<vmem_shared>>
      %dma_start3A_26 = tpu.memref_slice %arg11[%mul3A_9] : memref<10240xf32, #tpu.memory_space<vmem_shared>> -> memref<640xf32, #tpu.memory_space<vmem_shared>>
      tpu.enqueue_dma source(%arg10 : memref<640xf32, #tpu.memory_space<vmem>>) target(%dma_start3A_26 : memref<640xf32, #tpu.memory_space<vmem_shared>>) target_semaphore(%run_scoped3A : memref<!tpu.dma_semaphore, #tpu.memory_space<semaphore_mem>>)
      %dma_wait3A = tpu.memref_slice %arg11[%mul3A_9] : memref<10240xf32, #tpu.memory_space<vmem_shared>> -> memref<640xf32, #tpu.memory_space<vmem_shared>>
      %dma_wait3A_27 = tpu.memref_slice %arg11[%mul3A_9] : memref<10240xf32, #tpu.memory_space<vmem_shared>> -> memref<640xf32, #tpu.memory_space<vmem_shared>>
      tpu.wait_dma2 semaphore(%run_scoped3A : memref<!tpu.dma_semaphore, #tpu.memory_space<semaphore_mem>>) src(%arg10 : memref<640xf32, #tpu.memory_space<vmem>>) dst(%dma_wait3A_27 : memref<640xf32, #tpu.memory_space<vmem_shared>>)
      tpu.yield
    }) : () -> ()
    %mul3A_10 = arith.constant 80 : i32
    %mul3A_11 = arith.muli %add3A, %mul3A_10 : i32
    "tpu.region"() ({
      %run_scoped3A = tpu.sem_alloc : memref<!tpu.dma_semaphore, #tpu.memory_space<semaphore_mem>>
      %dma_start3A = arith.constant 0 : i32
      %dma_start3A_26 = tpu.memref_slice %arg3[%mul3A_11, %dma_start3A] : memref<2560x128xi32, #tpu.memory_space<hbm>> -> memref<80x128xi32, #tpu.memory_space<hbm>>
      %dma_start3A_27 = arith.constant 0 : i32
      %dma_start3A_28 = tpu.memref_slice %arg3[%mul3A_11, %dma_start3A_27] : memref<2560x128xi32, #tpu.memory_space<hbm>> -> memref<80x128xi32, #tpu.memory_space<hbm>>
      tpu.enqueue_dma source(%dma_start3A_28 : memref<80x128xi32, #tpu.memory_space<hbm>>) target(%arg6 : memref<80x128xi32, #tpu.memory_space<vmem>>) target_semaphore(%run_scoped3A : memref<!tpu.dma_semaphore, #tpu.memory_space<semaphore_mem>>)
      %dma_wait3A = arith.constant 0 : i32
      %dma_wait3A_29 = tpu.memref_slice %arg3[%mul3A_11, %dma_wait3A] : memref<2560x128xi32, #tpu.memory_space<hbm>> -> memref<80x128xi32, #tpu.memory_space<hbm>>
      %dma_wait3A_30 = arith.constant 0 : i32
      %dma_wait3A_31 = tpu.memref_slice %arg3[%mul3A_11, %dma_wait3A_30] : memref<2560x128xi32, #tpu.memory_space<hbm>> -> memref<80x128xi32, #tpu.memory_space<hbm>>
      tpu.wait_dma2 semaphore(%run_scoped3A : memref<!tpu.dma_semaphore, #tpu.memory_space<semaphore_mem>>) src(%dma_wait3A_31 : memref<80x128xi32, #tpu.memory_space<hbm>>) dst(%arg6 : memref<80x128xi32, #tpu.memory_space<vmem>>)
      tpu.yield
    }) : () -> ()
    %mul3A_12 = arith.constant 80 : i32
    %mul3A_13 = arith.muli %add3A, %mul3A_12 : i32
    "tpu.region"() ({
      %run_scoped3A = tpu.sem_alloc : memref<!tpu.dma_semaphore, #tpu.memory_space<semaphore_mem>>
      %dma_start3A = arith.constant 0 : i32
      %dma_start3A_26 = tpu.memref_slice %arg4[%mul3A_13, %dma_start3A] : memref<2560x128xi32, #tpu.memory_space<hbm>> -> memref<80x128xi32, #tpu.memory_space<hbm>>
      %dma_start3A_27 = arith.constant 0 : i32
      %dma_start3A_28 = tpu.memref_slice %arg4[%mul3A_13, %dma_start3A_27] : memref<2560x128xi32, #tpu.memory_space<hbm>> -> memref<80x128xi32, #tpu.memory_space<hbm>>
      tpu.enqueue_dma source(%dma_start3A_28 : memref<80x128xi32, #tpu.memory_space<hbm>>) target(%arg7 : memref<80x128xi32, #tpu.memory_space<vmem>>) target_semaphore(%run_scoped3A : memref<!tpu.dma_semaphore, #tpu.memory_space<semaphore_mem>>)
      %dma_wait3A = arith.constant 0 : i32
      %dma_wait3A_29 = tpu.memref_slice %arg4[%mul3A_13, %dma_wait3A] : memref<2560x128xi32, #tpu.memory_space<hbm>> -> memref<80x128xi32, #tpu.memory_space<hbm>>
      %dma_wait3A_30 = arith.constant 0 : i32
      %dma_wait3A_31 = tpu.memref_slice %arg4[%mul3A_13, %dma_wait3A_30] : memref<2560x128xi32, #tpu.memory_space<hbm>> -> memref<80x128xi32, #tpu.memory_space<hbm>>
      tpu.wait_dma2 semaphore(%run_scoped3A : memref<!tpu.dma_semaphore, #tpu.memory_space<semaphore_mem>>) src(%dma_wait3A_31 : memref<80x128xi32, #tpu.memory_space<hbm>>) dst(%arg7 : memref<80x128xi32, #tpu.memory_space<vmem>>)
      tpu.yield
    }) : () -> ()
    %barrier3A = arith.constant 0 : index
    tpu.barrier barrier_id(%barrier3A)
    %scan3A_14 = arith.constant 0 : i32
    %scan3A_15 = arith.constant 0 : i32
    %scan3A_16 = arith.constant 10 : i32
    %scan3A_17 = arith.addi %scan3A_15, %scan3A_16 : i32
    %scan3A_18 = arith.constant 1 : i32
    %scan3A_19 = scf.for %scan3A_26 = %scan3A_15 to %scan3A_17 step %scan3A_18 iter_args(%scan3A_27 = %scan3A_14) -> (i32)  : i32 {
      %mul3A_28 = arith.constant 8 : i32
      %mul3A_29 = arith.muli %scan3A_26, %mul3A_28 : i32
      %dma_start3A = arith.constant 0 : i32
      %dma_start3A_30 = tpu.memref_slice %arg6[%mul3A_29, %dma_start3A] : memref<80x128xi32, #tpu.memory_space<vmem>> -> memref<1x128xi32, #tpu.memory_space<vmem>>
      %dma_start3A_31 = tpu.memref_squeeze %dma_start3A_30 : memref<1x128xi32, #tpu.memory_space<vmem>> -> memref<128xi32, #tpu.memory_space<vmem>>
      %dma_start3A_32 = arith.constant 0 : i32
      %dma_start3A_33 = tpu.memref_slice %arg2[%dma_start3A_32] : memref<10000xf32, #tpu.memory_space<hbm>> -> memref<10000xf32, #tpu.memory_space<hbm>>
      tpu.enqueue_indirect_dma source(%dma_start3A_33 : memref<10000xf32, #tpu.memory_space<hbm>>) target(%arg8 : memref<128xf32, #tpu.memory_space<vmem>>) offsets(%dma_start3A_31 : memref<128xi32, #tpu.memory_space<vmem>>) semaphore(%arg12 : memref<!tpu.dma_semaphore, #tpu.memory_space<semaphore_mem>>)
      %add3A_34 = arith.constant 0 : i32
      %add3A_35 = arith.addi %mul3A_29, %add3A_34 : i32
      %add3A_36 = arith.constant 1 : i32
      %add3A_37 = arith.addi %add3A_35, %add3A_36 : i32
      %dma_start3A_38 = arith.constant 0 : i32
      %dma_start3A_39 = tpu.memref_slice %arg6[%add3A_37, %dma_start3A_38] : memref<80x128xi32, #tpu.memory_space<vmem>> -> memref<1x128xi32, #tpu.memory_space<vmem>>
      %dma_start3A_40 = tpu.memref_squeeze %dma_start3A_39 : memref<1x128xi32, #tpu.memory_space<vmem>> -> memref<128xi32, #tpu.memory_space<vmem>>
      %dma_start3A_41 = arith.constant 0 : i32
      %dma_start3A_42 = tpu.memref_slice %arg2[%dma_start3A_41] : memref<10000xf32, #tpu.memory_space<hbm>> -> memref<10000xf32, #tpu.memory_space<hbm>>
      tpu.enqueue_indirect_dma source(%dma_start3A_42 : memref<10000xf32, #tpu.memory_space<hbm>>) target(%arg9 : memref<128xf32, #tpu.memory_space<vmem>>) offsets(%dma_start3A_40 : memref<128xi32, #tpu.memory_space<vmem>>) semaphore(%arg13 : memref<!tpu.dma_semaphore, #tpu.memory_space<semaphore_mem>>)
      %dma_wait3A = arith.constant 0 : i32
      %dma_wait3A_43 = tpu.memref_slice %arg6[%mul3A_29, %dma_wait3A] : memref<80x128xi32, #tpu.memory_space<vmem>> -> memref<1x128xi32, #tpu.memory_space<vmem>>
      %dma_wait3A_44 = tpu.memref_squeeze %dma_wait3A_43 : memref<1x128xi32, #tpu.memory_space<vmem>> -> memref<128xi32, #tpu.memory_space<vmem>>
      %dma_wait3A_45 = arith.constant 0 : i32
      %dma_wait3A_46 = tpu.memref_slice %arg2[%dma_wait3A_45] : memref<10000xf32, #tpu.memory_space<hbm>> -> memref<10000xf32, #tpu.memory_space<hbm>>
      tpu.wait_indirect_dma semaphore(%arg12 : memref<!tpu.dma_semaphore, #tpu.memory_space<semaphore_mem>>) src(%dma_wait3A_46 : memref<10000xf32, #tpu.memory_space<hbm>>) dst(%arg8 : memref<128xf32, #tpu.memory_space<vmem>>)
      %add3A_47 = arith.constant 0 : i32
      %add3A_48 = arith.addi %mul3A_29, %add3A_47 : i32
      "tpu.region"() ({
        %run_scoped3A = tpu.sem_alloc : memref<!tpu.dma_semaphore, #tpu.memory_space<semaphore_mem>>
        %dma_start3A_153 = arith.constant 0 : i32
        %dma_start3A_154 = tpu.memref_slice %arg7[%add3A_48, %dma_start3A_153] : memref<80x128xi32, #tpu.memory_space<vmem>> -> memref<1x128xi32, #tpu.memory_space<vmem>>
        %dma_start3A_155 = tpu.memref_squeeze %dma_start3A_154 : memref<1x128xi32, #tpu.memory_space<vmem>> -> memref<128xi32, #tpu.memory_space<vmem>>
        %dma_start3A_156 = arith.constant 0 : i32
        %dma_start3A_157 = tpu.memref_slice %arg11[%dma_start3A_156] : memref<10240xf32, #tpu.memory_space<vmem_shared>> -> memref<10240xf32, #tpu.memory_space<vmem_shared>>
        tpu.enqueue_indirect_dma source(%arg8 : memref<128xf32, #tpu.memory_space<vmem>>) target(%dma_start3A_157 : memref<10240xf32, #tpu.memory_space<vmem_shared>>) offsets(%dma_start3A_155 : memref<128xi32, #tpu.memory_space<vmem>>) semaphore(%run_scoped3A : memref<!tpu.dma_semaphore, #tpu.memory_space<semaphore_mem>>) {add = true}
        %dma_wait3A_158 = arith.constant 0 : i32
        %dma_wait3A_159 = tpu.memref_slice %arg7[%add3A_48, %dma_wait3A_158] : memref<80x128xi32, #tpu.memory_space<vmem>> -> memref<1x128xi32, #tpu.memory_space<vmem>>
        %dma_wait3A_160 = tpu.memref_squeeze %dma_wait3A_159 : memref<1x128xi32, #tpu.memory_space<vmem>> -> memref<128xi32, #tpu.memory_space<vmem>>
        %dma_wait3A_161 = arith.constant 0 : i32
        %dma_wait3A_162 = tpu.memref_slice %arg11[%dma_wait3A_161] : memref<10240xf32, #tpu.memory_space<vmem_shared>> -> memref<10240xf32, #tpu.memory_space<vmem_shared>>
        tpu.wait_indirect_dma semaphore(%run_scoped3A : memref<!tpu.dma_semaphore, #tpu.memory_space<semaphore_mem>>) src(%arg8 : memref<128xf32, #tpu.memory_space<vmem>>) dst(%dma_wait3A_162 : memref<10240xf32, #tpu.memory_space<vmem_shared>>)
        tpu.yield
      }) : () -> ()
      %add3A_49 = arith.constant 1 : i32
      %add3A_50 = arith.addi %mul3A_29, %add3A_49 : i32
      %add3A_51 = arith.constant 1 : i32
      %add3A_52 = arith.addi %add3A_50, %add3A_51 : i32
      %dma_start3A_53 = arith.constant 0 : i32
      %dma_start3A_54 = tpu.memref_slice %arg6[%add3A_52, %dma_start3A_53] : memref<80x128xi32, #tpu.memory_space<vmem>> -> memref<1x128xi32, #tpu.memory_space<vmem>>
      %dma_start3A_55 = tpu.memref_squeeze %dma_start3A_54 : memref<1x128xi32, #tpu.memory_space<vmem>> -> memref<128xi32, #tpu.memory_space<vmem>>
      %dma_start3A_56 = arith.constant 0 : i32
      %dma_start3A_57 = tpu.memref_slice %arg2[%dma_start3A_56] : memref<10000xf32, #tpu.memory_space<hbm>> -> memref<10000xf32, #tpu.memory_space<hbm>>
      tpu.enqueue_indirect_dma source(%dma_start3A_57 : memref<10000xf32, #tpu.memory_space<hbm>>) target(%arg8 : memref<128xf32, #tpu.memory_space<vmem>>) offsets(%dma_start3A_55 : memref<128xi32, #tpu.memory_space<vmem>>) semaphore(%arg13 : memref<!tpu.dma_semaphore, #tpu.memory_space<semaphore_mem>>)
      %dma_wait3A_58 = arith.constant 0 : i32
      %dma_wait3A_59 = tpu.memref_slice %arg6[%add3A_37, %dma_wait3A_58] : memref<80x128xi32, #tpu.memory_space<vmem>> -> memref<1x128xi32, #tpu.memory_space<vmem>>
      %dma_wait3A_60 = tpu.memref_squeeze %dma_wait3A_59 : memref<1x128xi32, #tpu.memory_space<vmem>> -> memref<128xi32, #tpu.memory_space<vmem>>
      %dma_wait3A_61 = arith.constant 0 : i32
      %dma_wait3A_62 = tpu.memref_slice %arg2[%dma_wait3A_61] : memref<10000xf32, #tpu.memory_space<hbm>> -> memref<10000xf32, #tpu.memory_space<hbm>>
      tpu.wait_indirect_dma semaphore(%arg13 : memref<!tpu.dma_semaphore, #tpu.memory_space<semaphore_mem>>) src(%dma_wait3A_62 : memref<10000xf32, #tpu.memory_space<hbm>>) dst(%arg9 : memref<128xf32, #tpu.memory_space<vmem>>)
      %add3A_63 = arith.constant 1 : i32
      %add3A_64 = arith.addi %mul3A_29, %add3A_63 : i32
      "tpu.region"() ({
        %run_scoped3A = tpu.sem_alloc : memref<!tpu.dma_semaphore, #tpu.memory_space<semaphore_mem>>
        %dma_start3A_153 = arith.constant 0 : i32
        %dma_start3A_154 = tpu.memref_slice %arg7[%add3A_64, %dma_start3A_153] : memref<80x128xi32, #tpu.memory_space<vmem>> -> memref<1x128xi32, #tpu.memory_space<vmem>>
        %dma_start3A_155 = tpu.memref_squeeze %dma_start3A_154 : memref<1x128xi32, #tpu.memory_space<vmem>> -> memref<128xi32, #tpu.memory_space<vmem>>
        %dma_start3A_156 = arith.constant 0 : i32
        %dma_start3A_157 = tpu.memref_slice %arg11[%dma_start3A_156] : memref<10240xf32, #tpu.memory_space<vmem_shared>> -> memref<10240xf32, #tpu.memory_space<vmem_shared>>
        tpu.enqueue_indirect_dma source(%arg9 : memref<128xf32, #tpu.memory_space<vmem>>) target(%dma_start3A_157 : memref<10240xf32, #tpu.memory_space<vmem_shared>>) offsets(%dma_start3A_155 : memref<128xi32, #tpu.memory_space<vmem>>) semaphore(%run_scoped3A : memref<!tpu.dma_semaphore, #tpu.memory_space<semaphore_mem>>) {add = true}
        %dma_wait3A_158 = arith.constant 0 : i32
        %dma_wait3A_159 = tpu.memref_slice %arg7[%add3A_64, %dma_wait3A_158] : memref<80x128xi32, #tpu.memory_space<vmem>> -> memref<1x128xi32, #tpu.memory_space<vmem>>
        %dma_wait3A_160 = tpu.memref_squeeze %dma_wait3A_159 : memref<1x128xi32, #tpu.memory_space<vmem>> -> memref<128xi32, #tpu.memory_space<vmem>>
        %dma_wait3A_161 = arith.constant 0 : i32
        %dma_wait3A_162 = tpu.memref_slice %arg11[%dma_wait3A_161] : memref<10240xf32, #tpu.memory_space<vmem_shared>> -> memref<10240xf32, #tpu.memory_space<vmem_shared>>
        tpu.wait_indirect_dma semaphore(%run_scoped3A : memref<!tpu.dma_semaphore, #tpu.memory_space<semaphore_mem>>) src(%arg9 : memref<128xf32, #tpu.memory_space<vmem>>) dst(%dma_wait3A_162 : memref<10240xf32, #tpu.memory_space<vmem_shared>>)
        tpu.yield
      }) : () -> ()
      %add3A_65 = arith.constant 2 : i32
      %add3A_66 = arith.addi %mul3A_29, %add3A_65 : i32
      %add3A_67 = arith.constant 1 : i32
      %add3A_68 = arith.addi %add3A_66, %add3A_67 : i32
      %dma_start3A_69 = arith.constant 0 : i32
      %dma_start3A_70 = tpu.memref_slice %arg6[%add3A_68, %dma_start3A_69] : memref<80x128xi32, #tpu.memory_space<vmem>> -> memref<1x128xi32, #tpu.memory_space<vmem>>
      %dma_start3A_71 = tpu.memref_squeeze %dma_start3A_70 : memref<1x128xi32, #tpu.memory_space<vmem>> -> memref<128xi32, #tpu.memory_space<vmem>>
      %dma_start3A_72 = arith.constant 0 : i32
      %dma_start3A_73 = tpu.memref_slice %arg2[%dma_start3A_72] : memref<10000xf32, #tpu.memory_space<hbm>> -> memref<10000xf32, #tpu.memory_space<hbm>>
      tpu.enqueue_indirect_dma source(%dma_start3A_73 : memref<10000xf32, #tpu.memory_space<hbm>>) target(%arg9 : memref<128xf32, #tpu.memory_space<vmem>>) offsets(%dma_start3A_71 : memref<128xi32, #tpu.memory_space<vmem>>) semaphore(%arg13 : memref<!tpu.dma_semaphore, #tpu.memory_space<semaphore_mem>>)
      %dma_wait3A_74 = arith.constant 0 : i32
      %dma_wait3A_75 = tpu.memref_slice %arg6[%add3A_52, %dma_wait3A_74] : memref<80x128xi32, #tpu.memory_space<vmem>> -> memref<1x128xi32, #tpu.memory_space<vmem>>
      %dma_wait3A_76 = tpu.memref_squeeze %dma_wait3A_75 : memref<1x128xi32, #tpu.memory_space<vmem>> -> memref<128xi32, #tpu.memory_space<vmem>>
      %dma_wait3A_77 = arith.constant 0 : i32
      %dma_wait3A_78 = tpu.memref_slice %arg2[%dma_wait3A_77] : memref<10000xf32, #tpu.memory_space<hbm>> -> memref<10000xf32, #tpu.memory_space<hbm>>
      tpu.wait_indirect_dma semaphore(%arg13 : memref<!tpu.dma_semaphore, #tpu.memory_space<semaphore_mem>>) src(%dma_wait3A_78 : memref<10000xf32, #tpu.memory_space<hbm>>) dst(%arg8 : memref<128xf32, #tpu.memory_space<vmem>>)
      %add3A_79 = arith.constant 2 : i32
      %add3A_80 = arith.addi %mul3A_29, %add3A_79 : i32
      "tpu.region"() ({
        %run_scoped3A = tpu.sem_alloc : memref<!tpu.dma_semaphore, #tpu.memory_space<semaphore_mem>>
        %dma_start3A_153 = arith.constant 0 : i32
        %dma_start3A_154 = tpu.memref_slice %arg7[%add3A_80, %dma_start3A_153] : memref<80x128xi32, #tpu.memory_space<vmem>> -> memref<1x128xi32, #tpu.memory_space<vmem>>
        %dma_start3A_155 = tpu.memref_squeeze %dma_start3A_154 : memref<1x128xi32, #tpu.memory_space<vmem>> -> memref<128xi32, #tpu.memory_space<vmem>>
        %dma_start3A_156 = arith.constant 0 : i32
        %dma_start3A_157 = tpu.memref_slice %arg11[%dma_start3A_156] : memref<10240xf32, #tpu.memory_space<vmem_shared>> -> memref<10240xf32, #tpu.memory_space<vmem_shared>>
        tpu.enqueue_indirect_dma source(%arg8 : memref<128xf32, #tpu.memory_space<vmem>>) target(%dma_start3A_157 : memref<10240xf32, #tpu.memory_space<vmem_shared>>) offsets(%dma_start3A_155 : memref<128xi32, #tpu.memory_space<vmem>>) semaphore(%run_scoped3A : memref<!tpu.dma_semaphore, #tpu.memory_space<semaphore_mem>>) {add = true}
        %dma_wait3A_158 = arith.constant 0 : i32
        %dma_wait3A_159 = tpu.memref_slice %arg7[%add3A_80, %dma_wait3A_158] : memref<80x128xi32, #tpu.memory_space<vmem>> -> memref<1x128xi32, #tpu.memory_space<vmem>>
        %dma_wait3A_160 = tpu.memref_squeeze %dma_wait3A_159 : memref<1x128xi32, #tpu.memory_space<vmem>> -> memref<128xi32, #tpu.memory_space<vmem>>
        %dma_wait3A_161 = arith.constant 0 : i32
        %dma_wait3A_162 = tpu.memref_slice %arg11[%dma_wait3A_161] : memref<10240xf32, #tpu.memory_space<vmem_shared>> -> memref<10240xf32, #tpu.memory_space<vmem_shared>>
        tpu.wait_indirect_dma semaphore(%run_scoped3A : memref<!tpu.dma_semaphore, #tpu.memory_space<semaphore_mem>>) src(%arg8 : memref<128xf32, #tpu.memory_space<vmem>>) dst(%dma_wait3A_162 : memref<10240xf32, #tpu.memory_space<vmem_shared>>)
        tpu.yield
      }) : () -> ()
      %add3A_81 = arith.constant 3 : i32
      %add3A_82 = arith.addi %mul3A_29, %add3A_81 : i32
      %add3A_83 = arith.constant 1 : i32
      %add3A_84 = arith.addi %add3A_82, %add3A_83 : i32
      %dma_start3A_85 = arith.constant 0 : i32
      %dma_start3A_86 = tpu.memref_slice %arg6[%add3A_84, %dma_start3A_85] : memref<80x128xi32, #tpu.memory_space<vmem>> -> memref<1x128xi32, #tpu.memory_space<vmem>>
      %dma_start3A_87 = tpu.memref_squeeze %dma_start3A_86 : memref<1x128xi32, #tpu.memory_space<vmem>> -> memref<128xi32, #tpu.memory_space<vmem>>
      %dma_start3A_88 = arith.constant 0 : i32
      %dma_start3A_89 = tpu.memref_slice %arg2[%dma_start3A_88] : memref<10000xf32, #tpu.memory_space<hbm>> -> memref<10000xf32, #tpu.memory_space<hbm>>
      tpu.enqueue_indirect_dma source(%dma_start3A_89 : memref<10000xf32, #tpu.memory_space<hbm>>) target(%arg8 : memref<128xf32, #tpu.memory_space<vmem>>) offsets(%dma_start3A_87 : memref<128xi32, #tpu.memory_space<vmem>>) semaphore(%arg13 : memref<!tpu.dma_semaphore, #tpu.memory_space<semaphore_mem>>)
      %dma_wait3A_90 = arith.constant 0 : i32
      %dma_wait3A_91 = tpu.memref_slice %arg6[%add3A_68, %dma_wait3A_90] : memref<80x128xi32, #tpu.memory_space<vmem>> -> memref<1x128xi32, #tpu.memory_space<vmem>>
      %dma_wait3A_92 = tpu.memref_squeeze %dma_wait3A_91 : memref<1x128xi32, #tpu.memory_space<vmem>> -> memref<128xi32, #tpu.memory_space<vmem>>
      %dma_wait3A_93 = arith.constant 0 : i32
      %dma_wait3A_94 = tpu.memref_slice %arg2[%dma_wait3A_93] : memref<10000xf32, #tpu.memory_space<hbm>> -> memref<10000xf32, #tpu.memory_space<hbm>>
      tpu.wait_indirect_dma semaphore(%arg13 : memref<!tpu.dma_semaphore, #tpu.memory_space<semaphore_mem>>) src(%dma_wait3A_94 : memref<10000xf32, #tpu.memory_space<hbm>>) dst(%arg9 : memref<128xf32, #tpu.memory_space<vmem>>)
      %add3A_95 = arith.constant 3 : i32
      %add3A_96 = arith.addi %mul3A_29, %add3A_95 : i32
      "tpu.region"() ({
        %run_scoped3A = tpu.sem_alloc : memref<!tpu.dma_semaphore, #tpu.memory_space<semaphore_mem>>
        %dma_start3A_153 = arith.constant 0 : i32
        %dma_start3A_154 = tpu.memref_slice %arg7[%add3A_96, %dma_start3A_153] : memref<80x128xi32, #tpu.memory_space<vmem>> -> memref<1x128xi32, #tpu.memory_space<vmem>>
        %dma_start3A_155 = tpu.memref_squeeze %dma_start3A_154 : memref<1x128xi32, #tpu.memory_space<vmem>> -> memref<128xi32, #tpu.memory_space<vmem>>
        %dma_start3A_156 = arith.constant 0 : i32
        %dma_start3A_157 = tpu.memref_slice %arg11[%dma_start3A_156] : memref<10240xf32, #tpu.memory_space<vmem_shared>> -> memref<10240xf32, #tpu.memory_space<vmem_shared>>
        tpu.enqueue_indirect_dma source(%arg9 : memref<128xf32, #tpu.memory_space<vmem>>) target(%dma_start3A_157 : memref<10240xf32, #tpu.memory_space<vmem_shared>>) offsets(%dma_start3A_155 : memref<128xi32, #tpu.memory_space<vmem>>) semaphore(%run_scoped3A : memref<!tpu.dma_semaphore, #tpu.memory_space<semaphore_mem>>) {add = true}
        %dma_wait3A_158 = arith.constant 0 : i32
        %dma_wait3A_159 = tpu.memref_slice %arg7[%add3A_96, %dma_wait3A_158] : memref<80x128xi32, #tpu.memory_space<vmem>> -> memref<1x128xi32, #tpu.memory_space<vmem>>
        %dma_wait3A_160 = tpu.memref_squeeze %dma_wait3A_159 : memref<1x128xi32, #tpu.memory_space<vmem>> -> memref<128xi32, #tpu.memory_space<vmem>>
        %dma_wait3A_161 = arith.constant 0 : i32
        %dma_wait3A_162 = tpu.memref_slice %arg11[%dma_wait3A_161] : memref<10240xf32, #tpu.memory_space<vmem_shared>> -> memref<10240xf32, #tpu.memory_space<vmem_shared>>
        tpu.wait_indirect_dma semaphore(%run_scoped3A : memref<!tpu.dma_semaphore, #tpu.memory_space<semaphore_mem>>) src(%arg9 : memref<128xf32, #tpu.memory_space<vmem>>) dst(%dma_wait3A_162 : memref<10240xf32, #tpu.memory_space<vmem_shared>>)
        tpu.yield
      }) : () -> ()
      %add3A_97 = arith.constant 4 : i32
      %add3A_98 = arith.addi %mul3A_29, %add3A_97 : i32
      %add3A_99 = arith.constant 1 : i32
      %add3A_100 = arith.addi %add3A_98, %add3A_99 : i32
      %dma_start3A_101 = arith.constant 0 : i32
      %dma_start3A_102 = tpu.memref_slice %arg6[%add3A_100, %dma_start3A_101] : memref<80x128xi32, #tpu.memory_space<vmem>> -> memref<1x128xi32, #tpu.memory_space<vmem>>
      %dma_start3A_103 = tpu.memref_squeeze %dma_start3A_102 : memref<1x128xi32, #tpu.memory_space<vmem>> -> memref<128xi32, #tpu.memory_space<vmem>>
      %dma_start3A_104 = arith.constant 0 : i32
      %dma_start3A_105 = tpu.memref_slice %arg2[%dma_start3A_104] : memref<10000xf32, #tpu.memory_space<hbm>> -> memref<10000xf32, #tpu.memory_space<hbm>>
      tpu.enqueue_indirect_dma source(%dma_start3A_105 : memref<10000xf32, #tpu.memory_space<hbm>>) target(%arg9 : memref<128xf32, #tpu.memory_space<vmem>>) offsets(%dma_start3A_103 : memref<128xi32, #tpu.memory_space<vmem>>) semaphore(%arg13 : memref<!tpu.dma_semaphore, #tpu.memory_space<semaphore_mem>>)
      %dma_wait3A_106 = arith.constant 0 : i32
      %dma_wait3A_107 = tpu.memref_slice %arg6[%add3A_84, %dma_wait3A_106] : memref<80x128xi32, #tpu.memory_space<vmem>> -> memref<1x128xi32, #tpu.memory_space<vmem>>
      %dma_wait3A_108 = tpu.memref_squeeze %dma_wait3A_107 : memref<1x128xi32, #tpu.memory_space<vmem>> -> memref<128xi32, #tpu.memory_space<vmem>>
      %dma_wait3A_109 = arith.constant 0 : i32
      %dma_wait3A_110 = tpu.memref_slice %arg2[%dma_wait3A_109] : memref<10000xf32, #tpu.memory_space<hbm>> -> memref<10000xf32, #tpu.memory_space<hbm>>
      tpu.wait_indirect_dma semaphore(%arg13 : memref<!tpu.dma_semaphore, #tpu.memory_space<semaphore_mem>>) src(%dma_wait3A_110 : memref<10000xf32, #tpu.memory_space<hbm>>) dst(%arg8 : memref<128xf32, #tpu.memory_space<vmem>>)
      %add3A_111 = arith.constant 4 : i32
      %add3A_112 = arith.addi %mul3A_29, %add3A_111 : i32
      "tpu.region"() ({
        %run_scoped3A = tpu.sem_alloc : memref<!tpu.dma_semaphore, #tpu.memory_space<semaphore_mem>>
        %dma_start3A_153 = arith.constant 0 : i32
        %dma_start3A_154 = tpu.memref_slice %arg7[%add3A_112, %dma_start3A_153] : memref<80x128xi32, #tpu.memory_space<vmem>> -> memref<1x128xi32, #tpu.memory_space<vmem>>
        %dma_start3A_155 = tpu.memref_squeeze %dma_start3A_154 : memref<1x128xi32, #tpu.memory_space<vmem>> -> memref<128xi32, #tpu.memory_space<vmem>>
        %dma_start3A_156 = arith.constant 0 : i32
        %dma_start3A_157 = tpu.memref_slice %arg11[%dma_start3A_156] : memref<10240xf32, #tpu.memory_space<vmem_shared>> -> memref<10240xf32, #tpu.memory_space<vmem_shared>>
        tpu.enqueue_indirect_dma source(%arg8 : memref<128xf32, #tpu.memory_space<vmem>>) target(%dma_start3A_157 : memref<10240xf32, #tpu.memory_space<vmem_shared>>) offsets(%dma_start3A_155 : memref<128xi32, #tpu.memory_space<vmem>>) semaphore(%run_scoped3A : memref<!tpu.dma_semaphore, #tpu.memory_space<semaphore_mem>>) {add = true}
        %dma_wait3A_158 = arith.constant 0 : i32
        %dma_wait3A_159 = tpu.memref_slice %arg7[%add3A_112, %dma_wait3A_158] : memref<80x128xi32, #tpu.memory_space<vmem>> -> memref<1x128xi32, #tpu.memory_space<vmem>>
        %dma_wait3A_160 = tpu.memref_squeeze %dma_wait3A_159 : memref<1x128xi32, #tpu.memory_space<vmem>> -> memref<128xi32, #tpu.memory_space<vmem>>
        %dma_wait3A_161 = arith.constant 0 : i32
        %dma_wait3A_162 = tpu.memref_slice %arg11[%dma_wait3A_161] : memref<10240xf32, #tpu.memory_space<vmem_shared>> -> memref<10240xf32, #tpu.memory_space<vmem_shared>>
        tpu.wait_indirect_dma semaphore(%run_scoped3A : memref<!tpu.dma_semaphore, #tpu.memory_space<semaphore_mem>>) src(%arg8 : memref<128xf32, #tpu.memory_space<vmem>>) dst(%dma_wait3A_162 : memref<10240xf32, #tpu.memory_space<vmem_shared>>)
        tpu.yield
      }) : () -> ()
      %add3A_113 = arith.constant 5 : i32
      %add3A_114 = arith.addi %mul3A_29, %add3A_113 : i32
      %add3A_115 = arith.constant 1 : i32
      %add3A_116 = arith.addi %add3A_114, %add3A_115 : i32
      %dma_start3A_117 = arith.constant 0 : i32
      %dma_start3A_118 = tpu.memref_slice %arg6[%add3A_116, %dma_start3A_117] : memref<80x128xi32, #tpu.memory_space<vmem>> -> memref<1x128xi32, #tpu.memory_space<vmem>>
      %dma_start3A_119 = tpu.memref_squeeze %dma_start3A_118 : memref<1x128xi32, #tpu.memory_space<vmem>> -> memref<128xi32, #tpu.memory_space<vmem>>
      %dma_start3A_120 = arith.constant 0 : i32
      %dma_start3A_121 = tpu.memref_slice %arg2[%dma_start3A_120] : memref<10000xf32, #tpu.memory_space<hbm>> -> memref<10000xf32, #tpu.memory_space<hbm>>
      tpu.enqueue_indirect_dma source(%dma_start3A_121 : memref<10000xf32, #tpu.memory_space<hbm>>) target(%arg8 : memref<128xf32, #tpu.memory_space<vmem>>) offsets(%dma_start3A_119 : memref<128xi32, #tpu.memory_space<vmem>>) semaphore(%arg13 : memref<!tpu.dma_semaphore, #tpu.memory_space<semaphore_mem>>)
      %dma_wait3A_122 = arith.constant 0 : i32
      %dma_wait3A_123 = tpu.memref_slice %arg6[%add3A_100, %dma_wait3A_122] : memref<80x128xi32, #tpu.memory_space<vmem>> -> memref<1x128xi32, #tpu.memory_space<vmem>>
      %dma_wait3A_124 = tpu.memref_squeeze %dma_wait3A_123 : memref<1x128xi32, #tpu.memory_space<vmem>> -> memref<128xi32, #tpu.memory_space<vmem>>
      %dma_wait3A_125 = arith.constant 0 : i32
      %dma_wait3A_126 = tpu.memref_slice %arg2[%dma_wait3A_125] : memref<10000xf32, #tpu.memory_space<hbm>> -> memref<10000xf32, #tpu.memory_space<hbm>>
      tpu.wait_indirect_dma semaphore(%arg13 : memref<!tpu.dma_semaphore, #tpu.memory_space<semaphore_mem>>) src(%dma_wait3A_126 : memref<10000xf32, #tpu.memory_space<hbm>>) dst(%arg9 : memref<128xf32, #tpu.memory_space<vmem>>)
      %add3A_127 = arith.constant 5 : i32
      %add3A_128 = arith.addi %mul3A_29, %add3A_127 : i32
      "tpu.region"() ({
        %run_scoped3A = tpu.sem_alloc : memref<!tpu.dma_semaphore, #tpu.memory_space<semaphore_mem>>
        %dma_start3A_153 = arith.constant 0 : i32
        %dma_start3A_154 = tpu.memref_slice %arg7[%add3A_128, %dma_start3A_153] : memref<80x128xi32, #tpu.memory_space<vmem>> -> memref<1x128xi32, #tpu.memory_space<vmem>>
        %dma_start3A_155 = tpu.memref_squeeze %dma_start3A_154 : memref<1x128xi32, #tpu.memory_space<vmem>> -> memref<128xi32, #tpu.memory_space<vmem>>
        %dma_start3A_156 = arith.constant 0 : i32
        %dma_start3A_157 = tpu.memref_slice %arg11[%dma_start3A_156] : memref<10240xf32, #tpu.memory_space<vmem_shared>> -> memref<10240xf32, #tpu.memory_space<vmem_shared>>
        tpu.enqueue_indirect_dma source(%arg9 : memref<128xf32, #tpu.memory_space<vmem>>) target(%dma_start3A_157 : memref<10240xf32, #tpu.memory_space<vmem_shared>>) offsets(%dma_start3A_155 : memref<128xi32, #tpu.memory_space<vmem>>) semaphore(%run_scoped3A : memref<!tpu.dma_semaphore, #tpu.memory_space<semaphore_mem>>) {add = true}
        %dma_wait3A_158 = arith.constant 0 : i32
        %dma_wait3A_159 = tpu.memref_slice %arg7[%add3A_128, %dma_wait3A_158] : memref<80x128xi32, #tpu.memory_space<vmem>> -> memref<1x128xi32, #tpu.memory_space<vmem>>
        %dma_wait3A_160 = tpu.memref_squeeze %dma_wait3A_159 : memref<1x128xi32, #tpu.memory_space<vmem>> -> memref<128xi32, #tpu.memory_space<vmem>>
        %dma_wait3A_161 = arith.constant 0 : i32
        %dma_wait3A_162 = tpu.memref_slice %arg11[%dma_wait3A_161] : memref<10240xf32, #tpu.memory_space<vmem_shared>> -> memref<10240xf32, #tpu.memory_space<vmem_shared>>
        tpu.wait_indirect_dma semaphore(%run_scoped3A : memref<!tpu.dma_semaphore, #tpu.memory_space<semaphore_mem>>) src(%arg9 : memref<128xf32, #tpu.memory_space<vmem>>) dst(%dma_wait3A_162 : memref<10240xf32, #tpu.memory_space<vmem_shared>>)
        tpu.yield
      }) : () -> ()
      %add3A_129 = arith.constant 6 : i32
      %add3A_130 = arith.addi %mul3A_29, %add3A_129 : i32
      %add3A_131 = arith.constant 1 : i32
      %add3A_132 = arith.addi %add3A_130, %add3A_131 : i32
      %dma_start3A_133 = arith.constant 0 : i32
      %dma_start3A_134 = tpu.memref_slice %arg6[%add3A_132, %dma_start3A_133] : memref<80x128xi32, #tpu.memory_space<vmem>> -> memref<1x128xi32, #tpu.memory_space<vmem>>
      %dma_start3A_135 = tpu.memref_squeeze %dma_start3A_134 : memref<1x128xi32, #tpu.memory_space<vmem>> -> memref<128xi32, #tpu.memory_space<vmem>>
      %dma_start3A_136 = arith.constant 0 : i32
      %dma_start3A_137 = tpu.memref_slice %arg2[%dma_start3A_136] : memref<10000xf32, #tpu.memory_space<hbm>> -> memref<10000xf32, #tpu.memory_space<hbm>>
      tpu.enqueue_indirect_dma source(%dma_start3A_137 : memref<10000xf32, #tpu.memory_space<hbm>>) target(%arg9 : memref<128xf32, #tpu.memory_space<vmem>>) offsets(%dma_start3A_135 : memref<128xi32, #tpu.memory_space<vmem>>) semaphore(%arg13 : memref<!tpu.dma_semaphore, #tpu.memory_space<semaphore_mem>>)
      %dma_wait3A_138 = arith.constant 0 : i32
      %dma_wait3A_139 = tpu.memref_slice %arg6[%add3A_116, %dma_wait3A_138] : memref<80x128xi32, #tpu.memory_space<vmem>> -> memref<1x128xi32, #tpu.memory_space<vmem>>
      %dma_wait3A_140 = tpu.memref_squeeze %dma_wait3A_139 : memref<1x128xi32, #tpu.memory_space<vmem>> -> memref<128xi32, #tpu.memory_space<vmem>>
      %dma_wait3A_141 = arith.constant 0 : i32
      %dma_wait3A_142 = tpu.memref_slice %arg2[%dma_wait3A_141] : memref<10000xf32, #tpu.memory_space<hbm>> -> memref<10000xf32, #tpu.memory_space<hbm>>
      tpu.wait_indirect_dma semaphore(%arg13 : memref<!tpu.dma_semaphore, #tpu.memory_space<semaphore_mem>>) src(%dma_wait3A_142 : memref<10000xf32, #tpu.memory_space<hbm>>) dst(%arg8 : memref<128xf32, #tpu.memory_space<vmem>>)
      %add3A_143 = arith.constant 6 : i32
      %add3A_144 = arith.addi %mul3A_29, %add3A_143 : i32
      "tpu.region"() ({
        %run_scoped3A = tpu.sem_alloc : memref<!tpu.dma_semaphore, #tpu.memory_space<semaphore_mem>>
        %dma_start3A_153 = arith.constant 0 : i32
        %dma_start3A_154 = tpu.memref_slice %arg7[%add3A_144, %dma_start3A_153] : memref<80x128xi32, #tpu.memory_space<vmem>> -> memref<1x128xi32, #tpu.memory_space<vmem>>
        %dma_start3A_155 = tpu.memref_squeeze %dma_start3A_154 : memref<1x128xi32, #tpu.memory_space<vmem>> -> memref<128xi32, #tpu.memory_space<vmem>>
        %dma_start3A_156 = arith.constant 0 : i32
        %dma_start3A_157 = tpu.memref_slice %arg11[%dma_start3A_156] : memref<10240xf32, #tpu.memory_space<vmem_shared>> -> memref<10240xf32, #tpu.memory_space<vmem_shared>>
        tpu.enqueue_indirect_dma source(%arg8 : memref<128xf32, #tpu.memory_space<vmem>>) target(%dma_start3A_157 : memref<10240xf32, #tpu.memory_space<vmem_shared>>) offsets(%dma_start3A_155 : memref<128xi32, #tpu.memory_space<vmem>>) semaphore(%run_scoped3A : memref<!tpu.dma_semaphore, #tpu.memory_space<semaphore_mem>>) {add = true}
        %dma_wait3A_158 = arith.constant 0 : i32
        %dma_wait3A_159 = tpu.memref_slice %arg7[%add3A_144, %dma_wait3A_158] : memref<80x128xi32, #tpu.memory_space<vmem>> -> memref<1x128xi32, #tpu.memory_space<vmem>>
        %dma_wait3A_160 = tpu.memref_squeeze %dma_wait3A_159 : memref<1x128xi32, #tpu.memory_space<vmem>> -> memref<128xi32, #tpu.memory_space<vmem>>
        %dma_wait3A_161 = arith.constant 0 : i32
        %dma_wait3A_162 = tpu.memref_slice %arg11[%dma_wait3A_161] : memref<10240xf32, #tpu.memory_space<vmem_shared>> -> memref<10240xf32, #tpu.memory_space<vmem_shared>>
        tpu.wait_indirect_dma semaphore(%run_scoped3A : memref<!tpu.dma_semaphore, #tpu.memory_space<semaphore_mem>>) src(%arg8 : memref<128xf32, #tpu.memory_space<vmem>>) dst(%dma_wait3A_162 : memref<10240xf32, #tpu.memory_space<vmem_shared>>)
        tpu.yield
      }) : () -> ()
      %dma_wait3A_145 = arith.constant 0 : i32
      %dma_wait3A_146 = tpu.memref_slice %arg6[%add3A_132, %dma_wait3A_145] : memref<80x128xi32, #tpu.memory_space<vmem>> -> memref<1x128xi32, #tpu.memory_space<vmem>>
      %dma_wait3A_147 = tpu.memref_squeeze %dma_wait3A_146 : memref<1x128xi32, #tpu.memory_space<vmem>> -> memref<128xi32, #tpu.memory_space<vmem>>
      %dma_wait3A_148 = arith.constant 0 : i32
      %dma_wait3A_149 = tpu.memref_slice %arg2[%dma_wait3A_148] : memref<10000xf32, #tpu.memory_space<hbm>> -> memref<10000xf32, #tpu.memory_space<hbm>>
      tpu.wait_indirect_dma semaphore(%arg13 : memref<!tpu.dma_semaphore, #tpu.memory_space<semaphore_mem>>) src(%dma_wait3A_149 : memref<10000xf32, #tpu.memory_space<hbm>>) dst(%arg9 : memref<128xf32, #tpu.memory_space<vmem>>)
      %add3A_150 = arith.constant 7 : i32
      %add3A_151 = arith.addi %mul3A_29, %add3A_150 : i32
      "tpu.region"() ({
        %run_scoped3A = tpu.sem_alloc : memref<!tpu.dma_semaphore, #tpu.memory_space<semaphore_mem>>
        %dma_start3A_153 = arith.constant 0 : i32
        %dma_start3A_154 = tpu.memref_slice %arg7[%add3A_151, %dma_start3A_153] : memref<80x128xi32, #tpu.memory_space<vmem>> -> memref<1x128xi32, #tpu.memory_space<vmem>>
        %dma_start3A_155 = tpu.memref_squeeze %dma_start3A_154 : memref<1x128xi32, #tpu.memory_space<vmem>> -> memref<128xi32, #tpu.memory_space<vmem>>
        %dma_start3A_156 = arith.constant 0 : i32
        %dma_start3A_157 = tpu.memref_slice %arg11[%dma_start3A_156] : memref<10240xf32, #tpu.memory_space<vmem_shared>> -> memref<10240xf32, #tpu.memory_space<vmem_shared>>
        tpu.enqueue_indirect_dma source(%arg9 : memref<128xf32, #tpu.memory_space<vmem>>) target(%dma_start3A_157 : memref<10240xf32, #tpu.memory_space<vmem_shared>>) offsets(%dma_start3A_155 : memref<128xi32, #tpu.memory_space<vmem>>) semaphore(%run_scoped3A : memref<!tpu.dma_semaphore, #tpu.memory_space<semaphore_mem>>) {add = true}
        %dma_wait3A_158 = arith.constant 0 : i32
        %dma_wait3A_159 = tpu.memref_slice %arg7[%add3A_151, %dma_wait3A_158] : memref<80x128xi32, #tpu.memory_space<vmem>> -> memref<1x128xi32, #tpu.memory_space<vmem>>
        %dma_wait3A_160 = tpu.memref_squeeze %dma_wait3A_159 : memref<1x128xi32, #tpu.memory_space<vmem>> -> memref<128xi32, #tpu.memory_space<vmem>>
        %dma_wait3A_161 = arith.constant 0 : i32
        %dma_wait3A_162 = tpu.memref_slice %arg11[%dma_wait3A_161] : memref<10240xf32, #tpu.memory_space<vmem_shared>> -> memref<10240xf32, #tpu.memory_space<vmem_shared>>
        tpu.wait_indirect_dma semaphore(%run_scoped3A : memref<!tpu.dma_semaphore, #tpu.memory_space<semaphore_mem>>) src(%arg9 : memref<128xf32, #tpu.memory_space<vmem>>) dst(%dma_wait3A_162 : memref<10240xf32, #tpu.memory_space<vmem_shared>>)
        tpu.yield
      }) : () -> ()
      %scan3A_152 = arith.constant 0 : i32
      scf.yield %scan3A_152 : i32
    }
    %scan3A_20 = arith.constant 10 : i32
    %barrier3A_21 = arith.constant 0 : index
    tpu.barrier barrier_id(%barrier3A_21)
    %mul3A_22 = arith.constant 640 : i32
    %mul3A_23 = arith.muli %arg1, %mul3A_22 : i32
    %mul3A_24 = arith.constant 640 : i32
    %mul3A_25 = arith.muli %arg1, %mul3A_24 : i32
    "tpu.region"() ({
      %run_scoped3A = tpu.sem_alloc : memref<!tpu.dma_semaphore, #tpu.memory_space<semaphore_mem>>
      %dma_start3A = tpu.memref_slice %arg5[%arg0, %mul3A_25] : memref<2x10240xf32, #tpu.memory_space<hbm>> -> memref<1x640xf32, #tpu.memory_space<hbm>>
      %dma_start3A_26 = tpu.memref_squeeze %dma_start3A : memref<1x640xf32, #tpu.memory_space<hbm>> -> memref<640xf32, #tpu.memory_space<hbm>>
      %dma_start3A_27 = tpu.memref_slice %arg11[%mul3A_23] : memref<10240xf32, #tpu.memory_space<vmem_shared>> -> memref<640xf32, #tpu.memory_space<vmem_shared>>
      tpu.enqueue_dma source(%dma_start3A_27 : memref<640xf32, #tpu.memory_space<vmem_shared>>) target(%dma_start3A_26 : memref<640xf32, #tpu.memory_space<hbm>>) target_semaphore(%run_scoped3A : memref<!tpu.dma_semaphore, #tpu.memory_space<semaphore_mem>>)
      %dma_wait3A = tpu.memref_slice %arg5[%arg0, %mul3A_25] : memref<2x10240xf32, #tpu.memory_space<hbm>> -> memref<1x640xf32, #tpu.memory_space<hbm>>
      %dma_wait3A_28 = tpu.memref_squeeze %dma_wait3A : memref<1x640xf32, #tpu.memory_space<hbm>> -> memref<640xf32, #tpu.memory_space<hbm>>
      %dma_wait3A_29 = tpu.memref_slice %arg11[%mul3A_23] : memref<10240xf32, #tpu.memory_space<vmem_shared>> -> memref<640xf32, #tpu.memory_space<vmem_shared>>
      tpu.wait_dma2 semaphore(%run_scoped3A : memref<!tpu.dma_semaphore, #tpu.memory_space<semaphore_mem>>) src(%dma_wait3A_29 : memref<640xf32, #tpu.memory_space<vmem_shared>>) dst(%dma_wait3A_28 : memref<640xf32, #tpu.memory_space<hbm>>)
      tpu.yield
    }) : () -> ()
    return
  }
}

#map = affine_map<(d0, d1) -> (0, 0)>
#map1 = affine_map<(d0, d1) -> (0, 0, 0)>
module attributes {stable_mosaic.version = 14 : i64} {
  func.func @_seg_rows_body(%arg0: i32, %arg1: i32, %arg2: memref<10000x128xf32, #tpu.memory_space<hbm>>, %arg3: memref<2560x128xi32, #tpu.memory_space<hbm>>, %arg4: memref<2560x128xi32, #tpu.memory_space<hbm>>, %arg5: memref<2x10240x128xf32, #tpu.memory_space<hbm>>, %arg6: memref<8x128xi32, #tpu.memory_space<vmem>>, %arg7: memref<8x128xi32, #tpu.memory_space<vmem>>, %arg8: memref<128x128xf32, #tpu.memory_space<vmem>>, %arg9: memref<128x128xf32, #tpu.memory_space<vmem>>, %arg10: memref<16x128xf32, #tpu.memory_space<vmem>>, %arg11: memref<10240x128xf32, #tpu.memory_space<vmem_shared>>, %arg12: memref<!tpu.dma_semaphore, #tpu.memory_space<semaphore_mem>>, %arg13: memref<!tpu.dma_semaphore, #tpu.memory_space<semaphore_mem>>) attributes {dimension_semantics = [#tpu.dimension_semantics<core_parallel>, #tpu.dimension_semantics<subcore_parallel>], iteration_bounds = array<i64: 2, 16>, scalar_prefetch = 0 : i64, scratch_operands = 8 : i64, tpu.core_type = #tpu.core_type<sc_vector_subcore>, window_params = [{transform_indices = #map}, {transform_indices = #map}, {transform_indices = #map}, {transform_indices = #map1}]} {
    %mul3A = arith.constant -144 : i32
    %mul3A_0 = arith.muli %arg0, %mul3A : i32
    %add3A = arith.constant 152 : i32
    %add3A_1 = arith.addi %add3A, %mul3A_0 : i32
    %mul3A_2 = arith.constant 2432 : i32
    %mul3A_3 = arith.muli %arg0, %mul3A_2 : i32
    %mul3A_4 = arith.muli %arg1, %add3A_1 : i32
    %add3A_5 = arith.addi %mul3A_3, %mul3A_4 : i32
    %mul3A_6 = arith.constant -18 : i32
    %mul3A_7 = arith.muli %arg0, %mul3A_6 : i32
    %add3A_8 = arith.constant 19 : i32
    %add3A_9 = arith.addi %add3A_8, %mul3A_7 : i32
    %broadcast_in_dim3A = arith.constant 0.000000e+00 : f32
    %broadcast_in_dim3A_10 = vector.broadcast %broadcast_in_dim3A : f32 to vector<16xf32>
    %scan3A = arith.constant 0 : i32
    %scan3A_11 = arith.constant 0 : i32
    %scan3A_12 = arith.constant 16 : i32
    %scan3A_13 = arith.addi %scan3A_11, %scan3A_12 : i32
    %scan3A_14 = arith.constant 1 : i32
    %scan3A_15 = scf.for %scan3A_40 = %scan3A_11 to %scan3A_13 step %scan3A_14 iter_args(%scan3A_41 = %scan3A) -> (i32)  : i32 {
      %swap3A = arith.index_cast %scan3A_40 : i32 to index
      %swap3A_42 = arith.constant 0 : index
      %swap3A_43 = tpu.vector_load %arg10[%swap3A, %swap3A_42] {strides = array<i32>} : memref<16x128xf32, #tpu.memory_space<vmem>>, vector<1x16xf32>,
      %swap3A_44 = vector.shape_cast %swap3A_43 : vector<1x16xf32> to vector<16xf32>
      %swap3A_45 = vector.shape_cast %broadcast_in_dim3A_10 : vector<16xf32> to vector<1x16xf32>
      tpu.vector_store %arg10[%swap3A, %swap3A_42], %swap3A_45 {strides = array<i32>} : memref<16x128xf32, #tpu.memory_space<vmem>>, vector<1x16xf32>,
      %swap3A_46 = arith.index_cast %scan3A_40 : i32 to index
      %swap3A_47 = arith.constant 16 : index
      %swap3A_48 = tpu.vector_load %arg10[%swap3A_46, %swap3A_47] {strides = array<i32>} : memref<16x128xf32, #tpu.memory_space<vmem>>, vector<1x16xf32>,
      %swap3A_49 = vector.shape_cast %swap3A_48 : vector<1x16xf32> to vector<16xf32>
      %swap3A_50 = vector.shape_cast %broadcast_in_dim3A_10 : vector<16xf32> to vector<1x16xf32>
      tpu.vector_store %arg10[%swap3A_46, %swap3A_47], %swap3A_50 {strides = array<i32>} : memref<16x128xf32, #tpu.memory_space<vmem>>, vector<1x16xf32>,
      %swap3A_51 = arith.index_cast %scan3A_40 : i32 to index
      %swap3A_52 = arith.constant 32 : index
      %swap3A_53 = tpu.vector_load %arg10[%swap3A_51, %swap3A_52] {strides = array<i32>} : memref<16x128xf32, #tpu.memory_space<vmem>>, vector<1x16xf32>,
      %swap3A_54 = vector.shape_cast %swap3A_53 : vector<1x16xf32> to vector<16xf32>
      %swap3A_55 = vector.shape_cast %broadcast_in_dim3A_10 : vector<16xf32> to vector<1x16xf32>
      tpu.vector_store %arg10[%swap3A_51, %swap3A_52], %swap3A_55 {strides = array<i32>} : memref<16x128xf32, #tpu.memory_space<vmem>>, vector<1x16xf32>,
      %swap3A_56 = arith.index_cast %scan3A_40 : i32 to index
      %swap3A_57 = arith.constant 48 : index
      %swap3A_58 = tpu.vector_load %arg10[%swap3A_56, %swap3A_57] {strides = array<i32>} : memref<16x128xf32, #tpu.memory_space<vmem>>, vector<1x16xf32>,
      %swap3A_59 = vector.shape_cast %swap3A_58 : vector<1x16xf32> to vector<16xf32>
      %swap3A_60 = vector.shape_cast %broadcast_in_dim3A_10 : vector<16xf32> to vector<1x16xf32>
      tpu.vector_store %arg10[%swap3A_56, %swap3A_57], %swap3A_60 {strides = array<i32>} : memref<16x128xf32, #tpu.memory_space<vmem>>, vector<1x16xf32>,
      %swap3A_61 = arith.index_cast %scan3A_40 : i32 to index
      %swap3A_62 = arith.constant 64 : index
      %swap3A_63 = tpu.vector_load %arg10[%swap3A_61, %swap3A_62] {strides = array<i32>} : memref<16x128xf32, #tpu.memory_space<vmem>>, vector<1x16xf32>,
      %swap3A_64 = vector.shape_cast %swap3A_63 : vector<1x16xf32> to vector<16xf32>
      %swap3A_65 = vector.shape_cast %broadcast_in_dim3A_10 : vector<16xf32> to vector<1x16xf32>
      tpu.vector_store %arg10[%swap3A_61, %swap3A_62], %swap3A_65 {strides = array<i32>} : memref<16x128xf32, #tpu.memory_space<vmem>>, vector<1x16xf32>,
      %swap3A_66 = arith.index_cast %scan3A_40 : i32 to index
      %swap3A_67 = arith.constant 80 : index
      %swap3A_68 = tpu.vector_load %arg10[%swap3A_66, %swap3A_67] {strides = array<i32>} : memref<16x128xf32, #tpu.memory_space<vmem>>, vector<1x16xf32>,
      %swap3A_69 = vector.shape_cast %swap3A_68 : vector<1x16xf32> to vector<16xf32>
      %swap3A_70 = vector.shape_cast %broadcast_in_dim3A_10 : vector<16xf32> to vector<1x16xf32>
      tpu.vector_store %arg10[%swap3A_66, %swap3A_67], %swap3A_70 {strides = array<i32>} : memref<16x128xf32, #tpu.memory_space<vmem>>, vector<1x16xf32>,
      %swap3A_71 = arith.index_cast %scan3A_40 : i32 to index
      %swap3A_72 = arith.constant 96 : index
      %swap3A_73 = tpu.vector_load %arg10[%swap3A_71, %swap3A_72] {strides = array<i32>} : memref<16x128xf32, #tpu.memory_space<vmem>>, vector<1x16xf32>,
      %swap3A_74 = vector.shape_cast %swap3A_73 : vector<1x16xf32> to vector<16xf32>
      %swap3A_75 = vector.shape_cast %broadcast_in_dim3A_10 : vector<16xf32> to vector<1x16xf32>
      tpu.vector_store %arg10[%swap3A_71, %swap3A_72], %swap3A_75 {strides = array<i32>} : memref<16x128xf32, #tpu.memory_space<vmem>>, vector<1x16xf32>,
      %swap3A_76 = arith.index_cast %scan3A_40 : i32 to index
      %swap3A_77 = arith.constant 112 : index
      %swap3A_78 = tpu.vector_load %arg10[%swap3A_76, %swap3A_77] {strides = array<i32>} : memref<16x128xf32, #tpu.memory_space<vmem>>, vector<1x16xf32>,
      %swap3A_79 = vector.shape_cast %swap3A_78 : vector<1x16xf32> to vector<16xf32>
      %swap3A_80 = vector.shape_cast %broadcast_in_dim3A_10 : vector<16xf32> to vector<1x16xf32>
      tpu.vector_store %arg10[%swap3A_76, %swap3A_77], %swap3A_80 {strides = array<i32>} : memref<16x128xf32, #tpu.memory_space<vmem>>, vector<1x16xf32>,
      %scan3A_81 = arith.constant 0 : i32
      scf.yield %scan3A_81 : i32
    }
    %scan3A_16 = arith.constant 16 : i32
    %scan3A_17 = arith.constant 0 : i32
    %scan3A_18 = arith.constant 0 : i32
    %scan3A_19 = arith.constant 40 : i32
    %scan3A_20 = arith.addi %scan3A_18, %scan3A_19 : i32
    %scan3A_21 = arith.constant 1 : i32
    %scan3A_22 = scf.for %scan3A_40 = %scan3A_18 to %scan3A_20 step %scan3A_21 iter_args(%scan3A_41 = %scan3A_17) -> (i32)  : i32 {
      %mul3A_42 = arith.constant 640 : i32
      %mul3A_43 = arith.muli %arg1, %mul3A_42 : i32
      %mul3A_44 = arith.constant 16 : i32
      %mul3A_45 = arith.muli %scan3A_40, %mul3A_44 : i32
      %add3A_46 = arith.addi %mul3A_43, %mul3A_45 : i32
      "tpu.region"() ({
        %run_scoped3A = tpu.sem_alloc : memref<!tpu.dma_semaphore, #tpu.memory_space<semaphore_mem>>
        %dma_start3A = arith.constant 0 : i32
        %dma_start3A_48 = tpu.memref_slice %arg11[%add3A_46, %dma_start3A] : memref<10240x128xf32, #tpu.memory_space<vmem_shared>> -> memref<16x128xf32, #tpu.memory_space<vmem_shared>>
        %dma_start3A_49 = arith.constant 0 : i32
        %dma_start3A_50 = tpu.memref_slice %arg11[%add3A_46, %dma_start3A_49] : memref<10240x128xf32, #tpu.memory_space<vmem_shared>> -> memref<16x128xf32, #tpu.memory_space<vmem_shared>>
        tpu.enqueue_dma source(%arg10 : memref<16x128xf32, #tpu.memory_space<vmem>>) target(%dma_start3A_50 : memref<16x128xf32, #tpu.memory_space<vmem_shared>>) target_semaphore(%run_scoped3A : memref<!tpu.dma_semaphore, #tpu.memory_space<semaphore_mem>>)
        %dma_wait3A = arith.constant 0 : i32
        %dma_wait3A_51 = tpu.memref_slice %arg11[%add3A_46, %dma_wait3A] : memref<10240x128xf32, #tpu.memory_space<vmem_shared>> -> memref<16x128xf32, #tpu.memory_space<vmem_shared>>
        %dma_wait3A_52 = arith.constant 0 : i32
        %dma_wait3A_53 = tpu.memref_slice %arg11[%add3A_46, %dma_wait3A_52] : memref<10240x128xf32, #tpu.memory_space<vmem_shared>> -> memref<16x128xf32, #tpu.memory_space<vmem_shared>>
        tpu.wait_dma2 semaphore(%run_scoped3A : memref<!tpu.dma_semaphore, #tpu.memory_space<semaphore_mem>>) src(%arg10 : memref<16x128xf32, #tpu.memory_space<vmem>>) dst(%dma_wait3A_53 : memref<16x128xf32, #tpu.memory_space<vmem_shared>>)
        tpu.yield
      }) : () -> ()
      %scan3A_47 = arith.constant 0 : i32
      scf.yield %scan3A_47 : i32
    }
    %scan3A_23 = arith.constant 40 : i32
    %barrier3A = arith.constant 0 : index
    tpu.barrier barrier_id(%barrier3A)
    %while3A = arith.constant 0 : i32
    %while3A_24 = arith.constant 0 : i32
    %while3A_25 = arith.subi %add3A_9, %while3A : i32
    %while3A_26 = arith.addi %while3A, %while3A_25 : i32
    %while3A_27 = arith.constant 1 : i32
    %while3A_28 = arith.divsi %while3A_25, %while3A_27 : i32
    %while3A_29 = arith.muli %while3A_28, %while3A_27 : i32
    %while3A_30 = arith.addi %while3A, %while3A_29 : i32
    %while3A_31 = arith.constant 1 : i32
    %while3A_32 = scf.for %while3A_40 = %while3A to %while3A_30 step %while3A_31 iter_args(%while3A_41 = %while3A_24) -> (i32)  : i32 {
      %mul3A_42 = arith.constant 8 : i32
      %mul3A_43 = arith.muli %while3A_40, %mul3A_42 : i32
      %add3A_44 = arith.addi %add3A_5, %mul3A_43 : i32
      "tpu.region"() ({
        %run_scoped3A_166 = tpu.sem_alloc : memref<!tpu.dma_semaphore, #tpu.memory_space<semaphore_mem>>
        %dma_start3A_167 = arith.constant 0 : i32
        %dma_start3A_168 = tpu.memref_slice %arg3[%add3A_44, %dma_start3A_167] : memref<2560x128xi32, #tpu.memory_space<hbm>> -> memref<8x128xi32, #tpu.memory_space<hbm>>
        %dma_start3A_169 = arith.constant 0 : i32
        %dma_start3A_170 = tpu.memref_slice %arg3[%add3A_44, %dma_start3A_169] : memref<2560x128xi32, #tpu.memory_space<hbm>> -> memref<8x128xi32, #tpu.memory_space<hbm>>
        tpu.enqueue_dma source(%dma_start3A_170 : memref<8x128xi32, #tpu.memory_space<hbm>>) target(%arg6 : memref<8x128xi32, #tpu.memory_space<vmem>>) target_semaphore(%run_scoped3A_166 : memref<!tpu.dma_semaphore, #tpu.memory_space<semaphore_mem>>)
        %dma_wait3A_171 = arith.constant 0 : i32
        %dma_wait3A_172 = tpu.memref_slice %arg3[%add3A_44, %dma_wait3A_171] : memref<2560x128xi32, #tpu.memory_space<hbm>> -> memref<8x128xi32, #tpu.memory_space<hbm>>
        %dma_wait3A_173 = arith.constant 0 : i32
        %dma_wait3A_174 = tpu.memref_slice %arg3[%add3A_44, %dma_wait3A_173] : memref<2560x128xi32, #tpu.memory_space<hbm>> -> memref<8x128xi32, #tpu.memory_space<hbm>>
        tpu.wait_dma2 semaphore(%run_scoped3A_166 : memref<!tpu.dma_semaphore, #tpu.memory_space<semaphore_mem>>) src(%dma_wait3A_174 : memref<8x128xi32, #tpu.memory_space<hbm>>) dst(%arg6 : memref<8x128xi32, #tpu.memory_space<vmem>>)
        tpu.yield
      }) : () -> ()
      %mul3A_45 = arith.constant 8 : i32
      %mul3A_46 = arith.muli %while3A_40, %mul3A_45 : i32
      %add3A_47 = arith.addi %add3A_5, %mul3A_46 : i32
      "tpu.region"() ({
        %run_scoped3A_166 = tpu.sem_alloc : memref<!tpu.dma_semaphore, #tpu.memory_space<semaphore_mem>>
        %dma_start3A_167 = arith.constant 0 : i32
        %dma_start3A_168 = tpu.memref_slice %arg4[%add3A_47, %dma_start3A_167] : memref<2560x128xi32, #tpu.memory_space<hbm>> -> memref<8x128xi32, #tpu.memory_space<hbm>>
        %dma_start3A_169 = arith.constant 0 : i32
        %dma_start3A_170 = tpu.memref_slice %arg4[%add3A_47, %dma_start3A_169] : memref<2560x128xi32, #tpu.memory_space<hbm>> -> memref<8x128xi32, #tpu.memory_space<hbm>>
        tpu.enqueue_dma source(%dma_start3A_170 : memref<8x128xi32, #tpu.memory_space<hbm>>) target(%arg7 : memref<8x128xi32, #tpu.memory_space<vmem>>) target_semaphore(%run_scoped3A_166 : memref<!tpu.dma_semaphore, #tpu.memory_space<semaphore_mem>>)
        %dma_wait3A_171 = arith.constant 0 : i32
        %dma_wait3A_172 = tpu.memref_slice %arg4[%add3A_47, %dma_wait3A_171] : memref<2560x128xi32, #tpu.memory_space<hbm>> -> memref<8x128xi32, #tpu.memory_space<hbm>>
        %dma_wait3A_173 = arith.constant 0 : i32
        %dma_wait3A_174 = tpu.memref_slice %arg4[%add3A_47, %dma_wait3A_173] : memref<2560x128xi32, #tpu.memory_space<hbm>> -> memref<8x128xi32, #tpu.memory_space<hbm>>
        tpu.wait_dma2 semaphore(%run_scoped3A_166 : memref<!tpu.dma_semaphore, #tpu.memory_space<semaphore_mem>>) src(%dma_wait3A_174 : memref<8x128xi32, #tpu.memory_space<hbm>>) dst(%arg7 : memref<8x128xi32, #tpu.memory_space<vmem>>)
        tpu.yield
      }) : () -> ()
      %dma_start3A = arith.constant 0 : i32
      %dma_start3A_48 = arith.constant 0 : i32
      %dma_start3A_49 = tpu.memref_slice %arg6[%dma_start3A, %dma_start3A_48] : memref<8x128xi32, #tpu.memory_space<vmem>> -> memref<1x128xi32, #tpu.memory_space<vmem>>
      %dma_start3A_50 = tpu.memref_squeeze %dma_start3A_49 : memref<1x128xi32, #tpu.memory_space<vmem>> -> memref<128xi32, #tpu.memory_space<vmem>>
      %dma_start3A_51 = arith.constant 0 : i32
      %dma_start3A_52 = arith.constant 0 : i32
      %dma_start3A_53 = tpu.memref_slice %arg2[%dma_start3A_51, %dma_start3A_52] : memref<10000x128xf32, #tpu.memory_space<hbm>> -> memref<10000x128xf32, #tpu.memory_space<hbm>>
      tpu.enqueue_indirect_dma source(%dma_start3A_53 : memref<10000x128xf32, #tpu.memory_space<hbm>>) target(%arg8 : memref<128x128xf32, #tpu.memory_space<vmem>>) offsets(%dma_start3A_50 : memref<128xi32, #tpu.memory_space<vmem>>) semaphore(%arg12 : memref<!tpu.dma_semaphore, #tpu.memory_space<semaphore_mem>>)
      %dma_start3A_54 = arith.constant 1 : i32
      %dma_start3A_55 = arith.constant 0 : i32
      %dma_start3A_56 = tpu.memref_slice %arg6[%dma_start3A_54, %dma_start3A_55] : memref<8x128xi32, #tpu.memory_space<vmem>> -> memref<1x128xi32, #tpu.memory_space<vmem>>
      %dma_start3A_57 = tpu.memref_squeeze %dma_start3A_56 : memref<1x128xi32, #tpu.memory_space<vmem>> -> memref<128xi32, #tpu.memory_space<vmem>>
      %dma_start3A_58 = arith.constant 0 : i32
      %dma_start3A_59 = arith.constant 0 : i32
      %dma_start3A_60 = tpu.memref_slice %arg2[%dma_start3A_58, %dma_start3A_59] : memref<10000x128xf32, #tpu.memory_space<hbm>> -> memref<10000x128xf32, #tpu.memory_space<hbm>>
      tpu.enqueue_indirect_dma source(%dma_start3A_60 : memref<10000x128xf32, #tpu.memory_space<hbm>>) target(%arg9 : memref<128x128xf32, #tpu.memory_space<vmem>>) offsets(%dma_start3A_57 : memref<128xi32, #tpu.memory_space<vmem>>) semaphore(%arg13 : memref<!tpu.dma_semaphore, #tpu.memory_space<semaphore_mem>>)
      %dma_wait3A = arith.constant 0 : i32
      %dma_wait3A_61 = arith.constant 0 : i32
      %dma_wait3A_62 = tpu.memref_slice %arg6[%dma_wait3A, %dma_wait3A_61] : memref<8x128xi32, #tpu.memory_space<vmem>> -> memref<1x128xi32, #tpu.memory_space<vmem>>
      %dma_wait3A_63 = tpu.memref_squeeze %dma_wait3A_62 : memref<1x128xi32, #tpu.memory_space<vmem>> -> memref<128xi32, #tpu.memory_space<vmem>>
      %dma_wait3A_64 = arith.constant 0 : i32
      %dma_wait3A_65 = arith.constant 0 : i32
      %dma_wait3A_66 = tpu.memref_slice %arg2[%dma_wait3A_64, %dma_wait3A_65] : memref<10000x128xf32, #tpu.memory_space<hbm>> -> memref<10000x128xf32, #tpu.memory_space<hbm>>
      tpu.wait_indirect_dma semaphore(%arg12 : memref<!tpu.dma_semaphore, #tpu.memory_space<semaphore_mem>>) src(%dma_wait3A_66 : memref<10000x128xf32, #tpu.memory_space<hbm>>) dst(%arg8 : memref<128x128xf32, #tpu.memory_space<vmem>>)
      %run_scoped3A = arith.constant 0 : i32
      "tpu.region"() ({
        %run_scoped3A_166 = tpu.sem_alloc : memref<!tpu.dma_semaphore, #tpu.memory_space<semaphore_mem>>
        %dma_start3A_167 = arith.constant 0 : i32
        %dma_start3A_168 = tpu.memref_slice %arg7[%run_scoped3A, %dma_start3A_167] : memref<8x128xi32, #tpu.memory_space<vmem>> -> memref<1x128xi32, #tpu.memory_space<vmem>>
        %dma_start3A_169 = tpu.memref_squeeze %dma_start3A_168 : memref<1x128xi32, #tpu.memory_space<vmem>> -> memref<128xi32, #tpu.memory_space<vmem>>
        %dma_start3A_170 = arith.constant 0 : i32
        %dma_start3A_171 = arith.constant 0 : i32
        %dma_start3A_172 = tpu.memref_slice %arg11[%dma_start3A_170, %dma_start3A_171] : memref<10240x128xf32, #tpu.memory_space<vmem_shared>> -> memref<10240x128xf32, #tpu.memory_space<vmem_shared>>
        tpu.enqueue_indirect_dma source(%arg8 : memref<128x128xf32, #tpu.memory_space<vmem>>) target(%dma_start3A_172 : memref<10240x128xf32, #tpu.memory_space<vmem_shared>>) offsets(%dma_start3A_169 : memref<128xi32, #tpu.memory_space<vmem>>) semaphore(%run_scoped3A_166 : memref<!tpu.dma_semaphore, #tpu.memory_space<semaphore_mem>>) {add = true}
        %dma_wait3A_173 = arith.constant 0 : i32
        %dma_wait3A_174 = tpu.memref_slice %arg7[%run_scoped3A, %dma_wait3A_173] : memref<8x128xi32, #tpu.memory_space<vmem>> -> memref<1x128xi32, #tpu.memory_space<vmem>>
        %dma_wait3A_175 = tpu.memref_squeeze %dma_wait3A_174 : memref<1x128xi32, #tpu.memory_space<vmem>> -> memref<128xi32, #tpu.memory_space<vmem>>
        %dma_wait3A_176 = arith.constant 0 : i32
        %dma_wait3A_177 = arith.constant 0 : i32
        %dma_wait3A_178 = tpu.memref_slice %arg11[%dma_wait3A_176, %dma_wait3A_177] : memref<10240x128xf32, #tpu.memory_space<vmem_shared>> -> memref<10240x128xf32, #tpu.memory_space<vmem_shared>>
        tpu.wait_indirect_dma semaphore(%run_scoped3A_166 : memref<!tpu.dma_semaphore, #tpu.memory_space<semaphore_mem>>) src(%arg8 : memref<128x128xf32, #tpu.memory_space<vmem>>) dst(%dma_wait3A_178 : memref<10240x128xf32, #tpu.memory_space<vmem_shared>>)
        tpu.yield
      }) : () -> ()
      %dma_start3A_67 = arith.constant 2 : i32
      %dma_start3A_68 = arith.constant 0 : i32
      %dma_start3A_69 = tpu.memref_slice %arg6[%dma_start3A_67, %dma_start3A_68] : memref<8x128xi32, #tpu.memory_space<vmem>> -> memref<1x128xi32, #tpu.memory_space<vmem>>
      %dma_start3A_70 = tpu.memref_squeeze %dma_start3A_69 : memref<1x128xi32, #tpu.memory_space<vmem>> -> memref<128xi32, #tpu.memory_space<vmem>>
      %dma_start3A_71 = arith.constant 0 : i32
      %dma_start3A_72 = arith.constant 0 : i32
      %dma_start3A_73 = tpu.memref_slice %arg2[%dma_start3A_71, %dma_start3A_72] : memref<10000x128xf32, #tpu.memory_space<hbm>> -> memref<10000x128xf32, #tpu.memory_space<hbm>>
      tpu.enqueue_indirect_dma source(%dma_start3A_73 : memref<10000x128xf32, #tpu.memory_space<hbm>>) target(%arg8 : memref<128x128xf32, #tpu.memory_space<vmem>>) offsets(%dma_start3A_70 : memref<128xi32, #tpu.memory_space<vmem>>) semaphore(%arg13 : memref<!tpu.dma_semaphore, #tpu.memory_space<semaphore_mem>>)
      %dma_wait3A_74 = arith.constant 1 : i32
      %dma_wait3A_75 = arith.constant 0 : i32
      %dma_wait3A_76 = tpu.memref_slice %arg6[%dma_wait3A_74, %dma_wait3A_75] : memref<8x128xi32, #tpu.memory_space<vmem>> -> memref<1x128xi32, #tpu.memory_space<vmem>>
      %dma_wait3A_77 = tpu.memref_squeeze %dma_wait3A_76 : memref<1x128xi32, #tpu.memory_space<vmem>> -> memref<128xi32, #tpu.memory_space<vmem>>
      %dma_wait3A_78 = arith.constant 0 : i32
      %dma_wait3A_79 = arith.constant 0 : i32
      %dma_wait3A_80 = tpu.memref_slice %arg2[%dma_wait3A_78, %dma_wait3A_79] : memref<10000x128xf32, #tpu.memory_space<hbm>> -> memref<10000x128xf32, #tpu.memory_space<hbm>>
      tpu.wait_indirect_dma semaphore(%arg13 : memref<!tpu.dma_semaphore, #tpu.memory_space<semaphore_mem>>) src(%dma_wait3A_80 : memref<10000x128xf32, #tpu.memory_space<hbm>>) dst(%arg9 : memref<128x128xf32, #tpu.memory_space<vmem>>)
      %run_scoped3A_81 = arith.constant 1 : i32
      "tpu.region"() ({
        %run_scoped3A_166 = tpu.sem_alloc : memref<!tpu.dma_semaphore, #tpu.memory_space<semaphore_mem>>
        %dma_start3A_167 = arith.constant 0 : i32
        %dma_start3A_168 = tpu.memref_slice %arg7[%run_scoped3A_81, %dma_start3A_167] : memref<8x128xi32, #tpu.memory_space<vmem>> -> memref<1x128xi32, #tpu.memory_space<vmem>>
        %dma_start3A_169 = tpu.memref_squeeze %dma_start3A_168 : memref<1x128xi32, #tpu.memory_space<vmem>> -> memref<128xi32, #tpu.memory_space<vmem>>
        %dma_start3A_170 = arith.constant 0 : i32
        %dma_start3A_171 = arith.constant 0 : i32
        %dma_start3A_172 = tpu.memref_slice %arg11[%dma_start3A_170, %dma_start3A_171] : memref<10240x128xf32, #tpu.memory_space<vmem_shared>> -> memref<10240x128xf32, #tpu.memory_space<vmem_shared>>
        tpu.enqueue_indirect_dma source(%arg9 : memref<128x128xf32, #tpu.memory_space<vmem>>) target(%dma_start3A_172 : memref<10240x128xf32, #tpu.memory_space<vmem_shared>>) offsets(%dma_start3A_169 : memref<128xi32, #tpu.memory_space<vmem>>) semaphore(%run_scoped3A_166 : memref<!tpu.dma_semaphore, #tpu.memory_space<semaphore_mem>>) {add = true}
        %dma_wait3A_173 = arith.constant 0 : i32
        %dma_wait3A_174 = tpu.memref_slice %arg7[%run_scoped3A_81, %dma_wait3A_173] : memref<8x128xi32, #tpu.memory_space<vmem>> -> memref<1x128xi32, #tpu.memory_space<vmem>>
        %dma_wait3A_175 = tpu.memref_squeeze %dma_wait3A_174 : memref<1x128xi32, #tpu.memory_space<vmem>> -> memref<128xi32, #tpu.memory_space<vmem>>
        %dma_wait3A_176 = arith.constant 0 : i32
        %dma_wait3A_177 = arith.constant 0 : i32
        %dma_wait3A_178 = tpu.memref_slice %arg11[%dma_wait3A_176, %dma_wait3A_177] : memref<10240x128xf32, #tpu.memory_space<vmem_shared>> -> memref<10240x128xf32, #tpu.memory_space<vmem_shared>>
        tpu.wait_indirect_dma semaphore(%run_scoped3A_166 : memref<!tpu.dma_semaphore, #tpu.memory_space<semaphore_mem>>) src(%arg9 : memref<128x128xf32, #tpu.memory_space<vmem>>) dst(%dma_wait3A_178 : memref<10240x128xf32, #tpu.memory_space<vmem_shared>>)
        tpu.yield
      }) : () -> ()
      %dma_start3A_82 = arith.constant 3 : i32
      %dma_start3A_83 = arith.constant 0 : i32
      %dma_start3A_84 = tpu.memref_slice %arg6[%dma_start3A_82, %dma_start3A_83] : memref<8x128xi32, #tpu.memory_space<vmem>> -> memref<1x128xi32, #tpu.memory_space<vmem>>
      %dma_start3A_85 = tpu.memref_squeeze %dma_start3A_84 : memref<1x128xi32, #tpu.memory_space<vmem>> -> memref<128xi32, #tpu.memory_space<vmem>>
      %dma_start3A_86 = arith.constant 0 : i32
      %dma_start3A_87 = arith.constant 0 : i32
      %dma_start3A_88 = tpu.memref_slice %arg2[%dma_start3A_86, %dma_start3A_87] : memref<10000x128xf32, #tpu.memory_space<hbm>> -> memref<10000x128xf32, #tpu.memory_space<hbm>>
      tpu.enqueue_indirect_dma source(%dma_start3A_88 : memref<10000x128xf32, #tpu.memory_space<hbm>>) target(%arg9 : memref<128x128xf32, #tpu.memory_space<vmem>>) offsets(%dma_start3A_85 : memref<128xi32, #tpu.memory_space<vmem>>) semaphore(%arg13 : memref<!tpu.dma_semaphore, #tpu.memory_space<semaphore_mem>>)
      %dma_wait3A_89 = arith.constant 2 : i32
      %dma_wait3A_90 = arith.constant 0 : i32
      %dma_wait3A_91 = tpu.memref_slice %arg6[%dma_wait3A_89, %dma_wait3A_90] : memref<8x128xi32, #tpu.memory_space<vmem>> -> memref<1x128xi32, #tpu.memory_space<vmem>>
      %dma_wait3A_92 = tpu.memref_squeeze %dma_wait3A_91 : memref<1x128xi32, #tpu.memory_space<vmem>> -> memref<128xi32, #tpu.memory_space<vmem>>
      %dma_wait3A_93 = arith.constant 0 : i32
      %dma_wait3A_94 = arith.constant 0 : i32
      %dma_wait3A_95 = tpu.memref_slice %arg2[%dma_wait3A_93, %dma_wait3A_94] : memref<10000x128xf32, #tpu.memory_space<hbm>> -> memref<10000x128xf32, #tpu.memory_space<hbm>>
      tpu.wait_indirect_dma semaphore(%arg13 : memref<!tpu.dma_semaphore, #tpu.memory_space<semaphore_mem>>) src(%dma_wait3A_95 : memref<10000x128xf32, #tpu.memory_space<hbm>>) dst(%arg8 : memref<128x128xf32, #tpu.memory_space<vmem>>)
      %run_scoped3A_96 = arith.constant 2 : i32
      "tpu.region"() ({
        %run_scoped3A_166 = tpu.sem_alloc : memref<!tpu.dma_semaphore, #tpu.memory_space<semaphore_mem>>
        %dma_start3A_167 = arith.constant 0 : i32
        %dma_start3A_168 = tpu.memref_slice %arg7[%run_scoped3A_96, %dma_start3A_167] : memref<8x128xi32, #tpu.memory_space<vmem>> -> memref<1x128xi32, #tpu.memory_space<vmem>>
        %dma_start3A_169 = tpu.memref_squeeze %dma_start3A_168 : memref<1x128xi32, #tpu.memory_space<vmem>> -> memref<128xi32, #tpu.memory_space<vmem>>
        %dma_start3A_170 = arith.constant 0 : i32
        %dma_start3A_171 = arith.constant 0 : i32
        %dma_start3A_172 = tpu.memref_slice %arg11[%dma_start3A_170, %dma_start3A_171] : memref<10240x128xf32, #tpu.memory_space<vmem_shared>> -> memref<10240x128xf32, #tpu.memory_space<vmem_shared>>
        tpu.enqueue_indirect_dma source(%arg8 : memref<128x128xf32, #tpu.memory_space<vmem>>) target(%dma_start3A_172 : memref<10240x128xf32, #tpu.memory_space<vmem_shared>>) offsets(%dma_start3A_169 : memref<128xi32, #tpu.memory_space<vmem>>) semaphore(%run_scoped3A_166 : memref<!tpu.dma_semaphore, #tpu.memory_space<semaphore_mem>>) {add = true}
        %dma_wait3A_173 = arith.constant 0 : i32
        %dma_wait3A_174 = tpu.memref_slice %arg7[%run_scoped3A_96, %dma_wait3A_173] : memref<8x128xi32, #tpu.memory_space<vmem>> -> memref<1x128xi32, #tpu.memory_space<vmem>>
        %dma_wait3A_175 = tpu.memref_squeeze %dma_wait3A_174 : memref<1x128xi32, #tpu.memory_space<vmem>> -> memref<128xi32, #tpu.memory_space<vmem>>
        %dma_wait3A_176 = arith.constant 0 : i32
        %dma_wait3A_177 = arith.constant 0 : i32
        %dma_wait3A_178 = tpu.memref_slice %arg11[%dma_wait3A_176, %dma_wait3A_177] : memref<10240x128xf32, #tpu.memory_space<vmem_shared>> -> memref<10240x128xf32, #tpu.memory_space<vmem_shared>>
        tpu.wait_indirect_dma semaphore(%run_scoped3A_166 : memref<!tpu.dma_semaphore, #tpu.memory_space<semaphore_mem>>) src(%arg8 : memref<128x128xf32, #tpu.memory_space<vmem>>) dst(%dma_wait3A_178 : memref<10240x128xf32, #tpu.memory_space<vmem_shared>>)
        tpu.yield
      }) : () -> ()
      %dma_start3A_97 = arith.constant 4 : i32
      %dma_start3A_98 = arith.constant 0 : i32
      %dma_start3A_99 = tpu.memref_slice %arg6[%dma_start3A_97, %dma_start3A_98] : memref<8x128xi32, #tpu.memory_space<vmem>> -> memref<1x128xi32, #tpu.memory_space<vmem>>
      %dma_start3A_100 = tpu.memref_squeeze %dma_start3A_99 : memref<1x128xi32, #tpu.memory_space<vmem>> -> memref<128xi32, #tpu.memory_space<vmem>>
      %dma_start3A_101 = arith.constant 0 : i32
      %dma_start3A_102 = arith.constant 0 : i32
      %dma_start3A_103 = tpu.memref_slice %arg2[%dma_start3A_101, %dma_start3A_102] : memref<10000x128xf32, #tpu.memory_space<hbm>> -> memref<10000x128xf32, #tpu.memory_space<hbm>>
      tpu.enqueue_indirect_dma source(%dma_start3A_103 : memref<10000x128xf32, #tpu.memory_space<hbm>>) target(%arg8 : memref<128x128xf32, #tpu.memory_space<vmem>>) offsets(%dma_start3A_100 : memref<128xi32, #tpu.memory_space<vmem>>) semaphore(%arg13 : memref<!tpu.dma_semaphore, #tpu.memory_space<semaphore_mem>>)
      %dma_wait3A_104 = arith.constant 3 : i32
      %dma_wait3A_105 = arith.constant 0 : i32
      %dma_wait3A_106 = tpu.memref_slice %arg6[%dma_wait3A_104, %dma_wait3A_105] : memref<8x128xi32, #tpu.memory_space<vmem>> -> memref<1x128xi32, #tpu.memory_space<vmem>>
      %dma_wait3A_107 = tpu.memref_squeeze %dma_wait3A_106 : memref<1x128xi32, #tpu.memory_space<vmem>> -> memref<128xi32, #tpu.memory_space<vmem>>
      %dma_wait3A_108 = arith.constant 0 : i32
      %dma_wait3A_109 = arith.constant 0 : i32
      %dma_wait3A_110 = tpu.memref_slice %arg2[%dma_wait3A_108, %dma_wait3A_109] : memref<10000x128xf32, #tpu.memory_space<hbm>> -> memref<10000x128xf32, #tpu.memory_space<hbm>>
      tpu.wait_indirect_dma semaphore(%arg13 : memref<!tpu.dma_semaphore, #tpu.memory_space<semaphore_mem>>) src(%dma_wait3A_110 : memref<10000x128xf32, #tpu.memory_space<hbm>>) dst(%arg9 : memref<128x128xf32, #tpu.memory_space<vmem>>)
      %run_scoped3A_111 = arith.constant 3 : i32
      "tpu.region"() ({
        %run_scoped3A_166 = tpu.sem_alloc : memref<!tpu.dma_semaphore, #tpu.memory_space<semaphore_mem>>
        %dma_start3A_167 = arith.constant 0 : i32
        %dma_start3A_168 = tpu.memref_slice %arg7[%run_scoped3A_111, %dma_start3A_167] : memref<8x128xi32, #tpu.memory_space<vmem>> -> memref<1x128xi32, #tpu.memory_space<vmem>>
        %dma_start3A_169 = tpu.memref_squeeze %dma_start3A_168 : memref<1x128xi32, #tpu.memory_space<vmem>> -> memref<128xi32, #tpu.memory_space<vmem>>
        %dma_start3A_170 = arith.constant 0 : i32
        %dma_start3A_171 = arith.constant 0 : i32
        %dma_start3A_172 = tpu.memref_slice %arg11[%dma_start3A_170, %dma_start3A_171] : memref<10240x128xf32, #tpu.memory_space<vmem_shared>> -> memref<10240x128xf32, #tpu.memory_space<vmem_shared>>
        tpu.enqueue_indirect_dma source(%arg9 : memref<128x128xf32, #tpu.memory_space<vmem>>) target(%dma_start3A_172 : memref<10240x128xf32, #tpu.memory_space<vmem_shared>>) offsets(%dma_start3A_169 : memref<128xi32, #tpu.memory_space<vmem>>) semaphore(%run_scoped3A_166 : memref<!tpu.dma_semaphore, #tpu.memory_space<semaphore_mem>>) {add = true}
        %dma_wait3A_173 = arith.constant 0 : i32
        %dma_wait3A_174 = tpu.memref_slice %arg7[%run_scoped3A_111, %dma_wait3A_173] : memref<8x128xi32, #tpu.memory_space<vmem>> -> memref<1x128xi32, #tpu.memory_space<vmem>>
        %dma_wait3A_175 = tpu.memref_squeeze %dma_wait3A_174 : memref<1x128xi32, #tpu.memory_space<vmem>> -> memref<128xi32, #tpu.memory_space<vmem>>
        %dma_wait3A_176 = arith.constant 0 : i32
        %dma_wait3A_177 = arith.constant 0 : i32
        %dma_wait3A_178 = tpu.memref_slice %arg11[%dma_wait3A_176, %dma_wait3A_177] : memref<10240x128xf32, #tpu.memory_space<vmem_shared>> -> memref<10240x128xf32, #tpu.memory_space<vmem_shared>>
        tpu.wait_indirect_dma semaphore(%run_scoped3A_166 : memref<!tpu.dma_semaphore, #tpu.memory_space<semaphore_mem>>) src(%arg9 : memref<128x128xf32, #tpu.memory_space<vmem>>) dst(%dma_wait3A_178 : memref<10240x128xf32, #tpu.memory_space<vmem_shared>>)
        tpu.yield
      }) : () -> ()
      %dma_start3A_112 = arith.constant 5 : i32
      %dma_start3A_113 = arith.constant 0 : i32
      %dma_start3A_114 = tpu.memref_slice %arg6[%dma_start3A_112, %dma_start3A_113] : memref<8x128xi32, #tpu.memory_space<vmem>> -> memref<1x128xi32, #tpu.memory_space<vmem>>
      %dma_start3A_115 = tpu.memref_squeeze %dma_start3A_114 : memref<1x128xi32, #tpu.memory_space<vmem>> -> memref<128xi32, #tpu.memory_space<vmem>>
      %dma_start3A_116 = arith.constant 0 : i32
      %dma_start3A_117 = arith.constant 0 : i32
      %dma_start3A_118 = tpu.memref_slice %arg2[%dma_start3A_116, %dma_start3A_117] : memref<10000x128xf32, #tpu.memory_space<hbm>> -> memref<10000x128xf32, #tpu.memory_space<hbm>>
      tpu.enqueue_indirect_dma source(%dma_start3A_118 : memref<10000x128xf32, #tpu.memory_space<hbm>>) target(%arg9 : memref<128x128xf32, #tpu.memory_space<vmem>>) offsets(%dma_start3A_115 : memref<128xi32, #tpu.memory_space<vmem>>) semaphore(%arg13 : memref<!tpu.dma_semaphore, #tpu.memory_space<semaphore_mem>>)
      %dma_wait3A_119 = arith.constant 4 : i32
      %dma_wait3A_120 = arith.constant 0 : i32
      %dma_wait3A_121 = tpu.memref_slice %arg6[%dma_wait3A_119, %dma_wait3A_120] : memref<8x128xi32, #tpu.memory_space<vmem>> -> memref<1x128xi32, #tpu.memory_space<vmem>>
      %dma_wait3A_122 = tpu.memref_squeeze %dma_wait3A_121 : memref<1x128xi32, #tpu.memory_space<vmem>> -> memref<128xi32, #tpu.memory_space<vmem>>
      %dma_wait3A_123 = arith.constant 0 : i32
      %dma_wait3A_124 = arith.constant 0 : i32
      %dma_wait3A_125 = tpu.memref_slice %arg2[%dma_wait3A_123, %dma_wait3A_124] : memref<10000x128xf32, #tpu.memory_space<hbm>> -> memref<10000x128xf32, #tpu.memory_space<hbm>>
      tpu.wait_indirect_dma semaphore(%arg13 : memref<!tpu.dma_semaphore, #tpu.memory_space<semaphore_mem>>) src(%dma_wait3A_125 : memref<10000x128xf32, #tpu.memory_space<hbm>>) dst(%arg8 : memref<128x128xf32, #tpu.memory_space<vmem>>)
      %run_scoped3A_126 = arith.constant 4 : i32
      "tpu.region"() ({
        %run_scoped3A_166 = tpu.sem_alloc : memref<!tpu.dma_semaphore, #tpu.memory_space<semaphore_mem>>
        %dma_start3A_167 = arith.constant 0 : i32
        %dma_start3A_168 = tpu.memref_slice %arg7[%run_scoped3A_126, %dma_start3A_167] : memref<8x128xi32, #tpu.memory_space<vmem>> -> memref<1x128xi32, #tpu.memory_space<vmem>>
        %dma_start3A_169 = tpu.memref_squeeze %dma_start3A_168 : memref<1x128xi32, #tpu.memory_space<vmem>> -> memref<128xi32, #tpu.memory_space<vmem>>
        %dma_start3A_170 = arith.constant 0 : i32
        %dma_start3A_171 = arith.constant 0 : i32
        %dma_start3A_172 = tpu.memref_slice %arg11[%dma_start3A_170, %dma_start3A_171] : memref<10240x128xf32, #tpu.memory_space<vmem_shared>> -> memref<10240x128xf32, #tpu.memory_space<vmem_shared>>
        tpu.enqueue_indirect_dma source(%arg8 : memref<128x128xf32, #tpu.memory_space<vmem>>) target(%dma_start3A_172 : memref<10240x128xf32, #tpu.memory_space<vmem_shared>>) offsets(%dma_start3A_169 : memref<128xi32, #tpu.memory_space<vmem>>) semaphore(%run_scoped3A_166 : memref<!tpu.dma_semaphore, #tpu.memory_space<semaphore_mem>>) {add = true}
        %dma_wait3A_173 = arith.constant 0 : i32
        %dma_wait3A_174 = tpu.memref_slice %arg7[%run_scoped3A_126, %dma_wait3A_173] : memref<8x128xi32, #tpu.memory_space<vmem>> -> memref<1x128xi32, #tpu.memory_space<vmem>>
        %dma_wait3A_175 = tpu.memref_squeeze %dma_wait3A_174 : memref<1x128xi32, #tpu.memory_space<vmem>> -> memref<128xi32, #tpu.memory_space<vmem>>
        %dma_wait3A_176 = arith.constant 0 : i32
        %dma_wait3A_177 = arith.constant 0 : i32
        %dma_wait3A_178 = tpu.memref_slice %arg11[%dma_wait3A_176, %dma_wait3A_177] : memref<10240x128xf32, #tpu.memory_space<vmem_shared>> -> memref<10240x128xf32, #tpu.memory_space<vmem_shared>>
        tpu.wait_indirect_dma semaphore(%run_scoped3A_166 : memref<!tpu.dma_semaphore, #tpu.memory_space<semaphore_mem>>) src(%arg8 : memref<128x128xf32, #tpu.memory_space<vmem>>) dst(%dma_wait3A_178 : memref<10240x128xf32, #tpu.memory_space<vmem_shared>>)
        tpu.yield
      }) : () -> ()
      %dma_start3A_127 = arith.constant 6 : i32
      %dma_start3A_128 = arith.constant 0 : i32
      %dma_start3A_129 = tpu.memref_slice %arg6[%dma_start3A_127, %dma_start3A_128] : memref<8x128xi32, #tpu.memory_space<vmem>> -> memref<1x128xi32, #tpu.memory_space<vmem>>
      %dma_start3A_130 = tpu.memref_squeeze %dma_start3A_129 : memref<1x128xi32, #tpu.memory_space<vmem>> -> memref<128xi32, #tpu.memory_space<vmem>>
      %dma_start3A_131 = arith.constant 0 : i32
      %dma_start3A_132 = arith.constant 0 : i32
      %dma_start3A_133 = tpu.memref_slice %arg2[%dma_start3A_131, %dma_start3A_132] : memref<10000x128xf32, #tpu.memory_space<hbm>> -> memref<10000x128xf32, #tpu.memory_space<hbm>>
      tpu.enqueue_indirect_dma source(%dma_start3A_133 : memref<10000x128xf32, #tpu.memory_space<hbm>>) target(%arg8 : memref<128x128xf32, #tpu.memory_space<vmem>>) offsets(%dma_start3A_130 : memref<128xi32, #tpu.memory_space<vmem>>) semaphore(%arg13 : memref<!tpu.dma_semaphore, #tpu.memory_space<semaphore_mem>>)
      %dma_wait3A_134 = arith.constant 5 : i32
      %dma_wait3A_135 = arith.constant 0 : i32
      %dma_wait3A_136 = tpu.memref_slice %arg6[%dma_wait3A_134, %dma_wait3A_135] : memref<8x128xi32, #tpu.memory_space<vmem>> -> memref<1x128xi32, #tpu.memory_space<vmem>>
      %dma_wait3A_137 = tpu.memref_squeeze %dma_wait3A_136 : memref<1x128xi32, #tpu.memory_space<vmem>> -> memref<128xi32, #tpu.memory_space<vmem>>
      %dma_wait3A_138 = arith.constant 0 : i32
      %dma_wait3A_139 = arith.constant 0 : i32
      %dma_wait3A_140 = tpu.memref_slice %arg2[%dma_wait3A_138, %dma_wait3A_139] : memref<10000x128xf32, #tpu.memory_space<hbm>> -> memref<10000x128xf32, #tpu.memory_space<hbm>>
      tpu.wait_indirect_dma semaphore(%arg13 : memref<!tpu.dma_semaphore, #tpu.memory_space<semaphore_mem>>) src(%dma_wait3A_140 : memref<10000x128xf32, #tpu.memory_space<hbm>>) dst(%arg9 : memref<128x128xf32, #tpu.memory_space<vmem>>)
      %run_scoped3A_141 = arith.constant 5 : i32
      "tpu.region"() ({
        %run_scoped3A_166 = tpu.sem_alloc : memref<!tpu.dma_semaphore, #tpu.memory_space<semaphore_mem>>
        %dma_start3A_167 = arith.constant 0 : i32
        %dma_start3A_168 = tpu.memref_slice %arg7[%run_scoped3A_141, %dma_start3A_167] : memref<8x128xi32, #tpu.memory_space<vmem>> -> memref<1x128xi32, #tpu.memory_space<vmem>>
        %dma_start3A_169 = tpu.memref_squeeze %dma_start3A_168 : memref<1x128xi32, #tpu.memory_space<vmem>> -> memref<128xi32, #tpu.memory_space<vmem>>
        %dma_start3A_170 = arith.constant 0 : i32
        %dma_start3A_171 = arith.constant 0 : i32
        %dma_start3A_172 = tpu.memref_slice %arg11[%dma_start3A_170, %dma_start3A_171] : memref<10240x128xf32, #tpu.memory_space<vmem_shared>> -> memref<10240x128xf32, #tpu.memory_space<vmem_shared>>
        tpu.enqueue_indirect_dma source(%arg9 : memref<128x128xf32, #tpu.memory_space<vmem>>) target(%dma_start3A_172 : memref<10240x128xf32, #tpu.memory_space<vmem_shared>>) offsets(%dma_start3A_169 : memref<128xi32, #tpu.memory_space<vmem>>) semaphore(%run_scoped3A_166 : memref<!tpu.dma_semaphore, #tpu.memory_space<semaphore_mem>>) {add = true}
        %dma_wait3A_173 = arith.constant 0 : i32
        %dma_wait3A_174 = tpu.memref_slice %arg7[%run_scoped3A_141, %dma_wait3A_173] : memref<8x128xi32, #tpu.memory_space<vmem>> -> memref<1x128xi32, #tpu.memory_space<vmem>>
        %dma_wait3A_175 = tpu.memref_squeeze %dma_wait3A_174 : memref<1x128xi32, #tpu.memory_space<vmem>> -> memref<128xi32, #tpu.memory_space<vmem>>
        %dma_wait3A_176 = arith.constant 0 : i32
        %dma_wait3A_177 = arith.constant 0 : i32
        %dma_wait3A_178 = tpu.memref_slice %arg11[%dma_wait3A_176, %dma_wait3A_177] : memref<10240x128xf32, #tpu.memory_space<vmem_shared>> -> memref<10240x128xf32, #tpu.memory_space<vmem_shared>>
        tpu.wait_indirect_dma semaphore(%run_scoped3A_166 : memref<!tpu.dma_semaphore, #tpu.memory_space<semaphore_mem>>) src(%arg9 : memref<128x128xf32, #tpu.memory_space<vmem>>) dst(%dma_wait3A_178 : memref<10240x128xf32, #tpu.memory_space<vmem_shared>>)
        tpu.yield
      }) : () -> ()
      %dma_start3A_142 = arith.constant 7 : i32
      %dma_start3A_143 = arith.constant 0 : i32
      %dma_start3A_144 = tpu.memref_slice %arg6[%dma_start3A_142, %dma_start3A_143] : memref<8x128xi32, #tpu.memory_space<vmem>> -> memref<1x128xi32, #tpu.memory_space<vmem>>
      %dma_start3A_145 = tpu.memref_squeeze %dma_start3A_144 : memref<1x128xi32, #tpu.memory_space<vmem>> -> memref<128xi32, #tpu.memory_space<vmem>>
      %dma_start3A_146 = arith.constant 0 : i32
      %dma_start3A_147 = arith.constant 0 : i32
      %dma_start3A_148 = tpu.memref_slice %arg2[%dma_start3A_146, %dma_start3A_147] : memref<10000x128xf32, #tpu.memory_space<hbm>> -> memref<10000x128xf32, #tpu.memory_space<hbm>>
      tpu.enqueue_indirect_dma source(%dma_start3A_148 : memref<10000x128xf32, #tpu.memory_space<hbm>>) target(%arg9 : memref<128x128xf32, #tpu.memory_space<vmem>>) offsets(%dma_start3A_145 : memref<128xi32, #tpu.memory_space<vmem>>) semaphore(%arg13 : memref<!tpu.dma_semaphore, #tpu.memory_space<semaphore_mem>>)
      %dma_wait3A_149 = arith.constant 6 : i32
      %dma_wait3A_150 = arith.constant 0 : i32
      %dma_wait3A_151 = tpu.memref_slice %arg6[%dma_wait3A_149, %dma_wait3A_150] : memref<8x128xi32, #tpu.memory_space<vmem>> -> memref<1x128xi32, #tpu.memory_space<vmem>>
      %dma_wait3A_152 = tpu.memref_squeeze %dma_wait3A_151 : memref<1x128xi32, #tpu.memory_space<vmem>> -> memref<128xi32, #tpu.memory_space<vmem>>
      %dma_wait3A_153 = arith.constant 0 : i32
      %dma_wait3A_154 = arith.constant 0 : i32
      %dma_wait3A_155 = tpu.memref_slice %arg2[%dma_wait3A_153, %dma_wait3A_154] : memref<10000x128xf32, #tpu.memory_space<hbm>> -> memref<10000x128xf32, #tpu.memory_space<hbm>>
      tpu.wait_indirect_dma semaphore(%arg13 : memref<!tpu.dma_semaphore, #tpu.memory_space<semaphore_mem>>) src(%dma_wait3A_155 : memref<10000x128xf32, #tpu.memory_space<hbm>>) dst(%arg8 : memref<128x128xf32, #tpu.memory_space<vmem>>)
      %run_scoped3A_156 = arith.constant 6 : i32
      "tpu.region"() ({
        %run_scoped3A_166 = tpu.sem_alloc : memref<!tpu.dma_semaphore, #tpu.memory_space<semaphore_mem>>
        %dma_start3A_167 = arith.constant 0 : i32
        %dma_start3A_168 = tpu.memref_slice %arg7[%run_scoped3A_156, %dma_start3A_167] : memref<8x128xi32, #tpu.memory_space<vmem>> -> memref<1x128xi32, #tpu.memory_space<vmem>>
        %dma_start3A_169 = tpu.memref_squeeze %dma_start3A_168 : memref<1x128xi32, #tpu.memory_space<vmem>> -> memref<128xi32, #tpu.memory_space<vmem>>
        %dma_start3A_170 = arith.constant 0 : i32
        %dma_start3A_171 = arith.constant 0 : i32
        %dma_start3A_172 = tpu.memref_slice %arg11[%dma_start3A_170, %dma_start3A_171] : memref<10240x128xf32, #tpu.memory_space<vmem_shared>> -> memref<10240x128xf32, #tpu.memory_space<vmem_shared>>
        tpu.enqueue_indirect_dma source(%arg8 : memref<128x128xf32, #tpu.memory_space<vmem>>) target(%dma_start3A_172 : memref<10240x128xf32, #tpu.memory_space<vmem_shared>>) offsets(%dma_start3A_169 : memref<128xi32, #tpu.memory_space<vmem>>) semaphore(%run_scoped3A_166 : memref<!tpu.dma_semaphore, #tpu.memory_space<semaphore_mem>>) {add = true}
        %dma_wait3A_173 = arith.constant 0 : i32
        %dma_wait3A_174 = tpu.memref_slice %arg7[%run_scoped3A_156, %dma_wait3A_173] : memref<8x128xi32, #tpu.memory_space<vmem>> -> memref<1x128xi32, #tpu.memory_space<vmem>>
        %dma_wait3A_175 = tpu.memref_squeeze %dma_wait3A_174 : memref<1x128xi32, #tpu.memory_space<vmem>> -> memref<128xi32, #tpu.memory_space<vmem>>
        %dma_wait3A_176 = arith.constant 0 : i32
        %dma_wait3A_177 = arith.constant 0 : i32
        %dma_wait3A_178 = tpu.memref_slice %arg11[%dma_wait3A_176, %dma_wait3A_177] : memref<10240x128xf32, #tpu.memory_space<vmem_shared>> -> memref<10240x128xf32, #tpu.memory_space<vmem_shared>>
        tpu.wait_indirect_dma semaphore(%run_scoped3A_166 : memref<!tpu.dma_semaphore, #tpu.memory_space<semaphore_mem>>) src(%arg8 : memref<128x128xf32, #tpu.memory_space<vmem>>) dst(%dma_wait3A_178 : memref<10240x128xf32, #tpu.memory_space<vmem_shared>>)
        tpu.yield
      }) : () -> ()
      %dma_wait3A_157 = arith.constant 7 : i32
      %dma_wait3A_158 = arith.constant 0 : i32
      %dma_wait3A_159 = tpu.memref_slice %arg6[%dma_wait3A_157, %dma_wait3A_158] : memref<8x128xi32, #tpu.memory_space<vmem>> -> memref<1x128xi32, #tpu.memory_space<vmem>>
      %dma_wait3A_160 = tpu.memref_squeeze %dma_wait3A_159 : memref<1x128xi32, #tpu.memory_space<vmem>> -> memref<128xi32, #tpu.memory_space<vmem>>
      %dma_wait3A_161 = arith.constant 0 : i32
      %dma_wait3A_162 = arith.constant 0 : i32
      %dma_wait3A_163 = tpu.memref_slice %arg2[%dma_wait3A_161, %dma_wait3A_162] : memref<10000x128xf32, #tpu.memory_space<hbm>> -> memref<10000x128xf32, #tpu.memory_space<hbm>>
      tpu.wait_indirect_dma semaphore(%arg13 : memref<!tpu.dma_semaphore, #tpu.memory_space<semaphore_mem>>) src(%dma_wait3A_163 : memref<10000x128xf32, #tpu.memory_space<hbm>>) dst(%arg9 : memref<128x128xf32, #tpu.memory_space<vmem>>)
      %run_scoped3A_164 = arith.constant 7 : i32
      "tpu.region"() ({
        %run_scoped3A_166 = tpu.sem_alloc : memref<!tpu.dma_semaphore, #tpu.memory_space<semaphore_mem>>
        %dma_start3A_167 = arith.constant 0 : i32
        %dma_start3A_168 = tpu.memref_slice %arg7[%run_scoped3A_164, %dma_start3A_167] : memref<8x128xi32, #tpu.memory_space<vmem>> -> memref<1x128xi32, #tpu.memory_space<vmem>>
        %dma_start3A_169 = tpu.memref_squeeze %dma_start3A_168 : memref<1x128xi32, #tpu.memory_space<vmem>> -> memref<128xi32, #tpu.memory_space<vmem>>
        %dma_start3A_170 = arith.constant 0 : i32
        %dma_start3A_171 = arith.constant 0 : i32
        %dma_start3A_172 = tpu.memref_slice %arg11[%dma_start3A_170, %dma_start3A_171] : memref<10240x128xf32, #tpu.memory_space<vmem_shared>> -> memref<10240x128xf32, #tpu.memory_space<vmem_shared>>
        tpu.enqueue_indirect_dma source(%arg9 : memref<128x128xf32, #tpu.memory_space<vmem>>) target(%dma_start3A_172 : memref<10240x128xf32, #tpu.memory_space<vmem_shared>>) offsets(%dma_start3A_169 : memref<128xi32, #tpu.memory_space<vmem>>) semaphore(%run_scoped3A_166 : memref<!tpu.dma_semaphore, #tpu.memory_space<semaphore_mem>>) {add = true}
        %dma_wait3A_173 = arith.constant 0 : i32
        %dma_wait3A_174 = tpu.memref_slice %arg7[%run_scoped3A_164, %dma_wait3A_173] : memref<8x128xi32, #tpu.memory_space<vmem>> -> memref<1x128xi32, #tpu.memory_space<vmem>>
        %dma_wait3A_175 = tpu.memref_squeeze %dma_wait3A_174 : memref<1x128xi32, #tpu.memory_space<vmem>> -> memref<128xi32, #tpu.memory_space<vmem>>
        %dma_wait3A_176 = arith.constant 0 : i32
        %dma_wait3A_177 = arith.constant 0 : i32
        %dma_wait3A_178 = tpu.memref_slice %arg11[%dma_wait3A_176, %dma_wait3A_177] : memref<10240x128xf32, #tpu.memory_space<vmem_shared>> -> memref<10240x128xf32, #tpu.memory_space<vmem_shared>>
        tpu.wait_indirect_dma semaphore(%run_scoped3A_166 : memref<!tpu.dma_semaphore, #tpu.memory_space<semaphore_mem>>) src(%arg9 : memref<128x128xf32, #tpu.memory_space<vmem>>) dst(%dma_wait3A_178 : memref<10240x128xf32, #tpu.memory_space<vmem_shared>>)
        tpu.yield
      }) : () -> ()
      %while3A_165 = arith.constant 0 : i32
      scf.yield %while3A_165 : i32
    }
    %while3A_33 = arith.constant 1 : i32
    %while3A_34 = scf.for %while3A_40 = %while3A_30 to %while3A_26 step %while3A_33 iter_args(%while3A_41 = %while3A_32) -> (i32)  : i32 {
      %mul3A_42 = arith.constant 8 : i32
      %mul3A_43 = arith.muli %while3A_40, %mul3A_42 : i32
      %add3A_44 = arith.addi %add3A_5, %mul3A_43 : i32
      "tpu.region"() ({
        %run_scoped3A_166 = tpu.sem_alloc : memref<!tpu.dma_semaphore, #tpu.memory_space<semaphore_mem>>
        %dma_start3A_167 = arith.constant 0 : i32
        %dma_start3A_168 = tpu.memref_slice %arg3[%add3A_44, %dma_start3A_167] : memref<2560x128xi32, #tpu.memory_space<hbm>> -> memref<8x128xi32, #tpu.memory_space<hbm>>
        %dma_start3A_169 = arith.constant 0 : i32
        %dma_start3A_170 = tpu.memref_slice %arg3[%add3A_44, %dma_start3A_169] : memref<2560x128xi32, #tpu.memory_space<hbm>> -> memref<8x128xi32, #tpu.memory_space<hbm>>
        tpu.enqueue_dma source(%dma_start3A_170 : memref<8x128xi32, #tpu.memory_space<hbm>>) target(%arg6 : memref<8x128xi32, #tpu.memory_space<vmem>>) target_semaphore(%run_scoped3A_166 : memref<!tpu.dma_semaphore, #tpu.memory_space<semaphore_mem>>)
        %dma_wait3A_171 = arith.constant 0 : i32
        %dma_wait3A_172 = tpu.memref_slice %arg3[%add3A_44, %dma_wait3A_171] : memref<2560x128xi32, #tpu.memory_space<hbm>> -> memref<8x128xi32, #tpu.memory_space<hbm>>
        %dma_wait3A_173 = arith.constant 0 : i32
        %dma_wait3A_174 = tpu.memref_slice %arg3[%add3A_44, %dma_wait3A_173] : memref<2560x128xi32, #tpu.memory_space<hbm>> -> memref<8x128xi32, #tpu.memory_space<hbm>>
        tpu.wait_dma2 semaphore(%run_scoped3A_166 : memref<!tpu.dma_semaphore, #tpu.memory_space<semaphore_mem>>) src(%dma_wait3A_174 : memref<8x128xi32, #tpu.memory_space<hbm>>) dst(%arg6 : memref<8x128xi32, #tpu.memory_space<vmem>>)
        tpu.yield
      }) : () -> ()
      %mul3A_45 = arith.constant 8 : i32
      %mul3A_46 = arith.muli %while3A_40, %mul3A_45 : i32
      %add3A_47 = arith.addi %add3A_5, %mul3A_46 : i32
      "tpu.region"() ({
        %run_scoped3A_166 = tpu.sem_alloc : memref<!tpu.dma_semaphore, #tpu.memory_space<semaphore_mem>>
        %dma_start3A_167 = arith.constant 0 : i32
        %dma_start3A_168 = tpu.memref_slice %arg4[%add3A_47, %dma_start3A_167] : memref<2560x128xi32, #tpu.memory_space<hbm>> -> memref<8x128xi32, #tpu.memory_space<hbm>>
        %dma_start3A_169 = arith.constant 0 : i32
        %dma_start3A_170 = tpu.memref_slice %arg4[%add3A_47, %dma_start3A_169] : memref<2560x128xi32, #tpu.memory_space<hbm>> -> memref<8x128xi32, #tpu.memory_space<hbm>>
        tpu.enqueue_dma source(%dma_start3A_170 : memref<8x128xi32, #tpu.memory_space<hbm>>) target(%arg7 : memref<8x128xi32, #tpu.memory_space<vmem>>) target_semaphore(%run_scoped3A_166 : memref<!tpu.dma_semaphore, #tpu.memory_space<semaphore_mem>>)
        %dma_wait3A_171 = arith.constant 0 : i32
        %dma_wait3A_172 = tpu.memref_slice %arg4[%add3A_47, %dma_wait3A_171] : memref<2560x128xi32, #tpu.memory_space<hbm>> -> memref<8x128xi32, #tpu.memory_space<hbm>>
        %dma_wait3A_173 = arith.constant 0 : i32
        %dma_wait3A_174 = tpu.memref_slice %arg4[%add3A_47, %dma_wait3A_173] : memref<2560x128xi32, #tpu.memory_space<hbm>> -> memref<8x128xi32, #tpu.memory_space<hbm>>
        tpu.wait_dma2 semaphore(%run_scoped3A_166 : memref<!tpu.dma_semaphore, #tpu.memory_space<semaphore_mem>>) src(%dma_wait3A_174 : memref<8x128xi32, #tpu.memory_space<hbm>>) dst(%arg7 : memref<8x128xi32, #tpu.memory_space<vmem>>)
        tpu.yield
      }) : () -> ()
      %dma_start3A = arith.constant 0 : i32
      %dma_start3A_48 = arith.constant 0 : i32
      %dma_start3A_49 = tpu.memref_slice %arg6[%dma_start3A, %dma_start3A_48] : memref<8x128xi32, #tpu.memory_space<vmem>> -> memref<1x128xi32, #tpu.memory_space<vmem>>
      %dma_start3A_50 = tpu.memref_squeeze %dma_start3A_49 : memref<1x128xi32, #tpu.memory_space<vmem>> -> memref<128xi32, #tpu.memory_space<vmem>>
      %dma_start3A_51 = arith.constant 0 : i32
      %dma_start3A_52 = arith.constant 0 : i32
      %dma_start3A_53 = tpu.memref_slice %arg2[%dma_start3A_51, %dma_start3A_52] : memref<10000x128xf32, #tpu.memory_space<hbm>> -> memref<10000x128xf32, #tpu.memory_space<hbm>>
      tpu.enqueue_indirect_dma source(%dma_start3A_53 : memref<10000x128xf32, #tpu.memory_space<hbm>>) target(%arg8 : memref<128x128xf32, #tpu.memory_space<vmem>>) offsets(%dma_start3A_50 : memref<128xi32, #tpu.memory_space<vmem>>) semaphore(%arg12 : memref<!tpu.dma_semaphore, #tpu.memory_space<semaphore_mem>>)
      %dma_start3A_54 = arith.constant 1 : i32
      %dma_start3A_55 = arith.constant 0 : i32
      %dma_start3A_56 = tpu.memref_slice %arg6[%dma_start3A_54, %dma_start3A_55] : memref<8x128xi32, #tpu.memory_space<vmem>> -> memref<1x128xi32, #tpu.memory_space<vmem>>
      %dma_start3A_57 = tpu.memref_squeeze %dma_start3A_56 : memref<1x128xi32, #tpu.memory_space<vmem>> -> memref<128xi32, #tpu.memory_space<vmem>>
      %dma_start3A_58 = arith.constant 0 : i32
      %dma_start3A_59 = arith.constant 0 : i32
      %dma_start3A_60 = tpu.memref_slice %arg2[%dma_start3A_58, %dma_start3A_59] : memref<10000x128xf32, #tpu.memory_space<hbm>> -> memref<10000x128xf32, #tpu.memory_space<hbm>>
      tpu.enqueue_indirect_dma source(%dma_start3A_60 : memref<10000x128xf32, #tpu.memory_space<hbm>>) target(%arg9 : memref<128x128xf32, #tpu.memory_space<vmem>>) offsets(%dma_start3A_57 : memref<128xi32, #tpu.memory_space<vmem>>) semaphore(%arg13 : memref<!tpu.dma_semaphore, #tpu.memory_space<semaphore_mem>>)
      %dma_wait3A = arith.constant 0 : i32
      %dma_wait3A_61 = arith.constant 0 : i32
      %dma_wait3A_62 = tpu.memref_slice %arg6[%dma_wait3A, %dma_wait3A_61] : memref<8x128xi32, #tpu.memory_space<vmem>> -> memref<1x128xi32, #tpu.memory_space<vmem>>
      %dma_wait3A_63 = tpu.memref_squeeze %dma_wait3A_62 : memref<1x128xi32, #tpu.memory_space<vmem>> -> memref<128xi32, #tpu.memory_space<vmem>>
      %dma_wait3A_64 = arith.constant 0 : i32
      %dma_wait3A_65 = arith.constant 0 : i32
      %dma_wait3A_66 = tpu.memref_slice %arg2[%dma_wait3A_64, %dma_wait3A_65] : memref<10000x128xf32, #tpu.memory_space<hbm>> -> memref<10000x128xf32, #tpu.memory_space<hbm>>
      tpu.wait_indirect_dma semaphore(%arg12 : memref<!tpu.dma_semaphore, #tpu.memory_space<semaphore_mem>>) src(%dma_wait3A_66 : memref<10000x128xf32, #tpu.memory_space<hbm>>) dst(%arg8 : memref<128x128xf32, #tpu.memory_space<vmem>>)
      %run_scoped3A = arith.constant 0 : i32
      "tpu.region"() ({
        %run_scoped3A_166 = tpu.sem_alloc : memref<!tpu.dma_semaphore, #tpu.memory_space<semaphore_mem>>
        %dma_start3A_167 = arith.constant 0 : i32
        %dma_start3A_168 = tpu.memref_slice %arg7[%run_scoped3A, %dma_start3A_167] : memref<8x128xi32, #tpu.memory_space<vmem>> -> memref<1x128xi32, #tpu.memory_space<vmem>>
        %dma_start3A_169 = tpu.memref_squeeze %dma_start3A_168 : memref<1x128xi32, #tpu.memory_space<vmem>> -> memref<128xi32, #tpu.memory_space<vmem>>
        %dma_start3A_170 = arith.constant 0 : i32
        %dma_start3A_171 = arith.constant 0 : i32
        %dma_start3A_172 = tpu.memref_slice %arg11[%dma_start3A_170, %dma_start3A_171] : memref<10240x128xf32, #tpu.memory_space<vmem_shared>> -> memref<10240x128xf32, #tpu.memory_space<vmem_shared>>
        tpu.enqueue_indirect_dma source(%arg8 : memref<128x128xf32, #tpu.memory_space<vmem>>) target(%dma_start3A_172 : memref<10240x128xf32, #tpu.memory_space<vmem_shared>>) offsets(%dma_start3A_169 : memref<128xi32, #tpu.memory_space<vmem>>) semaphore(%run_scoped3A_166 : memref<!tpu.dma_semaphore, #tpu.memory_space<semaphore_mem>>) {add = true}
        %dma_wait3A_173 = arith.constant 0 : i32
        %dma_wait3A_174 = tpu.memref_slice %arg7[%run_scoped3A, %dma_wait3A_173] : memref<8x128xi32, #tpu.memory_space<vmem>> -> memref<1x128xi32, #tpu.memory_space<vmem>>
        %dma_wait3A_175 = tpu.memref_squeeze %dma_wait3A_174 : memref<1x128xi32, #tpu.memory_space<vmem>> -> memref<128xi32, #tpu.memory_space<vmem>>
        %dma_wait3A_176 = arith.constant 0 : i32
        %dma_wait3A_177 = arith.constant 0 : i32
        %dma_wait3A_178 = tpu.memref_slice %arg11[%dma_wait3A_176, %dma_wait3A_177] : memref<10240x128xf32, #tpu.memory_space<vmem_shared>> -> memref<10240x128xf32, #tpu.memory_space<vmem_shared>>
        tpu.wait_indirect_dma semaphore(%run_scoped3A_166 : memref<!tpu.dma_semaphore, #tpu.memory_space<semaphore_mem>>) src(%arg8 : memref<128x128xf32, #tpu.memory_space<vmem>>) dst(%dma_wait3A_178 : memref<10240x128xf32, #tpu.memory_space<vmem_shared>>)
        tpu.yield
      }) : () -> ()
      %dma_start3A_67 = arith.constant 2 : i32
      %dma_start3A_68 = arith.constant 0 : i32
      %dma_start3A_69 = tpu.memref_slice %arg6[%dma_start3A_67, %dma_start3A_68] : memref<8x128xi32, #tpu.memory_space<vmem>> -> memref<1x128xi32, #tpu.memory_space<vmem>>
      %dma_start3A_70 = tpu.memref_squeeze %dma_start3A_69 : memref<1x128xi32, #tpu.memory_space<vmem>> -> memref<128xi32, #tpu.memory_space<vmem>>
      %dma_start3A_71 = arith.constant 0 : i32
      %dma_start3A_72 = arith.constant 0 : i32
      %dma_start3A_73 = tpu.memref_slice %arg2[%dma_start3A_71, %dma_start3A_72] : memref<10000x128xf32, #tpu.memory_space<hbm>> -> memref<10000x128xf32, #tpu.memory_space<hbm>>
      tpu.enqueue_indirect_dma source(%dma_start3A_73 : memref<10000x128xf32, #tpu.memory_space<hbm>>) target(%arg8 : memref<128x128xf32, #tpu.memory_space<vmem>>) offsets(%dma_start3A_70 : memref<128xi32, #tpu.memory_space<vmem>>) semaphore(%arg13 : memref<!tpu.dma_semaphore, #tpu.memory_space<semaphore_mem>>)
      %dma_wait3A_74 = arith.constant 1 : i32
      %dma_wait3A_75 = arith.constant 0 : i32
      %dma_wait3A_76 = tpu.memref_slice %arg6[%dma_wait3A_74, %dma_wait3A_75] : memref<8x128xi32, #tpu.memory_space<vmem>> -> memref<1x128xi32, #tpu.memory_space<vmem>>
      %dma_wait3A_77 = tpu.memref_squeeze %dma_wait3A_76 : memref<1x128xi32, #tpu.memory_space<vmem>> -> memref<128xi32, #tpu.memory_space<vmem>>
      %dma_wait3A_78 = arith.constant 0 : i32
      %dma_wait3A_79 = arith.constant 0 : i32
      %dma_wait3A_80 = tpu.memref_slice %arg2[%dma_wait3A_78, %dma_wait3A_79] : memref<10000x128xf32, #tpu.memory_space<hbm>> -> memref<10000x128xf32, #tpu.memory_space<hbm>>
      tpu.wait_indirect_dma semaphore(%arg13 : memref<!tpu.dma_semaphore, #tpu.memory_space<semaphore_mem>>) src(%dma_wait3A_80 : memref<10000x128xf32, #tpu.memory_space<hbm>>) dst(%arg9 : memref<128x128xf32, #tpu.memory_space<vmem>>)
      %run_scoped3A_81 = arith.constant 1 : i32
      "tpu.region"() ({
        %run_scoped3A_166 = tpu.sem_alloc : memref<!tpu.dma_semaphore, #tpu.memory_space<semaphore_mem>>
        %dma_start3A_167 = arith.constant 0 : i32
        %dma_start3A_168 = tpu.memref_slice %arg7[%run_scoped3A_81, %dma_start3A_167] : memref<8x128xi32, #tpu.memory_space<vmem>> -> memref<1x128xi32, #tpu.memory_space<vmem>>
        %dma_start3A_169 = tpu.memref_squeeze %dma_start3A_168 : memref<1x128xi32, #tpu.memory_space<vmem>> -> memref<128xi32, #tpu.memory_space<vmem>>
        %dma_start3A_170 = arith.constant 0 : i32
        %dma_start3A_171 = arith.constant 0 : i32
        %dma_start3A_172 = tpu.memref_slice %arg11[%dma_start3A_170, %dma_start3A_171] : memref<10240x128xf32, #tpu.memory_space<vmem_shared>> -> memref<10240x128xf32, #tpu.memory_space<vmem_shared>>
        tpu.enqueue_indirect_dma source(%arg9 : memref<128x128xf32, #tpu.memory_space<vmem>>) target(%dma_start3A_172 : memref<10240x128xf32, #tpu.memory_space<vmem_shared>>) offsets(%dma_start3A_169 : memref<128xi32, #tpu.memory_space<vmem>>) semaphore(%run_scoped3A_166 : memref<!tpu.dma_semaphore, #tpu.memory_space<semaphore_mem>>) {add = true}
        %dma_wait3A_173 = arith.constant 0 : i32
        %dma_wait3A_174 = tpu.memref_slice %arg7[%run_scoped3A_81, %dma_wait3A_173] : memref<8x128xi32, #tpu.memory_space<vmem>> -> memref<1x128xi32, #tpu.memory_space<vmem>>
        %dma_wait3A_175 = tpu.memref_squeeze %dma_wait3A_174 : memref<1x128xi32, #tpu.memory_space<vmem>> -> memref<128xi32, #tpu.memory_space<vmem>>
        %dma_wait3A_176 = arith.constant 0 : i32
        %dma_wait3A_177 = arith.constant 0 : i32
        %dma_wait3A_178 = tpu.memref_slice %arg11[%dma_wait3A_176, %dma_wait3A_177] : memref<10240x128xf32, #tpu.memory_space<vmem_shared>> -> memref<10240x128xf32, #tpu.memory_space<vmem_shared>>
        tpu.wait_indirect_dma semaphore(%run_scoped3A_166 : memref<!tpu.dma_semaphore, #tpu.memory_space<semaphore_mem>>) src(%arg9 : memref<128x128xf32, #tpu.memory_space<vmem>>) dst(%dma_wait3A_178 : memref<10240x128xf32, #tpu.memory_space<vmem_shared>>)
        tpu.yield
      }) : () -> ()
      %dma_start3A_82 = arith.constant 3 : i32
      %dma_start3A_83 = arith.constant 0 : i32
      %dma_start3A_84 = tpu.memref_slice %arg6[%dma_start3A_82, %dma_start3A_83] : memref<8x128xi32, #tpu.memory_space<vmem>> -> memref<1x128xi32, #tpu.memory_space<vmem>>
      %dma_start3A_85 = tpu.memref_squeeze %dma_start3A_84 : memref<1x128xi32, #tpu.memory_space<vmem>> -> memref<128xi32, #tpu.memory_space<vmem>>
      %dma_start3A_86 = arith.constant 0 : i32
      %dma_start3A_87 = arith.constant 0 : i32
      %dma_start3A_88 = tpu.memref_slice %arg2[%dma_start3A_86, %dma_start3A_87] : memref<10000x128xf32, #tpu.memory_space<hbm>> -> memref<10000x128xf32, #tpu.memory_space<hbm>>
      tpu.enqueue_indirect_dma source(%dma_start3A_88 : memref<10000x128xf32, #tpu.memory_space<hbm>>) target(%arg9 : memref<128x128xf32, #tpu.memory_space<vmem>>) offsets(%dma_start3A_85 : memref<128xi32, #tpu.memory_space<vmem>>) semaphore(%arg13 : memref<!tpu.dma_semaphore, #tpu.memory_space<semaphore_mem>>)
      %dma_wait3A_89 = arith.constant 2 : i32
      %dma_wait3A_90 = arith.constant 0 : i32
      %dma_wait3A_91 = tpu.memref_slice %arg6[%dma_wait3A_89, %dma_wait3A_90] : memref<8x128xi32, #tpu.memory_space<vmem>> -> memref<1x128xi32, #tpu.memory_space<vmem>>
      %dma_wait3A_92 = tpu.memref_squeeze %dma_wait3A_91 : memref<1x128xi32, #tpu.memory_space<vmem>> -> memref<128xi32, #tpu.memory_space<vmem>>
      %dma_wait3A_93 = arith.constant 0 : i32
      %dma_wait3A_94 = arith.constant 0 : i32
      %dma_wait3A_95 = tpu.memref_slice %arg2[%dma_wait3A_93, %dma_wait3A_94] : memref<10000x128xf32, #tpu.memory_space<hbm>> -> memref<10000x128xf32, #tpu.memory_space<hbm>>
      tpu.wait_indirect_dma semaphore(%arg13 : memref<!tpu.dma_semaphore, #tpu.memory_space<semaphore_mem>>) src(%dma_wait3A_95 : memref<10000x128xf32, #tpu.memory_space<hbm>>) dst(%arg8 : memref<128x128xf32, #tpu.memory_space<vmem>>)
      %run_scoped3A_96 = arith.constant 2 : i32
      "tpu.region"() ({
        %run_scoped3A_166 = tpu.sem_alloc : memref<!tpu.dma_semaphore, #tpu.memory_space<semaphore_mem>>
        %dma_start3A_167 = arith.constant 0 : i32
        %dma_start3A_168 = tpu.memref_slice %arg7[%run_scoped3A_96, %dma_start3A_167] : memref<8x128xi32, #tpu.memory_space<vmem>> -> memref<1x128xi32, #tpu.memory_space<vmem>>
        %dma_start3A_169 = tpu.memref_squeeze %dma_start3A_168 : memref<1x128xi32, #tpu.memory_space<vmem>> -> memref<128xi32, #tpu.memory_space<vmem>>
        %dma_start3A_170 = arith.constant 0 : i32
        %dma_start3A_171 = arith.constant 0 : i32
        %dma_start3A_172 = tpu.memref_slice %arg11[%dma_start3A_170, %dma_start3A_171] : memref<10240x128xf32, #tpu.memory_space<vmem_shared>> -> memref<10240x128xf32, #tpu.memory_space<vmem_shared>>
        tpu.enqueue_indirect_dma source(%arg8 : memref<128x128xf32, #tpu.memory_space<vmem>>) target(%dma_start3A_172 : memref<10240x128xf32, #tpu.memory_space<vmem_shared>>) offsets(%dma_start3A_169 : memref<128xi32, #tpu.memory_space<vmem>>) semaphore(%run_scoped3A_166 : memref<!tpu.dma_semaphore, #tpu.memory_space<semaphore_mem>>) {add = true}
        %dma_wait3A_173 = arith.constant 0 : i32
        %dma_wait3A_174 = tpu.memref_slice %arg7[%run_scoped3A_96, %dma_wait3A_173] : memref<8x128xi32, #tpu.memory_space<vmem>> -> memref<1x128xi32, #tpu.memory_space<vmem>>
        %dma_wait3A_175 = tpu.memref_squeeze %dma_wait3A_174 : memref<1x128xi32, #tpu.memory_space<vmem>> -> memref<128xi32, #tpu.memory_space<vmem>>
        %dma_wait3A_176 = arith.constant 0 : i32
        %dma_wait3A_177 = arith.constant 0 : i32
        %dma_wait3A_178 = tpu.memref_slice %arg11[%dma_wait3A_176, %dma_wait3A_177] : memref<10240x128xf32, #tpu.memory_space<vmem_shared>> -> memref<10240x128xf32, #tpu.memory_space<vmem_shared>>
        tpu.wait_indirect_dma semaphore(%run_scoped3A_166 : memref<!tpu.dma_semaphore, #tpu.memory_space<semaphore_mem>>) src(%arg8 : memref<128x128xf32, #tpu.memory_space<vmem>>) dst(%dma_wait3A_178 : memref<10240x128xf32, #tpu.memory_space<vmem_shared>>)
        tpu.yield
      }) : () -> ()
      %dma_start3A_97 = arith.constant 4 : i32
      %dma_start3A_98 = arith.constant 0 : i32
      %dma_start3A_99 = tpu.memref_slice %arg6[%dma_start3A_97, %dma_start3A_98] : memref<8x128xi32, #tpu.memory_space<vmem>> -> memref<1x128xi32, #tpu.memory_space<vmem>>
      %dma_start3A_100 = tpu.memref_squeeze %dma_start3A_99 : memref<1x128xi32, #tpu.memory_space<vmem>> -> memref<128xi32, #tpu.memory_space<vmem>>
      %dma_start3A_101 = arith.constant 0 : i32
      %dma_start3A_102 = arith.constant 0 : i32
      %dma_start3A_103 = tpu.memref_slice %arg2[%dma_start3A_101, %dma_start3A_102] : memref<10000x128xf32, #tpu.memory_space<hbm>> -> memref<10000x128xf32, #tpu.memory_space<hbm>>
      tpu.enqueue_indirect_dma source(%dma_start3A_103 : memref<10000x128xf32, #tpu.memory_space<hbm>>) target(%arg8 : memref<128x128xf32, #tpu.memory_space<vmem>>) offsets(%dma_start3A_100 : memref<128xi32, #tpu.memory_space<vmem>>) semaphore(%arg13 : memref<!tpu.dma_semaphore, #tpu.memory_space<semaphore_mem>>)
      %dma_wait3A_104 = arith.constant 3 : i32
      %dma_wait3A_105 = arith.constant 0 : i32
      %dma_wait3A_106 = tpu.memref_slice %arg6[%dma_wait3A_104, %dma_wait3A_105] : memref<8x128xi32, #tpu.memory_space<vmem>> -> memref<1x128xi32, #tpu.memory_space<vmem>>
      %dma_wait3A_107 = tpu.memref_squeeze %dma_wait3A_106 : memref<1x128xi32, #tpu.memory_space<vmem>> -> memref<128xi32, #tpu.memory_space<vmem>>
      %dma_wait3A_108 = arith.constant 0 : i32
      %dma_wait3A_109 = arith.constant 0 : i32
      %dma_wait3A_110 = tpu.memref_slice %arg2[%dma_wait3A_108, %dma_wait3A_109] : memref<10000x128xf32, #tpu.memory_space<hbm>> -> memref<10000x128xf32, #tpu.memory_space<hbm>>
      tpu.wait_indirect_dma semaphore(%arg13 : memref<!tpu.dma_semaphore, #tpu.memory_space<semaphore_mem>>) src(%dma_wait3A_110 : memref<10000x128xf32, #tpu.memory_space<hbm>>) dst(%arg9 : memref<128x128xf32, #tpu.memory_space<vmem>>)
      %run_scoped3A_111 = arith.constant 3 : i32
      "tpu.region"() ({
        %run_scoped3A_166 = tpu.sem_alloc : memref<!tpu.dma_semaphore, #tpu.memory_space<semaphore_mem>>
        %dma_start3A_167 = arith.constant 0 : i32
        %dma_start3A_168 = tpu.memref_slice %arg7[%run_scoped3A_111, %dma_start3A_167] : memref<8x128xi32, #tpu.memory_space<vmem>> -> memref<1x128xi32, #tpu.memory_space<vmem>>
        %dma_start3A_169 = tpu.memref_squeeze %dma_start3A_168 : memref<1x128xi32, #tpu.memory_space<vmem>> -> memref<128xi32, #tpu.memory_space<vmem>>
        %dma_start3A_170 = arith.constant 0 : i32
        %dma_start3A_171 = arith.constant 0 : i32
        %dma_start3A_172 = tpu.memref_slice %arg11[%dma_start3A_170, %dma_start3A_171] : memref<10240x128xf32, #tpu.memory_space<vmem_shared>> -> memref<10240x128xf32, #tpu.memory_space<vmem_shared>>
        tpu.enqueue_indirect_dma source(%arg9 : memref<128x128xf32, #tpu.memory_space<vmem>>) target(%dma_start3A_172 : memref<10240x128xf32, #tpu.memory_space<vmem_shared>>) offsets(%dma_start3A_169 : memref<128xi32, #tpu.memory_space<vmem>>) semaphore(%run_scoped3A_166 : memref<!tpu.dma_semaphore, #tpu.memory_space<semaphore_mem>>) {add = true}
        %dma_wait3A_173 = arith.constant 0 : i32
        %dma_wait3A_174 = tpu.memref_slice %arg7[%run_scoped3A_111, %dma_wait3A_173] : memref<8x128xi32, #tpu.memory_space<vmem>> -> memref<1x128xi32, #tpu.memory_space<vmem>>
        %dma_wait3A_175 = tpu.memref_squeeze %dma_wait3A_174 : memref<1x128xi32, #tpu.memory_space<vmem>> -> memref<128xi32, #tpu.memory_space<vmem>>
        %dma_wait3A_176 = arith.constant 0 : i32
        %dma_wait3A_177 = arith.constant 0 : i32
        %dma_wait3A_178 = tpu.memref_slice %arg11[%dma_wait3A_176, %dma_wait3A_177] : memref<10240x128xf32, #tpu.memory_space<vmem_shared>> -> memref<10240x128xf32, #tpu.memory_space<vmem_shared>>
        tpu.wait_indirect_dma semaphore(%run_scoped3A_166 : memref<!tpu.dma_semaphore, #tpu.memory_space<semaphore_mem>>) src(%arg9 : memref<128x128xf32, #tpu.memory_space<vmem>>) dst(%dma_wait3A_178 : memref<10240x128xf32, #tpu.memory_space<vmem_shared>>)
        tpu.yield
      }) : () -> ()
      %dma_start3A_112 = arith.constant 5 : i32
      %dma_start3A_113 = arith.constant 0 : i32
      %dma_start3A_114 = tpu.memref_slice %arg6[%dma_start3A_112, %dma_start3A_113] : memref<8x128xi32, #tpu.memory_space<vmem>> -> memref<1x128xi32, #tpu.memory_space<vmem>>
      %dma_start3A_115 = tpu.memref_squeeze %dma_start3A_114 : memref<1x128xi32, #tpu.memory_space<vmem>> -> memref<128xi32, #tpu.memory_space<vmem>>
      %dma_start3A_116 = arith.constant 0 : i32
      %dma_start3A_117 = arith.constant 0 : i32
      %dma_start3A_118 = tpu.memref_slice %arg2[%dma_start3A_116, %dma_start3A_117] : memref<10000x128xf32, #tpu.memory_space<hbm>> -> memref<10000x128xf32, #tpu.memory_space<hbm>>
      tpu.enqueue_indirect_dma source(%dma_start3A_118 : memref<10000x128xf32, #tpu.memory_space<hbm>>) target(%arg9 : memref<128x128xf32, #tpu.memory_space<vmem>>) offsets(%dma_start3A_115 : memref<128xi32, #tpu.memory_space<vmem>>) semaphore(%arg13 : memref<!tpu.dma_semaphore, #tpu.memory_space<semaphore_mem>>)
      %dma_wait3A_119 = arith.constant 4 : i32
      %dma_wait3A_120 = arith.constant 0 : i32
      %dma_wait3A_121 = tpu.memref_slice %arg6[%dma_wait3A_119, %dma_wait3A_120] : memref<8x128xi32, #tpu.memory_space<vmem>> -> memref<1x128xi32, #tpu.memory_space<vmem>>
      %dma_wait3A_122 = tpu.memref_squeeze %dma_wait3A_121 : memref<1x128xi32, #tpu.memory_space<vmem>> -> memref<128xi32, #tpu.memory_space<vmem>>
      %dma_wait3A_123 = arith.constant 0 : i32
      %dma_wait3A_124 = arith.constant 0 : i32
      %dma_wait3A_125 = tpu.memref_slice %arg2[%dma_wait3A_123, %dma_wait3A_124] : memref<10000x128xf32, #tpu.memory_space<hbm>> -> memref<10000x128xf32, #tpu.memory_space<hbm>>
      tpu.wait_indirect_dma semaphore(%arg13 : memref<!tpu.dma_semaphore, #tpu.memory_space<semaphore_mem>>) src(%dma_wait3A_125 : memref<10000x128xf32, #tpu.memory_space<hbm>>) dst(%arg8 : memref<128x128xf32, #tpu.memory_space<vmem>>)
      %run_scoped3A_126 = arith.constant 4 : i32
      "tpu.region"() ({
        %run_scoped3A_166 = tpu.sem_alloc : memref<!tpu.dma_semaphore, #tpu.memory_space<semaphore_mem>>
        %dma_start3A_167 = arith.constant 0 : i32
        %dma_start3A_168 = tpu.memref_slice %arg7[%run_scoped3A_126, %dma_start3A_167] : memref<8x128xi32, #tpu.memory_space<vmem>> -> memref<1x128xi32, #tpu.memory_space<vmem>>
        %dma_start3A_169 = tpu.memref_squeeze %dma_start3A_168 : memref<1x128xi32, #tpu.memory_space<vmem>> -> memref<128xi32, #tpu.memory_space<vmem>>
        %dma_start3A_170 = arith.constant 0 : i32
        %dma_start3A_171 = arith.constant 0 : i32
        %dma_start3A_172 = tpu.memref_slice %arg11[%dma_start3A_170, %dma_start3A_171] : memref<10240x128xf32, #tpu.memory_space<vmem_shared>> -> memref<10240x128xf32, #tpu.memory_space<vmem_shared>>
        tpu.enqueue_indirect_dma source(%arg8 : memref<128x128xf32, #tpu.memory_space<vmem>>) target(%dma_start3A_172 : memref<10240x128xf32, #tpu.memory_space<vmem_shared>>) offsets(%dma_start3A_169 : memref<128xi32, #tpu.memory_space<vmem>>) semaphore(%run_scoped3A_166 : memref<!tpu.dma_semaphore, #tpu.memory_space<semaphore_mem>>) {add = true}
        %dma_wait3A_173 = arith.constant 0 : i32
        %dma_wait3A_174 = tpu.memref_slice %arg7[%run_scoped3A_126, %dma_wait3A_173] : memref<8x128xi32, #tpu.memory_space<vmem>> -> memref<1x128xi32, #tpu.memory_space<vmem>>
        %dma_wait3A_175 = tpu.memref_squeeze %dma_wait3A_174 : memref<1x128xi32, #tpu.memory_space<vmem>> -> memref<128xi32, #tpu.memory_space<vmem>>
        %dma_wait3A_176 = arith.constant 0 : i32
        %dma_wait3A_177 = arith.constant 0 : i32
        %dma_wait3A_178 = tpu.memref_slice %arg11[%dma_wait3A_176, %dma_wait3A_177] : memref<10240x128xf32, #tpu.memory_space<vmem_shared>> -> memref<10240x128xf32, #tpu.memory_space<vmem_shared>>
        tpu.wait_indirect_dma semaphore(%run_scoped3A_166 : memref<!tpu.dma_semaphore, #tpu.memory_space<semaphore_mem>>) src(%arg8 : memref<128x128xf32, #tpu.memory_space<vmem>>) dst(%dma_wait3A_178 : memref<10240x128xf32, #tpu.memory_space<vmem_shared>>)
        tpu.yield
      }) : () -> ()
      %dma_start3A_127 = arith.constant 6 : i32
      %dma_start3A_128 = arith.constant 0 : i32
      %dma_start3A_129 = tpu.memref_slice %arg6[%dma_start3A_127, %dma_start3A_128] : memref<8x128xi32, #tpu.memory_space<vmem>> -> memref<1x128xi32, #tpu.memory_space<vmem>>
      %dma_start3A_130 = tpu.memref_squeeze %dma_start3A_129 : memref<1x128xi32, #tpu.memory_space<vmem>> -> memref<128xi32, #tpu.memory_space<vmem>>
      %dma_start3A_131 = arith.constant 0 : i32
      %dma_start3A_132 = arith.constant 0 : i32
      %dma_start3A_133 = tpu.memref_slice %arg2[%dma_start3A_131, %dma_start3A_132] : memref<10000x128xf32, #tpu.memory_space<hbm>> -> memref<10000x128xf32, #tpu.memory_space<hbm>>
      tpu.enqueue_indirect_dma source(%dma_start3A_133 : memref<10000x128xf32, #tpu.memory_space<hbm>>) target(%arg8 : memref<128x128xf32, #tpu.memory_space<vmem>>) offsets(%dma_start3A_130 : memref<128xi32, #tpu.memory_space<vmem>>) semaphore(%arg13 : memref<!tpu.dma_semaphore, #tpu.memory_space<semaphore_mem>>)
      %dma_wait3A_134 = arith.constant 5 : i32
      %dma_wait3A_135 = arith.constant 0 : i32
      %dma_wait3A_136 = tpu.memref_slice %arg6[%dma_wait3A_134, %dma_wait3A_135] : memref<8x128xi32, #tpu.memory_space<vmem>> -> memref<1x128xi32, #tpu.memory_space<vmem>>
      %dma_wait3A_137 = tpu.memref_squeeze %dma_wait3A_136 : memref<1x128xi32, #tpu.memory_space<vmem>> -> memref<128xi32, #tpu.memory_space<vmem>>
      %dma_wait3A_138 = arith.constant 0 : i32
      %dma_wait3A_139 = arith.constant 0 : i32
      %dma_wait3A_140 = tpu.memref_slice %arg2[%dma_wait3A_138, %dma_wait3A_139] : memref<10000x128xf32, #tpu.memory_space<hbm>> -> memref<10000x128xf32, #tpu.memory_space<hbm>>
      tpu.wait_indirect_dma semaphore(%arg13 : memref<!tpu.dma_semaphore, #tpu.memory_space<semaphore_mem>>) src(%dma_wait3A_140 : memref<10000x128xf32, #tpu.memory_space<hbm>>) dst(%arg9 : memref<128x128xf32, #tpu.memory_space<vmem>>)
      %run_scoped3A_141 = arith.constant 5 : i32
      "tpu.region"() ({
        %run_scoped3A_166 = tpu.sem_alloc : memref<!tpu.dma_semaphore, #tpu.memory_space<semaphore_mem>>
        %dma_start3A_167 = arith.constant 0 : i32
        %dma_start3A_168 = tpu.memref_slice %arg7[%run_scoped3A_141, %dma_start3A_167] : memref<8x128xi32, #tpu.memory_space<vmem>> -> memref<1x128xi32, #tpu.memory_space<vmem>>
        %dma_start3A_169 = tpu.memref_squeeze %dma_start3A_168 : memref<1x128xi32, #tpu.memory_space<vmem>> -> memref<128xi32, #tpu.memory_space<vmem>>
        %dma_start3A_170 = arith.constant 0 : i32
        %dma_start3A_171 = arith.constant 0 : i32
        %dma_start3A_172 = tpu.memref_slice %arg11[%dma_start3A_170, %dma_start3A_171] : memref<10240x128xf32, #tpu.memory_space<vmem_shared>> -> memref<10240x128xf32, #tpu.memory_space<vmem_shared>>
        tpu.enqueue_indirect_dma source(%arg9 : memref<128x128xf32, #tpu.memory_space<vmem>>) target(%dma_start3A_172 : memref<10240x128xf32, #tpu.memory_space<vmem_shared>>) offsets(%dma_start3A_169 : memref<128xi32, #tpu.memory_space<vmem>>) semaphore(%run_scoped3A_166 : memref<!tpu.dma_semaphore, #tpu.memory_space<semaphore_mem>>) {add = true}
        %dma_wait3A_173 = arith.constant 0 : i32
        %dma_wait3A_174 = tpu.memref_slice %arg7[%run_scoped3A_141, %dma_wait3A_173] : memref<8x128xi32, #tpu.memory_space<vmem>> -> memref<1x128xi32, #tpu.memory_space<vmem>>
        %dma_wait3A_175 = tpu.memref_squeeze %dma_wait3A_174 : memref<1x128xi32, #tpu.memory_space<vmem>> -> memref<128xi32, #tpu.memory_space<vmem>>
        %dma_wait3A_176 = arith.constant 0 : i32
        %dma_wait3A_177 = arith.constant 0 : i32
        %dma_wait3A_178 = tpu.memref_slice %arg11[%dma_wait3A_176, %dma_wait3A_177] : memref<10240x128xf32, #tpu.memory_space<vmem_shared>> -> memref<10240x128xf32, #tpu.memory_space<vmem_shared>>
        tpu.wait_indirect_dma semaphore(%run_scoped3A_166 : memref<!tpu.dma_semaphore, #tpu.memory_space<semaphore_mem>>) src(%arg9 : memref<128x128xf32, #tpu.memory_space<vmem>>) dst(%dma_wait3A_178 : memref<10240x128xf32, #tpu.memory_space<vmem_shared>>)
        tpu.yield
      }) : () -> ()
      %dma_start3A_142 = arith.constant 7 : i32
      %dma_start3A_143 = arith.constant 0 : i32
      %dma_start3A_144 = tpu.memref_slice %arg6[%dma_start3A_142, %dma_start3A_143] : memref<8x128xi32, #tpu.memory_space<vmem>> -> memref<1x128xi32, #tpu.memory_space<vmem>>
      %dma_start3A_145 = tpu.memref_squeeze %dma_start3A_144 : memref<1x128xi32, #tpu.memory_space<vmem>> -> memref<128xi32, #tpu.memory_space<vmem>>
      %dma_start3A_146 = arith.constant 0 : i32
      %dma_start3A_147 = arith.constant 0 : i32
      %dma_start3A_148 = tpu.memref_slice %arg2[%dma_start3A_146, %dma_start3A_147] : memref<10000x128xf32, #tpu.memory_space<hbm>> -> memref<10000x128xf32, #tpu.memory_space<hbm>>
      tpu.enqueue_indirect_dma source(%dma_start3A_148 : memref<10000x128xf32, #tpu.memory_space<hbm>>) target(%arg9 : memref<128x128xf32, #tpu.memory_space<vmem>>) offsets(%dma_start3A_145 : memref<128xi32, #tpu.memory_space<vmem>>) semaphore(%arg13 : memref<!tpu.dma_semaphore, #tpu.memory_space<semaphore_mem>>)
      %dma_wait3A_149 = arith.constant 6 : i32
      %dma_wait3A_150 = arith.constant 0 : i32
      %dma_wait3A_151 = tpu.memref_slice %arg6[%dma_wait3A_149, %dma_wait3A_150] : memref<8x128xi32, #tpu.memory_space<vmem>> -> memref<1x128xi32, #tpu.memory_space<vmem>>
      %dma_wait3A_152 = tpu.memref_squeeze %dma_wait3A_151 : memref<1x128xi32, #tpu.memory_space<vmem>> -> memref<128xi32, #tpu.memory_space<vmem>>
      %dma_wait3A_153 = arith.constant 0 : i32
      %dma_wait3A_154 = arith.constant 0 : i32
      %dma_wait3A_155 = tpu.memref_slice %arg2[%dma_wait3A_153, %dma_wait3A_154] : memref<10000x128xf32, #tpu.memory_space<hbm>> -> memref<10000x128xf32, #tpu.memory_space<hbm>>
      tpu.wait_indirect_dma semaphore(%arg13 : memref<!tpu.dma_semaphore, #tpu.memory_space<semaphore_mem>>) src(%dma_wait3A_155 : memref<10000x128xf32, #tpu.memory_space<hbm>>) dst(%arg8 : memref<128x128xf32, #tpu.memory_space<vmem>>)
      %run_scoped3A_156 = arith.constant 6 : i32
      "tpu.region"() ({
        %run_scoped3A_166 = tpu.sem_alloc : memref<!tpu.dma_semaphore, #tpu.memory_space<semaphore_mem>>
        %dma_start3A_167 = arith.constant 0 : i32
        %dma_start3A_168 = tpu.memref_slice %arg7[%run_scoped3A_156, %dma_start3A_167] : memref<8x128xi32, #tpu.memory_space<vmem>> -> memref<1x128xi32, #tpu.memory_space<vmem>>
        %dma_start3A_169 = tpu.memref_squeeze %dma_start3A_168 : memref<1x128xi32, #tpu.memory_space<vmem>> -> memref<128xi32, #tpu.memory_space<vmem>>
        %dma_start3A_170 = arith.constant 0 : i32
        %dma_start3A_171 = arith.constant 0 : i32
        %dma_start3A_172 = tpu.memref_slice %arg11[%dma_start3A_170, %dma_start3A_171] : memref<10240x128xf32, #tpu.memory_space<vmem_shared>> -> memref<10240x128xf32, #tpu.memory_space<vmem_shared>>
        tpu.enqueue_indirect_dma source(%arg8 : memref<128x128xf32, #tpu.memory_space<vmem>>) target(%dma_start3A_172 : memref<10240x128xf32, #tpu.memory_space<vmem_shared>>) offsets(%dma_start3A_169 : memref<128xi32, #tpu.memory_space<vmem>>) semaphore(%run_scoped3A_166 : memref<!tpu.dma_semaphore, #tpu.memory_space<semaphore_mem>>) {add = true}
        %dma_wait3A_173 = arith.constant 0 : i32
        %dma_wait3A_174 = tpu.memref_slice %arg7[%run_scoped3A_156, %dma_wait3A_173] : memref<8x128xi32, #tpu.memory_space<vmem>> -> memref<1x128xi32, #tpu.memory_space<vmem>>
        %dma_wait3A_175 = tpu.memref_squeeze %dma_wait3A_174 : memref<1x128xi32, #tpu.memory_space<vmem>> -> memref<128xi32, #tpu.memory_space<vmem>>
        %dma_wait3A_176 = arith.constant 0 : i32
        %dma_wait3A_177 = arith.constant 0 : i32
        %dma_wait3A_178 = tpu.memref_slice %arg11[%dma_wait3A_176, %dma_wait3A_177] : memref<10240x128xf32, #tpu.memory_space<vmem_shared>> -> memref<10240x128xf32, #tpu.memory_space<vmem_shared>>
        tpu.wait_indirect_dma semaphore(%run_scoped3A_166 : memref<!tpu.dma_semaphore, #tpu.memory_space<semaphore_mem>>) src(%arg8 : memref<128x128xf32, #tpu.memory_space<vmem>>) dst(%dma_wait3A_178 : memref<10240x128xf32, #tpu.memory_space<vmem_shared>>)
        tpu.yield
      }) : () -> ()
      %dma_wait3A_157 = arith.constant 7 : i32
      %dma_wait3A_158 = arith.constant 0 : i32
      %dma_wait3A_159 = tpu.memref_slice %arg6[%dma_wait3A_157, %dma_wait3A_158] : memref<8x128xi32, #tpu.memory_space<vmem>> -> memref<1x128xi32, #tpu.memory_space<vmem>>
      %dma_wait3A_160 = tpu.memref_squeeze %dma_wait3A_159 : memref<1x128xi32, #tpu.memory_space<vmem>> -> memref<128xi32, #tpu.memory_space<vmem>>
      %dma_wait3A_161 = arith.constant 0 : i32
      %dma_wait3A_162 = arith.constant 0 : i32
      %dma_wait3A_163 = tpu.memref_slice %arg2[%dma_wait3A_161, %dma_wait3A_162] : memref<10000x128xf32, #tpu.memory_space<hbm>> -> memref<10000x128xf32, #tpu.memory_space<hbm>>
      tpu.wait_indirect_dma semaphore(%arg13 : memref<!tpu.dma_semaphore, #tpu.memory_space<semaphore_mem>>) src(%dma_wait3A_163 : memref<10000x128xf32, #tpu.memory_space<hbm>>) dst(%arg9 : memref<128x128xf32, #tpu.memory_space<vmem>>)
      %run_scoped3A_164 = arith.constant 7 : i32
      "tpu.region"() ({
        %run_scoped3A_166 = tpu.sem_alloc : memref<!tpu.dma_semaphore, #tpu.memory_space<semaphore_mem>>
        %dma_start3A_167 = arith.constant 0 : i32
        %dma_start3A_168 = tpu.memref_slice %arg7[%run_scoped3A_164, %dma_start3A_167] : memref<8x128xi32, #tpu.memory_space<vmem>> -> memref<1x128xi32, #tpu.memory_space<vmem>>
        %dma_start3A_169 = tpu.memref_squeeze %dma_start3A_168 : memref<1x128xi32, #tpu.memory_space<vmem>> -> memref<128xi32, #tpu.memory_space<vmem>>
        %dma_start3A_170 = arith.constant 0 : i32
        %dma_start3A_171 = arith.constant 0 : i32
        %dma_start3A_172 = tpu.memref_slice %arg11[%dma_start3A_170, %dma_start3A_171] : memref<10240x128xf32, #tpu.memory_space<vmem_shared>> -> memref<10240x128xf32, #tpu.memory_space<vmem_shared>>
        tpu.enqueue_indirect_dma source(%arg9 : memref<128x128xf32, #tpu.memory_space<vmem>>) target(%dma_start3A_172 : memref<10240x128xf32, #tpu.memory_space<vmem_shared>>) offsets(%dma_start3A_169 : memref<128xi32, #tpu.memory_space<vmem>>) semaphore(%run_scoped3A_166 : memref<!tpu.dma_semaphore, #tpu.memory_space<semaphore_mem>>) {add = true}
        %dma_wait3A_173 = arith.constant 0 : i32
        %dma_wait3A_174 = tpu.memref_slice %arg7[%run_scoped3A_164, %dma_wait3A_173] : memref<8x128xi32, #tpu.memory_space<vmem>> -> memref<1x128xi32, #tpu.memory_space<vmem>>
        %dma_wait3A_175 = tpu.memref_squeeze %dma_wait3A_174 : memref<1x128xi32, #tpu.memory_space<vmem>> -> memref<128xi32, #tpu.memory_space<vmem>>
        %dma_wait3A_176 = arith.constant 0 : i32
        %dma_wait3A_177 = arith.constant 0 : i32
        %dma_wait3A_178 = tpu.memref_slice %arg11[%dma_wait3A_176, %dma_wait3A_177] : memref<10240x128xf32, #tpu.memory_space<vmem_shared>> -> memref<10240x128xf32, #tpu.memory_space<vmem_shared>>
        tpu.wait_indirect_dma semaphore(%run_scoped3A_166 : memref<!tpu.dma_semaphore, #tpu.memory_space<semaphore_mem>>) src(%arg9 : memref<128x128xf32, #tpu.memory_space<vmem>>) dst(%dma_wait3A_178 : memref<10240x128xf32, #tpu.memory_space<vmem_shared>>)
        tpu.yield
      }) : () -> ()
      %while3A_165 = arith.constant 0 : i32
      scf.yield %while3A_165 : i32
    }
    %barrier3A_35 = arith.constant 0 : index
    tpu.barrier barrier_id(%barrier3A_35)
    %mul3A_36 = arith.constant 640 : i32
    %mul3A_37 = arith.muli %arg1, %mul3A_36 : i32
    %mul3A_38 = arith.constant 640 : i32
    %mul3A_39 = arith.muli %arg1, %mul3A_38 : i32
    "tpu.region"() ({
      %run_scoped3A = tpu.sem_alloc : memref<!tpu.dma_semaphore, #tpu.memory_space<semaphore_mem>>
      %dma_start3A = arith.constant 0 : i32
      %dma_start3A_40 = tpu.memref_slice %arg5[%arg0, %mul3A_39, %dma_start3A] : memref<2x10240x128xf32, #tpu.memory_space<hbm>> -> memref<1x640x128xf32, #tpu.memory_space<hbm>>
      %dma_start3A_41 = tpu.memref_squeeze %dma_start3A_40 : memref<1x640x128xf32, #tpu.memory_space<hbm>> -> memref<640x128xf32, #tpu.memory_space<hbm>>
      %dma_start3A_42 = arith.constant 0 : i32
      %dma_start3A_43 = tpu.memref_slice %arg11[%mul3A_37, %dma_start3A_42] : memref<10240x128xf32, #tpu.memory_space<vmem_shared>> -> memref<640x128xf32, #tpu.memory_space<vmem_shared>>
      tpu.enqueue_dma source(%dma_start3A_43 : memref<640x128xf32, #tpu.memory_space<vmem_shared>>) target(%dma_start3A_41 : memref<640x128xf32, #tpu.memory_space<hbm>>) target_semaphore(%run_scoped3A : memref<!tpu.dma_semaphore, #tpu.memory_space<semaphore_mem>>)
      %dma_wait3A = arith.constant 0 : i32
      %dma_wait3A_44 = tpu.memref_slice %arg5[%arg0, %mul3A_39, %dma_wait3A] : memref<2x10240x128xf32, #tpu.memory_space<hbm>> -> memref<1x640x128xf32, #tpu.memory_space<hbm>>
      %dma_wait3A_45 = tpu.memref_squeeze %dma_wait3A_44 : memref<1x640x128xf32, #tpu.memory_space<hbm>> -> memref<640x128xf32, #tpu.memory_space<hbm>>
      %dma_wait3A_46 = arith.constant 0 : i32
      %dma_wait3A_47 = tpu.memref_slice %arg11[%mul3A_37, %dma_wait3A_46] : memref<10240x128xf32, #tpu.memory_space<vmem_shared>> -> memref<640x128xf32, #tpu.memory_space<vmem_shared>>
      tpu.wait_dma2 semaphore(%run_scoped3A : memref<!tpu.dma_semaphore, #tpu.memory_space<semaphore_mem>>) src(%dma_wait3A_47 : memref<640x128xf32, #tpu.memory_space<vmem_shared>>) dst(%dma_wait3A_45 : memref<640x128xf32, #tpu.memory_space<hbm>>)
      tpu.yield
    }) : () -> ()
    return
  }
}

#map = affine_map<(d0, d1) -> (0)>
#map1 = affine_map<(d0, d1) -> (0, 0)>
module attributes {stable_mosaic.version = 14 : i64} {
  func.func @_seg_scalar_body(%arg0: i32, %arg1: i32, %arg2: memref<10000xf32, #tpu.memory_space<hbm>>, %arg3: memref<2560x128xi32, #tpu.memory_space<hbm>>, %arg4: memref<2560x128xi32, #tpu.memory_space<hbm>>, %arg5: memref<2x10240xf32, #tpu.memory_space<hbm>>, %arg6: memref<80x128xi32, #tpu.memory_space<vmem>>, %arg7: memref<80x128xi32, #tpu.memory_space<vmem>>, %arg8: memref<128xf32, #tpu.memory_space<vmem>>, %arg9: memref<128xf32, #tpu.memory_space<vmem>>, %arg10: memref<640xf32, #tpu.memory_space<vmem>>, %arg11: memref<10240xf32, #tpu.memory_space<vmem_shared>>, %arg12: memref<!tpu.dma_semaphore, #tpu.memory_space<semaphore_mem>>, %arg13: memref<!tpu.dma_semaphore, #tpu.memory_space<semaphore_mem>>) attributes {dimension_semantics = [#tpu.dimension_semantics<core_parallel>, #tpu.dimension_semantics<subcore_parallel>], iteration_bounds = array<i64: 2, 16>, scalar_prefetch = 0 : i64, scratch_operands = 8 : i64, tpu.core_type = #tpu.core_type<sc_vector_subcore>, window_params = [{transform_indices = #map}, {transform_indices = #map1}, {transform_indices = #map1}, {transform_indices = #map1}]} {
    %mul3A = arith.constant 16 : i32
    %mul3A_0 = arith.muli %arg0, %mul3A : i32
    %add3A = arith.addi %mul3A_0, %arg1 : i32
    %broadcast_in_dim3A = arith.constant 0.000000e+00 : f32
    %broadcast_in_dim3A_1 = vector.broadcast %broadcast_in_dim3A : f32 to vector<16xf32>
    %scan3A = arith.constant 0 : i32
    %scan3A_2 = arith.constant 0 : i32
    %scan3A_3 = arith.constant 40 : i32
    %scan3A_4 = arith.addi %scan3A_2, %scan3A_3 : i32
    %scan3A_5 = arith.constant 1 : i32
    %scan3A_6 = scf.for %scan3A_26 = %scan3A_2 to %scan3A_4 step %scan3A_5 iter_args(%scan3A_27 = %scan3A) -> (i32)  : i32 {
      %mul3A_28 = arith.constant 16 : i32
      %mul3A_29 = arith.muli %scan3A_26, %mul3A_28 : i32
      %swap3A = arith.index_cast %mul3A_29 : i32 to index
      %swap3A_30 = tpu.vector_load %arg10[%swap3A] {strides = array<i32>} : memref<640xf32, #tpu.memory_space<vmem>>, vector<16xf32>,
      %swap3A_31 = vector.shape_cast %swap3A_30 : vector<16xf32> to vector<16xf32>
      %swap3A_32 = vector.shape_cast %broadcast_in_dim3A_1 : vector<16xf32> to vector<16xf32>
      tpu.vector_store %arg10[%swap3A], %swap3A_32 {strides = array<i32>} : memref<640xf32, #tpu.memory_space<vmem>>, vector<16xf32>,
      %scan3A_33 = arith.constant 0 : i32
      scf.yield %scan3A_33 : i32
    }
    %scan3A_7 = arith.constant 40 : i32
    %mul3A_8 = arith.constant 640 : i32
    %mul3A_9 = arith.muli %arg1, %mul3A_8 : i32
    "tpu.region"() ({
      %run_scoped3A = tpu.sem_alloc : memref<!tpu.dma_semaphore, #tpu.memory_space<semaphore_mem>>
      %dma_start3A = tpu.memref_slice %arg11[%mul3A_9] : memref<10240xf32, #tpu.memory_space<vmem_shared>> -> memref<640xf32, #tpu.memory_space<vmem_shared>>
      %dma_start3A_26 = tpu.memref_slice %arg11[%mul3A_9] : memref<10240xf32, #tpu.memory_space<vmem_shared>> -> memref<640xf32, #tpu.memory_space<vmem_shared>>
      tpu.enqueue_dma source(%arg10 : memref<640xf32, #tpu.memory_space<vmem>>) target(%dma_start3A_26 : memref<640xf32, #tpu.memory_space<vmem_shared>>) target_semaphore(%run_scoped3A : memref<!tpu.dma_semaphore, #tpu.memory_space<semaphore_mem>>)
      %dma_wait3A = tpu.memref_slice %arg11[%mul3A_9] : memref<10240xf32, #tpu.memory_space<vmem_shared>> -> memref<640xf32, #tpu.memory_space<vmem_shared>>
      %dma_wait3A_27 = tpu.memref_slice %arg11[%mul3A_9] : memref<10240xf32, #tpu.memory_space<vmem_shared>> -> memref<640xf32, #tpu.memory_space<vmem_shared>>
      tpu.wait_dma2 semaphore(%run_scoped3A : memref<!tpu.dma_semaphore, #tpu.memory_space<semaphore_mem>>) src(%arg10 : memref<640xf32, #tpu.memory_space<vmem>>) dst(%dma_wait3A_27 : memref<640xf32, #tpu.memory_space<vmem_shared>>)
      tpu.yield
    }) : () -> ()
    %mul3A_10 = arith.constant 80 : i32
    %mul3A_11 = arith.muli %add3A, %mul3A_10 : i32
    "tpu.region"() ({
      %run_scoped3A = tpu.sem_alloc : memref<!tpu.dma_semaphore, #tpu.memory_space<semaphore_mem>>
      %dma_start3A = arith.constant 0 : i32
      %dma_start3A_26 = tpu.memref_slice %arg3[%mul3A_11, %dma_start3A] : memref<2560x128xi32, #tpu.memory_space<hbm>> -> memref<80x128xi32, #tpu.memory_space<hbm>>
      %dma_start3A_27 = arith.constant 0 : i32
      %dma_start3A_28 = tpu.memref_slice %arg3[%mul3A_11, %dma_start3A_27] : memref<2560x128xi32, #tpu.memory_space<hbm>> -> memref<80x128xi32, #tpu.memory_space<hbm>>
      tpu.enqueue_dma source(%dma_start3A_28 : memref<80x128xi32, #tpu.memory_space<hbm>>) target(%arg6 : memref<80x128xi32, #tpu.memory_space<vmem>>) target_semaphore(%run_scoped3A : memref<!tpu.dma_semaphore, #tpu.memory_space<semaphore_mem>>)
      %dma_wait3A = arith.constant 0 : i32
      %dma_wait3A_29 = tpu.memref_slice %arg3[%mul3A_11, %dma_wait3A] : memref<2560x128xi32, #tpu.memory_space<hbm>> -> memref<80x128xi32, #tpu.memory_space<hbm>>
      %dma_wait3A_30 = arith.constant 0 : i32
      %dma_wait3A_31 = tpu.memref_slice %arg3[%mul3A_11, %dma_wait3A_30] : memref<2560x128xi32, #tpu.memory_space<hbm>> -> memref<80x128xi32, #tpu.memory_space<hbm>>
      tpu.wait_dma2 semaphore(%run_scoped3A : memref<!tpu.dma_semaphore, #tpu.memory_space<semaphore_mem>>) src(%dma_wait3A_31 : memref<80x128xi32, #tpu.memory_space<hbm>>) dst(%arg6 : memref<80x128xi32, #tpu.memory_space<vmem>>)
      tpu.yield
    }) : () -> ()
    %mul3A_12 = arith.constant 80 : i32
    %mul3A_13 = arith.muli %add3A, %mul3A_12 : i32
    "tpu.region"() ({
      %run_scoped3A = tpu.sem_alloc : memref<!tpu.dma_semaphore, #tpu.memory_space<semaphore_mem>>
      %dma_start3A = arith.constant 0 : i32
      %dma_start3A_26 = tpu.memref_slice %arg4[%mul3A_13, %dma_start3A] : memref<2560x128xi32, #tpu.memory_space<hbm>> -> memref<80x128xi32, #tpu.memory_space<hbm>>
      %dma_start3A_27 = arith.constant 0 : i32
      %dma_start3A_28 = tpu.memref_slice %arg4[%mul3A_13, %dma_start3A_27] : memref<2560x128xi32, #tpu.memory_space<hbm>> -> memref<80x128xi32, #tpu.memory_space<hbm>>
      tpu.enqueue_dma source(%dma_start3A_28 : memref<80x128xi32, #tpu.memory_space<hbm>>) target(%arg7 : memref<80x128xi32, #tpu.memory_space<vmem>>) target_semaphore(%run_scoped3A : memref<!tpu.dma_semaphore, #tpu.memory_space<semaphore_mem>>)
      %dma_wait3A = arith.constant 0 : i32
      %dma_wait3A_29 = tpu.memref_slice %arg4[%mul3A_13, %dma_wait3A] : memref<2560x128xi32, #tpu.memory_space<hbm>> -> memref<80x128xi32, #tpu.memory_space<hbm>>
      %dma_wait3A_30 = arith.constant 0 : i32
      %dma_wait3A_31 = tpu.memref_slice %arg4[%mul3A_13, %dma_wait3A_30] : memref<2560x128xi32, #tpu.memory_space<hbm>> -> memref<80x128xi32, #tpu.memory_space<hbm>>
      tpu.wait_dma2 semaphore(%run_scoped3A : memref<!tpu.dma_semaphore, #tpu.memory_space<semaphore_mem>>) src(%dma_wait3A_31 : memref<80x128xi32, #tpu.memory_space<hbm>>) dst(%arg7 : memref<80x128xi32, #tpu.memory_space<vmem>>)
      tpu.yield
    }) : () -> ()
    %barrier3A = arith.constant 0 : index
    tpu.barrier barrier_id(%barrier3A)
    %scan3A_14 = arith.constant 0 : i32
    %scan3A_15 = arith.constant 0 : i32
    %scan3A_16 = arith.constant 10 : i32
    %scan3A_17 = arith.addi %scan3A_15, %scan3A_16 : i32
    %scan3A_18 = arith.constant 1 : i32
    %scan3A_19 = scf.for %scan3A_26 = %scan3A_15 to %scan3A_17 step %scan3A_18 iter_args(%scan3A_27 = %scan3A_14) -> (i32)  : i32 {
      %mul3A_28 = arith.constant 8 : i32
      %mul3A_29 = arith.muli %scan3A_26, %mul3A_28 : i32
      %dma_start3A = arith.constant 0 : i32
      %dma_start3A_30 = tpu.memref_slice %arg6[%mul3A_29, %dma_start3A] : memref<80x128xi32, #tpu.memory_space<vmem>> -> memref<1x128xi32, #tpu.memory_space<vmem>>
      %dma_start3A_31 = tpu.memref_squeeze %dma_start3A_30 : memref<1x128xi32, #tpu.memory_space<vmem>> -> memref<128xi32, #tpu.memory_space<vmem>>
      %dma_start3A_32 = arith.constant 0 : i32
      %dma_start3A_33 = tpu.memref_slice %arg2[%dma_start3A_32] : memref<10000xf32, #tpu.memory_space<hbm>> -> memref<10000xf32, #tpu.memory_space<hbm>>
      tpu.enqueue_indirect_dma source(%dma_start3A_33 : memref<10000xf32, #tpu.memory_space<hbm>>) target(%arg8 : memref<128xf32, #tpu.memory_space<vmem>>) offsets(%dma_start3A_31 : memref<128xi32, #tpu.memory_space<vmem>>) semaphore(%arg12 : memref<!tpu.dma_semaphore, #tpu.memory_space<semaphore_mem>>)
      %add3A_34 = arith.constant 0 : i32
      %add3A_35 = arith.addi %mul3A_29, %add3A_34 : i32
      %add3A_36 = arith.constant 1 : i32
      %add3A_37 = arith.addi %add3A_35, %add3A_36 : i32
      %dma_start3A_38 = arith.constant 0 : i32
      %dma_start3A_39 = tpu.memref_slice %arg6[%add3A_37, %dma_start3A_38] : memref<80x128xi32, #tpu.memory_space<vmem>> -> memref<1x128xi32, #tpu.memory_space<vmem>>
      %dma_start3A_40 = tpu.memref_squeeze %dma_start3A_39 : memref<1x128xi32, #tpu.memory_space<vmem>> -> memref<128xi32, #tpu.memory_space<vmem>>
      %dma_start3A_41 = arith.constant 0 : i32
      %dma_start3A_42 = tpu.memref_slice %arg2[%dma_start3A_41] : memref<10000xf32, #tpu.memory_space<hbm>> -> memref<10000xf32, #tpu.memory_space<hbm>>
      tpu.enqueue_indirect_dma source(%dma_start3A_42 : memref<10000xf32, #tpu.memory_space<hbm>>) target(%arg9 : memref<128xf32, #tpu.memory_space<vmem>>) offsets(%dma_start3A_40 : memref<128xi32, #tpu.memory_space<vmem>>) semaphore(%arg13 : memref<!tpu.dma_semaphore, #tpu.memory_space<semaphore_mem>>)
      %dma_wait3A = arith.constant 0 : i32
      %dma_wait3A_43 = tpu.memref_slice %arg6[%mul3A_29, %dma_wait3A] : memref<80x128xi32, #tpu.memory_space<vmem>> -> memref<1x128xi32, #tpu.memory_space<vmem>>
      %dma_wait3A_44 = tpu.memref_squeeze %dma_wait3A_43 : memref<1x128xi32, #tpu.memory_space<vmem>> -> memref<128xi32, #tpu.memory_space<vmem>>
      %dma_wait3A_45 = arith.constant 0 : i32
      %dma_wait3A_46 = tpu.memref_slice %arg2[%dma_wait3A_45] : memref<10000xf32, #tpu.memory_space<hbm>> -> memref<10000xf32, #tpu.memory_space<hbm>>
      tpu.wait_indirect_dma semaphore(%arg12 : memref<!tpu.dma_semaphore, #tpu.memory_space<semaphore_mem>>) src(%dma_wait3A_46 : memref<10000xf32, #tpu.memory_space<hbm>>) dst(%arg8 : memref<128xf32, #tpu.memory_space<vmem>>)
      %add3A_47 = arith.constant 0 : i32
      %add3A_48 = arith.addi %mul3A_29, %add3A_47 : i32
      "tpu.region"() ({
        %run_scoped3A = tpu.sem_alloc : memref<!tpu.dma_semaphore, #tpu.memory_space<semaphore_mem>>
        %dma_start3A_153 = arith.constant 0 : i32
        %dma_start3A_154 = tpu.memref_slice %arg7[%add3A_48, %dma_start3A_153] : memref<80x128xi32, #tpu.memory_space<vmem>> -> memref<1x128xi32, #tpu.memory_space<vmem>>
        %dma_start3A_155 = tpu.memref_squeeze %dma_start3A_154 : memref<1x128xi32, #tpu.memory_space<vmem>> -> memref<128xi32, #tpu.memory_space<vmem>>
        %dma_start3A_156 = arith.constant 0 : i32
        %dma_start3A_157 = tpu.memref_slice %arg11[%dma_start3A_156] : memref<10240xf32, #tpu.memory_space<vmem_shared>> -> memref<10240xf32, #tpu.memory_space<vmem_shared>>
        tpu.enqueue_indirect_dma source(%arg8 : memref<128xf32, #tpu.memory_space<vmem>>) target(%dma_start3A_157 : memref<10240xf32, #tpu.memory_space<vmem_shared>>) offsets(%dma_start3A_155 : memref<128xi32, #tpu.memory_space<vmem>>) semaphore(%run_scoped3A : memref<!tpu.dma_semaphore, #tpu.memory_space<semaphore_mem>>) {add = true}
        %dma_wait3A_158 = arith.constant 0 : i32
        %dma_wait3A_159 = tpu.memref_slice %arg7[%add3A_48, %dma_wait3A_158] : memref<80x128xi32, #tpu.memory_space<vmem>> -> memref<1x128xi32, #tpu.memory_space<vmem>>
        %dma_wait3A_160 = tpu.memref_squeeze %dma_wait3A_159 : memref<1x128xi32, #tpu.memory_space<vmem>> -> memref<128xi32, #tpu.memory_space<vmem>>
        %dma_wait3A_161 = arith.constant 0 : i32
        %dma_wait3A_162 = tpu.memref_slice %arg11[%dma_wait3A_161] : memref<10240xf32, #tpu.memory_space<vmem_shared>> -> memref<10240xf32, #tpu.memory_space<vmem_shared>>
        tpu.wait_indirect_dma semaphore(%run_scoped3A : memref<!tpu.dma_semaphore, #tpu.memory_space<semaphore_mem>>) src(%arg8 : memref<128xf32, #tpu.memory_space<vmem>>) dst(%dma_wait3A_162 : memref<10240xf32, #tpu.memory_space<vmem_shared>>)
        tpu.yield
      }) : () -> ()
      %add3A_49 = arith.constant 1 : i32
      %add3A_50 = arith.addi %mul3A_29, %add3A_49 : i32
      %add3A_51 = arith.constant 1 : i32
      %add3A_52 = arith.addi %add3A_50, %add3A_51 : i32
      %dma_start3A_53 = arith.constant 0 : i32
      %dma_start3A_54 = tpu.memref_slice %arg6[%add3A_52, %dma_start3A_53] : memref<80x128xi32, #tpu.memory_space<vmem>> -> memref<1x128xi32, #tpu.memory_space<vmem>>
      %dma_start3A_55 = tpu.memref_squeeze %dma_start3A_54 : memref<1x128xi32, #tpu.memory_space<vmem>> -> memref<128xi32, #tpu.memory_space<vmem>>
      %dma_start3A_56 = arith.constant 0 : i32
      %dma_start3A_57 = tpu.memref_slice %arg2[%dma_start3A_56] : memref<10000xf32, #tpu.memory_space<hbm>> -> memref<10000xf32, #tpu.memory_space<hbm>>
      tpu.enqueue_indirect_dma source(%dma_start3A_57 : memref<10000xf32, #tpu.memory_space<hbm>>) target(%arg8 : memref<128xf32, #tpu.memory_space<vmem>>) offsets(%dma_start3A_55 : memref<128xi32, #tpu.memory_space<vmem>>) semaphore(%arg13 : memref<!tpu.dma_semaphore, #tpu.memory_space<semaphore_mem>>)
      %dma_wait3A_58 = arith.constant 0 : i32
      %dma_wait3A_59 = tpu.memref_slice %arg6[%add3A_37, %dma_wait3A_58] : memref<80x128xi32, #tpu.memory_space<vmem>> -> memref<1x128xi32, #tpu.memory_space<vmem>>
      %dma_wait3A_60 = tpu.memref_squeeze %dma_wait3A_59 : memref<1x128xi32, #tpu.memory_space<vmem>> -> memref<128xi32, #tpu.memory_space<vmem>>
      %dma_wait3A_61 = arith.constant 0 : i32
      %dma_wait3A_62 = tpu.memref_slice %arg2[%dma_wait3A_61] : memref<10000xf32, #tpu.memory_space<hbm>> -> memref<10000xf32, #tpu.memory_space<hbm>>
      tpu.wait_indirect_dma semaphore(%arg13 : memref<!tpu.dma_semaphore, #tpu.memory_space<semaphore_mem>>) src(%dma_wait3A_62 : memref<10000xf32, #tpu.memory_space<hbm>>) dst(%arg9 : memref<128xf32, #tpu.memory_space<vmem>>)
      %add3A_63 = arith.constant 1 : i32
      %add3A_64 = arith.addi %mul3A_29, %add3A_63 : i32
      "tpu.region"() ({
        %run_scoped3A = tpu.sem_alloc : memref<!tpu.dma_semaphore, #tpu.memory_space<semaphore_mem>>
        %dma_start3A_153 = arith.constant 0 : i32
        %dma_start3A_154 = tpu.memref_slice %arg7[%add3A_64, %dma_start3A_153] : memref<80x128xi32, #tpu.memory_space<vmem>> -> memref<1x128xi32, #tpu.memory_space<vmem>>
        %dma_start3A_155 = tpu.memref_squeeze %dma_start3A_154 : memref<1x128xi32, #tpu.memory_space<vmem>> -> memref<128xi32, #tpu.memory_space<vmem>>
        %dma_start3A_156 = arith.constant 0 : i32
        %dma_start3A_157 = tpu.memref_slice %arg11[%dma_start3A_156] : memref<10240xf32, #tpu.memory_space<vmem_shared>> -> memref<10240xf32, #tpu.memory_space<vmem_shared>>
        tpu.enqueue_indirect_dma source(%arg9 : memref<128xf32, #tpu.memory_space<vmem>>) target(%dma_start3A_157 : memref<10240xf32, #tpu.memory_space<vmem_shared>>) offsets(%dma_start3A_155 : memref<128xi32, #tpu.memory_space<vmem>>) semaphore(%run_scoped3A : memref<!tpu.dma_semaphore, #tpu.memory_space<semaphore_mem>>) {add = true}
        %dma_wait3A_158 = arith.constant 0 : i32
        %dma_wait3A_159 = tpu.memref_slice %arg7[%add3A_64, %dma_wait3A_158] : memref<80x128xi32, #tpu.memory_space<vmem>> -> memref<1x128xi32, #tpu.memory_space<vmem>>
        %dma_wait3A_160 = tpu.memref_squeeze %dma_wait3A_159 : memref<1x128xi32, #tpu.memory_space<vmem>> -> memref<128xi32, #tpu.memory_space<vmem>>
        %dma_wait3A_161 = arith.constant 0 : i32
        %dma_wait3A_162 = tpu.memref_slice %arg11[%dma_wait3A_161] : memref<10240xf32, #tpu.memory_space<vmem_shared>> -> memref<10240xf32, #tpu.memory_space<vmem_shared>>
        tpu.wait_indirect_dma semaphore(%run_scoped3A : memref<!tpu.dma_semaphore, #tpu.memory_space<semaphore_mem>>) src(%arg9 : memref<128xf32, #tpu.memory_space<vmem>>) dst(%dma_wait3A_162 : memref<10240xf32, #tpu.memory_space<vmem_shared>>)
        tpu.yield
      }) : () -> ()
      %add3A_65 = arith.constant 2 : i32
      %add3A_66 = arith.addi %mul3A_29, %add3A_65 : i32
      %add3A_67 = arith.constant 1 : i32
      %add3A_68 = arith.addi %add3A_66, %add3A_67 : i32
      %dma_start3A_69 = arith.constant 0 : i32
      %dma_start3A_70 = tpu.memref_slice %arg6[%add3A_68, %dma_start3A_69] : memref<80x128xi32, #tpu.memory_space<vmem>> -> memref<1x128xi32, #tpu.memory_space<vmem>>
      %dma_start3A_71 = tpu.memref_squeeze %dma_start3A_70 : memref<1x128xi32, #tpu.memory_space<vmem>> -> memref<128xi32, #tpu.memory_space<vmem>>
      %dma_start3A_72 = arith.constant 0 : i32
      %dma_start3A_73 = tpu.memref_slice %arg2[%dma_start3A_72] : memref<10000xf32, #tpu.memory_space<hbm>> -> memref<10000xf32, #tpu.memory_space<hbm>>
      tpu.enqueue_indirect_dma source(%dma_start3A_73 : memref<10000xf32, #tpu.memory_space<hbm>>) target(%arg9 : memref<128xf32, #tpu.memory_space<vmem>>) offsets(%dma_start3A_71 : memref<128xi32, #tpu.memory_space<vmem>>) semaphore(%arg13 : memref<!tpu.dma_semaphore, #tpu.memory_space<semaphore_mem>>)
      %dma_wait3A_74 = arith.constant 0 : i32
      %dma_wait3A_75 = tpu.memref_slice %arg6[%add3A_52, %dma_wait3A_74] : memref<80x128xi32, #tpu.memory_space<vmem>> -> memref<1x128xi32, #tpu.memory_space<vmem>>
      %dma_wait3A_76 = tpu.memref_squeeze %dma_wait3A_75 : memref<1x128xi32, #tpu.memory_space<vmem>> -> memref<128xi32, #tpu.memory_space<vmem>>
      %dma_wait3A_77 = arith.constant 0 : i32
      %dma_wait3A_78 = tpu.memref_slice %arg2[%dma_wait3A_77] : memref<10000xf32, #tpu.memory_space<hbm>> -> memref<10000xf32, #tpu.memory_space<hbm>>
      tpu.wait_indirect_dma semaphore(%arg13 : memref<!tpu.dma_semaphore, #tpu.memory_space<semaphore_mem>>) src(%dma_wait3A_78 : memref<10000xf32, #tpu.memory_space<hbm>>) dst(%arg8 : memref<128xf32, #tpu.memory_space<vmem>>)
      %add3A_79 = arith.constant 2 : i32
      %add3A_80 = arith.addi %mul3A_29, %add3A_79 : i32
      "tpu.region"() ({
        %run_scoped3A = tpu.sem_alloc : memref<!tpu.dma_semaphore, #tpu.memory_space<semaphore_mem>>
        %dma_start3A_153 = arith.constant 0 : i32
        %dma_start3A_154 = tpu.memref_slice %arg7[%add3A_80, %dma_start3A_153] : memref<80x128xi32, #tpu.memory_space<vmem>> -> memref<1x128xi32, #tpu.memory_space<vmem>>
        %dma_start3A_155 = tpu.memref_squeeze %dma_start3A_154 : memref<1x128xi32, #tpu.memory_space<vmem>> -> memref<128xi32, #tpu.memory_space<vmem>>
        %dma_start3A_156 = arith.constant 0 : i32
        %dma_start3A_157 = tpu.memref_slice %arg11[%dma_start3A_156] : memref<10240xf32, #tpu.memory_space<vmem_shared>> -> memref<10240xf32, #tpu.memory_space<vmem_shared>>
        tpu.enqueue_indirect_dma source(%arg8 : memref<128xf32, #tpu.memory_space<vmem>>) target(%dma_start3A_157 : memref<10240xf32, #tpu.memory_space<vmem_shared>>) offsets(%dma_start3A_155 : memref<128xi32, #tpu.memory_space<vmem>>) semaphore(%run_scoped3A : memref<!tpu.dma_semaphore, #tpu.memory_space<semaphore_mem>>) {add = true}
        %dma_wait3A_158 = arith.constant 0 : i32
        %dma_wait3A_159 = tpu.memref_slice %arg7[%add3A_80, %dma_wait3A_158] : memref<80x128xi32, #tpu.memory_space<vmem>> -> memref<1x128xi32, #tpu.memory_space<vmem>>
        %dma_wait3A_160 = tpu.memref_squeeze %dma_wait3A_159 : memref<1x128xi32, #tpu.memory_space<vmem>> -> memref<128xi32, #tpu.memory_space<vmem>>
        %dma_wait3A_161 = arith.constant 0 : i32
        %dma_wait3A_162 = tpu.memref_slice %arg11[%dma_wait3A_161] : memref<10240xf32, #tpu.memory_space<vmem_shared>> -> memref<10240xf32, #tpu.memory_space<vmem_shared>>
        tpu.wait_indirect_dma semaphore(%run_scoped3A : memref<!tpu.dma_semaphore, #tpu.memory_space<semaphore_mem>>) src(%arg8 : memref<128xf32, #tpu.memory_space<vmem>>) dst(%dma_wait3A_162 : memref<10240xf32, #tpu.memory_space<vmem_shared>>)
        tpu.yield
      }) : () -> ()
      %add3A_81 = arith.constant 3 : i32
      %add3A_82 = arith.addi %mul3A_29, %add3A_81 : i32
      %add3A_83 = arith.constant 1 : i32
      %add3A_84 = arith.addi %add3A_82, %add3A_83 : i32
      %dma_start3A_85 = arith.constant 0 : i32
      %dma_start3A_86 = tpu.memref_slice %arg6[%add3A_84, %dma_start3A_85] : memref<80x128xi32, #tpu.memory_space<vmem>> -> memref<1x128xi32, #tpu.memory_space<vmem>>
      %dma_start3A_87 = tpu.memref_squeeze %dma_start3A_86 : memref<1x128xi32, #tpu.memory_space<vmem>> -> memref<128xi32, #tpu.memory_space<vmem>>
      %dma_start3A_88 = arith.constant 0 : i32
      %dma_start3A_89 = tpu.memref_slice %arg2[%dma_start3A_88] : memref<10000xf32, #tpu.memory_space<hbm>> -> memref<10000xf32, #tpu.memory_space<hbm>>
      tpu.enqueue_indirect_dma source(%dma_start3A_89 : memref<10000xf32, #tpu.memory_space<hbm>>) target(%arg8 : memref<128xf32, #tpu.memory_space<vmem>>) offsets(%dma_start3A_87 : memref<128xi32, #tpu.memory_space<vmem>>) semaphore(%arg13 : memref<!tpu.dma_semaphore, #tpu.memory_space<semaphore_mem>>)
      %dma_wait3A_90 = arith.constant 0 : i32
      %dma_wait3A_91 = tpu.memref_slice %arg6[%add3A_68, %dma_wait3A_90] : memref<80x128xi32, #tpu.memory_space<vmem>> -> memref<1x128xi32, #tpu.memory_space<vmem>>
      %dma_wait3A_92 = tpu.memref_squeeze %dma_wait3A_91 : memref<1x128xi32, #tpu.memory_space<vmem>> -> memref<128xi32, #tpu.memory_space<vmem>>
      %dma_wait3A_93 = arith.constant 0 : i32
      %dma_wait3A_94 = tpu.memref_slice %arg2[%dma_wait3A_93] : memref<10000xf32, #tpu.memory_space<hbm>> -> memref<10000xf32, #tpu.memory_space<hbm>>
      tpu.wait_indirect_dma semaphore(%arg13 : memref<!tpu.dma_semaphore, #tpu.memory_space<semaphore_mem>>) src(%dma_wait3A_94 : memref<10000xf32, #tpu.memory_space<hbm>>) dst(%arg9 : memref<128xf32, #tpu.memory_space<vmem>>)
      %add3A_95 = arith.constant 3 : i32
      %add3A_96 = arith.addi %mul3A_29, %add3A_95 : i32
      "tpu.region"() ({
        %run_scoped3A = tpu.sem_alloc : memref<!tpu.dma_semaphore, #tpu.memory_space<semaphore_mem>>
        %dma_start3A_153 = arith.constant 0 : i32
        %dma_start3A_154 = tpu.memref_slice %arg7[%add3A_96, %dma_start3A_153] : memref<80x128xi32, #tpu.memory_space<vmem>> -> memref<1x128xi32, #tpu.memory_space<vmem>>
        %dma_start3A_155 = tpu.memref_squeeze %dma_start3A_154 : memref<1x128xi32, #tpu.memory_space<vmem>> -> memref<128xi32, #tpu.memory_space<vmem>>
        %dma_start3A_156 = arith.constant 0 : i32
        %dma_start3A_157 = tpu.memref_slice %arg11[%dma_start3A_156] : memref<10240xf32, #tpu.memory_space<vmem_shared>> -> memref<10240xf32, #tpu.memory_space<vmem_shared>>
        tpu.enqueue_indirect_dma source(%arg9 : memref<128xf32, #tpu.memory_space<vmem>>) target(%dma_start3A_157 : memref<10240xf32, #tpu.memory_space<vmem_shared>>) offsets(%dma_start3A_155 : memref<128xi32, #tpu.memory_space<vmem>>) semaphore(%run_scoped3A : memref<!tpu.dma_semaphore, #tpu.memory_space<semaphore_mem>>) {add = true}
        %dma_wait3A_158 = arith.constant 0 : i32
        %dma_wait3A_159 = tpu.memref_slice %arg7[%add3A_96, %dma_wait3A_158] : memref<80x128xi32, #tpu.memory_space<vmem>> -> memref<1x128xi32, #tpu.memory_space<vmem>>
        %dma_wait3A_160 = tpu.memref_squeeze %dma_wait3A_159 : memref<1x128xi32, #tpu.memory_space<vmem>> -> memref<128xi32, #tpu.memory_space<vmem>>
        %dma_wait3A_161 = arith.constant 0 : i32
        %dma_wait3A_162 = tpu.memref_slice %arg11[%dma_wait3A_161] : memref<10240xf32, #tpu.memory_space<vmem_shared>> -> memref<10240xf32, #tpu.memory_space<vmem_shared>>
        tpu.wait_indirect_dma semaphore(%run_scoped3A : memref<!tpu.dma_semaphore, #tpu.memory_space<semaphore_mem>>) src(%arg9 : memref<128xf32, #tpu.memory_space<vmem>>) dst(%dma_wait3A_162 : memref<10240xf32, #tpu.memory_space<vmem_shared>>)
        tpu.yield
      }) : () -> ()
      %add3A_97 = arith.constant 4 : i32
      %add3A_98 = arith.addi %mul3A_29, %add3A_97 : i32
      %add3A_99 = arith.constant 1 : i32
      %add3A_100 = arith.addi %add3A_98, %add3A_99 : i32
      %dma_start3A_101 = arith.constant 0 : i32
      %dma_start3A_102 = tpu.memref_slice %arg6[%add3A_100, %dma_start3A_101] : memref<80x128xi32, #tpu.memory_space<vmem>> -> memref<1x128xi32, #tpu.memory_space<vmem>>
      %dma_start3A_103 = tpu.memref_squeeze %dma_start3A_102 : memref<1x128xi32, #tpu.memory_space<vmem>> -> memref<128xi32, #tpu.memory_space<vmem>>
      %dma_start3A_104 = arith.constant 0 : i32
      %dma_start3A_105 = tpu.memref_slice %arg2[%dma_start3A_104] : memref<10000xf32, #tpu.memory_space<hbm>> -> memref<10000xf32, #tpu.memory_space<hbm>>
      tpu.enqueue_indirect_dma source(%dma_start3A_105 : memref<10000xf32, #tpu.memory_space<hbm>>) target(%arg9 : memref<128xf32, #tpu.memory_space<vmem>>) offsets(%dma_start3A_103 : memref<128xi32, #tpu.memory_space<vmem>>) semaphore(%arg13 : memref<!tpu.dma_semaphore, #tpu.memory_space<semaphore_mem>>)
      %dma_wait3A_106 = arith.constant 0 : i32
      %dma_wait3A_107 = tpu.memref_slice %arg6[%add3A_84, %dma_wait3A_106] : memref<80x128xi32, #tpu.memory_space<vmem>> -> memref<1x128xi32, #tpu.memory_space<vmem>>
      %dma_wait3A_108 = tpu.memref_squeeze %dma_wait3A_107 : memref<1x128xi32, #tpu.memory_space<vmem>> -> memref<128xi32, #tpu.memory_space<vmem>>
      %dma_wait3A_109 = arith.constant 0 : i32
      %dma_wait3A_110 = tpu.memref_slice %arg2[%dma_wait3A_109] : memref<10000xf32, #tpu.memory_space<hbm>> -> memref<10000xf32, #tpu.memory_space<hbm>>
      tpu.wait_indirect_dma semaphore(%arg13 : memref<!tpu.dma_semaphore, #tpu.memory_space<semaphore_mem>>) src(%dma_wait3A_110 : memref<10000xf32, #tpu.memory_space<hbm>>) dst(%arg8 : memref<128xf32, #tpu.memory_space<vmem>>)
      %add3A_111 = arith.constant 4 : i32
      %add3A_112 = arith.addi %mul3A_29, %add3A_111 : i32
      "tpu.region"() ({
        %run_scoped3A = tpu.sem_alloc : memref<!tpu.dma_semaphore, #tpu.memory_space<semaphore_mem>>
        %dma_start3A_153 = arith.constant 0 : i32
        %dma_start3A_154 = tpu.memref_slice %arg7[%add3A_112, %dma_start3A_153] : memref<80x128xi32, #tpu.memory_space<vmem>> -> memref<1x128xi32, #tpu.memory_space<vmem>>
        %dma_start3A_155 = tpu.memref_squeeze %dma_start3A_154 : memref<1x128xi32, #tpu.memory_space<vmem>> -> memref<128xi32, #tpu.memory_space<vmem>>
        %dma_start3A_156 = arith.constant 0 : i32
        %dma_start3A_157 = tpu.memref_slice %arg11[%dma_start3A_156] : memref<10240xf32, #tpu.memory_space<vmem_shared>> -> memref<10240xf32, #tpu.memory_space<vmem_shared>>
        tpu.enqueue_indirect_dma source(%arg8 : memref<128xf32, #tpu.memory_space<vmem>>) target(%dma_start3A_157 : memref<10240xf32, #tpu.memory_space<vmem_shared>>) offsets(%dma_start3A_155 : memref<128xi32, #tpu.memory_space<vmem>>) semaphore(%run_scoped3A : memref<!tpu.dma_semaphore, #tpu.memory_space<semaphore_mem>>) {add = true}
        %dma_wait3A_158 = arith.constant 0 : i32
        %dma_wait3A_159 = tpu.memref_slice %arg7[%add3A_112, %dma_wait3A_158] : memref<80x128xi32, #tpu.memory_space<vmem>> -> memref<1x128xi32, #tpu.memory_space<vmem>>
        %dma_wait3A_160 = tpu.memref_squeeze %dma_wait3A_159 : memref<1x128xi32, #tpu.memory_space<vmem>> -> memref<128xi32, #tpu.memory_space<vmem>>
        %dma_wait3A_161 = arith.constant 0 : i32
        %dma_wait3A_162 = tpu.memref_slice %arg11[%dma_wait3A_161] : memref<10240xf32, #tpu.memory_space<vmem_shared>> -> memref<10240xf32, #tpu.memory_space<vmem_shared>>
        tpu.wait_indirect_dma semaphore(%run_scoped3A : memref<!tpu.dma_semaphore, #tpu.memory_space<semaphore_mem>>) src(%arg8 : memref<128xf32, #tpu.memory_space<vmem>>) dst(%dma_wait3A_162 : memref<10240xf32, #tpu.memory_space<vmem_shared>>)
        tpu.yield
      }) : () -> ()
      %add3A_113 = arith.constant 5 : i32
      %add3A_114 = arith.addi %mul3A_29, %add3A_113 : i32
      %add3A_115 = arith.constant 1 : i32
      %add3A_116 = arith.addi %add3A_114, %add3A_115 : i32
      %dma_start3A_117 = arith.constant 0 : i32
      %dma_start3A_118 = tpu.memref_slice %arg6[%add3A_116, %dma_start3A_117] : memref<80x128xi32, #tpu.memory_space<vmem>> -> memref<1x128xi32, #tpu.memory_space<vmem>>
      %dma_start3A_119 = tpu.memref_squeeze %dma_start3A_118 : memref<1x128xi32, #tpu.memory_space<vmem>> -> memref<128xi32, #tpu.memory_space<vmem>>
      %dma_start3A_120 = arith.constant 0 : i32
      %dma_start3A_121 = tpu.memref_slice %arg2[%dma_start3A_120] : memref<10000xf32, #tpu.memory_space<hbm>> -> memref<10000xf32, #tpu.memory_space<hbm>>
      tpu.enqueue_indirect_dma source(%dma_start3A_121 : memref<10000xf32, #tpu.memory_space<hbm>>) target(%arg8 : memref<128xf32, #tpu.memory_space<vmem>>) offsets(%dma_start3A_119 : memref<128xi32, #tpu.memory_space<vmem>>) semaphore(%arg13 : memref<!tpu.dma_semaphore, #tpu.memory_space<semaphore_mem>>)
      %dma_wait3A_122 = arith.constant 0 : i32
      %dma_wait3A_123 = tpu.memref_slice %arg6[%add3A_100, %dma_wait3A_122] : memref<80x128xi32, #tpu.memory_space<vmem>> -> memref<1x128xi32, #tpu.memory_space<vmem>>
      %dma_wait3A_124 = tpu.memref_squeeze %dma_wait3A_123 : memref<1x128xi32, #tpu.memory_space<vmem>> -> memref<128xi32, #tpu.memory_space<vmem>>
      %dma_wait3A_125 = arith.constant 0 : i32
      %dma_wait3A_126 = tpu.memref_slice %arg2[%dma_wait3A_125] : memref<10000xf32, #tpu.memory_space<hbm>> -> memref<10000xf32, #tpu.memory_space<hbm>>
      tpu.wait_indirect_dma semaphore(%arg13 : memref<!tpu.dma_semaphore, #tpu.memory_space<semaphore_mem>>) src(%dma_wait3A_126 : memref<10000xf32, #tpu.memory_space<hbm>>) dst(%arg9 : memref<128xf32, #tpu.memory_space<vmem>>)
      %add3A_127 = arith.constant 5 : i32
      %add3A_128 = arith.addi %mul3A_29, %add3A_127 : i32
      "tpu.region"() ({
        %run_scoped3A = tpu.sem_alloc : memref<!tpu.dma_semaphore, #tpu.memory_space<semaphore_mem>>
        %dma_start3A_153 = arith.constant 0 : i32
        %dma_start3A_154 = tpu.memref_slice %arg7[%add3A_128, %dma_start3A_153] : memref<80x128xi32, #tpu.memory_space<vmem>> -> memref<1x128xi32, #tpu.memory_space<vmem>>
        %dma_start3A_155 = tpu.memref_squeeze %dma_start3A_154 : memref<1x128xi32, #tpu.memory_space<vmem>> -> memref<128xi32, #tpu.memory_space<vmem>>
        %dma_start3A_156 = arith.constant 0 : i32
        %dma_start3A_157 = tpu.memref_slice %arg11[%dma_start3A_156] : memref<10240xf32, #tpu.memory_space<vmem_shared>> -> memref<10240xf32, #tpu.memory_space<vmem_shared>>
        tpu.enqueue_indirect_dma source(%arg9 : memref<128xf32, #tpu.memory_space<vmem>>) target(%dma_start3A_157 : memref<10240xf32, #tpu.memory_space<vmem_shared>>) offsets(%dma_start3A_155 : memref<128xi32, #tpu.memory_space<vmem>>) semaphore(%run_scoped3A : memref<!tpu.dma_semaphore, #tpu.memory_space<semaphore_mem>>) {add = true}
        %dma_wait3A_158 = arith.constant 0 : i32
        %dma_wait3A_159 = tpu.memref_slice %arg7[%add3A_128, %dma_wait3A_158] : memref<80x128xi32, #tpu.memory_space<vmem>> -> memref<1x128xi32, #tpu.memory_space<vmem>>
        %dma_wait3A_160 = tpu.memref_squeeze %dma_wait3A_159 : memref<1x128xi32, #tpu.memory_space<vmem>> -> memref<128xi32, #tpu.memory_space<vmem>>
        %dma_wait3A_161 = arith.constant 0 : i32
        %dma_wait3A_162 = tpu.memref_slice %arg11[%dma_wait3A_161] : memref<10240xf32, #tpu.memory_space<vmem_shared>> -> memref<10240xf32, #tpu.memory_space<vmem_shared>>
        tpu.wait_indirect_dma semaphore(%run_scoped3A : memref<!tpu.dma_semaphore, #tpu.memory_space<semaphore_mem>>) src(%arg9 : memref<128xf32, #tpu.memory_space<vmem>>) dst(%dma_wait3A_162 : memref<10240xf32, #tpu.memory_space<vmem_shared>>)
        tpu.yield
      }) : () -> ()
      %add3A_129 = arith.constant 6 : i32
      %add3A_130 = arith.addi %mul3A_29, %add3A_129 : i32
      %add3A_131 = arith.constant 1 : i32
      %add3A_132 = arith.addi %add3A_130, %add3A_131 : i32
      %dma_start3A_133 = arith.constant 0 : i32
      %dma_start3A_134 = tpu.memref_slice %arg6[%add3A_132, %dma_start3A_133] : memref<80x128xi32, #tpu.memory_space<vmem>> -> memref<1x128xi32, #tpu.memory_space<vmem>>
      %dma_start3A_135 = tpu.memref_squeeze %dma_start3A_134 : memref<1x128xi32, #tpu.memory_space<vmem>> -> memref<128xi32, #tpu.memory_space<vmem>>
      %dma_start3A_136 = arith.constant 0 : i32
      %dma_start3A_137 = tpu.memref_slice %arg2[%dma_start3A_136] : memref<10000xf32, #tpu.memory_space<hbm>> -> memref<10000xf32, #tpu.memory_space<hbm>>
      tpu.enqueue_indirect_dma source(%dma_start3A_137 : memref<10000xf32, #tpu.memory_space<hbm>>) target(%arg9 : memref<128xf32, #tpu.memory_space<vmem>>) offsets(%dma_start3A_135 : memref<128xi32, #tpu.memory_space<vmem>>) semaphore(%arg13 : memref<!tpu.dma_semaphore, #tpu.memory_space<semaphore_mem>>)
      %dma_wait3A_138 = arith.constant 0 : i32
      %dma_wait3A_139 = tpu.memref_slice %arg6[%add3A_116, %dma_wait3A_138] : memref<80x128xi32, #tpu.memory_space<vmem>> -> memref<1x128xi32, #tpu.memory_space<vmem>>
      %dma_wait3A_140 = tpu.memref_squeeze %dma_wait3A_139 : memref<1x128xi32, #tpu.memory_space<vmem>> -> memref<128xi32, #tpu.memory_space<vmem>>
      %dma_wait3A_141 = arith.constant 0 : i32
      %dma_wait3A_142 = tpu.memref_slice %arg2[%dma_wait3A_141] : memref<10000xf32, #tpu.memory_space<hbm>> -> memref<10000xf32, #tpu.memory_space<hbm>>
      tpu.wait_indirect_dma semaphore(%arg13 : memref<!tpu.dma_semaphore, #tpu.memory_space<semaphore_mem>>) src(%dma_wait3A_142 : memref<10000xf32, #tpu.memory_space<hbm>>) dst(%arg8 : memref<128xf32, #tpu.memory_space<vmem>>)
      %add3A_143 = arith.constant 6 : i32
      %add3A_144 = arith.addi %mul3A_29, %add3A_143 : i32
      "tpu.region"() ({
        %run_scoped3A = tpu.sem_alloc : memref<!tpu.dma_semaphore, #tpu.memory_space<semaphore_mem>>
        %dma_start3A_153 = arith.constant 0 : i32
        %dma_start3A_154 = tpu.memref_slice %arg7[%add3A_144, %dma_start3A_153] : memref<80x128xi32, #tpu.memory_space<vmem>> -> memref<1x128xi32, #tpu.memory_space<vmem>>
        %dma_start3A_155 = tpu.memref_squeeze %dma_start3A_154 : memref<1x128xi32, #tpu.memory_space<vmem>> -> memref<128xi32, #tpu.memory_space<vmem>>
        %dma_start3A_156 = arith.constant 0 : i32
        %dma_start3A_157 = tpu.memref_slice %arg11[%dma_start3A_156] : memref<10240xf32, #tpu.memory_space<vmem_shared>> -> memref<10240xf32, #tpu.memory_space<vmem_shared>>
        tpu.enqueue_indirect_dma source(%arg8 : memref<128xf32, #tpu.memory_space<vmem>>) target(%dma_start3A_157 : memref<10240xf32, #tpu.memory_space<vmem_shared>>) offsets(%dma_start3A_155 : memref<128xi32, #tpu.memory_space<vmem>>) semaphore(%run_scoped3A : memref<!tpu.dma_semaphore, #tpu.memory_space<semaphore_mem>>) {add = true}
        %dma_wait3A_158 = arith.constant 0 : i32
        %dma_wait3A_159 = tpu.memref_slice %arg7[%add3A_144, %dma_wait3A_158] : memref<80x128xi32, #tpu.memory_space<vmem>> -> memref<1x128xi32, #tpu.memory_space<vmem>>
        %dma_wait3A_160 = tpu.memref_squeeze %dma_wait3A_159 : memref<1x128xi32, #tpu.memory_space<vmem>> -> memref<128xi32, #tpu.memory_space<vmem>>
        %dma_wait3A_161 = arith.constant 0 : i32
        %dma_wait3A_162 = tpu.memref_slice %arg11[%dma_wait3A_161] : memref<10240xf32, #tpu.memory_space<vmem_shared>> -> memref<10240xf32, #tpu.memory_space<vmem_shared>>
        tpu.wait_indirect_dma semaphore(%run_scoped3A : memref<!tpu.dma_semaphore, #tpu.memory_space<semaphore_mem>>) src(%arg8 : memref<128xf32, #tpu.memory_space<vmem>>) dst(%dma_wait3A_162 : memref<10240xf32, #tpu.memory_space<vmem_shared>>)
        tpu.yield
      }) : () -> ()
      %dma_wait3A_145 = arith.constant 0 : i32
      %dma_wait3A_146 = tpu.memref_slice %arg6[%add3A_132, %dma_wait3A_145] : memref<80x128xi32, #tpu.memory_space<vmem>> -> memref<1x128xi32, #tpu.memory_space<vmem>>
      %dma_wait3A_147 = tpu.memref_squeeze %dma_wait3A_146 : memref<1x128xi32, #tpu.memory_space<vmem>> -> memref<128xi32, #tpu.memory_space<vmem>>
      %dma_wait3A_148 = arith.constant 0 : i32
      %dma_wait3A_149 = tpu.memref_slice %arg2[%dma_wait3A_148] : memref<10000xf32, #tpu.memory_space<hbm>> -> memref<10000xf32, #tpu.memory_space<hbm>>
      tpu.wait_indirect_dma semaphore(%arg13 : memref<!tpu.dma_semaphore, #tpu.memory_space<semaphore_mem>>) src(%dma_wait3A_149 : memref<10000xf32, #tpu.memory_space<hbm>>) dst(%arg9 : memref<128xf32, #tpu.memory_space<vmem>>)
      %add3A_150 = arith.constant 7 : i32
      %add3A_151 = arith.addi %mul3A_29, %add3A_150 : i32
      "tpu.region"() ({
        %run_scoped3A = tpu.sem_alloc : memref<!tpu.dma_semaphore, #tpu.memory_space<semaphore_mem>>
        %dma_start3A_153 = arith.constant 0 : i32
        %dma_start3A_154 = tpu.memref_slice %arg7[%add3A_151, %dma_start3A_153] : memref<80x128xi32, #tpu.memory_space<vmem>> -> memref<1x128xi32, #tpu.memory_space<vmem>>
        %dma_start3A_155 = tpu.memref_squeeze %dma_start3A_154 : memref<1x128xi32, #tpu.memory_space<vmem>> -> memref<128xi32, #tpu.memory_space<vmem>>
        %dma_start3A_156 = arith.constant 0 : i32
        %dma_start3A_157 = tpu.memref_slice %arg11[%dma_start3A_156] : memref<10240xf32, #tpu.memory_space<vmem_shared>> -> memref<10240xf32, #tpu.memory_space<vmem_shared>>
        tpu.enqueue_indirect_dma source(%arg9 : memref<128xf32, #tpu.memory_space<vmem>>) target(%dma_start3A_157 : memref<10240xf32, #tpu.memory_space<vmem_shared>>) offsets(%dma_start3A_155 : memref<128xi32, #tpu.memory_space<vmem>>) semaphore(%run_scoped3A : memref<!tpu.dma_semaphore, #tpu.memory_space<semaphore_mem>>) {add = true}
        %dma_wait3A_158 = arith.constant 0 : i32
        %dma_wait3A_159 = tpu.memref_slice %arg7[%add3A_151, %dma_wait3A_158] : memref<80x128xi32, #tpu.memory_space<vmem>> -> memref<1x128xi32, #tpu.memory_space<vmem>>
        %dma_wait3A_160 = tpu.memref_squeeze %dma_wait3A_159 : memref<1x128xi32, #tpu.memory_space<vmem>> -> memref<128xi32, #tpu.memory_space<vmem>>
        %dma_wait3A_161 = arith.constant 0 : i32
        %dma_wait3A_162 = tpu.memref_slice %arg11[%dma_wait3A_161] : memref<10240xf32, #tpu.memory_space<vmem_shared>> -> memref<10240xf32, #tpu.memory_space<vmem_shared>>
        tpu.wait_indirect_dma semaphore(%run_scoped3A : memref<!tpu.dma_semaphore, #tpu.memory_space<semaphore_mem>>) src(%arg9 : memref<128xf32, #tpu.memory_space<vmem>>) dst(%dma_wait3A_162 : memref<10240xf32, #tpu.memory_space<vmem_shared>>)
        tpu.yield
      }) : () -> ()
      %scan3A_152 = arith.constant 0 : i32
      scf.yield %scan3A_152 : i32
    }
    %scan3A_20 = arith.constant 10 : i32
    %barrier3A_21 = arith.constant 0 : index
    tpu.barrier barrier_id(%barrier3A_21)
    %mul3A_22 = arith.constant 640 : i32
    %mul3A_23 = arith.muli %arg1, %mul3A_22 : i32
    %mul3A_24 = arith.constant 640 : i32
    %mul3A_25 = arith.muli %arg1, %mul3A_24 : i32
    "tpu.region"() ({
      %run_scoped3A = tpu.sem_alloc : memref<!tpu.dma_semaphore, #tpu.memory_space<semaphore_mem>>
      %dma_start3A = tpu.memref_slice %arg5[%arg0, %mul3A_25] : memref<2x10240xf32, #tpu.memory_space<hbm>> -> memref<1x640xf32, #tpu.memory_space<hbm>>
      %dma_start3A_26 = tpu.memref_squeeze %dma_start3A : memref<1x640xf32, #tpu.memory_space<hbm>> -> memref<640xf32, #tpu.memory_space<hbm>>
      %dma_start3A_27 = tpu.memref_slice %arg11[%mul3A_23] : memref<10240xf32, #tpu.memory_space<vmem_shared>> -> memref<640xf32, #tpu.memory_space<vmem_shared>>
      tpu.enqueue_dma source(%dma_start3A_27 : memref<640xf32, #tpu.memory_space<vmem_shared>>) target(%dma_start3A_26 : memref<640xf32, #tpu.memory_space<hbm>>) target_semaphore(%run_scoped3A : memref<!tpu.dma_semaphore, #tpu.memory_space<semaphore_mem>>)
      %dma_wait3A = tpu.memref_slice %arg5[%arg0, %mul3A_25] : memref<2x10240xf32, #tpu.memory_space<hbm>> -> memref<1x640xf32, #tpu.memory_space<hbm>>
      %dma_wait3A_28 = tpu.memref_squeeze %dma_wait3A : memref<1x640xf32, #tpu.memory_space<hbm>> -> memref<640xf32, #tpu.memory_space<hbm>>
      %dma_wait3A_29 = tpu.memref_slice %arg11[%mul3A_23] : memref<10240xf32, #tpu.memory_space<vmem_shared>> -> memref<640xf32, #tpu.memory_space<vmem_shared>>
      tpu.wait_dma2 semaphore(%run_scoped3A : memref<!tpu.dma_semaphore, #tpu.memory_space<semaphore_mem>>) src(%dma_wait3A_29 : memref<640xf32, #tpu.memory_space<vmem_shared>>) dst(%dma_wait3A_28 : memref<640xf32, #tpu.memory_space<hbm>>)
      tpu.yield
    }) : () -> ()
    return
  }
}

#map = affine_map<(d0, d1) -> (0, 0)>
#map1 = affine_map<(d0, d1) -> (0, 0, 0)>
module attributes {stable_mosaic.version = 14 : i64} {
  func.func @_seg_rows_body(%arg0: i32, %arg1: i32, %arg2: memref<10000x128xf32, #tpu.memory_space<hbm>>, %arg3: memref<2560x128xi32, #tpu.memory_space<hbm>>, %arg4: memref<2560x128xi32, #tpu.memory_space<hbm>>, %arg5: memref<2x10240x128xf32, #tpu.memory_space<hbm>>, %arg6: memref<8x128xi32, #tpu.memory_space<vmem>>, %arg7: memref<8x128xi32, #tpu.memory_space<vmem>>, %arg8: memref<128x128xf32, #tpu.memory_space<vmem>>, %arg9: memref<128x128xf32, #tpu.memory_space<vmem>>, %arg10: memref<16x128xf32, #tpu.memory_space<vmem>>, %arg11: memref<10240x128xf32, #tpu.memory_space<vmem_shared>>, %arg12: memref<!tpu.dma_semaphore, #tpu.memory_space<semaphore_mem>>, %arg13: memref<!tpu.dma_semaphore, #tpu.memory_space<semaphore_mem>>) attributes {dimension_semantics = [#tpu.dimension_semantics<core_parallel>, #tpu.dimension_semantics<subcore_parallel>], iteration_bounds = array<i64: 2, 16>, scalar_prefetch = 0 : i64, scratch_operands = 8 : i64, tpu.core_type = #tpu.core_type<sc_vector_subcore>, window_params = [{transform_indices = #map}, {transform_indices = #map}, {transform_indices = #map}, {transform_indices = #map1}]} {
    %mul3A = arith.constant -144 : i32
    %mul3A_0 = arith.muli %arg0, %mul3A : i32
    %add3A = arith.constant 152 : i32
    %add3A_1 = arith.addi %add3A, %mul3A_0 : i32
    %mul3A_2 = arith.constant 2432 : i32
    %mul3A_3 = arith.muli %arg0, %mul3A_2 : i32
    %mul3A_4 = arith.muli %arg1, %add3A_1 : i32
    %add3A_5 = arith.addi %mul3A_3, %mul3A_4 : i32
    %mul3A_6 = arith.constant -18 : i32
    %mul3A_7 = arith.muli %arg0, %mul3A_6 : i32
    %add3A_8 = arith.constant 19 : i32
    %add3A_9 = arith.addi %add3A_8, %mul3A_7 : i32
    %broadcast_in_dim3A = arith.constant 0.000000e+00 : f32
    %broadcast_in_dim3A_10 = vector.broadcast %broadcast_in_dim3A : f32 to vector<16xf32>
    %scan3A = arith.constant 0 : i32
    %scan3A_11 = arith.constant 0 : i32
    %scan3A_12 = arith.constant 16 : i32
    %scan3A_13 = arith.addi %scan3A_11, %scan3A_12 : i32
    %scan3A_14 = arith.constant 1 : i32
    %scan3A_15 = scf.for %scan3A_40 = %scan3A_11 to %scan3A_13 step %scan3A_14 iter_args(%scan3A_41 = %scan3A) -> (i32)  : i32 {
      %swap3A = arith.index_cast %scan3A_40 : i32 to index
      %swap3A_42 = arith.constant 0 : index
      %swap3A_43 = tpu.vector_load %arg10[%swap3A, %swap3A_42] {strides = array<i32>} : memref<16x128xf32, #tpu.memory_space<vmem>>, vector<1x16xf32>,
      %swap3A_44 = vector.shape_cast %swap3A_43 : vector<1x16xf32> to vector<16xf32>
      %swap3A_45 = vector.shape_cast %broadcast_in_dim3A_10 : vector<16xf32> to vector<1x16xf32>
      tpu.vector_store %arg10[%swap3A, %swap3A_42], %swap3A_45 {strides = array<i32>} : memref<16x128xf32, #tpu.memory_space<vmem>>, vector<1x16xf32>,
      %swap3A_46 = arith.index_cast %scan3A_40 : i32 to index
      %swap3A_47 = arith.constant 16 : index
      %swap3A_48 = tpu.vector_load %arg10[%swap3A_46, %swap3A_47] {strides = array<i32>} : memref<16x128xf32, #tpu.memory_space<vmem>>, vector<1x16xf32>,
      %swap3A_49 = vector.shape_cast %swap3A_48 : vector<1x16xf32> to vector<16xf32>
      %swap3A_50 = vector.shape_cast %broadcast_in_dim3A_10 : vector<16xf32> to vector<1x16xf32>
      tpu.vector_store %arg10[%swap3A_46, %swap3A_47], %swap3A_50 {strides = array<i32>} : memref<16x128xf32, #tpu.memory_space<vmem>>, vector<1x16xf32>,
      %swap3A_51 = arith.index_cast %scan3A_40 : i32 to index
      %swap3A_52 = arith.constant 32 : index
      %swap3A_53 = tpu.vector_load %arg10[%swap3A_51, %swap3A_52] {strides = array<i32>} : memref<16x128xf32, #tpu.memory_space<vmem>>, vector<1x16xf32>,
      %swap3A_54 = vector.shape_cast %swap3A_53 : vector<1x16xf32> to vector<16xf32>
      %swap3A_55 = vector.shape_cast %broadcast_in_dim3A_10 : vector<16xf32> to vector<1x16xf32>
      tpu.vector_store %arg10[%swap3A_51, %swap3A_52], %swap3A_55 {strides = array<i32>} : memref<16x128xf32, #tpu.memory_space<vmem>>, vector<1x16xf32>,
      %swap3A_56 = arith.index_cast %scan3A_40 : i32 to index
      %swap3A_57 = arith.constant 48 : index
      %swap3A_58 = tpu.vector_load %arg10[%swap3A_56, %swap3A_57] {strides = array<i32>} : memref<16x128xf32, #tpu.memory_space<vmem>>, vector<1x16xf32>,
      %swap3A_59 = vector.shape_cast %swap3A_58 : vector<1x16xf32> to vector<16xf32>
      %swap3A_60 = vector.shape_cast %broadcast_in_dim3A_10 : vector<16xf32> to vector<1x16xf32>
      tpu.vector_store %arg10[%swap3A_56, %swap3A_57], %swap3A_60 {strides = array<i32>} : memref<16x128xf32, #tpu.memory_space<vmem>>, vector<1x16xf32>,
      %swap3A_61 = arith.index_cast %scan3A_40 : i32 to index
      %swap3A_62 = arith.constant 64 : index
      %swap3A_63 = tpu.vector_load %arg10[%swap3A_61, %swap3A_62] {strides = array<i32>} : memref<16x128xf32, #tpu.memory_space<vmem>>, vector<1x16xf32>,
      %swap3A_64 = vector.shape_cast %swap3A_63 : vector<1x16xf32> to vector<16xf32>
      %swap3A_65 = vector.shape_cast %broadcast_in_dim3A_10 : vector<16xf32> to vector<1x16xf32>
      tpu.vector_store %arg10[%swap3A_61, %swap3A_62], %swap3A_65 {strides = array<i32>} : memref<16x128xf32, #tpu.memory_space<vmem>>, vector<1x16xf32>,
      %swap3A_66 = arith.index_cast %scan3A_40 : i32 to index
      %swap3A_67 = arith.constant 80 : index
      %swap3A_68 = tpu.vector_load %arg10[%swap3A_66, %swap3A_67] {strides = array<i32>} : memref<16x128xf32, #tpu.memory_space<vmem>>, vector<1x16xf32>,
      %swap3A_69 = vector.shape_cast %swap3A_68 : vector<1x16xf32> to vector<16xf32>
      %swap3A_70 = vector.shape_cast %broadcast_in_dim3A_10 : vector<16xf32> to vector<1x16xf32>
      tpu.vector_store %arg10[%swap3A_66, %swap3A_67], %swap3A_70 {strides = array<i32>} : memref<16x128xf32, #tpu.memory_space<vmem>>, vector<1x16xf32>,
      %swap3A_71 = arith.index_cast %scan3A_40 : i32 to index
      %swap3A_72 = arith.constant 96 : index
      %swap3A_73 = tpu.vector_load %arg10[%swap3A_71, %swap3A_72] {strides = array<i32>} : memref<16x128xf32, #tpu.memory_space<vmem>>, vector<1x16xf32>,
      %swap3A_74 = vector.shape_cast %swap3A_73 : vector<1x16xf32> to vector<16xf32>
      %swap3A_75 = vector.shape_cast %broadcast_in_dim3A_10 : vector<16xf32> to vector<1x16xf32>
      tpu.vector_store %arg10[%swap3A_71, %swap3A_72], %swap3A_75 {strides = array<i32>} : memref<16x128xf32, #tpu.memory_space<vmem>>, vector<1x16xf32>,
      %swap3A_76 = arith.index_cast %scan3A_40 : i32 to index
      %swap3A_77 = arith.constant 112 : index
      %swap3A_78 = tpu.vector_load %arg10[%swap3A_76, %swap3A_77] {strides = array<i32>} : memref<16x128xf32, #tpu.memory_space<vmem>>, vector<1x16xf32>,
      %swap3A_79 = vector.shape_cast %swap3A_78 : vector<1x16xf32> to vector<16xf32>
      %swap3A_80 = vector.shape_cast %broadcast_in_dim3A_10 : vector<16xf32> to vector<1x16xf32>
      tpu.vector_store %arg10[%swap3A_76, %swap3A_77], %swap3A_80 {strides = array<i32>} : memref<16x128xf32, #tpu.memory_space<vmem>>, vector<1x16xf32>,
      %scan3A_81 = arith.constant 0 : i32
      scf.yield %scan3A_81 : i32
    }
    %scan3A_16 = arith.constant 16 : i32
    %scan3A_17 = arith.constant 0 : i32
    %scan3A_18 = arith.constant 0 : i32
    %scan3A_19 = arith.constant 40 : i32
    %scan3A_20 = arith.addi %scan3A_18, %scan3A_19 : i32
    %scan3A_21 = arith.constant 1 : i32
    %scan3A_22 = scf.for %scan3A_40 = %scan3A_18 to %scan3A_20 step %scan3A_21 iter_args(%scan3A_41 = %scan3A_17) -> (i32)  : i32 {
      %mul3A_42 = arith.constant 640 : i32
      %mul3A_43 = arith.muli %arg1, %mul3A_42 : i32
      %mul3A_44 = arith.constant 16 : i32
      %mul3A_45 = arith.muli %scan3A_40, %mul3A_44 : i32
      %add3A_46 = arith.addi %mul3A_43, %mul3A_45 : i32
      "tpu.region"() ({
        %run_scoped3A = tpu.sem_alloc : memref<!tpu.dma_semaphore, #tpu.memory_space<semaphore_mem>>
        %dma_start3A = arith.constant 0 : i32
        %dma_start3A_48 = tpu.memref_slice %arg11[%add3A_46, %dma_start3A] : memref<10240x128xf32, #tpu.memory_space<vmem_shared>> -> memref<16x128xf32, #tpu.memory_space<vmem_shared>>
        %dma_start3A_49 = arith.constant 0 : i32
        %dma_start3A_50 = tpu.memref_slice %arg11[%add3A_46, %dma_start3A_49] : memref<10240x128xf32, #tpu.memory_space<vmem_shared>> -> memref<16x128xf32, #tpu.memory_space<vmem_shared>>
        tpu.enqueue_dma source(%arg10 : memref<16x128xf32, #tpu.memory_space<vmem>>) target(%dma_start3A_50 : memref<16x128xf32, #tpu.memory_space<vmem_shared>>) target_semaphore(%run_scoped3A : memref<!tpu.dma_semaphore, #tpu.memory_space<semaphore_mem>>)
        %dma_wait3A = arith.constant 0 : i32
        %dma_wait3A_51 = tpu.memref_slice %arg11[%add3A_46, %dma_wait3A] : memref<10240x128xf32, #tpu.memory_space<vmem_shared>> -> memref<16x128xf32, #tpu.memory_space<vmem_shared>>
        %dma_wait3A_52 = arith.constant 0 : i32
        %dma_wait3A_53 = tpu.memref_slice %arg11[%add3A_46, %dma_wait3A_52] : memref<10240x128xf32, #tpu.memory_space<vmem_shared>> -> memref<16x128xf32, #tpu.memory_space<vmem_shared>>
        tpu.wait_dma2 semaphore(%run_scoped3A : memref<!tpu.dma_semaphore, #tpu.memory_space<semaphore_mem>>) src(%arg10 : memref<16x128xf32, #tpu.memory_space<vmem>>) dst(%dma_wait3A_53 : memref<16x128xf32, #tpu.memory_space<vmem_shared>>)
        tpu.yield
      }) : () -> ()
      %scan3A_47 = arith.constant 0 : i32
      scf.yield %scan3A_47 : i32
    }
    %scan3A_23 = arith.constant 40 : i32
    %barrier3A = arith.constant 0 : index
    tpu.barrier barrier_id(%barrier3A)
    %while3A = arith.constant 0 : i32
    %while3A_24 = arith.constant 0 : i32
    %while3A_25 = arith.subi %add3A_9, %while3A : i32
    %while3A_26 = arith.addi %while3A, %while3A_25 : i32
    %while3A_27 = arith.constant 1 : i32
    %while3A_28 = arith.divsi %while3A_25, %while3A_27 : i32
    %while3A_29 = arith.muli %while3A_28, %while3A_27 : i32
    %while3A_30 = arith.addi %while3A, %while3A_29 : i32
    %while3A_31 = arith.constant 1 : i32
    %while3A_32 = scf.for %while3A_40 = %while3A to %while3A_30 step %while3A_31 iter_args(%while3A_41 = %while3A_24) -> (i32)  : i32 {
      %mul3A_42 = arith.constant 8 : i32
      %mul3A_43 = arith.muli %while3A_40, %mul3A_42 : i32
      %add3A_44 = arith.addi %add3A_5, %mul3A_43 : i32
      "tpu.region"() ({
        %run_scoped3A_166 = tpu.sem_alloc : memref<!tpu.dma_semaphore, #tpu.memory_space<semaphore_mem>>
        %dma_start3A_167 = arith.constant 0 : i32
        %dma_start3A_168 = tpu.memref_slice %arg3[%add3A_44, %dma_start3A_167] : memref<2560x128xi32, #tpu.memory_space<hbm>> -> memref<8x128xi32, #tpu.memory_space<hbm>>
        %dma_start3A_169 = arith.constant 0 : i32
        %dma_start3A_170 = tpu.memref_slice %arg3[%add3A_44, %dma_start3A_169] : memref<2560x128xi32, #tpu.memory_space<hbm>> -> memref<8x128xi32, #tpu.memory_space<hbm>>
        tpu.enqueue_dma source(%dma_start3A_170 : memref<8x128xi32, #tpu.memory_space<hbm>>) target(%arg6 : memref<8x128xi32, #tpu.memory_space<vmem>>) target_semaphore(%run_scoped3A_166 : memref<!tpu.dma_semaphore, #tpu.memory_space<semaphore_mem>>)
        %dma_wait3A_171 = arith.constant 0 : i32
        %dma_wait3A_172 = tpu.memref_slice %arg3[%add3A_44, %dma_wait3A_171] : memref<2560x128xi32, #tpu.memory_space<hbm>> -> memref<8x128xi32, #tpu.memory_space<hbm>>
        %dma_wait3A_173 = arith.constant 0 : i32
        %dma_wait3A_174 = tpu.memref_slice %arg3[%add3A_44, %dma_wait3A_173] : memref<2560x128xi32, #tpu.memory_space<hbm>> -> memref<8x128xi32, #tpu.memory_space<hbm>>
        tpu.wait_dma2 semaphore(%run_scoped3A_166 : memref<!tpu.dma_semaphore, #tpu.memory_space<semaphore_mem>>) src(%dma_wait3A_174 : memref<8x128xi32, #tpu.memory_space<hbm>>) dst(%arg6 : memref<8x128xi32, #tpu.memory_space<vmem>>)
        tpu.yield
      }) : () -> ()
      %mul3A_45 = arith.constant 8 : i32
      %mul3A_46 = arith.muli %while3A_40, %mul3A_45 : i32
      %add3A_47 = arith.addi %add3A_5, %mul3A_46 : i32
      "tpu.region"() ({
        %run_scoped3A_166 = tpu.sem_alloc : memref<!tpu.dma_semaphore, #tpu.memory_space<semaphore_mem>>
        %dma_start3A_167 = arith.constant 0 : i32
        %dma_start3A_168 = tpu.memref_slice %arg4[%add3A_47, %dma_start3A_167] : memref<2560x128xi32, #tpu.memory_space<hbm>> -> memref<8x128xi32, #tpu.memory_space<hbm>>
        %dma_start3A_169 = arith.constant 0 : i32
        %dma_start3A_170 = tpu.memref_slice %arg4[%add3A_47, %dma_start3A_169] : memref<2560x128xi32, #tpu.memory_space<hbm>> -> memref<8x128xi32, #tpu.memory_space<hbm>>
        tpu.enqueue_dma source(%dma_start3A_170 : memref<8x128xi32, #tpu.memory_space<hbm>>) target(%arg7 : memref<8x128xi32, #tpu.memory_space<vmem>>) target_semaphore(%run_scoped3A_166 : memref<!tpu.dma_semaphore, #tpu.memory_space<semaphore_mem>>)
        %dma_wait3A_171 = arith.constant 0 : i32
        %dma_wait3A_172 = tpu.memref_slice %arg4[%add3A_47, %dma_wait3A_171] : memref<2560x128xi32, #tpu.memory_space<hbm>> -> memref<8x128xi32, #tpu.memory_space<hbm>>
        %dma_wait3A_173 = arith.constant 0 : i32
        %dma_wait3A_174 = tpu.memref_slice %arg4[%add3A_47, %dma_wait3A_173] : memref<2560x128xi32, #tpu.memory_space<hbm>> -> memref<8x128xi32, #tpu.memory_space<hbm>>
        tpu.wait_dma2 semaphore(%run_scoped3A_166 : memref<!tpu.dma_semaphore, #tpu.memory_space<semaphore_mem>>) src(%dma_wait3A_174 : memref<8x128xi32, #tpu.memory_space<hbm>>) dst(%arg7 : memref<8x128xi32, #tpu.memory_space<vmem>>)
        tpu.yield
      }) : () -> ()
      %dma_start3A = arith.constant 0 : i32
      %dma_start3A_48 = arith.constant 0 : i32
      %dma_start3A_49 = tpu.memref_slice %arg6[%dma_start3A, %dma_start3A_48] : memref<8x128xi32, #tpu.memory_space<vmem>> -> memref<1x128xi32, #tpu.memory_space<vmem>>
      %dma_start3A_50 = tpu.memref_squeeze %dma_start3A_49 : memref<1x128xi32, #tpu.memory_space<vmem>> -> memref<128xi32, #tpu.memory_space<vmem>>
      %dma_start3A_51 = arith.constant 0 : i32
      %dma_start3A_52 = arith.constant 0 : i32
      %dma_start3A_53 = tpu.memref_slice %arg2[%dma_start3A_51, %dma_start3A_52] : memref<10000x128xf32, #tpu.memory_space<hbm>> -> memref<10000x128xf32, #tpu.memory_space<hbm>>
      tpu.enqueue_indirect_dma source(%dma_start3A_53 : memref<10000x128xf32, #tpu.memory_space<hbm>>) target(%arg8 : memref<128x128xf32, #tpu.memory_space<vmem>>) offsets(%dma_start3A_50 : memref<128xi32, #tpu.memory_space<vmem>>) semaphore(%arg12 : memref<!tpu.dma_semaphore, #tpu.memory_space<semaphore_mem>>)
      %dma_start3A_54 = arith.constant 1 : i32
      %dma_start3A_55 = arith.constant 0 : i32
      %dma_start3A_56 = tpu.memref_slice %arg6[%dma_start3A_54, %dma_start3A_55] : memref<8x128xi32, #tpu.memory_space<vmem>> -> memref<1x128xi32, #tpu.memory_space<vmem>>
      %dma_start3A_57 = tpu.memref_squeeze %dma_start3A_56 : memref<1x128xi32, #tpu.memory_space<vmem>> -> memref<128xi32, #tpu.memory_space<vmem>>
      %dma_start3A_58 = arith.constant 0 : i32
      %dma_start3A_59 = arith.constant 0 : i32
      %dma_start3A_60 = tpu.memref_slice %arg2[%dma_start3A_58, %dma_start3A_59] : memref<10000x128xf32, #tpu.memory_space<hbm>> -> memref<10000x128xf32, #tpu.memory_space<hbm>>
      tpu.enqueue_indirect_dma source(%dma_start3A_60 : memref<10000x128xf32, #tpu.memory_space<hbm>>) target(%arg9 : memref<128x128xf32, #tpu.memory_space<vmem>>) offsets(%dma_start3A_57 : memref<128xi32, #tpu.memory_space<vmem>>) semaphore(%arg13 : memref<!tpu.dma_semaphore, #tpu.memory_space<semaphore_mem>>)
      %dma_wait3A = arith.constant 0 : i32
      %dma_wait3A_61 = arith.constant 0 : i32
      %dma_wait3A_62 = tpu.memref_slice %arg6[%dma_wait3A, %dma_wait3A_61] : memref<8x128xi32, #tpu.memory_space<vmem>> -> memref<1x128xi32, #tpu.memory_space<vmem>>
      %dma_wait3A_63 = tpu.memref_squeeze %dma_wait3A_62 : memref<1x128xi32, #tpu.memory_space<vmem>> -> memref<128xi32, #tpu.memory_space<vmem>>
      %dma_wait3A_64 = arith.constant 0 : i32
      %dma_wait3A_65 = arith.constant 0 : i32
      %dma_wait3A_66 = tpu.memref_slice %arg2[%dma_wait3A_64, %dma_wait3A_65] : memref<10000x128xf32, #tpu.memory_space<hbm>> -> memref<10000x128xf32, #tpu.memory_space<hbm>>
      tpu.wait_indirect_dma semaphore(%arg12 : memref<!tpu.dma_semaphore, #tpu.memory_space<semaphore_mem>>) src(%dma_wait3A_66 : memref<10000x128xf32, #tpu.memory_space<hbm>>) dst(%arg8 : memref<128x128xf32, #tpu.memory_space<vmem>>)
      %run_scoped3A = arith.constant 0 : i32
      "tpu.region"() ({
        %run_scoped3A_166 = tpu.sem_alloc : memref<!tpu.dma_semaphore, #tpu.memory_space<semaphore_mem>>
        %dma_start3A_167 = arith.constant 0 : i32
        %dma_start3A_168 = tpu.memref_slice %arg7[%run_scoped3A, %dma_start3A_167] : memref<8x128xi32, #tpu.memory_space<vmem>> -> memref<1x128xi32, #tpu.memory_space<vmem>>
        %dma_start3A_169 = tpu.memref_squeeze %dma_start3A_168 : memref<1x128xi32, #tpu.memory_space<vmem>> -> memref<128xi32, #tpu.memory_space<vmem>>
        %dma_start3A_170 = arith.constant 0 : i32
        %dma_start3A_171 = arith.constant 0 : i32
        %dma_start3A_172 = tpu.memref_slice %arg11[%dma_start3A_170, %dma_start3A_171] : memref<10240x128xf32, #tpu.memory_space<vmem_shared>> -> memref<10240x128xf32, #tpu.memory_space<vmem_shared>>
        tpu.enqueue_indirect_dma source(%arg8 : memref<128x128xf32, #tpu.memory_space<vmem>>) target(%dma_start3A_172 : memref<10240x128xf32, #tpu.memory_space<vmem_shared>>) offsets(%dma_start3A_169 : memref<128xi32, #tpu.memory_space<vmem>>) semaphore(%run_scoped3A_166 : memref<!tpu.dma_semaphore, #tpu.memory_space<semaphore_mem>>) {add = true}
        %dma_wait3A_173 = arith.constant 0 : i32
        %dma_wait3A_174 = tpu.memref_slice %arg7[%run_scoped3A, %dma_wait3A_173] : memref<8x128xi32, #tpu.memory_space<vmem>> -> memref<1x128xi32, #tpu.memory_space<vmem>>
        %dma_wait3A_175 = tpu.memref_squeeze %dma_wait3A_174 : memref<1x128xi32, #tpu.memory_space<vmem>> -> memref<128xi32, #tpu.memory_space<vmem>>
        %dma_wait3A_176 = arith.constant 0 : i32
        %dma_wait3A_177 = arith.constant 0 : i32
        %dma_wait3A_178 = tpu.memref_slice %arg11[%dma_wait3A_176, %dma_wait3A_177] : memref<10240x128xf32, #tpu.memory_space<vmem_shared>> -> memref<10240x128xf32, #tpu.memory_space<vmem_shared>>
        tpu.wait_indirect_dma semaphore(%run_scoped3A_166 : memref<!tpu.dma_semaphore, #tpu.memory_space<semaphore_mem>>) src(%arg8 : memref<128x128xf32, #tpu.memory_space<vmem>>) dst(%dma_wait3A_178 : memref<10240x128xf32, #tpu.memory_space<vmem_shared>>)
        tpu.yield
      }) : () -> ()
      %dma_start3A_67 = arith.constant 2 : i32
      %dma_start3A_68 = arith.constant 0 : i32
      %dma_start3A_69 = tpu.memref_slice %arg6[%dma_start3A_67, %dma_start3A_68] : memref<8x128xi32, #tpu.memory_space<vmem>> -> memref<1x128xi32, #tpu.memory_space<vmem>>
      %dma_start3A_70 = tpu.memref_squeeze %dma_start3A_69 : memref<1x128xi32, #tpu.memory_space<vmem>> -> memref<128xi32, #tpu.memory_space<vmem>>
      %dma_start3A_71 = arith.constant 0 : i32
      %dma_start3A_72 = arith.constant 0 : i32
      %dma_start3A_73 = tpu.memref_slice %arg2[%dma_start3A_71, %dma_start3A_72] : memref<10000x128xf32, #tpu.memory_space<hbm>> -> memref<10000x128xf32, #tpu.memory_space<hbm>>
      tpu.enqueue_indirect_dma source(%dma_start3A_73 : memref<10000x128xf32, #tpu.memory_space<hbm>>) target(%arg8 : memref<128x128xf32, #tpu.memory_space<vmem>>) offsets(%dma_start3A_70 : memref<128xi32, #tpu.memory_space<vmem>>) semaphore(%arg13 : memref<!tpu.dma_semaphore, #tpu.memory_space<semaphore_mem>>)
      %dma_wait3A_74 = arith.constant 1 : i32
      %dma_wait3A_75 = arith.constant 0 : i32
      %dma_wait3A_76 = tpu.memref_slice %arg6[%dma_wait3A_74, %dma_wait3A_75] : memref<8x128xi32, #tpu.memory_space<vmem>> -> memref<1x128xi32, #tpu.memory_space<vmem>>
      %dma_wait3A_77 = tpu.memref_squeeze %dma_wait3A_76 : memref<1x128xi32, #tpu.memory_space<vmem>> -> memref<128xi32, #tpu.memory_space<vmem>>
      %dma_wait3A_78 = arith.constant 0 : i32
      %dma_wait3A_79 = arith.constant 0 : i32
      %dma_wait3A_80 = tpu.memref_slice %arg2[%dma_wait3A_78, %dma_wait3A_79] : memref<10000x128xf32, #tpu.memory_space<hbm>> -> memref<10000x128xf32, #tpu.memory_space<hbm>>
      tpu.wait_indirect_dma semaphore(%arg13 : memref<!tpu.dma_semaphore, #tpu.memory_space<semaphore_mem>>) src(%dma_wait3A_80 : memref<10000x128xf32, #tpu.memory_space<hbm>>) dst(%arg9 : memref<128x128xf32, #tpu.memory_space<vmem>>)
      %run_scoped3A_81 = arith.constant 1 : i32
      "tpu.region"() ({
        %run_scoped3A_166 = tpu.sem_alloc : memref<!tpu.dma_semaphore, #tpu.memory_space<semaphore_mem>>
        %dma_start3A_167 = arith.constant 0 : i32
        %dma_start3A_168 = tpu.memref_slice %arg7[%run_scoped3A_81, %dma_start3A_167] : memref<8x128xi32, #tpu.memory_space<vmem>> -> memref<1x128xi32, #tpu.memory_space<vmem>>
        %dma_start3A_169 = tpu.memref_squeeze %dma_start3A_168 : memref<1x128xi32, #tpu.memory_space<vmem>> -> memref<128xi32, #tpu.memory_space<vmem>>
        %dma_start3A_170 = arith.constant 0 : i32
        %dma_start3A_171 = arith.constant 0 : i32
        %dma_start3A_172 = tpu.memref_slice %arg11[%dma_start3A_170, %dma_start3A_171] : memref<10240x128xf32, #tpu.memory_space<vmem_shared>> -> memref<10240x128xf32, #tpu.memory_space<vmem_shared>>
        tpu.enqueue_indirect_dma source(%arg9 : memref<128x128xf32, #tpu.memory_space<vmem>>) target(%dma_start3A_172 : memref<10240x128xf32, #tpu.memory_space<vmem_shared>>) offsets(%dma_start3A_169 : memref<128xi32, #tpu.memory_space<vmem>>) semaphore(%run_scoped3A_166 : memref<!tpu.dma_semaphore, #tpu.memory_space<semaphore_mem>>) {add = true}
        %dma_wait3A_173 = arith.constant 0 : i32
        %dma_wait3A_174 = tpu.memref_slice %arg7[%run_scoped3A_81, %dma_wait3A_173] : memref<8x128xi32, #tpu.memory_space<vmem>> -> memref<1x128xi32, #tpu.memory_space<vmem>>
        %dma_wait3A_175 = tpu.memref_squeeze %dma_wait3A_174 : memref<1x128xi32, #tpu.memory_space<vmem>> -> memref<128xi32, #tpu.memory_space<vmem>>
        %dma_wait3A_176 = arith.constant 0 : i32
        %dma_wait3A_177 = arith.constant 0 : i32
        %dma_wait3A_178 = tpu.memref_slice %arg11[%dma_wait3A_176, %dma_wait3A_177] : memref<10240x128xf32, #tpu.memory_space<vmem_shared>> -> memref<10240x128xf32, #tpu.memory_space<vmem_shared>>
        tpu.wait_indirect_dma semaphore(%run_scoped3A_166 : memref<!tpu.dma_semaphore, #tpu.memory_space<semaphore_mem>>) src(%arg9 : memref<128x128xf32, #tpu.memory_space<vmem>>) dst(%dma_wait3A_178 : memref<10240x128xf32, #tpu.memory_space<vmem_shared>>)
        tpu.yield
      }) : () -> ()
      %dma_start3A_82 = arith.constant 3 : i32
      %dma_start3A_83 = arith.constant 0 : i32
      %dma_start3A_84 = tpu.memref_slice %arg6[%dma_start3A_82, %dma_start3A_83] : memref<8x128xi32, #tpu.memory_space<vmem>> -> memref<1x128xi32, #tpu.memory_space<vmem>>
      %dma_start3A_85 = tpu.memref_squeeze %dma_start3A_84 : memref<1x128xi32, #tpu.memory_space<vmem>> -> memref<128xi32, #tpu.memory_space<vmem>>
      %dma_start3A_86 = arith.constant 0 : i32
      %dma_start3A_87 = arith.constant 0 : i32
      %dma_start3A_88 = tpu.memref_slice %arg2[%dma_start3A_86, %dma_start3A_87] : memref<10000x128xf32, #tpu.memory_space<hbm>> -> memref<10000x128xf32, #tpu.memory_space<hbm>>
      tpu.enqueue_indirect_dma source(%dma_start3A_88 : memref<10000x128xf32, #tpu.memory_space<hbm>>) target(%arg9 : memref<128x128xf32, #tpu.memory_space<vmem>>) offsets(%dma_start3A_85 : memref<128xi32, #tpu.memory_space<vmem>>) semaphore(%arg13 : memref<!tpu.dma_semaphore, #tpu.memory_space<semaphore_mem>>)
      %dma_wait3A_89 = arith.constant 2 : i32
      %dma_wait3A_90 = arith.constant 0 : i32
      %dma_wait3A_91 = tpu.memref_slice %arg6[%dma_wait3A_89, %dma_wait3A_90] : memref<8x128xi32, #tpu.memory_space<vmem>> -> memref<1x128xi32, #tpu.memory_space<vmem>>
      %dma_wait3A_92 = tpu.memref_squeeze %dma_wait3A_91 : memref<1x128xi32, #tpu.memory_space<vmem>> -> memref<128xi32, #tpu.memory_space<vmem>>
      %dma_wait3A_93 = arith.constant 0 : i32
      %dma_wait3A_94 = arith.constant 0 : i32
      %dma_wait3A_95 = tpu.memref_slice %arg2[%dma_wait3A_93, %dma_wait3A_94] : memref<10000x128xf32, #tpu.memory_space<hbm>> -> memref<10000x128xf32, #tpu.memory_space<hbm>>
      tpu.wait_indirect_dma semaphore(%arg13 : memref<!tpu.dma_semaphore, #tpu.memory_space<semaphore_mem>>) src(%dma_wait3A_95 : memref<10000x128xf32, #tpu.memory_space<hbm>>) dst(%arg8 : memref<128x128xf32, #tpu.memory_space<vmem>>)
      %run_scoped3A_96 = arith.constant 2 : i32
      "tpu.region"() ({
        %run_scoped3A_166 = tpu.sem_alloc : memref<!tpu.dma_semaphore, #tpu.memory_space<semaphore_mem>>
        %dma_start3A_167 = arith.constant 0 : i32
        %dma_start3A_168 = tpu.memref_slice %arg7[%run_scoped3A_96, %dma_start3A_167] : memref<8x128xi32, #tpu.memory_space<vmem>> -> memref<1x128xi32, #tpu.memory_space<vmem>>
        %dma_start3A_169 = tpu.memref_squeeze %dma_start3A_168 : memref<1x128xi32, #tpu.memory_space<vmem>> -> memref<128xi32, #tpu.memory_space<vmem>>
        %dma_start3A_170 = arith.constant 0 : i32
        %dma_start3A_171 = arith.constant 0 : i32
        %dma_start3A_172 = tpu.memref_slice %arg11[%dma_start3A_170, %dma_start3A_171] : memref<10240x128xf32, #tpu.memory_space<vmem_shared>> -> memref<10240x128xf32, #tpu.memory_space<vmem_shared>>
        tpu.enqueue_indirect_dma source(%arg8 : memref<128x128xf32, #tpu.memory_space<vmem>>) target(%dma_start3A_172 : memref<10240x128xf32, #tpu.memory_space<vmem_shared>>) offsets(%dma_start3A_169 : memref<128xi32, #tpu.memory_space<vmem>>) semaphore(%run_scoped3A_166 : memref<!tpu.dma_semaphore, #tpu.memory_space<semaphore_mem>>) {add = true}
        %dma_wait3A_173 = arith.constant 0 : i32
        %dma_wait3A_174 = tpu.memref_slice %arg7[%run_scoped3A_96, %dma_wait3A_173] : memref<8x128xi32, #tpu.memory_space<vmem>> -> memref<1x128xi32, #tpu.memory_space<vmem>>
        %dma_wait3A_175 = tpu.memref_squeeze %dma_wait3A_174 : memref<1x128xi32, #tpu.memory_space<vmem>> -> memref<128xi32, #tpu.memory_space<vmem>>
        %dma_wait3A_176 = arith.constant 0 : i32
        %dma_wait3A_177 = arith.constant 0 : i32
        %dma_wait3A_178 = tpu.memref_slice %arg11[%dma_wait3A_176, %dma_wait3A_177] : memref<10240x128xf32, #tpu.memory_space<vmem_shared>> -> memref<10240x128xf32, #tpu.memory_space<vmem_shared>>
        tpu.wait_indirect_dma semaphore(%run_scoped3A_166 : memref<!tpu.dma_semaphore, #tpu.memory_space<semaphore_mem>>) src(%arg8 : memref<128x128xf32, #tpu.memory_space<vmem>>) dst(%dma_wait3A_178 : memref<10240x128xf32, #tpu.memory_space<vmem_shared>>)
        tpu.yield
      }) : () -> ()
      %dma_start3A_97 = arith.constant 4 : i32
      %dma_start3A_98 = arith.constant 0 : i32
      %dma_start3A_99 = tpu.memref_slice %arg6[%dma_start3A_97, %dma_start3A_98] : memref<8x128xi32, #tpu.memory_space<vmem>> -> memref<1x128xi32, #tpu.memory_space<vmem>>
      %dma_start3A_100 = tpu.memref_squeeze %dma_start3A_99 : memref<1x128xi32, #tpu.memory_space<vmem>> -> memref<128xi32, #tpu.memory_space<vmem>>
      %dma_start3A_101 = arith.constant 0 : i32
      %dma_start3A_102 = arith.constant 0 : i32
      %dma_start3A_103 = tpu.memref_slice %arg2[%dma_start3A_101, %dma_start3A_102] : memref<10000x128xf32, #tpu.memory_space<hbm>> -> memref<10000x128xf32, #tpu.memory_space<hbm>>
      tpu.enqueue_indirect_dma source(%dma_start3A_103 : memref<10000x128xf32, #tpu.memory_space<hbm>>) target(%arg8 : memref<128x128xf32, #tpu.memory_space<vmem>>) offsets(%dma_start3A_100 : memref<128xi32, #tpu.memory_space<vmem>>) semaphore(%arg13 : memref<!tpu.dma_semaphore, #tpu.memory_space<semaphore_mem>>)
      %dma_wait3A_104 = arith.constant 3 : i32
      %dma_wait3A_105 = arith.constant 0 : i32
      %dma_wait3A_106 = tpu.memref_slice %arg6[%dma_wait3A_104, %dma_wait3A_105] : memref<8x128xi32, #tpu.memory_space<vmem>> -> memref<1x128xi32, #tpu.memory_space<vmem>>
      %dma_wait3A_107 = tpu.memref_squeeze %dma_wait3A_106 : memref<1x128xi32, #tpu.memory_space<vmem>> -> memref<128xi32, #tpu.memory_space<vmem>>
      %dma_wait3A_108 = arith.constant 0 : i32
      %dma_wait3A_109 = arith.constant 0 : i32
      %dma_wait3A_110 = tpu.memref_slice %arg2[%dma_wait3A_108, %dma_wait3A_109] : memref<10000x128xf32, #tpu.memory_space<hbm>> -> memref<10000x128xf32, #tpu.memory_space<hbm>>
      tpu.wait_indirect_dma semaphore(%arg13 : memref<!tpu.dma_semaphore, #tpu.memory_space<semaphore_mem>>) src(%dma_wait3A_110 : memref<10000x128xf32, #tpu.memory_space<hbm>>) dst(%arg9 : memref<128x128xf32, #tpu.memory_space<vmem>>)
      %run_scoped3A_111 = arith.constant 3 : i32
      "tpu.region"() ({
        %run_scoped3A_166 = tpu.sem_alloc : memref<!tpu.dma_semaphore, #tpu.memory_space<semaphore_mem>>
        %dma_start3A_167 = arith.constant 0 : i32
        %dma_start3A_168 = tpu.memref_slice %arg7[%run_scoped3A_111, %dma_start3A_167] : memref<8x128xi32, #tpu.memory_space<vmem>> -> memref<1x128xi32, #tpu.memory_space<vmem>>
        %dma_start3A_169 = tpu.memref_squeeze %dma_start3A_168 : memref<1x128xi32, #tpu.memory_space<vmem>> -> memref<128xi32, #tpu.memory_space<vmem>>
        %dma_start3A_170 = arith.constant 0 : i32
        %dma_start3A_171 = arith.constant 0 : i32
        %dma_start3A_172 = tpu.memref_slice %arg11[%dma_start3A_170, %dma_start3A_171] : memref<10240x128xf32, #tpu.memory_space<vmem_shared>> -> memref<10240x128xf32, #tpu.memory_space<vmem_shared>>
        tpu.enqueue_indirect_dma source(%arg9 : memref<128x128xf32, #tpu.memory_space<vmem>>) target(%dma_start3A_172 : memref<10240x128xf32, #tpu.memory_space<vmem_shared>>) offsets(%dma_start3A_169 : memref<128xi32, #tpu.memory_space<vmem>>) semaphore(%run_scoped3A_166 : memref<!tpu.dma_semaphore, #tpu.memory_space<semaphore_mem>>) {add = true}
        %dma_wait3A_173 = arith.constant 0 : i32
        %dma_wait3A_174 = tpu.memref_slice %arg7[%run_scoped3A_111, %dma_wait3A_173] : memref<8x128xi32, #tpu.memory_space<vmem>> -> memref<1x128xi32, #tpu.memory_space<vmem>>
        %dma_wait3A_175 = tpu.memref_squeeze %dma_wait3A_174 : memref<1x128xi32, #tpu.memory_space<vmem>> -> memref<128xi32, #tpu.memory_space<vmem>>
        %dma_wait3A_176 = arith.constant 0 : i32
        %dma_wait3A_177 = arith.constant 0 : i32
        %dma_wait3A_178 = tpu.memref_slice %arg11[%dma_wait3A_176, %dma_wait3A_177] : memref<10240x128xf32, #tpu.memory_space<vmem_shared>> -> memref<10240x128xf32, #tpu.memory_space<vmem_shared>>
        tpu.wait_indirect_dma semaphore(%run_scoped3A_166 : memref<!tpu.dma_semaphore, #tpu.memory_space<semaphore_mem>>) src(%arg9 : memref<128x128xf32, #tpu.memory_space<vmem>>) dst(%dma_wait3A_178 : memref<10240x128xf32, #tpu.memory_space<vmem_shared>>)
        tpu.yield
      }) : () -> ()
      %dma_start3A_112 = arith.constant 5 : i32
      %dma_start3A_113 = arith.constant 0 : i32
      %dma_start3A_114 = tpu.memref_slice %arg6[%dma_start3A_112, %dma_start3A_113] : memref<8x128xi32, #tpu.memory_space<vmem>> -> memref<1x128xi32, #tpu.memory_space<vmem>>
      %dma_start3A_115 = tpu.memref_squeeze %dma_start3A_114 : memref<1x128xi32, #tpu.memory_space<vmem>> -> memref<128xi32, #tpu.memory_space<vmem>>
      %dma_start3A_116 = arith.constant 0 : i32
      %dma_start3A_117 = arith.constant 0 : i32
      %dma_start3A_118 = tpu.memref_slice %arg2[%dma_start3A_116, %dma_start3A_117] : memref<10000x128xf32, #tpu.memory_space<hbm>> -> memref<10000x128xf32, #tpu.memory_space<hbm>>
      tpu.enqueue_indirect_dma source(%dma_start3A_118 : memref<10000x128xf32, #tpu.memory_space<hbm>>) target(%arg9 : memref<128x128xf32, #tpu.memory_space<vmem>>) offsets(%dma_start3A_115 : memref<128xi32, #tpu.memory_space<vmem>>) semaphore(%arg13 : memref<!tpu.dma_semaphore, #tpu.memory_space<semaphore_mem>>)
      %dma_wait3A_119 = arith.constant 4 : i32
      %dma_wait3A_120 = arith.constant 0 : i32
      %dma_wait3A_121 = tpu.memref_slice %arg6[%dma_wait3A_119, %dma_wait3A_120] : memref<8x128xi32, #tpu.memory_space<vmem>> -> memref<1x128xi32, #tpu.memory_space<vmem>>
      %dma_wait3A_122 = tpu.memref_squeeze %dma_wait3A_121 : memref<1x128xi32, #tpu.memory_space<vmem>> -> memref<128xi32, #tpu.memory_space<vmem>>
      %dma_wait3A_123 = arith.constant 0 : i32
      %dma_wait3A_124 = arith.constant 0 : i32
      %dma_wait3A_125 = tpu.memref_slice %arg2[%dma_wait3A_123, %dma_wait3A_124] : memref<10000x128xf32, #tpu.memory_space<hbm>> -> memref<10000x128xf32, #tpu.memory_space<hbm>>
      tpu.wait_indirect_dma semaphore(%arg13 : memref<!tpu.dma_semaphore, #tpu.memory_space<semaphore_mem>>) src(%dma_wait3A_125 : memref<10000x128xf32, #tpu.memory_space<hbm>>) dst(%arg8 : memref<128x128xf32, #tpu.memory_space<vmem>>)
      %run_scoped3A_126 = arith.constant 4 : i32
      "tpu.region"() ({
        %run_scoped3A_166 = tpu.sem_alloc : memref<!tpu.dma_semaphore, #tpu.memory_space<semaphore_mem>>
        %dma_start3A_167 = arith.constant 0 : i32
        %dma_start3A_168 = tpu.memref_slice %arg7[%run_scoped3A_126, %dma_start3A_167] : memref<8x128xi32, #tpu.memory_space<vmem>> -> memref<1x128xi32, #tpu.memory_space<vmem>>
        %dma_start3A_169 = tpu.memref_squeeze %dma_start3A_168 : memref<1x128xi32, #tpu.memory_space<vmem>> -> memref<128xi32, #tpu.memory_space<vmem>>
        %dma_start3A_170 = arith.constant 0 : i32
        %dma_start3A_171 = arith.constant 0 : i32
        %dma_start3A_172 = tpu.memref_slice %arg11[%dma_start3A_170, %dma_start3A_171] : memref<10240x128xf32, #tpu.memory_space<vmem_shared>> -> memref<10240x128xf32, #tpu.memory_space<vmem_shared>>
        tpu.enqueue_indirect_dma source(%arg8 : memref<128x128xf32, #tpu.memory_space<vmem>>) target(%dma_start3A_172 : memref<10240x128xf32, #tpu.memory_space<vmem_shared>>) offsets(%dma_start3A_169 : memref<128xi32, #tpu.memory_space<vmem>>) semaphore(%run_scoped3A_166 : memref<!tpu.dma_semaphore, #tpu.memory_space<semaphore_mem>>) {add = true}
        %dma_wait3A_173 = arith.constant 0 : i32
        %dma_wait3A_174 = tpu.memref_slice %arg7[%run_scoped3A_126, %dma_wait3A_173] : memref<8x128xi32, #tpu.memory_space<vmem>> -> memref<1x128xi32, #tpu.memory_space<vmem>>
        %dma_wait3A_175 = tpu.memref_squeeze %dma_wait3A_174 : memref<1x128xi32, #tpu.memory_space<vmem>> -> memref<128xi32, #tpu.memory_space<vmem>>
        %dma_wait3A_176 = arith.constant 0 : i32
        %dma_wait3A_177 = arith.constant 0 : i32
        %dma_wait3A_178 = tpu.memref_slice %arg11[%dma_wait3A_176, %dma_wait3A_177] : memref<10240x128xf32, #tpu.memory_space<vmem_shared>> -> memref<10240x128xf32, #tpu.memory_space<vmem_shared>>
        tpu.wait_indirect_dma semaphore(%run_scoped3A_166 : memref<!tpu.dma_semaphore, #tpu.memory_space<semaphore_mem>>) src(%arg8 : memref<128x128xf32, #tpu.memory_space<vmem>>) dst(%dma_wait3A_178 : memref<10240x128xf32, #tpu.memory_space<vmem_shared>>)
        tpu.yield
      }) : () -> ()
      %dma_start3A_127 = arith.constant 6 : i32
      %dma_start3A_128 = arith.constant 0 : i32
      %dma_start3A_129 = tpu.memref_slice %arg6[%dma_start3A_127, %dma_start3A_128] : memref<8x128xi32, #tpu.memory_space<vmem>> -> memref<1x128xi32, #tpu.memory_space<vmem>>
      %dma_start3A_130 = tpu.memref_squeeze %dma_start3A_129 : memref<1x128xi32, #tpu.memory_space<vmem>> -> memref<128xi32, #tpu.memory_space<vmem>>
      %dma_start3A_131 = arith.constant 0 : i32
      %dma_start3A_132 = arith.constant 0 : i32
      %dma_start3A_133 = tpu.memref_slice %arg2[%dma_start3A_131, %dma_start3A_132] : memref<10000x128xf32, #tpu.memory_space<hbm>> -> memref<10000x128xf32, #tpu.memory_space<hbm>>
      tpu.enqueue_indirect_dma source(%dma_start3A_133 : memref<10000x128xf32, #tpu.memory_space<hbm>>) target(%arg8 : memref<128x128xf32, #tpu.memory_space<vmem>>) offsets(%dma_start3A_130 : memref<128xi32, #tpu.memory_space<vmem>>) semaphore(%arg13 : memref<!tpu.dma_semaphore, #tpu.memory_space<semaphore_mem>>)
      %dma_wait3A_134 = arith.constant 5 : i32
      %dma_wait3A_135 = arith.constant 0 : i32
      %dma_wait3A_136 = tpu.memref_slice %arg6[%dma_wait3A_134, %dma_wait3A_135] : memref<8x128xi32, #tpu.memory_space<vmem>> -> memref<1x128xi32, #tpu.memory_space<vmem>>
      %dma_wait3A_137 = tpu.memref_squeeze %dma_wait3A_136 : memref<1x128xi32, #tpu.memory_space<vmem>> -> memref<128xi32, #tpu.memory_space<vmem>>
      %dma_wait3A_138 = arith.constant 0 : i32
      %dma_wait3A_139 = arith.constant 0 : i32
      %dma_wait3A_140 = tpu.memref_slice %arg2[%dma_wait3A_138, %dma_wait3A_139] : memref<10000x128xf32, #tpu.memory_space<hbm>> -> memref<10000x128xf32, #tpu.memory_space<hbm>>
      tpu.wait_indirect_dma semaphore(%arg13 : memref<!tpu.dma_semaphore, #tpu.memory_space<semaphore_mem>>) src(%dma_wait3A_140 : memref<10000x128xf32, #tpu.memory_space<hbm>>) dst(%arg9 : memref<128x128xf32, #tpu.memory_space<vmem>>)
      %run_scoped3A_141 = arith.constant 5 : i32
      "tpu.region"() ({
        %run_scoped3A_166 = tpu.sem_alloc : memref<!tpu.dma_semaphore, #tpu.memory_space<semaphore_mem>>
        %dma_start3A_167 = arith.constant 0 : i32
        %dma_start3A_168 = tpu.memref_slice %arg7[%run_scoped3A_141, %dma_start3A_167] : memref<8x128xi32, #tpu.memory_space<vmem>> -> memref<1x128xi32, #tpu.memory_space<vmem>>
        %dma_start3A_169 = tpu.memref_squeeze %dma_start3A_168 : memref<1x128xi32, #tpu.memory_space<vmem>> -> memref<128xi32, #tpu.memory_space<vmem>>
        %dma_start3A_170 = arith.constant 0 : i32
        %dma_start3A_171 = arith.constant 0 : i32
        %dma_start3A_172 = tpu.memref_slice %arg11[%dma_start3A_170, %dma_start3A_171] : memref<10240x128xf32, #tpu.memory_space<vmem_shared>> -> memref<10240x128xf32, #tpu.memory_space<vmem_shared>>
        tpu.enqueue_indirect_dma source(%arg9 : memref<128x128xf32, #tpu.memory_space<vmem>>) target(%dma_start3A_172 : memref<10240x128xf32, #tpu.memory_space<vmem_shared>>) offsets(%dma_start3A_169 : memref<128xi32, #tpu.memory_space<vmem>>) semaphore(%run_scoped3A_166 : memref<!tpu.dma_semaphore, #tpu.memory_space<semaphore_mem>>) {add = true}
        %dma_wait3A_173 = arith.constant 0 : i32
        %dma_wait3A_174 = tpu.memref_slice %arg7[%run_scoped3A_141, %dma_wait3A_173] : memref<8x128xi32, #tpu.memory_space<vmem>> -> memref<1x128xi32, #tpu.memory_space<vmem>>
        %dma_wait3A_175 = tpu.memref_squeeze %dma_wait3A_174 : memref<1x128xi32, #tpu.memory_space<vmem>> -> memref<128xi32, #tpu.memory_space<vmem>>
        %dma_wait3A_176 = arith.constant 0 : i32
        %dma_wait3A_177 = arith.constant 0 : i32
        %dma_wait3A_178 = tpu.memref_slice %arg11[%dma_wait3A_176, %dma_wait3A_177] : memref<10240x128xf32, #tpu.memory_space<vmem_shared>> -> memref<10240x128xf32, #tpu.memory_space<vmem_shared>>
        tpu.wait_indirect_dma semaphore(%run_scoped3A_166 : memref<!tpu.dma_semaphore, #tpu.memory_space<semaphore_mem>>) src(%arg9 : memref<128x128xf32, #tpu.memory_space<vmem>>) dst(%dma_wait3A_178 : memref<10240x128xf32, #tpu.memory_space<vmem_shared>>)
        tpu.yield
      }) : () -> ()
      %dma_start3A_142 = arith.constant 7 : i32
      %dma_start3A_143 = arith.constant 0 : i32
      %dma_start3A_144 = tpu.memref_slice %arg6[%dma_start3A_142, %dma_start3A_143] : memref<8x128xi32, #tpu.memory_space<vmem>> -> memref<1x128xi32, #tpu.memory_space<vmem>>
      %dma_start3A_145 = tpu.memref_squeeze %dma_start3A_144 : memref<1x128xi32, #tpu.memory_space<vmem>> -> memref<128xi32, #tpu.memory_space<vmem>>
      %dma_start3A_146 = arith.constant 0 : i32
      %dma_start3A_147 = arith.constant 0 : i32
      %dma_start3A_148 = tpu.memref_slice %arg2[%dma_start3A_146, %dma_start3A_147] : memref<10000x128xf32, #tpu.memory_space<hbm>> -> memref<10000x128xf32, #tpu.memory_space<hbm>>
      tpu.enqueue_indirect_dma source(%dma_start3A_148 : memref<10000x128xf32, #tpu.memory_space<hbm>>) target(%arg9 : memref<128x128xf32, #tpu.memory_space<vmem>>) offsets(%dma_start3A_145 : memref<128xi32, #tpu.memory_space<vmem>>) semaphore(%arg13 : memref<!tpu.dma_semaphore, #tpu.memory_space<semaphore_mem>>)
      %dma_wait3A_149 = arith.constant 6 : i32
      %dma_wait3A_150 = arith.constant 0 : i32
      %dma_wait3A_151 = tpu.memref_slice %arg6[%dma_wait3A_149, %dma_wait3A_150] : memref<8x128xi32, #tpu.memory_space<vmem>> -> memref<1x128xi32, #tpu.memory_space<vmem>>
      %dma_wait3A_152 = tpu.memref_squeeze %dma_wait3A_151 : memref<1x128xi32, #tpu.memory_space<vmem>> -> memref<128xi32, #tpu.memory_space<vmem>>
      %dma_wait3A_153 = arith.constant 0 : i32
      %dma_wait3A_154 = arith.constant 0 : i32
      %dma_wait3A_155 = tpu.memref_slice %arg2[%dma_wait3A_153, %dma_wait3A_154] : memref<10000x128xf32, #tpu.memory_space<hbm>> -> memref<10000x128xf32, #tpu.memory_space<hbm>>
      tpu.wait_indirect_dma semaphore(%arg13 : memref<!tpu.dma_semaphore, #tpu.memory_space<semaphore_mem>>) src(%dma_wait3A_155 : memref<10000x128xf32, #tpu.memory_space<hbm>>) dst(%arg8 : memref<128x128xf32, #tpu.memory_space<vmem>>)
      %run_scoped3A_156 = arith.constant 6 : i32
      "tpu.region"() ({
        %run_scoped3A_166 = tpu.sem_alloc : memref<!tpu.dma_semaphore, #tpu.memory_space<semaphore_mem>>
        %dma_start3A_167 = arith.constant 0 : i32
        %dma_start3A_168 = tpu.memref_slice %arg7[%run_scoped3A_156, %dma_start3A_167] : memref<8x128xi32, #tpu.memory_space<vmem>> -> memref<1x128xi32, #tpu.memory_space<vmem>>
        %dma_start3A_169 = tpu.memref_squeeze %dma_start3A_168 : memref<1x128xi32, #tpu.memory_space<vmem>> -> memref<128xi32, #tpu.memory_space<vmem>>
        %dma_start3A_170 = arith.constant 0 : i32
        %dma_start3A_171 = arith.constant 0 : i32
        %dma_start3A_172 = tpu.memref_slice %arg11[%dma_start3A_170, %dma_start3A_171] : memref<10240x128xf32, #tpu.memory_space<vmem_shared>> -> memref<10240x128xf32, #tpu.memory_space<vmem_shared>>
        tpu.enqueue_indirect_dma source(%arg8 : memref<128x128xf32, #tpu.memory_space<vmem>>) target(%dma_start3A_172 : memref<10240x128xf32, #tpu.memory_space<vmem_shared>>) offsets(%dma_start3A_169 : memref<128xi32, #tpu.memory_space<vmem>>) semaphore(%run_scoped3A_166 : memref<!tpu.dma_semaphore, #tpu.memory_space<semaphore_mem>>) {add = true}
        %dma_wait3A_173 = arith.constant 0 : i32
        %dma_wait3A_174 = tpu.memref_slice %arg7[%run_scoped3A_156, %dma_wait3A_173] : memref<8x128xi32, #tpu.memory_space<vmem>> -> memref<1x128xi32, #tpu.memory_space<vmem>>
        %dma_wait3A_175 = tpu.memref_squeeze %dma_wait3A_174 : memref<1x128xi32, #tpu.memory_space<vmem>> -> memref<128xi32, #tpu.memory_space<vmem>>
        %dma_wait3A_176 = arith.constant 0 : i32
        %dma_wait3A_177 = arith.constant 0 : i32
        %dma_wait3A_178 = tpu.memref_slice %arg11[%dma_wait3A_176, %dma_wait3A_177] : memref<10240x128xf32, #tpu.memory_space<vmem_shared>> -> memref<10240x128xf32, #tpu.memory_space<vmem_shared>>
        tpu.wait_indirect_dma semaphore(%run_scoped3A_166 : memref<!tpu.dma_semaphore, #tpu.memory_space<semaphore_mem>>) src(%arg8 : memref<128x128xf32, #tpu.memory_space<vmem>>) dst(%dma_wait3A_178 : memref<10240x128xf32, #tpu.memory_space<vmem_shared>>)
        tpu.yield
      }) : () -> ()
      %dma_wait3A_157 = arith.constant 7 : i32
      %dma_wait3A_158 = arith.constant 0 : i32
      %dma_wait3A_159 = tpu.memref_slice %arg6[%dma_wait3A_157, %dma_wait3A_158] : memref<8x128xi32, #tpu.memory_space<vmem>> -> memref<1x128xi32, #tpu.memory_space<vmem>>
      %dma_wait3A_160 = tpu.memref_squeeze %dma_wait3A_159 : memref<1x128xi32, #tpu.memory_space<vmem>> -> memref<128xi32, #tpu.memory_space<vmem>>
      %dma_wait3A_161 = arith.constant 0 : i32
      %dma_wait3A_162 = arith.constant 0 : i32
      %dma_wait3A_163 = tpu.memref_slice %arg2[%dma_wait3A_161, %dma_wait3A_162] : memref<10000x128xf32, #tpu.memory_space<hbm>> -> memref<10000x128xf32, #tpu.memory_space<hbm>>
      tpu.wait_indirect_dma semaphore(%arg13 : memref<!tpu.dma_semaphore, #tpu.memory_space<semaphore_mem>>) src(%dma_wait3A_163 : memref<10000x128xf32, #tpu.memory_space<hbm>>) dst(%arg9 : memref<128x128xf32, #tpu.memory_space<vmem>>)
      %run_scoped3A_164 = arith.constant 7 : i32
      "tpu.region"() ({
        %run_scoped3A_166 = tpu.sem_alloc : memref<!tpu.dma_semaphore, #tpu.memory_space<semaphore_mem>>
        %dma_start3A_167 = arith.constant 0 : i32
        %dma_start3A_168 = tpu.memref_slice %arg7[%run_scoped3A_164, %dma_start3A_167] : memref<8x128xi32, #tpu.memory_space<vmem>> -> memref<1x128xi32, #tpu.memory_space<vmem>>
        %dma_start3A_169 = tpu.memref_squeeze %dma_start3A_168 : memref<1x128xi32, #tpu.memory_space<vmem>> -> memref<128xi32, #tpu.memory_space<vmem>>
        %dma_start3A_170 = arith.constant 0 : i32
        %dma_start3A_171 = arith.constant 0 : i32
        %dma_start3A_172 = tpu.memref_slice %arg11[%dma_start3A_170, %dma_start3A_171] : memref<10240x128xf32, #tpu.memory_space<vmem_shared>> -> memref<10240x128xf32, #tpu.memory_space<vmem_shared>>
        tpu.enqueue_indirect_dma source(%arg9 : memref<128x128xf32, #tpu.memory_space<vmem>>) target(%dma_start3A_172 : memref<10240x128xf32, #tpu.memory_space<vmem_shared>>) offsets(%dma_start3A_169 : memref<128xi32, #tpu.memory_space<vmem>>) semaphore(%run_scoped3A_166 : memref<!tpu.dma_semaphore, #tpu.memory_space<semaphore_mem>>) {add = true}
        %dma_wait3A_173 = arith.constant 0 : i32
        %dma_wait3A_174 = tpu.memref_slice %arg7[%run_scoped3A_164, %dma_wait3A_173] : memref<8x128xi32, #tpu.memory_space<vmem>> -> memref<1x128xi32, #tpu.memory_space<vmem>>
        %dma_wait3A_175 = tpu.memref_squeeze %dma_wait3A_174 : memref<1x128xi32, #tpu.memory_space<vmem>> -> memref<128xi32, #tpu.memory_space<vmem>>
        %dma_wait3A_176 = arith.constant 0 : i32
        %dma_wait3A_177 = arith.constant 0 : i32
        %dma_wait3A_178 = tpu.memref_slice %arg11[%dma_wait3A_176, %dma_wait3A_177] : memref<10240x128xf32, #tpu.memory_space<vmem_shared>> -> memref<10240x128xf32, #tpu.memory_space<vmem_shared>>
        tpu.wait_indirect_dma semaphore(%run_scoped3A_166 : memref<!tpu.dma_semaphore, #tpu.memory_space<semaphore_mem>>) src(%arg9 : memref<128x128xf32, #tpu.memory_space<vmem>>) dst(%dma_wait3A_178 : memref<10240x128xf32, #tpu.memory_space<vmem_shared>>)
        tpu.yield
      }) : () -> ()
      %while3A_165 = arith.constant 0 : i32
      scf.yield %while3A_165 : i32
    }
    %while3A_33 = arith.constant 1 : i32
    %while3A_34 = scf.for %while3A_40 = %while3A_30 to %while3A_26 step %while3A_33 iter_args(%while3A_41 = %while3A_32) -> (i32)  : i32 {
      %mul3A_42 = arith.constant 8 : i32
      %mul3A_43 = arith.muli %while3A_40, %mul3A_42 : i32
      %add3A_44 = arith.addi %add3A_5, %mul3A_43 : i32
      "tpu.region"() ({
        %run_scoped3A_166 = tpu.sem_alloc : memref<!tpu.dma_semaphore, #tpu.memory_space<semaphore_mem>>
        %dma_start3A_167 = arith.constant 0 : i32
        %dma_start3A_168 = tpu.memref_slice %arg3[%add3A_44, %dma_start3A_167] : memref<2560x128xi32, #tpu.memory_space<hbm>> -> memref<8x128xi32, #tpu.memory_space<hbm>>
        %dma_start3A_169 = arith.constant 0 : i32
        %dma_start3A_170 = tpu.memref_slice %arg3[%add3A_44, %dma_start3A_169] : memref<2560x128xi32, #tpu.memory_space<hbm>> -> memref<8x128xi32, #tpu.memory_space<hbm>>
        tpu.enqueue_dma source(%dma_start3A_170 : memref<8x128xi32, #tpu.memory_space<hbm>>) target(%arg6 : memref<8x128xi32, #tpu.memory_space<vmem>>) target_semaphore(%run_scoped3A_166 : memref<!tpu.dma_semaphore, #tpu.memory_space<semaphore_mem>>)
        %dma_wait3A_171 = arith.constant 0 : i32
        %dma_wait3A_172 = tpu.memref_slice %arg3[%add3A_44, %dma_wait3A_171] : memref<2560x128xi32, #tpu.memory_space<hbm>> -> memref<8x128xi32, #tpu.memory_space<hbm>>
        %dma_wait3A_173 = arith.constant 0 : i32
        %dma_wait3A_174 = tpu.memref_slice %arg3[%add3A_44, %dma_wait3A_173] : memref<2560x128xi32, #tpu.memory_space<hbm>> -> memref<8x128xi32, #tpu.memory_space<hbm>>
        tpu.wait_dma2 semaphore(%run_scoped3A_166 : memref<!tpu.dma_semaphore, #tpu.memory_space<semaphore_mem>>) src(%dma_wait3A_174 : memref<8x128xi32, #tpu.memory_space<hbm>>) dst(%arg6 : memref<8x128xi32, #tpu.memory_space<vmem>>)
        tpu.yield
      }) : () -> ()
      %mul3A_45 = arith.constant 8 : i32
      %mul3A_46 = arith.muli %while3A_40, %mul3A_45 : i32
      %add3A_47 = arith.addi %add3A_5, %mul3A_46 : i32
      "tpu.region"() ({
        %run_scoped3A_166 = tpu.sem_alloc : memref<!tpu.dma_semaphore, #tpu.memory_space<semaphore_mem>>
        %dma_start3A_167 = arith.constant 0 : i32
        %dma_start3A_168 = tpu.memref_slice %arg4[%add3A_47, %dma_start3A_167] : memref<2560x128xi32, #tpu.memory_space<hbm>> -> memref<8x128xi32, #tpu.memory_space<hbm>>
        %dma_start3A_169 = arith.constant 0 : i32
        %dma_start3A_170 = tpu.memref_slice %arg4[%add3A_47, %dma_start3A_169] : memref<2560x128xi32, #tpu.memory_space<hbm>> -> memref<8x128xi32, #tpu.memory_space<hbm>>
        tpu.enqueue_dma source(%dma_start3A_170 : memref<8x128xi32, #tpu.memory_space<hbm>>) target(%arg7 : memref<8x128xi32, #tpu.memory_space<vmem>>) target_semaphore(%run_scoped3A_166 : memref<!tpu.dma_semaphore, #tpu.memory_space<semaphore_mem>>)
        %dma_wait3A_171 = arith.constant 0 : i32
        %dma_wait3A_172 = tpu.memref_slice %arg4[%add3A_47, %dma_wait3A_171] : memref<2560x128xi32, #tpu.memory_space<hbm>> -> memref<8x128xi32, #tpu.memory_space<hbm>>
        %dma_wait3A_173 = arith.constant 0 : i32
        %dma_wait3A_174 = tpu.memref_slice %arg4[%add3A_47, %dma_wait3A_173] : memref<2560x128xi32, #tpu.memory_space<hbm>> -> memref<8x128xi32, #tpu.memory_space<hbm>>
        tpu.wait_dma2 semaphore(%run_scoped3A_166 : memref<!tpu.dma_semaphore, #tpu.memory_space<semaphore_mem>>) src(%dma_wait3A_174 : memref<8x128xi32, #tpu.memory_space<hbm>>) dst(%arg7 : memref<8x128xi32, #tpu.memory_space<vmem>>)
        tpu.yield
      }) : () -> ()
      %dma_start3A = arith.constant 0 : i32
      %dma_start3A_48 = arith.constant 0 : i32
      %dma_start3A_49 = tpu.memref_slice %arg6[%dma_start3A, %dma_start3A_48] : memref<8x128xi32, #tpu.memory_space<vmem>> -> memref<1x128xi32, #tpu.memory_space<vmem>>
      %dma_start3A_50 = tpu.memref_squeeze %dma_start3A_49 : memref<1x128xi32, #tpu.memory_space<vmem>> -> memref<128xi32, #tpu.memory_space<vmem>>
      %dma_start3A_51 = arith.constant 0 : i32
      %dma_start3A_52 = arith.constant 0 : i32
      %dma_start3A_53 = tpu.memref_slice %arg2[%dma_start3A_51, %dma_start3A_52] : memref<10000x128xf32, #tpu.memory_space<hbm>> -> memref<10000x128xf32, #tpu.memory_space<hbm>>
      tpu.enqueue_indirect_dma source(%dma_start3A_53 : memref<10000x128xf32, #tpu.memory_space<hbm>>) target(%arg8 : memref<128x128xf32, #tpu.memory_space<vmem>>) offsets(%dma_start3A_50 : memref<128xi32, #tpu.memory_space<vmem>>) semaphore(%arg12 : memref<!tpu.dma_semaphore, #tpu.memory_space<semaphore_mem>>)
      %dma_start3A_54 = arith.constant 1 : i32
      %dma_start3A_55 = arith.constant 0 : i32
      %dma_start3A_56 = tpu.memref_slice %arg6[%dma_start3A_54, %dma_start3A_55] : memref<8x128xi32, #tpu.memory_space<vmem>> -> memref<1x128xi32, #tpu.memory_space<vmem>>
      %dma_start3A_57 = tpu.memref_squeeze %dma_start3A_56 : memref<1x128xi32, #tpu.memory_space<vmem>> -> memref<128xi32, #tpu.memory_space<vmem>>
      %dma_start3A_58 = arith.constant 0 : i32
      %dma_start3A_59 = arith.constant 0 : i32
      %dma_start3A_60 = tpu.memref_slice %arg2[%dma_start3A_58, %dma_start3A_59] : memref<10000x128xf32, #tpu.memory_space<hbm>> -> memref<10000x128xf32, #tpu.memory_space<hbm>>
      tpu.enqueue_indirect_dma source(%dma_start3A_60 : memref<10000x128xf32, #tpu.memory_space<hbm>>) target(%arg9 : memref<128x128xf32, #tpu.memory_space<vmem>>) offsets(%dma_start3A_57 : memref<128xi32, #tpu.memory_space<vmem>>) semaphore(%arg13 : memref<!tpu.dma_semaphore, #tpu.memory_space<semaphore_mem>>)
      %dma_wait3A = arith.constant 0 : i32
      %dma_wait3A_61 = arith.constant 0 : i32
      %dma_wait3A_62 = tpu.memref_slice %arg6[%dma_wait3A, %dma_wait3A_61] : memref<8x128xi32, #tpu.memory_space<vmem>> -> memref<1x128xi32, #tpu.memory_space<vmem>>
      %dma_wait3A_63 = tpu.memref_squeeze %dma_wait3A_62 : memref<1x128xi32, #tpu.memory_space<vmem>> -> memref<128xi32, #tpu.memory_space<vmem>>
      %dma_wait3A_64 = arith.constant 0 : i32
      %dma_wait3A_65 = arith.constant 0 : i32
      %dma_wait3A_66 = tpu.memref_slice %arg2[%dma_wait3A_64, %dma_wait3A_65] : memref<10000x128xf32, #tpu.memory_space<hbm>> -> memref<10000x128xf32, #tpu.memory_space<hbm>>
      tpu.wait_indirect_dma semaphore(%arg12 : memref<!tpu.dma_semaphore, #tpu.memory_space<semaphore_mem>>) src(%dma_wait3A_66 : memref<10000x128xf32, #tpu.memory_space<hbm>>) dst(%arg8 : memref<128x128xf32, #tpu.memory_space<vmem>>)
      %run_scoped3A = arith.constant 0 : i32
      "tpu.region"() ({
        %run_scoped3A_166 = tpu.sem_alloc : memref<!tpu.dma_semaphore, #tpu.memory_space<semaphore_mem>>
        %dma_start3A_167 = arith.constant 0 : i32
        %dma_start3A_168 = tpu.memref_slice %arg7[%run_scoped3A, %dma_start3A_167] : memref<8x128xi32, #tpu.memory_space<vmem>> -> memref<1x128xi32, #tpu.memory_space<vmem>>
        %dma_start3A_169 = tpu.memref_squeeze %dma_start3A_168 : memref<1x128xi32, #tpu.memory_space<vmem>> -> memref<128xi32, #tpu.memory_space<vmem>>
        %dma_start3A_170 = arith.constant 0 : i32
        %dma_start3A_171 = arith.constant 0 : i32
        %dma_start3A_172 = tpu.memref_slice %arg11[%dma_start3A_170, %dma_start3A_171] : memref<10240x128xf32, #tpu.memory_space<vmem_shared>> -> memref<10240x128xf32, #tpu.memory_space<vmem_shared>>
        tpu.enqueue_indirect_dma source(%arg8 : memref<128x128xf32, #tpu.memory_space<vmem>>) target(%dma_start3A_172 : memref<10240x128xf32, #tpu.memory_space<vmem_shared>>) offsets(%dma_start3A_169 : memref<128xi32, #tpu.memory_space<vmem>>) semaphore(%run_scoped3A_166 : memref<!tpu.dma_semaphore, #tpu.memory_space<semaphore_mem>>) {add = true}
        %dma_wait3A_173 = arith.constant 0 : i32
        %dma_wait3A_174 = tpu.memref_slice %arg7[%run_scoped3A, %dma_wait3A_173] : memref<8x128xi32, #tpu.memory_space<vmem>> -> memref<1x128xi32, #tpu.memory_space<vmem>>
        %dma_wait3A_175 = tpu.memref_squeeze %dma_wait3A_174 : memref<1x128xi32, #tpu.memory_space<vmem>> -> memref<128xi32, #tpu.memory_space<vmem>>
        %dma_wait3A_176 = arith.constant 0 : i32
        %dma_wait3A_177 = arith.constant 0 : i32
        %dma_wait3A_178 = tpu.memref_slice %arg11[%dma_wait3A_176, %dma_wait3A_177] : memref<10240x128xf32, #tpu.memory_space<vmem_shared>> -> memref<10240x128xf32, #tpu.memory_space<vmem_shared>>
        tpu.wait_indirect_dma semaphore(%run_scoped3A_166 : memref<!tpu.dma_semaphore, #tpu.memory_space<semaphore_mem>>) src(%arg8 : memref<128x128xf32, #tpu.memory_space<vmem>>) dst(%dma_wait3A_178 : memref<10240x128xf32, #tpu.memory_space<vmem_shared>>)
        tpu.yield
      }) : () -> ()
      %dma_start3A_67 = arith.constant 2 : i32
      %dma_start3A_68 = arith.constant 0 : i32
      %dma_start3A_69 = tpu.memref_slice %arg6[%dma_start3A_67, %dma_start3A_68] : memref<8x128xi32, #tpu.memory_space<vmem>> -> memref<1x128xi32, #tpu.memory_space<vmem>>
      %dma_start3A_70 = tpu.memref_squeeze %dma_start3A_69 : memref<1x128xi32, #tpu.memory_space<vmem>> -> memref<128xi32, #tpu.memory_space<vmem>>
      %dma_start3A_71 = arith.constant 0 : i32
      %dma_start3A_72 = arith.constant 0 : i32
      %dma_start3A_73 = tpu.memref_slice %arg2[%dma_start3A_71, %dma_start3A_72] : memref<10000x128xf32, #tpu.memory_space<hbm>> -> memref<10000x128xf32, #tpu.memory_space<hbm>>
      tpu.enqueue_indirect_dma source(%dma_start3A_73 : memref<10000x128xf32, #tpu.memory_space<hbm>>) target(%arg8 : memref<128x128xf32, #tpu.memory_space<vmem>>) offsets(%dma_start3A_70 : memref<128xi32, #tpu.memory_space<vmem>>) semaphore(%arg13 : memref<!tpu.dma_semaphore, #tpu.memory_space<semaphore_mem>>)
      %dma_wait3A_74 = arith.constant 1 : i32
      %dma_wait3A_75 = arith.constant 0 : i32
      %dma_wait3A_76 = tpu.memref_slice %arg6[%dma_wait3A_74, %dma_wait3A_75] : memref<8x128xi32, #tpu.memory_space<vmem>> -> memref<1x128xi32, #tpu.memory_space<vmem>>
      %dma_wait3A_77 = tpu.memref_squeeze %dma_wait3A_76 : memref<1x128xi32, #tpu.memory_space<vmem>> -> memref<128xi32, #tpu.memory_space<vmem>>
      %dma_wait3A_78 = arith.constant 0 : i32
      %dma_wait3A_79 = arith.constant 0 : i32
      %dma_wait3A_80 = tpu.memref_slice %arg2[%dma_wait3A_78, %dma_wait3A_79] : memref<10000x128xf32, #tpu.memory_space<hbm>> -> memref<10000x128xf32, #tpu.memory_space<hbm>>
      tpu.wait_indirect_dma semaphore(%arg13 : memref<!tpu.dma_semaphore, #tpu.memory_space<semaphore_mem>>) src(%dma_wait3A_80 : memref<10000x128xf32, #tpu.memory_space<hbm>>) dst(%arg9 : memref<128x128xf32, #tpu.memory_space<vmem>>)
      %run_scoped3A_81 = arith.constant 1 : i32
      "tpu.region"() ({
        %run_scoped3A_166 = tpu.sem_alloc : memref<!tpu.dma_semaphore, #tpu.memory_space<semaphore_mem>>
        %dma_start3A_167 = arith.constant 0 : i32
        %dma_start3A_168 = tpu.memref_slice %arg7[%run_scoped3A_81, %dma_start3A_167] : memref<8x128xi32, #tpu.memory_space<vmem>> -> memref<1x128xi32, #tpu.memory_space<vmem>>
        %dma_start3A_169 = tpu.memref_squeeze %dma_start3A_168 : memref<1x128xi32, #tpu.memory_space<vmem>> -> memref<128xi32, #tpu.memory_space<vmem>>
        %dma_start3A_170 = arith.constant 0 : i32
        %dma_start3A_171 = arith.constant 0 : i32
        %dma_start3A_172 = tpu.memref_slice %arg11[%dma_start3A_170, %dma_start3A_171] : memref<10240x128xf32, #tpu.memory_space<vmem_shared>> -> memref<10240x128xf32, #tpu.memory_space<vmem_shared>>
        tpu.enqueue_indirect_dma source(%arg9 : memref<128x128xf32, #tpu.memory_space<vmem>>) target(%dma_start3A_172 : memref<10240x128xf32, #tpu.memory_space<vmem_shared>>) offsets(%dma_start3A_169 : memref<128xi32, #tpu.memory_space<vmem>>) semaphore(%run_scoped3A_166 : memref<!tpu.dma_semaphore, #tpu.memory_space<semaphore_mem>>) {add = true}
        %dma_wait3A_173 = arith.constant 0 : i32
        %dma_wait3A_174 = tpu.memref_slice %arg7[%run_scoped3A_81, %dma_wait3A_173] : memref<8x128xi32, #tpu.memory_space<vmem>> -> memref<1x128xi32, #tpu.memory_space<vmem>>
        %dma_wait3A_175 = tpu.memref_squeeze %dma_wait3A_174 : memref<1x128xi32, #tpu.memory_space<vmem>> -> memref<128xi32, #tpu.memory_space<vmem>>
        %dma_wait3A_176 = arith.constant 0 : i32
        %dma_wait3A_177 = arith.constant 0 : i32
        %dma_wait3A_178 = tpu.memref_slice %arg11[%dma_wait3A_176, %dma_wait3A_177] : memref<10240x128xf32, #tpu.memory_space<vmem_shared>> -> memref<10240x128xf32, #tpu.memory_space<vmem_shared>>
        tpu.wait_indirect_dma semaphore(%run_scoped3A_166 : memref<!tpu.dma_semaphore, #tpu.memory_space<semaphore_mem>>) src(%arg9 : memref<128x128xf32, #tpu.memory_space<vmem>>) dst(%dma_wait3A_178 : memref<10240x128xf32, #tpu.memory_space<vmem_shared>>)
        tpu.yield
      }) : () -> ()
      %dma_start3A_82 = arith.constant 3 : i32
      %dma_start3A_83 = arith.constant 0 : i32
      %dma_start3A_84 = tpu.memref_slice %arg6[%dma_start3A_82, %dma_start3A_83] : memref<8x128xi32, #tpu.memory_space<vmem>> -> memref<1x128xi32, #tpu.memory_space<vmem>>
      %dma_start3A_85 = tpu.memref_squeeze %dma_start3A_84 : memref<1x128xi32, #tpu.memory_space<vmem>> -> memref<128xi32, #tpu.memory_space<vmem>>
      %dma_start3A_86 = arith.constant 0 : i32
      %dma_start3A_87 = arith.constant 0 : i32
      %dma_start3A_88 = tpu.memref_slice %arg2[%dma_start3A_86, %dma_start3A_87] : memref<10000x128xf32, #tpu.memory_space<hbm>> -> memref<10000x128xf32, #tpu.memory_space<hbm>>
      tpu.enqueue_indirect_dma source(%dma_start3A_88 : memref<10000x128xf32, #tpu.memory_space<hbm>>) target(%arg9 : memref<128x128xf32, #tpu.memory_space<vmem>>) offsets(%dma_start3A_85 : memref<128xi32, #tpu.memory_space<vmem>>) semaphore(%arg13 : memref<!tpu.dma_semaphore, #tpu.memory_space<semaphore_mem>>)
      %dma_wait3A_89 = arith.constant 2 : i32
      %dma_wait3A_90 = arith.constant 0 : i32
      %dma_wait3A_91 = tpu.memref_slice %arg6[%dma_wait3A_89, %dma_wait3A_90] : memref<8x128xi32, #tpu.memory_space<vmem>> -> memref<1x128xi32, #tpu.memory_space<vmem>>
      %dma_wait3A_92 = tpu.memref_squeeze %dma_wait3A_91 : memref<1x128xi32, #tpu.memory_space<vmem>> -> memref<128xi32, #tpu.memory_space<vmem>>
      %dma_wait3A_93 = arith.constant 0 : i32
      %dma_wait3A_94 = arith.constant 0 : i32
      %dma_wait3A_95 = tpu.memref_slice %arg2[%dma_wait3A_93, %dma_wait3A_94] : memref<10000x128xf32, #tpu.memory_space<hbm>> -> memref<10000x128xf32, #tpu.memory_space<hbm>>
      tpu.wait_indirect_dma semaphore(%arg13 : memref<!tpu.dma_semaphore, #tpu.memory_space<semaphore_mem>>) src(%dma_wait3A_95 : memref<10000x128xf32, #tpu.memory_space<hbm>>) dst(%arg8 : memref<128x128xf32, #tpu.memory_space<vmem>>)
      %run_scoped3A_96 = arith.constant 2 : i32
      "tpu.region"() ({
        %run_scoped3A_166 = tpu.sem_alloc : memref<!tpu.dma_semaphore, #tpu.memory_space<semaphore_mem>>
        %dma_start3A_167 = arith.constant 0 : i32
        %dma_start3A_168 = tpu.memref_slice %arg7[%run_scoped3A_96, %dma_start3A_167] : memref<8x128xi32, #tpu.memory_space<vmem>> -> memref<1x128xi32, #tpu.memory_space<vmem>>
        %dma_start3A_169 = tpu.memref_squeeze %dma_start3A_168 : memref<1x128xi32, #tpu.memory_space<vmem>> -> memref<128xi32, #tpu.memory_space<vmem>>
        %dma_start3A_170 = arith.constant 0 : i32
        %dma_start3A_171 = arith.constant 0 : i32
        %dma_start3A_172 = tpu.memref_slice %arg11[%dma_start3A_170, %dma_start3A_171] : memref<10240x128xf32, #tpu.memory_space<vmem_shared>> -> memref<10240x128xf32, #tpu.memory_space<vmem_shared>>
        tpu.enqueue_indirect_dma source(%arg8 : memref<128x128xf32, #tpu.memory_space<vmem>>) target(%dma_start3A_172 : memref<10240x128xf32, #tpu.memory_space<vmem_shared>>) offsets(%dma_start3A_169 : memref<128xi32, #tpu.memory_space<vmem>>) semaphore(%run_scoped3A_166 : memref<!tpu.dma_semaphore, #tpu.memory_space<semaphore_mem>>) {add = true}
        %dma_wait3A_173 = arith.constant 0 : i32
        %dma_wait3A_174 = tpu.memref_slice %arg7[%run_scoped3A_96, %dma_wait3A_173] : memref<8x128xi32, #tpu.memory_space<vmem>> -> memref<1x128xi32, #tpu.memory_space<vmem>>
        %dma_wait3A_175 = tpu.memref_squeeze %dma_wait3A_174 : memref<1x128xi32, #tpu.memory_space<vmem>> -> memref<128xi32, #tpu.memory_space<vmem>>
        %dma_wait3A_176 = arith.constant 0 : i32
        %dma_wait3A_177 = arith.constant 0 : i32
        %dma_wait3A_178 = tpu.memref_slice %arg11[%dma_wait3A_176, %dma_wait3A_177] : memref<10240x128xf32, #tpu.memory_space<vmem_shared>> -> memref<10240x128xf32, #tpu.memory_space<vmem_shared>>
        tpu.wait_indirect_dma semaphore(%run_scoped3A_166 : memref<!tpu.dma_semaphore, #tpu.memory_space<semaphore_mem>>) src(%arg8 : memref<128x128xf32, #tpu.memory_space<vmem>>) dst(%dma_wait3A_178 : memref<10240x128xf32, #tpu.memory_space<vmem_shared>>)
        tpu.yield
      }) : () -> ()
      %dma_start3A_97 = arith.constant 4 : i32
      %dma_start3A_98 = arith.constant 0 : i32
      %dma_start3A_99 = tpu.memref_slice %arg6[%dma_start3A_97, %dma_start3A_98] : memref<8x128xi32, #tpu.memory_space<vmem>> -> memref<1x128xi32, #tpu.memory_space<vmem>>
      %dma_start3A_100 = tpu.memref_squeeze %dma_start3A_99 : memref<1x128xi32, #tpu.memory_space<vmem>> -> memref<128xi32, #tpu.memory_space<vmem>>
      %dma_start3A_101 = arith.constant 0 : i32
      %dma_start3A_102 = arith.constant 0 : i32
      %dma_start3A_103 = tpu.memref_slice %arg2[%dma_start3A_101, %dma_start3A_102] : memref<10000x128xf32, #tpu.memory_space<hbm>> -> memref<10000x128xf32, #tpu.memory_space<hbm>>
      tpu.enqueue_indirect_dma source(%dma_start3A_103 : memref<10000x128xf32, #tpu.memory_space<hbm>>) target(%arg8 : memref<128x128xf32, #tpu.memory_space<vmem>>) offsets(%dma_start3A_100 : memref<128xi32, #tpu.memory_space<vmem>>) semaphore(%arg13 : memref<!tpu.dma_semaphore, #tpu.memory_space<semaphore_mem>>)
      %dma_wait3A_104 = arith.constant 3 : i32
      %dma_wait3A_105 = arith.constant 0 : i32
      %dma_wait3A_106 = tpu.memref_slice %arg6[%dma_wait3A_104, %dma_wait3A_105] : memref<8x128xi32, #tpu.memory_space<vmem>> -> memref<1x128xi32, #tpu.memory_space<vmem>>
      %dma_wait3A_107 = tpu.memref_squeeze %dma_wait3A_106 : memref<1x128xi32, #tpu.memory_space<vmem>> -> memref<128xi32, #tpu.memory_space<vmem>>
      %dma_wait3A_108 = arith.constant 0 : i32
      %dma_wait3A_109 = arith.constant 0 : i32
      %dma_wait3A_110 = tpu.memref_slice %arg2[%dma_wait3A_108, %dma_wait3A_109] : memref<10000x128xf32, #tpu.memory_space<hbm>> -> memref<10000x128xf32, #tpu.memory_space<hbm>>
      tpu.wait_indirect_dma semaphore(%arg13 : memref<!tpu.dma_semaphore, #tpu.memory_space<semaphore_mem>>) src(%dma_wait3A_110 : memref<10000x128xf32, #tpu.memory_space<hbm>>) dst(%arg9 : memref<128x128xf32, #tpu.memory_space<vmem>>)
      %run_scoped3A_111 = arith.constant 3 : i32
      "tpu.region"() ({
        %run_scoped3A_166 = tpu.sem_alloc : memref<!tpu.dma_semaphore, #tpu.memory_space<semaphore_mem>>
        %dma_start3A_167 = arith.constant 0 : i32
        %dma_start3A_168 = tpu.memref_slice %arg7[%run_scoped3A_111, %dma_start3A_167] : memref<8x128xi32, #tpu.memory_space<vmem>> -> memref<1x128xi32, #tpu.memory_space<vmem>>
        %dma_start3A_169 = tpu.memref_squeeze %dma_start3A_168 : memref<1x128xi32, #tpu.memory_space<vmem>> -> memref<128xi32, #tpu.memory_space<vmem>>
        %dma_start3A_170 = arith.constant 0 : i32
        %dma_start3A_171 = arith.constant 0 : i32
        %dma_start3A_172 = tpu.memref_slice %arg11[%dma_start3A_170, %dma_start3A_171] : memref<10240x128xf32, #tpu.memory_space<vmem_shared>> -> memref<10240x128xf32, #tpu.memory_space<vmem_shared>>
        tpu.enqueue_indirect_dma source(%arg9 : memref<128x128xf32, #tpu.memory_space<vmem>>) target(%dma_start3A_172 : memref<10240x128xf32, #tpu.memory_space<vmem_shared>>) offsets(%dma_start3A_169 : memref<128xi32, #tpu.memory_space<vmem>>) semaphore(%run_scoped3A_166 : memref<!tpu.dma_semaphore, #tpu.memory_space<semaphore_mem>>) {add = true}
        %dma_wait3A_173 = arith.constant 0 : i32
        %dma_wait3A_174 = tpu.memref_slice %arg7[%run_scoped3A_111, %dma_wait3A_173] : memref<8x128xi32, #tpu.memory_space<vmem>> -> memref<1x128xi32, #tpu.memory_space<vmem>>
        %dma_wait3A_175 = tpu.memref_squeeze %dma_wait3A_174 : memref<1x128xi32, #tpu.memory_space<vmem>> -> memref<128xi32, #tpu.memory_space<vmem>>
        %dma_wait3A_176 = arith.constant 0 : i32
        %dma_wait3A_177 = arith.constant 0 : i32
        %dma_wait3A_178 = tpu.memref_slice %arg11[%dma_wait3A_176, %dma_wait3A_177] : memref<10240x128xf32, #tpu.memory_space<vmem_shared>> -> memref<10240x128xf32, #tpu.memory_space<vmem_shared>>
        tpu.wait_indirect_dma semaphore(%run_scoped3A_166 : memref<!tpu.dma_semaphore, #tpu.memory_space<semaphore_mem>>) src(%arg9 : memref<128x128xf32, #tpu.memory_space<vmem>>) dst(%dma_wait3A_178 : memref<10240x128xf32, #tpu.memory_space<vmem_shared>>)
        tpu.yield
      }) : () -> ()
      %dma_start3A_112 = arith.constant 5 : i32
      %dma_start3A_113 = arith.constant 0 : i32
      %dma_start3A_114 = tpu.memref_slice %arg6[%dma_start3A_112, %dma_start3A_113] : memref<8x128xi32, #tpu.memory_space<vmem>> -> memref<1x128xi32, #tpu.memory_space<vmem>>
      %dma_start3A_115 = tpu.memref_squeeze %dma_start3A_114 : memref<1x128xi32, #tpu.memory_space<vmem>> -> memref<128xi32, #tpu.memory_space<vmem>>
      %dma_start3A_116 = arith.constant 0 : i32
      %dma_start3A_117 = arith.constant 0 : i32
      %dma_start3A_118 = tpu.memref_slice %arg2[%dma_start3A_116, %dma_start3A_117] : memref<10000x128xf32, #tpu.memory_space<hbm>> -> memref<10000x128xf32, #tpu.memory_space<hbm>>
      tpu.enqueue_indirect_dma source(%dma_start3A_118 : memref<10000x128xf32, #tpu.memory_space<hbm>>) target(%arg9 : memref<128x128xf32, #tpu.memory_space<vmem>>) offsets(%dma_start3A_115 : memref<128xi32, #tpu.memory_space<vmem>>) semaphore(%arg13 : memref<!tpu.dma_semaphore, #tpu.memory_space<semaphore_mem>>)
      %dma_wait3A_119 = arith.constant 4 : i32
      %dma_wait3A_120 = arith.constant 0 : i32
      %dma_wait3A_121 = tpu.memref_slice %arg6[%dma_wait3A_119, %dma_wait3A_120] : memref<8x128xi32, #tpu.memory_space<vmem>> -> memref<1x128xi32, #tpu.memory_space<vmem>>
      %dma_wait3A_122 = tpu.memref_squeeze %dma_wait3A_121 : memref<1x128xi32, #tpu.memory_space<vmem>> -> memref<128xi32, #tpu.memory_space<vmem>>
      %dma_wait3A_123 = arith.constant 0 : i32
      %dma_wait3A_124 = arith.constant 0 : i32
      %dma_wait3A_125 = tpu.memref_slice %arg2[%dma_wait3A_123, %dma_wait3A_124] : memref<10000x128xf32, #tpu.memory_space<hbm>> -> memref<10000x128xf32, #tpu.memory_space<hbm>>
      tpu.wait_indirect_dma semaphore(%arg13 : memref<!tpu.dma_semaphore, #tpu.memory_space<semaphore_mem>>) src(%dma_wait3A_125 : memref<10000x128xf32, #tpu.memory_space<hbm>>) dst(%arg8 : memref<128x128xf32, #tpu.memory_space<vmem>>)
      %run_scoped3A_126 = arith.constant 4 : i32
      "tpu.region"() ({
        %run_scoped3A_166 = tpu.sem_alloc : memref<!tpu.dma_semaphore, #tpu.memory_space<semaphore_mem>>
        %dma_start3A_167 = arith.constant 0 : i32
        %dma_start3A_168 = tpu.memref_slice %arg7[%run_scoped3A_126, %dma_start3A_167] : memref<8x128xi32, #tpu.memory_space<vmem>> -> memref<1x128xi32, #tpu.memory_space<vmem>>
        %dma_start3A_169 = tpu.memref_squeeze %dma_start3A_168 : memref<1x128xi32, #tpu.memory_space<vmem>> -> memref<128xi32, #tpu.memory_space<vmem>>
        %dma_start3A_170 = arith.constant 0 : i32
        %dma_start3A_171 = arith.constant 0 : i32
        %dma_start3A_172 = tpu.memref_slice %arg11[%dma_start3A_170, %dma_start3A_171] : memref<10240x128xf32, #tpu.memory_space<vmem_shared>> -> memref<10240x128xf32, #tpu.memory_space<vmem_shared>>
        tpu.enqueue_indirect_dma source(%arg8 : memref<128x128xf32, #tpu.memory_space<vmem>>) target(%dma_start3A_172 : memref<10240x128xf32, #tpu.memory_space<vmem_shared>>) offsets(%dma_start3A_169 : memref<128xi32, #tpu.memory_space<vmem>>) semaphore(%run_scoped3A_166 : memref<!tpu.dma_semaphore, #tpu.memory_space<semaphore_mem>>) {add = true}
        %dma_wait3A_173 = arith.constant 0 : i32
        %dma_wait3A_174 = tpu.memref_slice %arg7[%run_scoped3A_126, %dma_wait3A_173] : memref<8x128xi32, #tpu.memory_space<vmem>> -> memref<1x128xi32, #tpu.memory_space<vmem>>
        %dma_wait3A_175 = tpu.memref_squeeze %dma_wait3A_174 : memref<1x128xi32, #tpu.memory_space<vmem>> -> memref<128xi32, #tpu.memory_space<vmem>>
        %dma_wait3A_176 = arith.constant 0 : i32
        %dma_wait3A_177 = arith.constant 0 : i32
        %dma_wait3A_178 = tpu.memref_slice %arg11[%dma_wait3A_176, %dma_wait3A_177] : memref<10240x128xf32, #tpu.memory_space<vmem_shared>> -> memref<10240x128xf32, #tpu.memory_space<vmem_shared>>
        tpu.wait_indirect_dma semaphore(%run_scoped3A_166 : memref<!tpu.dma_semaphore, #tpu.memory_space<semaphore_mem>>) src(%arg8 : memref<128x128xf32, #tpu.memory_space<vmem>>) dst(%dma_wait3A_178 : memref<10240x128xf32, #tpu.memory_space<vmem_shared>>)
        tpu.yield
      }) : () -> ()
      %dma_start3A_127 = arith.constant 6 : i32
      %dma_start3A_128 = arith.constant 0 : i32
      %dma_start3A_129 = tpu.memref_slice %arg6[%dma_start3A_127, %dma_start3A_128] : memref<8x128xi32, #tpu.memory_space<vmem>> -> memref<1x128xi32, #tpu.memory_space<vmem>>
      %dma_start3A_130 = tpu.memref_squeeze %dma_start3A_129 : memref<1x128xi32, #tpu.memory_space<vmem>> -> memref<128xi32, #tpu.memory_space<vmem>>
      %dma_start3A_131 = arith.constant 0 : i32
      %dma_start3A_132 = arith.constant 0 : i32
      %dma_start3A_133 = tpu.memref_slice %arg2[%dma_start3A_131, %dma_start3A_132] : memref<10000x128xf32, #tpu.memory_space<hbm>> -> memref<10000x128xf32, #tpu.memory_space<hbm>>
      tpu.enqueue_indirect_dma source(%dma_start3A_133 : memref<10000x128xf32, #tpu.memory_space<hbm>>) target(%arg8 : memref<128x128xf32, #tpu.memory_space<vmem>>) offsets(%dma_start3A_130 : memref<128xi32, #tpu.memory_space<vmem>>) semaphore(%arg13 : memref<!tpu.dma_semaphore, #tpu.memory_space<semaphore_mem>>)
      %dma_wait3A_134 = arith.constant 5 : i32
      %dma_wait3A_135 = arith.constant 0 : i32
      %dma_wait3A_136 = tpu.memref_slice %arg6[%dma_wait3A_134, %dma_wait3A_135] : memref<8x128xi32, #tpu.memory_space<vmem>> -> memref<1x128xi32, #tpu.memory_space<vmem>>
      %dma_wait3A_137 = tpu.memref_squeeze %dma_wait3A_136 : memref<1x128xi32, #tpu.memory_space<vmem>> -> memref<128xi32, #tpu.memory_space<vmem>>
      %dma_wait3A_138 = arith.constant 0 : i32
      %dma_wait3A_139 = arith.constant 0 : i32
      %dma_wait3A_140 = tpu.memref_slice %arg2[%dma_wait3A_138, %dma_wait3A_139] : memref<10000x128xf32, #tpu.memory_space<hbm>> -> memref<10000x128xf32, #tpu.memory_space<hbm>>
      tpu.wait_indirect_dma semaphore(%arg13 : memref<!tpu.dma_semaphore, #tpu.memory_space<semaphore_mem>>) src(%dma_wait3A_140 : memref<10000x128xf32, #tpu.memory_space<hbm>>) dst(%arg9 : memref<128x128xf32, #tpu.memory_space<vmem>>)
      %run_scoped3A_141 = arith.constant 5 : i32
      "tpu.region"() ({
        %run_scoped3A_166 = tpu.sem_alloc : memref<!tpu.dma_semaphore, #tpu.memory_space<semaphore_mem>>
        %dma_start3A_167 = arith.constant 0 : i32
        %dma_start3A_168 = tpu.memref_slice %arg7[%run_scoped3A_141, %dma_start3A_167] : memref<8x128xi32, #tpu.memory_space<vmem>> -> memref<1x128xi32, #tpu.memory_space<vmem>>
        %dma_start3A_169 = tpu.memref_squeeze %dma_start3A_168 : memref<1x128xi32, #tpu.memory_space<vmem>> -> memref<128xi32, #tpu.memory_space<vmem>>
        %dma_start3A_170 = arith.constant 0 : i32
        %dma_start3A_171 = arith.constant 0 : i32
        %dma_start3A_172 = tpu.memref_slice %arg11[%dma_start3A_170, %dma_start3A_171] : memref<10240x128xf32, #tpu.memory_space<vmem_shared>> -> memref<10240x128xf32, #tpu.memory_space<vmem_shared>>
        tpu.enqueue_indirect_dma source(%arg9 : memref<128x128xf32, #tpu.memory_space<vmem>>) target(%dma_start3A_172 : memref<10240x128xf32, #tpu.memory_space<vmem_shared>>) offsets(%dma_start3A_169 : memref<128xi32, #tpu.memory_space<vmem>>) semaphore(%run_scoped3A_166 : memref<!tpu.dma_semaphore, #tpu.memory_space<semaphore_mem>>) {add = true}
        %dma_wait3A_173 = arith.constant 0 : i32
        %dma_wait3A_174 = tpu.memref_slice %arg7[%run_scoped3A_141, %dma_wait3A_173] : memref<8x128xi32, #tpu.memory_space<vmem>> -> memref<1x128xi32, #tpu.memory_space<vmem>>
        %dma_wait3A_175 = tpu.memref_squeeze %dma_wait3A_174 : memref<1x128xi32, #tpu.memory_space<vmem>> -> memref<128xi32, #tpu.memory_space<vmem>>
        %dma_wait3A_176 = arith.constant 0 : i32
        %dma_wait3A_177 = arith.constant 0 : i32
        %dma_wait3A_178 = tpu.memref_slice %arg11[%dma_wait3A_176, %dma_wait3A_177] : memref<10240x128xf32, #tpu.memory_space<vmem_shared>> -> memref<10240x128xf32, #tpu.memory_space<vmem_shared>>
        tpu.wait_indirect_dma semaphore(%run_scoped3A_166 : memref<!tpu.dma_semaphore, #tpu.memory_space<semaphore_mem>>) src(%arg9 : memref<128x128xf32, #tpu.memory_space<vmem>>) dst(%dma_wait3A_178 : memref<10240x128xf32, #tpu.memory_space<vmem_shared>>)
        tpu.yield
      }) : () -> ()
      %dma_start3A_142 = arith.constant 7 : i32
      %dma_start3A_143 = arith.constant 0 : i32
      %dma_start3A_144 = tpu.memref_slice %arg6[%dma_start3A_142, %dma_start3A_143] : memref<8x128xi32, #tpu.memory_space<vmem>> -> memref<1x128xi32, #tpu.memory_space<vmem>>
      %dma_start3A_145 = tpu.memref_squeeze %dma_start3A_144 : memref<1x128xi32, #tpu.memory_space<vmem>> -> memref<128xi32, #tpu.memory_space<vmem>>
      %dma_start3A_146 = arith.constant 0 : i32
      %dma_start3A_147 = arith.constant 0 : i32
      %dma_start3A_148 = tpu.memref_slice %arg2[%dma_start3A_146, %dma_start3A_147] : memref<10000x128xf32, #tpu.memory_space<hbm>> -> memref<10000x128xf32, #tpu.memory_space<hbm>>
      tpu.enqueue_indirect_dma source(%dma_start3A_148 : memref<10000x128xf32, #tpu.memory_space<hbm>>) target(%arg9 : memref<128x128xf32, #tpu.memory_space<vmem>>) offsets(%dma_start3A_145 : memref<128xi32, #tpu.memory_space<vmem>>) semaphore(%arg13 : memref<!tpu.dma_semaphore, #tpu.memory_space<semaphore_mem>>)
      %dma_wait3A_149 = arith.constant 6 : i32
      %dma_wait3A_150 = arith.constant 0 : i32
      %dma_wait3A_151 = tpu.memref_slice %arg6[%dma_wait3A_149, %dma_wait3A_150] : memref<8x128xi32, #tpu.memory_space<vmem>> -> memref<1x128xi32, #tpu.memory_space<vmem>>
      %dma_wait3A_152 = tpu.memref_squeeze %dma_wait3A_151 : memref<1x128xi32, #tpu.memory_space<vmem>> -> memref<128xi32, #tpu.memory_space<vmem>>
      %dma_wait3A_153 = arith.constant 0 : i32
      %dma_wait3A_154 = arith.constant 0 : i32
      %dma_wait3A_155 = tpu.memref_slice %arg2[%dma_wait3A_153, %dma_wait3A_154] : memref<10000x128xf32, #tpu.memory_space<hbm>> -> memref<10000x128xf32, #tpu.memory_space<hbm>>
      tpu.wait_indirect_dma semaphore(%arg13 : memref<!tpu.dma_semaphore, #tpu.memory_space<semaphore_mem>>) src(%dma_wait3A_155 : memref<10000x128xf32, #tpu.memory_space<hbm>>) dst(%arg8 : memref<128x128xf32, #tpu.memory_space<vmem>>)
      %run_scoped3A_156 = arith.constant 6 : i32
      "tpu.region"() ({
        %run_scoped3A_166 = tpu.sem_alloc : memref<!tpu.dma_semaphore, #tpu.memory_space<semaphore_mem>>
        %dma_start3A_167 = arith.constant 0 : i32
        %dma_start3A_168 = tpu.memref_slice %arg7[%run_scoped3A_156, %dma_start3A_167] : memref<8x128xi32, #tpu.memory_space<vmem>> -> memref<1x128xi32, #tpu.memory_space<vmem>>
        %dma_start3A_169 = tpu.memref_squeeze %dma_start3A_168 : memref<1x128xi32, #tpu.memory_space<vmem>> -> memref<128xi32, #tpu.memory_space<vmem>>
        %dma_start3A_170 = arith.constant 0 : i32
        %dma_start3A_171 = arith.constant 0 : i32
        %dma_start3A_172 = tpu.memref_slice %arg11[%dma_start3A_170, %dma_start3A_171] : memref<10240x128xf32, #tpu.memory_space<vmem_shared>> -> memref<10240x128xf32, #tpu.memory_space<vmem_shared>>
        tpu.enqueue_indirect_dma source(%arg8 : memref<128x128xf32, #tpu.memory_space<vmem>>) target(%dma_start3A_172 : memref<10240x128xf32, #tpu.memory_space<vmem_shared>>) offsets(%dma_start3A_169 : memref<128xi32, #tpu.memory_space<vmem>>) semaphore(%run_scoped3A_166 : memref<!tpu.dma_semaphore, #tpu.memory_space<semaphore_mem>>) {add = true}
        %dma_wait3A_173 = arith.constant 0 : i32
        %dma_wait3A_174 = tpu.memref_slice %arg7[%run_scoped3A_156, %dma_wait3A_173] : memref<8x128xi32, #tpu.memory_space<vmem>> -> memref<1x128xi32, #tpu.memory_space<vmem>>
        %dma_wait3A_175 = tpu.memref_squeeze %dma_wait3A_174 : memref<1x128xi32, #tpu.memory_space<vmem>> -> memref<128xi32, #tpu.memory_space<vmem>>
        %dma_wait3A_176 = arith.constant 0 : i32
        %dma_wait3A_177 = arith.constant 0 : i32
        %dma_wait3A_178 = tpu.memref_slice %arg11[%dma_wait3A_176, %dma_wait3A_177] : memref<10240x128xf32, #tpu.memory_space<vmem_shared>> -> memref<10240x128xf32, #tpu.memory_space<vmem_shared>>
        tpu.wait_indirect_dma semaphore(%run_scoped3A_166 : memref<!tpu.dma_semaphore, #tpu.memory_space<semaphore_mem>>) src(%arg8 : memref<128x128xf32, #tpu.memory_space<vmem>>) dst(%dma_wait3A_178 : memref<10240x128xf32, #tpu.memory_space<vmem_shared>>)
        tpu.yield
      }) : () -> ()
      %dma_wait3A_157 = arith.constant 7 : i32
      %dma_wait3A_158 = arith.constant 0 : i32
      %dma_wait3A_159 = tpu.memref_slice %arg6[%dma_wait3A_157, %dma_wait3A_158] : memref<8x128xi32, #tpu.memory_space<vmem>> -> memref<1x128xi32, #tpu.memory_space<vmem>>
      %dma_wait3A_160 = tpu.memref_squeeze %dma_wait3A_159 : memref<1x128xi32, #tpu.memory_space<vmem>> -> memref<128xi32, #tpu.memory_space<vmem>>
      %dma_wait3A_161 = arith.constant 0 : i32
      %dma_wait3A_162 = arith.constant 0 : i32
      %dma_wait3A_163 = tpu.memref_slice %arg2[%dma_wait3A_161, %dma_wait3A_162] : memref<10000x128xf32, #tpu.memory_space<hbm>> -> memref<10000x128xf32, #tpu.memory_space<hbm>>
      tpu.wait_indirect_dma semaphore(%arg13 : memref<!tpu.dma_semaphore, #tpu.memory_space<semaphore_mem>>) src(%dma_wait3A_163 : memref<10000x128xf32, #tpu.memory_space<hbm>>) dst(%arg9 : memref<128x128xf32, #tpu.memory_space<vmem>>)
      %run_scoped3A_164 = arith.constant 7 : i32
      "tpu.region"() ({
        %run_scoped3A_166 = tpu.sem_alloc : memref<!tpu.dma_semaphore, #tpu.memory_space<semaphore_mem>>
        %dma_start3A_167 = arith.constant 0 : i32
        %dma_start3A_168 = tpu.memref_slice %arg7[%run_scoped3A_164, %dma_start3A_167] : memref<8x128xi32, #tpu.memory_space<vmem>> -> memref<1x128xi32, #tpu.memory_space<vmem>>
        %dma_start3A_169 = tpu.memref_squeeze %dma_start3A_168 : memref<1x128xi32, #tpu.memory_space<vmem>> -> memref<128xi32, #tpu.memory_space<vmem>>
        %dma_start3A_170 = arith.constant 0 : i32
        %dma_start3A_171 = arith.constant 0 : i32
        %dma_start3A_172 = tpu.memref_slice %arg11[%dma_start3A_170, %dma_start3A_171] : memref<10240x128xf32, #tpu.memory_space<vmem_shared>> -> memref<10240x128xf32, #tpu.memory_space<vmem_shared>>
        tpu.enqueue_indirect_dma source(%arg9 : memref<128x128xf32, #tpu.memory_space<vmem>>) target(%dma_start3A_172 : memref<10240x128xf32, #tpu.memory_space<vmem_shared>>) offsets(%dma_start3A_169 : memref<128xi32, #tpu.memory_space<vmem>>) semaphore(%run_scoped3A_166 : memref<!tpu.dma_semaphore, #tpu.memory_space<semaphore_mem>>) {add = true}
        %dma_wait3A_173 = arith.constant 0 : i32
        %dma_wait3A_174 = tpu.memref_slice %arg7[%run_scoped3A_164, %dma_wait3A_173] : memref<8x128xi32, #tpu.memory_space<vmem>> -> memref<1x128xi32, #tpu.memory_space<vmem>>
        %dma_wait3A_175 = tpu.memref_squeeze %dma_wait3A_174 : memref<1x128xi32, #tpu.memory_space<vmem>> -> memref<128xi32, #tpu.memory_space<vmem>>
        %dma_wait3A_176 = arith.constant 0 : i32
        %dma_wait3A_177 = arith.constant 0 : i32
        %dma_wait3A_178 = tpu.memref_slice %arg11[%dma_wait3A_176, %dma_wait3A_177] : memref<10240x128xf32, #tpu.memory_space<vmem_shared>> -> memref<10240x128xf32, #tpu.memory_space<vmem_shared>>
        tpu.wait_indirect_dma semaphore(%run_scoped3A_166 : memref<!tpu.dma_semaphore, #tpu.memory_space<semaphore_mem>>) src(%arg9 : memref<128x128xf32, #tpu.memory_space<vmem>>) dst(%dma_wait3A_178 : memref<10240x128xf32, #tpu.memory_space<vmem_shared>>)
        tpu.yield
      }) : () -> ()
      %while3A_165 = arith.constant 0 : i32
      scf.yield %while3A_165 : i32
    }
    %barrier3A_35 = arith.constant 0 : index
    tpu.barrier barrier_id(%barrier3A_35)
    %mul3A_36 = arith.constant 640 : i32
    %mul3A_37 = arith.muli %arg1, %mul3A_36 : i32
    %mul3A_38 = arith.constant 640 : i32
    %mul3A_39 = arith.muli %arg1, %mul3A_38 : i32
    "tpu.region"() ({
      %run_scoped3A = tpu.sem_alloc : memref<!tpu.dma_semaphore, #tpu.memory_space<semaphore_mem>>
      %dma_start3A = arith.constant 0 : i32
      %dma_start3A_40 = tpu.memref_slice %arg5[%arg0, %mul3A_39, %dma_start3A] : memref<2x10240x128xf32, #tpu.memory_space<hbm>> -> memref<1x640x128xf32, #tpu.memory_space<hbm>>
      %dma_start3A_41 = tpu.memref_squeeze %dma_start3A_40 : memref<1x640x128xf32, #tpu.memory_space<hbm>> -> memref<640x128xf32, #tpu.memory_space<hbm>>
      %dma_start3A_42 = arith.constant 0 : i32
      %dma_start3A_43 = tpu.memref_slice %arg11[%mul3A_37, %dma_start3A_42] : memref<10240x128xf32, #tpu.memory_space<vmem_shared>> -> memref<640x128xf32, #tpu.memory_space<vmem_shared>>
      tpu.enqueue_dma source(%dma_start3A_43 : memref<640x128xf32, #tpu.memory_space<vmem_shared>>) target(%dma_start3A_41 : memref<640x128xf32, #tpu.memory_space<hbm>>) target_semaphore(%run_scoped3A : memref<!tpu.dma_semaphore, #tpu.memory_space<semaphore_mem>>)
      %dma_wait3A = arith.constant 0 : i32
      %dma_wait3A_44 = tpu.memref_slice %arg5[%arg0, %mul3A_39, %dma_wait3A] : memref<2x10240x128xf32, #tpu.memory_space<hbm>> -> memref<1x640x128xf32, #tpu.memory_space<hbm>>
      %dma_wait3A_45 = tpu.memref_squeeze %dma_wait3A_44 : memref<1x640x128xf32, #tpu.memory_space<hbm>> -> memref<640x128xf32, #tpu.memory_space<hbm>>
      %dma_wait3A_46 = arith.constant 0 : i32
      %dma_wait3A_47 = tpu.memref_slice %arg11[%mul3A_37, %dma_wait3A_46] : memref<10240x128xf32, #tpu.memory_space<vmem_shared>> -> memref<640x128xf32, #tpu.memory_space<vmem_shared>>
      tpu.wait_dma2 semaphore(%run_scoped3A : memref<!tpu.dma_semaphore, #tpu.memory_space<semaphore_mem>>) src(%dma_wait3A_47 : memref<640x128xf32, #tpu.memory_space<vmem_shared>>) dst(%dma_wait3A_45 : memref<640x128xf32, #tpu.memory_space<hbm>>)
      tpu.yield
    }) : () -> ()
    return
  }
}

module attributes {stable_mosaic.version = 14 : i64} {
  func.func @_layer1_body(%arg0: i32, %arg1: memref<1000x128xf32, #tpu.memory_space<vmem>>, %arg2: memref<128x128xf32, #tpu.memory_space<vmem>>, %arg3: memref<128x128xf32, #tpu.memory_space<vmem>>, %arg4: memref<1x128xf32, #tpu.memory_space<vmem>>, %arg5: memref<1000x128xf32, #tpu.memory_space<vmem>>, %arg6: memref<1000x128xf32, #tpu.memory_space<vmem>>) attributes {dimension_semantics = [#tpu.dimension_semantics<arbitrary>], iteration_bounds = array<i64: 10>, scalar_prefetch = 0 : i64, scratch_operands = 0 : i64, tpu.core_type = #tpu.core_type<tc>, window_params = [{transform_indices = @transform_0, window_bounds = array<i64: 1000, 128>}, {pipeline_mode = #tpu.pipeline_mode<synchronous>, transform_indices = @transform_1, window_bounds = array<i64: 128, 128>}, {pipeline_mode = #tpu.pipeline_mode<synchronous>, transform_indices = @transform_2, window_bounds = array<i64: 128, 128>}, {pipeline_mode = #tpu.pipeline_mode<synchronous>, transform_indices = @transform_3, window_bounds = array<i64: 1, 128>}, {transform_indices = @transform_4, window_bounds = array<i64: 1000, 128>}, {transform_indices = @transform_5, window_bounds = array<i64: 1000, 128>}]} {
    %get3A = arith.constant 0 : index
    %get3A_0 = arith.constant 0 : index
    %get3A_1 = vector.load %arg1[%get3A, %get3A_0] : memref<1000x128xf32, #tpu.memory_space<vmem>>, vector<1000x128xf32>
    %get3A_2 = arith.constant 0 : index
    %get3A_3 = arith.constant 0 : index
    %get3A_4 = vector.load %arg2[%get3A_2, %get3A_3] : memref<128x128xf32, #tpu.memory_space<vmem>>, vector<128x128xf32>
    %dot_general3A = arith.constant dense<0.000000e+00> : vector<1000x128xf32>
    %dot_general3A_5 = tpu.matmul %get3A_1, %get3A_4, %dot_general3A {dimension_numbers = #tpu.dot_dimension_numbers<[1], [0], [0], [1], [0, 0, 1, 1], [], []>, transpose_lhs_hint = false} : vector<1000x128xf32>, vector<128x128xf32>, vector<1000x128xf32> -> vector<1000x128xf32>
    %get3A_6 = arith.constant 0 : index
    %get3A_7 = arith.constant 0 : index
    %get3A_8 = vector.load %arg4[%get3A_6, %get3A_7] : memref<1x128xf32, #tpu.memory_space<vmem>>, vector<1x128xf32>
    %add3A = vector.broadcast %get3A_8 : vector<1x128xf32> to vector<1000x128xf32>
    %add3A_9 = arith.addf %dot_general3A_5, %add3A : vector<1000x128xf32>
    %swap3A = arith.constant 0 : index
    %swap3A_10 = arith.constant 0 : index
    %swap3A_11 = vector.load %arg5[%swap3A, %swap3A_10] : memref<1000x128xf32, #tpu.memory_space<vmem>>, vector<1000x128xf32>
    tpu.vector_store %arg5[%swap3A, %swap3A_10], %add3A_9 {strides = array<i32>} : memref<1000x128xf32, #tpu.memory_space<vmem>>, vector<1000x128xf32>,
    %get3A_12 = arith.constant 0 : index
    %get3A_13 = arith.constant 0 : index
    %get3A_14 = vector.load %arg3[%get3A_12, %get3A_13] : memref<128x128xf32, #tpu.memory_space<vmem>>, vector<128x128xf32>
    %dot_general3A_15 = arith.constant dense<0.000000e+00> : vector<1000x128xf32>
    %dot_general3A_16 = tpu.matmul %get3A_1, %get3A_14, %dot_general3A_15 {dimension_numbers = #tpu.dot_dimension_numbers<[1], [0], [0], [1], [0, 0, 1, 1], [], []>, transpose_lhs_hint = false} : vector<1000x128xf32>, vector<128x128xf32>, vector<1000x128xf32> -> vector<1000x128xf32>
    %swap3A_17 = arith.constant 0 : index
    %swap3A_18 = arith.constant 0 : index
    %swap3A_19 = vector.load %arg6[%swap3A_17, %swap3A_18] : memref<1000x128xf32, #tpu.memory_space<vmem>>, vector<1000x128xf32>
    tpu.vector_store %arg6[%swap3A_17, %swap3A_18], %dot_general3A_16 {strides = array<i32>} : memref<1000x128xf32, #tpu.memory_space<vmem>>, vector<1000x128xf32>,
    return
  }
  func.func @transform_0(%arg0: i32) -> (i32, i32) {
    %c0_i32 = arith.constant 0 : i32
    %c0_i32_0 = arith.constant 0 : i32
    return %arg0, %c0_i32 : i32, i32
  }
  func.func @transform_1(%arg0: i32) -> (i32, i32) {
    %c0_i32 = arith.constant 0 : i32
    %c0_i32_0 = arith.constant 0 : i32
    %c0_i32_1 = arith.constant 0 : i32
    return %c0_i32, %c0_i32_0 : i32, i32
  }
  func.func @transform_2(%arg0: i32) -> (i32, i32) {
    %c0_i32 = arith.constant 0 : i32
    %c0_i32_0 = arith.constant 0 : i32
    %c0_i32_1 = arith.constant 0 : i32
    return %c0_i32, %c0_i32_0 : i32, i32
  }
  func.func @transform_3(%arg0: i32) -> (i32, i32) {
    %c0_i32 = arith.constant 0 : i32
    %c0_i32_0 = arith.constant 0 : i32
    %c0_i32_1 = arith.constant 0 : i32
    return %c0_i32, %c0_i32_0 : i32, i32
  }
  func.func @transform_4(%arg0: i32) -> (i32, i32) {
    %c0_i32 = arith.constant 0 : i32
    %c0_i32_0 = arith.constant 0 : i32
    return %arg0, %c0_i32 : i32, i32
  }
  func.func @transform_5(%arg0: i32) -> (i32, i32) {
    %c0_i32 = arith.constant 0 : i32
    %c0_i32_0 = arith.constant 0 : i32
    return %arg0, %c0_i32 : i32, i32
  }
}

module attributes {stable_mosaic.version = 14 : i64} {
  func.func @_layer2_body(%arg0: i32, %arg1: memref<1000x128xf32, #tpu.memory_space<vmem>>, %arg2: memref<1000x128xf32, #tpu.memory_space<vmem>>, %arg3: memref<1000x128xf32, #tpu.memory_space<vmem>>, %arg4: memref<1000x1xf32, #tpu.memory_space<vmem>>, %arg5: memref<1000x1xf32, #tpu.memory_space<vmem>>, %arg6: memref<128x128xf32, #tpu.memory_space<vmem>>, %arg7: memref<128x128xf32, #tpu.memory_space<vmem>>, %arg8: memref<1x128xf32, #tpu.memory_space<vmem>>, %arg9: memref<1000x128xf32, #tpu.memory_space<vmem>>, %arg10: memref<1000x128xf32, #tpu.memory_space<vmem>>, %arg11: memref<1000x1xf32, #tpu.memory_space<vmem>>) attributes {dimension_semantics = [#tpu.dimension_semantics<arbitrary>], iteration_bounds = array<i64: 10>, scalar_prefetch = 0 : i64, scratch_operands = 0 : i64, tpu.core_type = #tpu.core_type<tc>, window_params = [{transform_indices = @transform_0, window_bounds = array<i64: 1000, 128>}, {transform_indices = @transform_1, window_bounds = array<i64: 1000, 128>}, {transform_indices = @transform_2, window_bounds = array<i64: 1000, 128>}, {transform_indices = @transform_3, window_bounds = array<i64: 1000, 1>}, {transform_indices = @transform_4, window_bounds = array<i64: 1000, 1>}, {pipeline_mode = #tpu.pipeline_mode<synchronous>, transform_indices = @transform_5, window_bounds = array<i64: 128, 128>}, {pipeline_mode = #tpu.pipeline_mode<synchronous>, transform_indices = @transform_6, window_bounds = array<i64: 128, 128>}, {pipeline_mode = #tpu.pipeline_mode<synchronous>, transform_indices = @transform_7, window_bounds = array<i64: 1, 128>}, {transform_indices = @transform_8, window_bounds = array<i64: 1000, 128>}, {transform_indices = @transform_9, window_bounds = array<i64: 1000, 128>}, {transform_indices = @transform_10, window_bounds = array<i64: 1000, 1>}]} {
    %get3A = arith.constant 0 : index
    %get3A_0 = arith.constant 0 : index
    %get3A_1 = vector.load %arg4[%get3A, %get3A_0] : memref<1000x1xf32, #tpu.memory_space<vmem>>, vector<1000x1xf32>
    %get3A_2 = arith.constant 0 : index
    %get3A_3 = arith.constant 0 : index
    %get3A_4 = vector.load %arg5[%get3A_2, %get3A_3] : memref<1000x1xf32, #tpu.memory_space<vmem>>, vector<1000x1xf32>
    %add3A = arith.addf %get3A_1, %get3A_4 : vector<1000x1xf32>
    %max3A = arith.constant 1.000000e+00 : f32
    %max3A_5 = vector.broadcast %max3A : f32 to vector<1000x1xf32>
    %max3A_6 = arith.maximumf %add3A, %max3A_5 : vector<1000x1xf32>
    %div3A = arith.constant 1.000000e+00 : f32
    %div3A_7 = vector.broadcast %div3A : f32 to vector<1000x1xf32>
    %div3A_8 = arith.divf %div3A_7, %max3A_6 : vector<1000x1xf32>
    %get3A_9 = arith.constant 0 : index
    %get3A_10 = arith.constant 0 : index
    %get3A_11 = vector.load %arg1[%get3A_9, %get3A_10] : memref<1000x128xf32, #tpu.memory_space<vmem>>, vector<1000x128xf32>
    %get3A_12 = arith.constant 0 : index
    %get3A_13 = arith.constant 0 : index
    %get3A_14 = vector.load %arg2[%get3A_12, %get3A_13] : memref<1000x128xf32, #tpu.memory_space<vmem>>, vector<1000x128xf32>
    %get3A_15 = arith.constant 0 : index
    %get3A_16 = arith.constant 0 : index
    %get3A_17 = vector.load %arg3[%get3A_15, %get3A_16] : memref<1000x128xf32, #tpu.memory_space<vmem>>, vector<1000x128xf32>
    %add3A_18 = arith.addf %get3A_14, %get3A_17 : vector<1000x128xf32>
    %mul3A = vector.broadcast %div3A_8 : vector<1000x1xf32> to vector<1000x128xf32>
    %mul3A_19 = arith.mulf %add3A_18, %mul3A : vector<1000x128xf32>
    %add3A_20 = arith.addf %get3A_11, %mul3A_19 : vector<1000x128xf32>
    %max3A_21 = arith.constant 0.000000e+00 : f32
    %max3A_22 = vector.broadcast %max3A_21 : f32 to vector<1000x128xf32>
    %max3A_23 = arith.maximumf %add3A_20, %max3A_22 : vector<1000x128xf32>
    %get3A_24 = arith.constant 0 : index
    %get3A_25 = arith.constant 0 : index
    %get3A_26 = vector.load %arg6[%get3A_24, %get3A_25] : memref<128x128xf32, #tpu.memory_space<vmem>>, vector<128x128xf32>
    %dot_general3A = arith.constant dense<0.000000e+00> : vector<1000x128xf32>
    %dot_general3A_27 = tpu.matmul %max3A_23, %get3A_26, %dot_general3A {dimension_numbers = #tpu.dot_dimension_numbers<[1], [0], [0], [1], [0, 0, 1, 1], [], []>, transpose_lhs_hint = false} : vector<1000x128xf32>, vector<128x128xf32>, vector<1000x128xf32> -> vector<1000x128xf32>
    %get3A_28 = arith.constant 0 : index
    %get3A_29 = arith.constant 0 : index
    %get3A_30 = vector.load %arg8[%get3A_28, %get3A_29] : memref<1x128xf32, #tpu.memory_space<vmem>>, vector<1x128xf32>
    %add3A_31 = vector.broadcast %get3A_30 : vector<1x128xf32> to vector<1000x128xf32>
    %add3A_32 = arith.addf %dot_general3A_27, %add3A_31 : vector<1000x128xf32>
    %swap3A = arith.constant 0 : index
    %swap3A_33 = arith.constant 0 : index
    %swap3A_34 = vector.load %arg9[%swap3A, %swap3A_33] : memref<1000x128xf32, #tpu.memory_space<vmem>>, vector<1000x128xf32>
    tpu.vector_store %arg9[%swap3A, %swap3A_33], %add3A_32 {strides = array<i32>} : memref<1000x128xf32, #tpu.memory_space<vmem>>, vector<1000x128xf32>,
    %get3A_35 = arith.constant 0 : index
    %get3A_36 = arith.constant 0 : index
    %get3A_37 = vector.load %arg7[%get3A_35, %get3A_36] : memref<128x128xf32, #tpu.memory_space<vmem>>, vector<128x128xf32>
    %dot_general3A_38 = arith.constant dense<0.000000e+00> : vector<1000x128xf32>
    %dot_general3A_39 = tpu.matmul %max3A_23, %get3A_37, %dot_general3A_38 {dimension_numbers = #tpu.dot_dimension_numbers<[1], [0], [0], [1], [0, 0, 1, 1], [], []>, transpose_lhs_hint = false} : vector<1000x128xf32>, vector<128x128xf32>, vector<1000x128xf32> -> vector<1000x128xf32>
    %swap3A_40 = arith.constant 0 : index
    %swap3A_41 = arith.constant 0 : index
    %swap3A_42 = vector.load %arg10[%swap3A_40, %swap3A_41] : memref<1000x128xf32, #tpu.memory_space<vmem>>, vector<1000x128xf32>
    tpu.vector_store %arg10[%swap3A_40, %swap3A_41], %dot_general3A_39 {strides = array<i32>} : memref<1000x128xf32, #tpu.memory_space<vmem>>, vector<1000x128xf32>,
    %swap3A_43 = arith.constant 0 : index
    %swap3A_44 = arith.constant 0 : index
    %swap3A_45 = vector.load %arg11[%swap3A_43, %swap3A_44] : memref<1000x1xf32, #tpu.memory_space<vmem>>, vector<1000x1xf32>
    tpu.vector_store %arg11[%swap3A_43, %swap3A_44], %div3A_8 {strides = array<i32>} : memref<1000x1xf32, #tpu.memory_space<vmem>>, vector<1000x1xf32>,
    return
  }
  func.func @transform_0(%arg0: i32) -> (i32, i32) {
    %c0_i32 = arith.constant 0 : i32
    %c0_i32_0 = arith.constant 0 : i32
    return %arg0, %c0_i32 : i32, i32
  }
  func.func @transform_1(%arg0: i32) -> (i32, i32) {
    %c0_i32 = arith.constant 0 : i32
    %c0_i32_0 = arith.constant 0 : i32
    return %arg0, %c0_i32 : i32, i32
  }
  func.func @transform_2(%arg0: i32) -> (i32, i32) {
    %c0_i32 = arith.constant 0 : i32
    %c0_i32_0 = arith.constant 0 : i32
    return %arg0, %c0_i32 : i32, i32
  }
  func.func @transform_3(%arg0: i32) -> (i32, i32) {
    %c0_i32 = arith.constant 0 : i32
    %c0_i32_0 = arith.constant 0 : i32
    return %arg0, %c0_i32 : i32, i32
  }
  func.func @transform_4(%arg0: i32) -> (i32, i32) {
    %c0_i32 = arith.constant 0 : i32
    %c0_i32_0 = arith.constant 0 : i32
    return %arg0, %c0_i32 : i32, i32
  }
  func.func @transform_5(%arg0: i32) -> (i32, i32) {
    %c0_i32 = arith.constant 0 : i32
    %c0_i32_0 = arith.constant 0 : i32
    %c0_i32_1 = arith.constant 0 : i32
    return %c0_i32, %c0_i32_0 : i32, i32
  }
  func.func @transform_6(%arg0: i32) -> (i32, i32) {
    %c0_i32 = arith.constant 0 : i32
    %c0_i32_0 = arith.constant 0 : i32
    %c0_i32_1 = arith.constant 0 : i32
    return %c0_i32, %c0_i32_0 : i32, i32
  }
  func.func @transform_7(%arg0: i32) -> (i32, i32) {
    %c0_i32 = arith.constant 0 : i32
    %c0_i32_0 = arith.constant 0 : i32
    %c0_i32_1 = arith.constant 0 : i32
    return %c0_i32, %c0_i32_0 : i32, i32
  }
  func.func @transform_8(%arg0: i32) -> (i32, i32) {
    %c0_i32 = arith.constant 0 : i32
    %c0_i32_0 = arith.constant 0 : i32
    return %arg0, %c0_i32 : i32, i32
  }
  func.func @transform_9(%arg0: i32) -> (i32, i32) {
    %c0_i32 = arith.constant 0 : i32
    %c0_i32_0 = arith.constant 0 : i32
    return %arg0, %c0_i32 : i32, i32
  }
  func.func @transform_10(%arg0: i32) -> (i32, i32) {
    %c0_i32 = arith.constant 0 : i32
    %c0_i32_0 = arith.constant 0 : i32
    return %arg0, %c0_i32 : i32, i32
  }
}

module attributes {stable_mosaic.version = 14 : i64} {
  func.func @_layer3_body(%arg0: i32, %arg1: memref<1000x128xf32, #tpu.memory_space<vmem>>, %arg2: memref<1000x128xf32, #tpu.memory_space<vmem>>, %arg3: memref<1000x128xf32, #tpu.memory_space<vmem>>, %arg4: memref<1000x1xf32, #tpu.memory_space<vmem>>, %arg5: memref<128x1xf32, #tpu.memory_space<vmem>>, %arg6: memref<128x1xf32, #tpu.memory_space<vmem>>, %arg7: memref<1x1xf32, #tpu.memory_space<vmem>>, %arg8: memref<1000x1xf32, #tpu.memory_space<vmem>>, %arg9: memref<1000x1xf32, #tpu.memory_space<vmem>>) attributes {dimension_semantics = [#tpu.dimension_semantics<arbitrary>], iteration_bounds = array<i64: 10>, scalar_prefetch = 0 : i64, scratch_operands = 0 : i64, tpu.core_type = #tpu.core_type<tc>, window_params = [{transform_indices = @transform_0, window_bounds = array<i64: 1000, 128>}, {transform_indices = @transform_1, window_bounds = array<i64: 1000, 128>}, {transform_indices = @transform_2, window_bounds = array<i64: 1000, 128>}, {transform_indices = @transform_3, window_bounds = array<i64: 1000, 1>}, {pipeline_mode = #tpu.pipeline_mode<synchronous>, transform_indices = @transform_4, window_bounds = array<i64: 128, 1>}, {pipeline_mode = #tpu.pipeline_mode<synchronous>, transform_indices = @transform_5, window_bounds = array<i64: 128, 1>}, {pipeline_mode = #tpu.pipeline_mode<synchronous>, transform_indices = @transform_6, window_bounds = array<i64: 1, 1>}, {transform_indices = @transform_7, window_bounds = array<i64: 1000, 1>}, {transform_indices = @transform_8, window_bounds = array<i64: 1000, 1>}]} {
    %get3A = arith.constant 0 : index
    %get3A_0 = arith.constant 0 : index
    %get3A_1 = vector.load %arg4[%get3A, %get3A_0] : memref<1000x1xf32, #tpu.memory_space<vmem>>, vector<1000x1xf32>
    %get3A_2 = arith.constant 0 : index
    %get3A_3 = arith.constant 0 : index
    %get3A_4 = vector.load %arg1[%get3A_2, %get3A_3] : memref<1000x128xf32, #tpu.memory_space<vmem>>, vector<1000x128xf32>
    %get3A_5 = arith.constant 0 : index
    %get3A_6 = arith.constant 0 : index
    %get3A_7 = vector.load %arg2[%get3A_5, %get3A_6] : memref<1000x128xf32, #tpu.memory_space<vmem>>, vector<1000x128xf32>
    %get3A_8 = arith.constant 0 : index
    %get3A_9 = arith.constant 0 : index
    %get3A_10 = vector.load %arg3[%get3A_8, %get3A_9] : memref<1000x128xf32, #tpu.memory_space<vmem>>, vector<1000x128xf32>
    %add3A = arith.addf %get3A_7, %get3A_10 : vector<1000x128xf32>
    %mul3A = vector.broadcast %get3A_1 : vector<1000x1xf32> to vector<1000x128xf32>
    %mul3A_11 = arith.mulf %add3A, %mul3A : vector<1000x128xf32>
    %add3A_12 = arith.addf %get3A_4, %mul3A_11 : vector<1000x128xf32>
    %max3A = arith.constant 0.000000e+00 : f32
    %max3A_13 = vector.broadcast %max3A : f32 to vector<1000x128xf32>
    %max3A_14 = arith.maximumf %add3A_12, %max3A_13 : vector<1000x128xf32>
    %get3A_15 = arith.constant 0 : index
    %get3A_16 = arith.constant 0 : index
    %get3A_17 = vector.load %arg5[%get3A_15, %get3A_16] : memref<128x1xf32, #tpu.memory_space<vmem>>, vector<128x1xf32>
    %dot_general3A = arith.constant dense<0.000000e+00> : vector<1000x1xf32>
    %dot_general3A_18 = tpu.matmul %max3A_14, %get3A_17, %dot_general3A {dimension_numbers = #tpu.dot_dimension_numbers<[1], [0], [0], [1], [0, 0, 1, 1], [], []>, transpose_lhs_hint = false} : vector<1000x128xf32>, vector<128x1xf32>, vector<1000x1xf32> -> vector<1000x1xf32>
    %get3A_19 = arith.constant 0 : index
    %get3A_20 = arith.constant 0 : index
    %get3A_21 = vector.load %arg7[%get3A_19, %get3A_20] : memref<1x1xf32, #tpu.memory_space<vmem>>, vector<1x1xf32>
    %add3A_22 = vector.broadcast %get3A_21 : vector<1x1xf32> to vector<1000x1xf32>
    %add3A_23 = arith.addf %dot_general3A_18, %add3A_22 : vector<1000x1xf32>
    %swap3A = arith.constant 0 : index
    %swap3A_24 = arith.constant 0 : index
    %swap3A_25 = vector.load %arg8[%swap3A, %swap3A_24] : memref<1000x1xf32, #tpu.memory_space<vmem>>, vector<1000x1xf32>
    tpu.vector_store %arg8[%swap3A, %swap3A_24], %add3A_23 {strides = array<i32>} : memref<1000x1xf32, #tpu.memory_space<vmem>>, vector<1000x1xf32>,
    %get3A_26 = arith.constant 0 : index
    %get3A_27 = arith.constant 0 : index
    %get3A_28 = vector.load %arg6[%get3A_26, %get3A_27] : memref<128x1xf32, #tpu.memory_space<vmem>>, vector<128x1xf32>
    %dot_general3A_29 = arith.constant dense<0.000000e+00> : vector<1000x1xf32>
    %dot_general3A_30 = tpu.matmul %max3A_14, %get3A_28, %dot_general3A_29 {dimension_numbers = #tpu.dot_dimension_numbers<[1], [0], [0], [1], [0, 0, 1, 1], [], []>, transpose_lhs_hint = false} : vector<1000x128xf32>, vector<128x1xf32>, vector<1000x1xf32> -> vector<1000x1xf32>
    %swap3A_31 = arith.constant 0 : index
    %swap3A_32 = arith.constant 0 : index
    %swap3A_33 = vector.load %arg9[%swap3A_31, %swap3A_32] : memref<1000x1xf32, #tpu.memory_space<vmem>>, vector<1000x1xf32>
    tpu.vector_store %arg9[%swap3A_31, %swap3A_32], %dot_general3A_30 {strides = array<i32>} : memref<1000x1xf32, #tpu.memory_space<vmem>>, vector<1000x1xf32>,
    return
  }
  func.func @transform_0(%arg0: i32) -> (i32, i32) {
    %c0_i32 = arith.constant 0 : i32
    %c0_i32_0 = arith.constant 0 : i32
    return %arg0, %c0_i32 : i32, i32
  }
  func.func @transform_1(%arg0: i32) -> (i32, i32) {
    %c0_i32 = arith.constant 0 : i32
    %c0_i32_0 = arith.constant 0 : i32
    return %arg0, %c0_i32 : i32, i32
  }
  func.func @transform_2(%arg0: i32) -> (i32, i32) {
    %c0_i32 = arith.constant 0 : i32
    %c0_i32_0 = arith.constant 0 : i32
    return %arg0, %c0_i32 : i32, i32
  }
  func.func @transform_3(%arg0: i32) -> (i32, i32) {
    %c0_i32 = arith.constant 0 : i32
    %c0_i32_0 = arith.constant 0 : i32
    return %arg0, %c0_i32 : i32, i32
  }
  func.func @transform_4(%arg0: i32) -> (i32, i32) {
    %c0_i32 = arith.constant 0 : i32
    %c0_i32_0 = arith.constant 0 : i32
    %c0_i32_1 = arith.constant 0 : i32
    return %c0_i32, %c0_i32_0 : i32, i32
  }
  func.func @transform_5(%arg0: i32) -> (i32, i32) {
    %c0_i32 = arith.constant 0 : i32
    %c0_i32_0 = arith.constant 0 : i32
    %c0_i32_1 = arith.constant 0 : i32
    return %c0_i32, %c0_i32_0 : i32, i32
  }
  func.func @transform_6(%arg0: i32) -> (i32, i32) {
    %c0_i32 = arith.constant 0 : i32
    %c0_i32_0 = arith.constant 0 : i32
    %c0_i32_1 = arith.constant 0 : i32
    return %c0_i32, %c0_i32_0 : i32, i32
  }
  func.func @transform_7(%arg0: i32) -> (i32, i32) {
    %c0_i32 = arith.constant 0 : i32
    %c0_i32_0 = arith.constant 0 : i32
    return %arg0, %c0_i32 : i32, i32
  }
  func.func @transform_8(%arg0: i32) -> (i32, i32) {
    %c0_i32 = arith.constant 0 : i32
    %c0_i32_0 = arith.constant 0 : i32
    return %arg0, %c0_i32 : i32, i32
  }
}

module attributes {stable_mosaic.version = 14 : i64} {
  func.func @_final_body(%arg0: i32, %arg1: memref<1000x1xf32, #tpu.memory_space<vmem>>, %arg2: memref<1000x1xf32, #tpu.memory_space<vmem>>, %arg3: memref<1000x1xf32, #tpu.memory_space<vmem>>, %arg4: memref<1000x1xf32, #tpu.memory_space<vmem>>, %arg5: memref<1000x1xf32, #tpu.memory_space<vmem>>) attributes {dimension_semantics = [#tpu.dimension_semantics<arbitrary>], iteration_bounds = array<i64: 10>, scalar_prefetch = 0 : i64, scratch_operands = 0 : i64, tpu.core_type = #tpu.core_type<tc>, window_params = [{transform_indices = @transform_0, window_bounds = array<i64: 1000, 1>}, {transform_indices = @transform_1, window_bounds = array<i64: 1000, 1>}, {transform_indices = @transform_2, window_bounds = array<i64: 1000, 1>}, {transform_indices = @transform_3, window_bounds = array<i64: 1000, 1>}, {transform_indices = @transform_4, window_bounds = array<i64: 1000, 1>}]} {
    %get3A = arith.constant 0 : index
    %get3A_0 = arith.constant 0 : index
    %get3A_1 = vector.load %arg1[%get3A, %get3A_0] : memref<1000x1xf32, #tpu.memory_space<vmem>>, vector<1000x1xf32>
    %get3A_2 = arith.constant 0 : index
    %get3A_3 = arith.constant 0 : index
    %get3A_4 = vector.load %arg2[%get3A_2, %get3A_3] : memref<1000x1xf32, #tpu.memory_space<vmem>>, vector<1000x1xf32>
    %get3A_5 = arith.constant 0 : index
    %get3A_6 = arith.constant 0 : index
    %get3A_7 = vector.load %arg3[%get3A_5, %get3A_6] : memref<1000x1xf32, #tpu.memory_space<vmem>>, vector<1000x1xf32>
    %add3A = arith.addf %get3A_4, %get3A_7 : vector<1000x1xf32>
    %get3A_8 = arith.constant 0 : index
    %get3A_9 = arith.constant 0 : index
    %get3A_10 = vector.load %arg4[%get3A_8, %get3A_9] : memref<1000x1xf32, #tpu.memory_space<vmem>>, vector<1000x1xf32>
    %mul3A = arith.mulf %add3A, %get3A_10 : vector<1000x1xf32>
    %add3A_11 = arith.addf %get3A_1, %mul3A : vector<1000x1xf32>
    %swap3A = arith.constant 0 : index
    %swap3A_12 = arith.constant 0 : index
    %swap3A_13 = vector.load %arg5[%swap3A, %swap3A_12] : memref<1000x1xf32, #tpu.memory_space<vmem>>, vector<1000x1xf32>
    tpu.vector_store %arg5[%swap3A, %swap3A_12], %add3A_11 {strides = array<i32>} : memref<1000x1xf32, #tpu.memory_space<vmem>>, vector<1000x1xf32>,
    return
  }
  func.func @transform_0(%arg0: i32) -> (i32, i32) {
    %c0_i32 = arith.constant 0 : i32
    %c0_i32_0 = arith.constant 0 : i32
    return %arg0, %c0_i32 : i32, i32
  }
  func.func @transform_1(%arg0: i32) -> (i32, i32) {
    %c0_i32 = arith.constant 0 : i32
    %c0_i32_0 = arith.constant 0 : i32
    return %arg0, %c0_i32 : i32, i32
  }
  func.func @transform_2(%arg0: i32) -> (i32, i32) {
    %c0_i32 = arith.constant 0 : i32
    %c0_i32_0 = arith.constant 0 : i32
    return %arg0, %c0_i32 : i32, i32
  }
  func.func @transform_3(%arg0: i32) -> (i32, i32) {
    %c0_i32 = arith.constant 0 : i32
    %c0_i32_0 = arith.constant 0 : i32
    return %arg0, %c0_i32 : i32, i32
  }
  func.func @transform_4(%arg0: i32) -> (i32, i32) {
    %c0_i32 = arith.constant 0 : i32
    %c0_i32_0 = arith.constant 0 : i32
    return %arg0, %c0_i32 : i32, i32
  }
}

</mosaic_0001>

<sc_bundles>
// kernel: kernel.10.cloned.1.call-start
scs
__scs_entry_jumppad:
0x0: {  	(pc) =	sbr.rel $0x88, $3  }
0x1: {  	(tag) =	ssettag $0x0;
	lr =	simm.s32 $0x1  }
0x2: {  	[smem:$0x3F96] =	sst lr;
	_ =	strace $0xD0000000  }
0x3: {  	_ = 	snop  }
0x4: {  	_ = 	snop  }
0x5: {  	_ = 	snop  }
0x6: {  	_ = 	snop  }
0x7: {  	_ = 	snop  }
__scs_overlays_trampoline_lowered:
0x8: {  	[smem:$0x3FA5] =	sst s0  }
0x9: {  	[smem:$0x3FA6] =	sst s1  }
0xa: {  	[smem:$0x3FA7] =	sst s2  }
0xb: {  	[smem:$0x3FA8] =	sst s3  }
0xc: {  	[smem:$0x3FA9] =	sst s4  }
0xd: {  	[smem:$0x3FAA] =	sst s5  }
0xe: {  	[smem:$0x3FAB] =	sst s6  }
0xf: {  	[smem:$0x3FAC] =	sst s7  }
0x10: {  	[smem:$0x3FAD] =	sst s8  }
0x11: {  	[smem:$0x3FAE] =	sst s9;
	s0 =	simm.s32 @!p0 $0x0  }
0x12: {  	s1 =	sld [smem:$0x3F94];
	s0 =	simm.s32 @p0 $0x1  }
0x13: {  	[smem:$0x3FAF] =	sst s0;
	s0 =	simm.s32 @!p1 $0x0  }
0x14: {  	s2 =	sld [smem:$0x3F93];
	s0 =	simm.s32 @p1 $0x1  }
0x15: {  	[smem:$0x3FB0] =	sst s0;
	s0 =	simm.s32 @!p2 $0x0  }
0x16: {  	s3 =	sld [smem:$0x3FDB];
	s0 =	simm.s32 @p2 $0x1  }
0x17: {  	s4 =	simm.s32 $0x1BF5;
	[smem:$0x3FB2] =	sst s0  }
0x18: {  	s0 =	sld [smem:$0x3F95];
	_ =	swait.ge [sflag:s4], $0x0  }
0x19: {  	s7 =	sld [smem:$0x3F96]  }
0x1a: {  	s8 =	sadd.s32 $0xFFFFE003, lr  }
0x1b: {  	s9 =	sadd.s32 $0xFFFFFEF7, lr;
	s5 =	simm.s32 $0xFFFFFFFF;
	p2 =	slt.u32 s8, $0xFFFFF086  }
0x1c: {  	p1 =	slt.u32 s9, $0xF7A;
	s5 =	simm.s32 @!p2 $0x0  }
0x1d: {  	s5 =	simm.s32 @p1 $0x1;
	p0 =	seq.s32 s7, s2  }
0x1e: {  	s7 =	smul.u32 @!p0 $0xF7A, s2;
	p2 =	seq.s32 @!p0 s5, $0x0  }
0x1f: {  	s9 =	smul.u32 $0xF7A, s1;
	s8 =	simm.s32 @!p0 $0x1BF5;
	p2 =	por !p2, p0  }
0x20: {  	[sflag:s8] =	ssyncset.s32 @!p0 $0xFFFFF086;
	s6 =	sadd.s32 @!p0 s3, s7;
	s7 =	simm.s32 @!p0 $0x108  }
0x21: {  	s3 =	sadd.s32 s3, s9;
	s6 =	sadd.s32 @!p0 $0x88, s6;
	s7 =	simm.s32 @p2 $0x1082  }
0x22: {  	[simem:s7], [sflag:s8] =	dma.local @!p0 [hbm:s6], $0xF7A  }
0x23: {  	s9 =	sor.u32 $0xD0000000, s2;
	s6 =	simm.s32 $0x108;
	_ =	swait.ge @!p0 [sflag:s8], $0x0  }
0x24: {  	s3 =	sadd.s32 $0x88, s3;
	s6 =	simm.s32 @!p1 $0x1082;
	[sflag:s4] =	ssyncset.s32 $0xFFFFF086  }
0x25: {  	[simem:s6], [sflag:s4] =	dma.local [hbm:s3], $0xF7A  }
0x26: {  	[smem:$0x3F96] =	sst s1;
	(tag) =	ssettag s2;
	_ =	strace s9  }
0x27: {  	s1 =	sld [smem:$0x3FA6]  }
0x28: {  	s2 =	sld [smem:$0x3FA7]  }
0x29: {  	s4 =	sld [smem:$0x3FA9]  }
0x2a: {  	p0 =	seq.s32 s5, $0x0;
	s5 =	sld [smem:$0x3FAA]  }
0x2b: {  	s6 =	sld [smem:$0x3FAB]  }
0x2c: {  	s7 =	sld [smem:$0x3FAC]  }
0x2d: {  	s3 =	simm.s32 $0x108;
	s8 =	sld [smem:$0x3FAD]  }
0x2e: {  	s3 =	simm.s32 @!p0 $0x1082;
	s9 =	sld [smem:$0x3FAE]  }
0x2f: {  	lr =	sadd.s32 s0, s3;
	s0 =	sld [smem:$0x3FA5]  }
0x30: {  	s3 =	sld [smem:$0x3FA8]  }
0x31: {  	[smem:$0x3FB1] =	sst s10  }
0x32: {  	s10 =	sld [smem:$0x3FAF];
	_ =	sdelay $0x3  }
0x33: {  	p0 =	seq.s32 s10, $0x1;
	s10 =	sld [smem:$0x3FB1];
	_ =	sdelay $0x3  }
0x34: {  	[smem:$0x3FB1] =	sst s10  }
0x35: {  	s10 =	sld [smem:$0x3FB0];
	_ =	sdelay $0x3  }
0x36: {  	p1 =	seq.s32 s10, $0x1;
	s10 =	sld [smem:$0x3FB1];
	_ =	sdelay $0x3  }
0x37: {  	[smem:$0x3FB1] =	sst s10  }
0x38: {  	s10 =	sld [smem:$0x3FB2]  }
0x39: {  	_ = 	snop;
	(pc) =	sbr.ind lr, $3  }
0x3a: {  	_ = 	snop  }
0x3b: {  	_ = 	snop  }
0x3c: {  	p2 =	seq.s32 s10, $0x1;
	s10 =	sld [smem:$0x3FB1]  }
0x3d: {  	_ =	shalt  }
0x3e: {  	_ =	shalt  }
0x3f: {  	_ =	shalt  }
0x40: {  	_ =	shalt  }
0x41: {  	_ =	shalt  }
0x42: {  	_ =	shalt  }
0x43: {  	_ =	shalt  }
0x44: {  	_ =	shalt  }
0x45: {  	_ =	shalt  }
0x46: {  	_ =	shalt  }
0x47: {  	_ =	shalt  }
0x48: {  	_ =	shalt  }
0x49: {  	_ =	shalt  }
0x4a: {  	_ =	shalt  }
0x4b: {  	_ =	shalt  }
0x4c: {  	_ =	shalt  }
0x4d: {  	_ =	shalt  }
0x4e: {  	_ =	shalt  }
0x4f: {  	_ =	shalt  }
0x50: {  	_ =	shalt  }
0x51: {  	_ =	shalt  }
0x52: {  	_ =	shalt  }
0x53: {  	_ =	shalt  }
0x54: {  	_ =	shalt  }
0x55: {  	_ =	shalt  }
0x56: {  	_ =	shalt  }
0x57: {  	_ =	shalt  }
0x58: {  	_ =	shalt  }
0x59: {  	_ =	shalt  }
0x5a: {  	_ =	shalt  }
0x5b: {  	_ =	shalt  }
0x5c: {  	_ =	shalt  }
0x5d: {  	_ =	shalt  }
0x5e: {  	_ =	shalt  }
0x5f: {  	_ =	shalt  }
0x60: {  	_ =	shalt  }
0x61: {  	_ =	shalt  }
0x62: {  	_ =	shalt  }
0x63: {  	_ =	shalt  }
0x64: {  	_ =	shalt  }
0x65: {  	_ =	shalt  }
0x66: {  	_ =	shalt  }
0x67: {  	_ =	shalt  }
0x68: {  	_ =	shalt  }
0x69: {  	_ =	shalt  }
0x6a: {  	_ =	shalt  }
0x6b: {  	_ =	shalt  }
0x6c: {  	_ =	shalt  }
0x6d: {  	_ =	shalt  }
0x6e: {  	_ =	shalt  }
0x6f: {  	_ =	shalt  }
0x70: {  	_ =	shalt  }
0x71: {  	_ =	shalt  }
0x72: {  	_ =	shalt  }
0x73: {  	_ =	shalt  }
0x74: {  	_ =	shalt  }
0x75: {  	_ =	shalt  }
0x76: {  	_ =	shalt  }
0x77: {  	_ =	shalt  }
0x78: {  	_ =	shalt  }
0x79: {  	_ =	shalt  }
0x7a: {  	_ =	shalt  }
0x7b: {  	_ =	shalt  }
0x7c: {  	_ =	shalt  }
0x7d: {  	_ =	shalt  }
0x7e: {  	_ =	shalt  }
0x7f: {  	_ =	shalt  }
0x80: {  	_ =	shalt  }
0x81: {  	_ =	shalt  }
0x82: {  	_ =	shalt  }
0x83: {  	_ =	shalt  }
0x84: {  	_ =	shalt  }
0x85: {  	_ =	shalt  }
0x86: {  	_ =	shalt  }
0x87: {  	_ =	shalt  }
.Lfunc_end0:
.L_simem_size_0:
called_computation_lowered:
.L_overlay_start_0:
0x88: {  	s2 =	sld [smem:$0x3FD9]  }
0x89: {  	s3 =	sld [smem:$0x3FFE];
	_ =	sdelay $0x1  }
0x8a: {  	s1 =	srdreg.scid  }
0x8b: {  	s0 =	sand.u32 $0x1, s1  }
0x8c: {  	s16 =	sshll.u32 s0, $0xA;
	s2 =	sadd.s32 s3, s2  }
0x8d: {  	s2 =	sadd.s32 s2, s16  }
0x8e: {  	[smem:$0x3FBD] =	sst s2  }
0x8f: {  	_ = 	snop  }
0x90: {  	(tm) =	ssettm $0x1  }
0x91: {  	s17 =	sld [smem:$0x3FFB];
	_ =	sdelay $0x3  }
0x92: {  	_ =	strace s17  }
0x93: {  	s2 =	sld [smem:$0x3FFC];
	_ =	sdelay $0x3  }
0x94: {  	_ =	strace s2  }
0x95: {  	s2 =	sld [smem:$0x3FFD];
	_ =	sdelay $0x3  }
0x96: {  	_ =	strace s2  }
0x97: {  	_ =	strace $0x8FFFFFFF  }
0x98: {  	s18 =	sld [smem:$0x3FDB];
	_ =	sdelay $0x1  }
0x99: {  	s19 =	simm.s32 $_scs_section_size  }
0x9a: {  	s4 =	simm.s32 $_size__tile_overlayer_lowered;
	s5 =	simm.s32 $_tile_overlayer_lowered  }
0x9b: {  	s22 =	simm.s32 $0x1BFF;
	s21 =	sshll.u32 s5, $0x1;
	s2 =	sadd.s32 s19, s18  }
0x9c: {  	s6 =	simm.s32 $0x0;
	s20 =	sshll.u32 s4, $0x1;
	s4 =	sadd.s32 s21, s2  }
0x9d: {  	[timem:s6], [sflag:s22] =	dma.local [hbm:s4], s20  }
0x9e: {  	_ =	swait.ge [sflag:s22], s20  }
0x9f: {  	s3 =	ssub.s32 $0x0, s20;
	[sflag:s22] =	ssyncset.done $0x0  }
0xa0: {  	[sflag:s22] =	ssyncadd.s32 s3;
	_ =	sdelay $0x1  }
0xa1: {  	s23 =	simm.s32 $0x1B8B  }
0xa2: {  	_ =	swait.ge [sflag:s23], $0x1  }
0xa3: {  	[sflag:s23] =	ssyncset.done $0x0  }
0xa4: {  	s25 =	simm.s32 $0x1B8E;
	s24 =	sld [smem:$0x3FFE];
	[sflag:s23] =	ssyncadd.s32 $0xFFFFFFFF  }
0xa5: {  	s26 =	simm.s32 $execute0_lowered;
	[smem:$0x3FD2] =	sst s25  }
0xa6: {  	s4 =	sshll.u32 s26, $0x1;
	_ =	strace $0x80000046;
	[dreg:$0x1] =	wrdreg $0xFFFFFFFF  }
0xa7: {  	s28 =	simm.s32 $_size_execute0_lowered;
	s2 =	sadd.s32 s2, s4;
	[dreg:$0x0] =	wrdreg $0x0  }
0xa8: {  	s4 =	sshll.u32 s28, $0x1;
	[dreg:$0x2] =	wrdreg s2  }
0xa9: {  	[dreg:$0x3] =	wrdreg s4  }
0xaa: {  	[dreg:$0x4] =	wrdreg $0xC0  }
0xab: {  	_ =	task [dreg:s6], $0x5FFFF  }
0xac: {  	[dreg:$0x1] =	wrdreg $0xFFFFFFFF  }
0xad: {  	[dreg:$0x0] =	wrdreg $0x60  }
0xae: {  	[dreg:$0x2] =	wrdreg s24  }
0xaf: {  	[dreg:$0x3] =	wrdreg $0x53800  }
0xb0: {  	[dreg:$0x4] =	wrdreg $0x9  }
0xb1: {  	_ =	task.clear_ibuf [dreg:s6], $0x5FFFF;
	_ =	strace $0x90000046  }
0xb2: {  	s29 =	simm.s32 $0x9;
	_ =	strace $0x80000048  }
0xb3: {  	_ =	swait.ge [sflag:s29], $0x1  }
0xb4: {  	[sflag:s29] =	ssyncadd.s32 $0xFFFFFFFF  }
0xb5: {  	_ =	strace $0x90000048  }
0xb6: {  	_ =	sfence  }
0xb7: {  	s30 =	sld [smem:$0x0];
	_ =	sdelay $0x2  }
0xb8: {  	s31 =	sshll.u32 s1, $0xD;
	s1 =	sshrl.u32 s1, $0x2  }
0xb9: {  	s3 =	sand.u32 $0x4000, s31;
	s1 =	sadd.s32 s1, s30  }
0xba: {  	s0 =	sor.u32 s3, s0;
	s1 =	sshll.u32 s1, $0x11  }
0xbb: {  	s0 =	sor.u32 s1, s0  }
0xbc: {  	s0 =	sadd.s32 $0x8F2B, s0  }
0xbd: {  	[sflag:s0] =	ssyncadd.remote.s32 $0x1  }
0xbe: {  	_ =	sfence.sel $0xFFFF  }
0xbf: {  	[dreg:$0x0] =	wrdreg $0xFFFFFFFF;
	(pc) =	sbr.abs _section_cstart, $3  }
0xc0: {  	[dreg:$0x1] =	wrdreg $0xFFFFFFFF  }
0xc1: {  	_ =	task.clear_ibuf [dreg:s6], $0x2FFFF;
	_ =	strace $0x9FFFFFFF  }
0xc2: {  	(tm) =	ssettm $0x7FFFFFFF  }
0xc3: {  	_ =	shalt  }
tec
execute0_lowered:
.L_overlay_start_1:
0x0: {  	(tag) =	ssettag $0x1  }
0x1: {  	s0 =	srdreg.scid;
	s5 =	rddreg [dreg:$0x0]  }
0x2: {  	s2 =	rddreg [dreg:$0x1];
	s1 =	stileid.u32  }
0x3: {  	s3 =	simm.s32 $0x0;
	s11 =	simm.s32 $0x3;
	s12 =	simm.s32 $0x2800  }
0x4: {  	s13 =	simm.s32 $0x80;
	s14 =	simm.s32 $0x5000;
	s15 =	simm.s32 $0x5080  }
0x5: {  	s16 =	simm.s32 $0x1;
	s17 =	simm.s32 $0x2;
	s20 =	simm.s32 $0x20  }
0x6: {  	s21 =	simm.s32 $0x10;
	s6 =	sand.u32 $0x1, s0;
	s0 =	rddreg [dreg:$0x2]  }
0x7: {  	s22 =	simm.s32 $0x0;
	[smem:$0x7FF] =	sst s3;
	s8 =	smul.u32 $0x500, s1  }
0x8: {  	s10 =	smul.u32 $0xA00, s1;
	s18 =	sshll.u32 s1, $0x6;
	s4 =	sshll.u32 s6, $0x4  }
0x9: {  	_ =	strace $0x80000047;
	s9 =	sshll.u32 s6, $0x7;
	s6 =	ssub.s32 $0x2, s6  }
0xa: {  	s18 =	sor.u32 $0x1C03, s18;
	s4 =	sor.u32 s1, s4;
	s8 =	sor.u32 s9, s8  }
0xb: {  	s31 =	sshrl.u32 s6, $0x1;
	s10 =	sshrl.u32 s10, $0x2;
	s7 =	smul.u32 $0x500, s4  }
0xc: {  	s4 =	sadd.s32 $0x17000, s5;
	s8 =	sshrl.u32 s8, $0x3;
	s9 =	ssub.s32 s6, s31  }
0xd: {  	s8 =	sadd.s32 s8, s5;
	s9 =	smax.u32 s9, $0x1;
	s7 =	sadd.s32 s7, s5  }
0xe: {  	s5 =	sadd.s32 s10, s2;
	s8 =	sadd.s32 $0x17600, s8;
	s10 =	simm.s32 $0x5100  }
0xf: {  	v0 =	vimm.f32 $0.0e+00;
	s6 =	sadd.s32 $0xD000, s7;
	s7 =	sadd.s32 $0x3000, s7;
	s19 =	sshrl.u32 s5, $0x3  }
.LBB2_1:
0x10: {  	[tilespmem:$0x5100] =	vst v0  }
0x11: {  	[tilespmem:$0x5110] =	vst v0  }
0x12: {  	[tilespmem:$0x5120] =	vst v0  }
0x13: {  	[tilespmem:$0x5130] =	vst v0  }
0x14: {  	[tilespmem:$0x5140] =	vst v0  }
0x15: {  	[tilespmem:$0x5150] =	vst v0  }
0x16: {  	[tilespmem:$0x5160] =	vst v0  }
0x17: {  	[tilespmem:$0x5170] =	vst v0  }
0x18: {  	[tilespmem:$0x5180] =	vst v0  }
0x19: {  	[tilespmem:$0x5190] =	vst v0  }
0x1a: {  	[tilespmem:$0x51A0] =	vst v0  }
0x1b: {  	[tilespmem:$0x51B0] =	vst v0  }
0x1c: {  	[tilespmem:$0x51C0] =	vst v0  }
0x1d: {  	[tilespmem:$0x51D0] =	vst v0  }
0x1e: {  	[tilespmem:$0x51E0] =	vst v0  }
0x1f: {  	[tilespmem:$0x51F0] =	vst v0  }
0x20: {  	[tilespmem:$0x5200] =	vst v0  }
0x21: {  	[tilespmem:$0x5210] =	vst v0  }
0x22: {  	[tilespmem:$0x5220] =	vst v0  }
0x23: {  	[tilespmem:$0x5230] =	vst v0  }
0x24: {  	[tilespmem:$0x5240] =	vst v0  }
0x25: {  	[tilespmem:$0x5250] =	vst v0  }
0x26: {  	[tilespmem:$0x5260] =	vst v0  }
0x27: {  	[tilespmem:$0x5270] =	vst v0  }
0x28: {  	[tilespmem:$0x5280] =	vst v0  }
0x29: {  	[tilespmem:$0x5290] =	vst v0  }
0x2a: {  	[tilespmem:$0x52A0] =	vst v0  }
0x2b: {  	[tilespmem:$0x52B0] =	vst v0  }
0x2c: {  	[tilespmem:$0x52C0] =	vst v0  }
0x2d: {  	[tilespmem:$0x52D0] =	vst v0  }
0x2e: {  	[tilespmem:$0x52E0] =	vst v0  }
0x2f: {  	[tilespmem:$0x52F0] =	vst v0  }
0x30: {  	[tilespmem:$0x5300] =	vst v0  }
0x31: {  	[tilespmem:$0x5310] =	vst v0  }
0x32: {  	[tilespmem:$0x5320] =	vst v0  }
0x33: {  	[tilespmem:$0x5330] =	vst v0  }
0x34: {  	[tilespmem:$0x5340] =	vst v0  }
0x35: {  	[tilespmem:$0x5350] =	vst v0  }
0x36: {  	[tilespmem:$0x5360] =	vst v0  }
0x37: {  	[tilespmem:$0x5370] =	vst v0  }
0x38: {  	[spmem:s5] =	stream.linear.scatter [tilespmem:s10], [sflag:$0x3], $0x280, $0x38;
	[tilespmem:$0x5600] =	vst v63  }
0x39: {  	_ =	swait.ge [sflag:s11], $0x280  }
0x3a: {  	[sflag:s11] =	ssyncset.done $0x0  }
0x3b: {  	[sflag:s11] =	ssyncadd.s32 $0xFFFFFD80  }
0x3c: {  	[tilespmem:s3], [sflag:$0x3] =	stream.linear.gather [hbm4b:s6+s3], $0x2800, $0x38;
	[tilespmem:$0x5600] =	vst v63  }
0x3d: {  	_ =	swait.ge [sflag:s11], $0x2800  }
0x3e: {  	[sflag:s11] =	ssyncset.done $0x0  }
0x3f: {  	[sflag:s11] =	ssyncadd.s32 $0xFFFFD800  }
0x40: {  	[tilespmem:s12], [sflag:$0x3] =	stream.linear.gather [hbm4b:s7+s3], $0x2800, $0x38;
	[tilespmem:$0x5600] =	vst v63  }
0x41: {  	_ =	swait.ge [sflag:s11], $0x2800  }
0x42: {  	[sflag:s11] =	ssyncset.done $0x0  }
0x43: {  	[sflag:s11] =	ssyncadd.s32 $0xFFFFD800  }
0x44: {  	s23 =	simm.s32 $0x0;
	[bflag:$0x0] =	sbarrier.arrive $0xFFFF  }
0x45: {  	[tilespmem:s14], [sflag:$0x1] =	stream.indirect.gather [hbm4b:s4+s13], $0x1, s23, s13, $0xb8;
	[tilespmem:$0x5600] =	vst v63  }
0x46: {  	s31 =	simm.s32 $0x80  }
0x47: {  	[tilespmem:s15], [sflag:$0x2] =	stream.indirect.gather [hbm4b:s4+s13], $0x1, s31, s13, $0xb8;
	[tilespmem:$0x5600] =	vst v63  }
0x48: {  	_ =	swait.ge [sflag:s16], $0x80  }
0x49: {  	[sflag:s16] =	ssyncset.done $0x0  }
0x4a: {  	s24 =	simm.s32 $0x2800;
	[sflag:s16] =	ssyncadd.s32 $0xFFFFFF80  }
0x4b: {  	[spmem:s2] =	stream.indirect.scatter.add.f32 [tilespmem:s14], [sflag:$0x3], $0x1, s24, s13, $0xb8;
	[tilespmem:$0x5600] =	vst v63  }
0x4c: {  	_ =	swait.ge [sflag:s11], $0x80  }
0x4d: {  	[sflag:s11] =	ssyncset.done $0x0  }
0x4e: {  	s25 =	simm.s32 $0x100;
	[sflag:s11] =	ssyncadd.s32 $0xFFFFFF80  }
0x4f: {  	[tilespmem:s14], [sflag:$0x2] =	stream.indirect.gather [hbm4b:s4+s13], $0x1, s25, s13, $0xb8;
	[tilespmem:$0x5600] =	vst v63  }
0x50: {  	_ =	swait.ge [sflag:s17], $0x80  }
0x51: {  	[sflag:s17] =	ssyncset.done $0x0  }
0x52: {  	s26 =	simm.s32 $0x2880;
	[sflag:s17] =	ssyncadd.s32 $0xFFFFFF80  }
0x53: {  	[spmem:s2] =	stream.indirect.scatter.add.f32 [tilespmem:s15], [sflag:$0x3], $0x1, s26, s13, $0xb8;
	[tilespmem:$0x5600] =	vst v63  }
0x54: {  	_ =	swait.ge [sflag:s11], $0x80  }
0x55: {  	[sflag:s11] =	ssyncset.done $0x0  }
0x56: {  	s28 =	simm.s32 $0x180;
	[sflag:s11] =	ssyncadd.s32 $0xFFFFFF80  }
0x57: {  	[tilespmem:s15], [sflag:$0x2] =	stream.indirect.gather [hbm4b:s4+s13], $0x1, s28, s13, $0xb8;
	[tilespmem:$0x5600] =	vst v63  }
0x58: {  	_ =	swait.ge [sflag:s17], $0x80  }
0x59: {  	[sflag:s17] =	ssyncset.done $0x0  }
0x5a: {  	s29 =	simm.s32 $0x2900;
	[sflag:s17] =	ssyncadd.s32 $0xFFFFFF80  }
0x5b: {  	[spmem:s2] =	stream.indirect.scatter.add.f32 [tilespmem:s14], [sflag:$0x3], $0x1, s29, s13, $0xb8;
	[tilespmem:$0x5600] =	vst v63  }
0x5c: {  	_ =	swait.ge [sflag:s11], $0x80  }
0x5d: {  	[sflag:s11] =	ssyncset.done $0x0  }
0x5e: {  	s30 =	simm.s32 $0x200;
	[sflag:s11] =	ssyncadd.s32 $0xFFFFFF80  }
0x5f: {  	[tilespmem:s14], [sflag:$0x2] =	stream.indirect.gather [hbm4b:s4+s13], $0x1, s30, s13, $0xb8;
	[tilespmem:$0x5600] =	vst v63  }
0x60: {  	_ =	swait.ge [sflag:s17], $0x80  }
0x61: {  	[sflag:s17] =	ssyncset.done $0x0  }
0x62: {  	s31 =	simm.s32 $0x2980;
	[sflag:s17] =	ssyncadd.s32 $0xFFFFFF80  }
0x63: {  	[spmem:s2] =	stream.indirect.scatter.add.f32 [tilespmem:s15], [sflag:$0x3], $0x1, s31, s13, $0xb8;
	[tilespmem:$0x5600] =	vst v63  }
0x64: {  	_ =	swait.ge [sflag:s11], $0x80  }
0x65: {  	[sflag:s11] =	ssyncset.done $0x0  }
0x66: {  	s24 =	simm.s32 $0x280;
	[sflag:s11] =	ssyncadd.s32 $0xFFFFFF80  }
0x67: {  	[tilespmem:s15], [sflag:$0x2] =	stream.indirect.gather [hbm4b:s4+s13], $0x1, s24, s13, $0xb8;
	[tilespmem:$0x5600] =	vst v63  }
0x68: {  	_ =	swait.ge [sflag:s17], $0x80  }
0x69: {  	[sflag:s17] =	ssyncset.done $0x0  }
0x6a: {  	s25 =	simm.s32 $0x2A00;
	[sflag:s17] =	ssyncadd.s32 $0xFFFFFF80  }
0x6b: {  	[spmem:s2] =	stream.indirect.scatter.add.f32 [tilespmem:s14], [sflag:$0x3], $0x1, s25, s13, $0xb8;
	[tilespmem:$0x5600] =	vst v63  }
0x6c: {  	_ =	swait.ge [sflag:s11], $0x80  }
0x6d: {  	[sflag:s11] =	ssyncset.done $0x0  }
0x6e: {  	s26 =	simm.s32 $0x300;
	[sflag:s11] =	ssyncadd.s32 $0xFFFFFF80  }
0x6f: {  	[tilespmem:s14], [sflag:$0x2] =	stream.indirect.gather [hbm4b:s4+s13], $0x1, s26, s13, $0xb8;
	[tilespmem:$0x5600] =	vst v63  }
0x70: {  	_ =	swait.ge [sflag:s17], $0x80  }
0x71: {  	[sflag:s17] =	ssyncset.done $0x0  }
0x72: {  	s28 =	simm.s32 $0x2A80;
	[sflag:s17] =	ssyncadd.s32 $0xFFFFFF80  }
0x73: {  	[spmem:s2] =	stream.indirect.scatter.add.f32 [tilespmem:s15], [sflag:$0x3], $0x1, s28, s13, $0xb8;
	[tilespmem:$0x5600] =	vst v63  }
0x74: {  	_ =	swait.ge [sflag:s11], $0x80  }
0x75: {  	[sflag:s11] =	ssyncset.done $0x0  }
0x76: {  	s29 =	simm.s32 $0x380;
	[sflag:s11] =	ssyncadd.s32 $0xFFFFFF80  }
0x77: {  	[tilespmem:s15], [sflag:$0x2] =	stream.indirect.gather [hbm4b:s4+s13], $0x1, s29, s13, $0xb8;
	[tilespmem:$0x5600] =	vst v63  }
0x78: {  	_ =	swait.ge [sflag:s17], $0x80  }
0x79: {  	[sflag:s17] =	ssyncset.done $0x0  }
0x7a: {  	s30 =	simm.s32 $0x2B00;
	[sflag:s17] =	ssyncadd.s32 $0xFFFFFF80  }
0x7b: {  	[spmem:s2] =	stream.indirect.scatter.add.f32 [tilespmem:s14], [sflag:$0x3], $0x1, s30, s13, $0xb8;
	[tilespmem:$0x5600] =	vst v63  }
0x7c: {  	_ =	swait.ge [sflag:s11], $0x80  }
0x7d: {  	[sflag:s11] =	ssyncset.done $0x0  }
0x7e: {  	[sflag:s11] =	ssyncadd.s32 $0xFFFFFF80  }
0x7f: {  	_ =	swait.ge [sflag:s17], $0x80  }
0x80: {  	[sflag:s17] =	ssyncset.done $0x0  }
0x81: {  	s31 =	simm.s32 $0x2B80;
	[sflag:s17] =	ssyncadd.s32 $0xFFFFFF80  }
0x82: {  	[spmem:s2] =	stream.indirect.scatter.add.f32 [tilespmem:s15], [sflag:$0x3], $0x1, s31, s13, $0xb8;
	[tilespmem:$0x5600] =	vst v63  }
0x83: {  	_ =	swait.ge [sflag:s11], $0x80  }
0x84: {  	s23 =	simm.s32 $0x1000;
	s26 =	simm.s32 $0x2000;
	[sflag:s11] =	ssyncset.done $0x0  }
.LBB2_2:
0x85: {  	s25 =	sshra.s32 s23, $0x2  }
0x86: {  	[sflag:s11] =	ssyncadd.s32 $0xFFFFFF80;
	s23 =	smov.u32 s26;
	s24 =	sadd.s32 $0x1000, s26  }
0x87: {  	[tilespmem:s14], [sflag:$0x1] =	stream.indirect.gather [hbm4b:s4+s13], $0x1, s25, s13, $0xb8;
	[tilespmem:$0x5600] =	vst v63  }
0x88: {  	p0 =	sne.s32 s26, $0x9000;
	s26 =	sadd.s32 $0x80, s25  }
0x89: {  	[tilespmem:s15], [sflag:$0x2] =	stream.indirect.gather [hbm4b:s4+s13], $0x1, s26, s13, $0xb8;
	[tilespmem:$0x5600] =	vst v63  }
0x8a: {  	_ =	swait.ge [sflag:s16], $0x80  }
0x8b: {  	[sflag:s16] =	ssyncset.done $0x0  }
0x8c: {  	s26 =	sadd.s32 $0x2800, s25;
	[sflag:s16] =	ssyncadd.s32 $0xFFFFFF80  }
0x8d: {  	[spmem:s2] =	stream.indirect.scatter.add.f32 [tilespmem:s14], [sflag:$0x3], $0x1, s26, s13, $0xb8;
	[tilespmem:$0x5600] =	vst v63  }
0x8e: {  	_ =	swait.ge [sflag:s11], $0x80  }
0x8f: {  	[sflag:s11] =	ssyncset.done $0x0  }
0x90: {  	s26 =	sadd.s32 $0x100, s25;
	[sflag:s11] =	ssyncadd.s32 $0xFFFFFF80  }
0x91: {  	[tilespmem:s14], [sflag:$0x2] =	stream.indirect.gather [hbm4b:s4+s13], $0x1, s26, s13, $0xb8;
	[tilespmem:$0x5600] =	vst v63  }
0x92: {  	_ =	swait.ge [sflag:s17], $0x80  }
0x93: {  	[sflag:s17] =	ssyncset.done $0x0  }
0x94: {  	s26 =	sadd.s32 $0x2880, s25;
	[sflag:s17] =	ssyncadd.s32 $0xFFFFFF80  }
0x95: {  	[spmem:s2] =	stream.indirect.scatter.add.f32 [tilespmem:s15], [sflag:$0x3], $0x1, s26, s13, $0xb8;
	[tilespmem:$0x5600] =	vst v63  }
0x96: {  	_ =	swait.ge [sflag:s11], $0x80  }
0x97: {  	[sflag:s11] =	ssyncset.done $0x0  }
0x98: {  	s26 =	sadd.s32 $0x180, s25;
	[sflag:s11] =	ssyncadd.s32 $0xFFFFFF80  }
0x99: {  	[tilespmem:s15], [sflag:$0x2] =	stream.indirect.gather [hbm4b:s4+s13], $0x1, s26, s13, $0xb8;
	[tilespmem:$0x5600] =	vst v63  }
0x9a: {  	_ =	swait.ge [sflag:s17], $0x80  }
0x9b: {  	[sflag:s17] =	ssyncset.done $0x0  }
0x9c: {  	s26 =	sadd.s32 $0x2900, s25;
	[sflag:s17] =	ssyncadd.s32 $0xFFFFFF80  }
0x9d: {  	[spmem:s2] =	stream.indirect.scatter.add.f32 [tilespmem:s14], [sflag:$0x3], $0x1, s26, s13, $0xb8;
	[tilespmem:$0x5600] =	vst v63  }
0x9e: {  	_ =	swait.ge [sflag:s11], $0x80  }
0x9f: {  	[sflag:s11] =	ssyncset.done $0x0  }
0xa0: {  	s26 =	sadd.s32 $0x200, s25;
	[sflag:s11] =	ssyncadd.s32 $0xFFFFFF80  }
0xa1: {  	[tilespmem:s14], [sflag:$0x2] =	stream.indirect.gather [hbm4b:s4+s13], $0x1, s26, s13, $0xb8;
	[tilespmem:$0x5600] =	vst v63  }
0xa2: {  	_ =	swait.ge [sflag:s17], $0x80  }
0xa3: {  	[sflag:s17] =	ssyncset.done $0x0  }
0xa4: {  	s26 =	sadd.s32 $0x2980, s25;
	[sflag:s17] =	ssyncadd.s32 $0xFFFFFF80  }
0xa5: {  	[spmem:s2] =	stream.indirect.scatter.add.f32 [tilespmem:s15], [sflag:$0x3], $0x1, s26, s13, $0xb8;
	[tilespmem:$0x5600] =	vst v63  }
0xa6: {  	_ =	swait.ge [sflag:s11], $0x80  }
0xa7: {  	[sflag:s11] =	ssyncset.done $0x0  }
0xa8: {  	s26 =	sadd.s32 $0x280, s25;
	[sflag:s11] =	ssyncadd.s32 $0xFFFFFF80  }
0xa9: {  	[tilespmem:s15], [sflag:$0x2] =	stream.indirect.gather [hbm4b:s4+s13], $0x1, s26, s13, $0xb8;
	[tilespmem:$0x5600] =	vst v63  }
0xaa: {  	_ =	swait.ge [sflag:s17], $0x80  }
0xab: {  	[sflag:s17] =	ssyncset.done $0x0  }
0xac: {  	s26 =	sadd.s32 $0x2A00, s25;
	[sflag:s17] =	ssyncadd.s32 $0xFFFFFF80  }
0xad: {  	[spmem:s2] =	stream.indirect.scatter.add.f32 [tilespmem:s14], [sflag:$0x3], $0x1, s26, s13, $0xb8;
	[tilespmem:$0x5600] =	vst v63  }
0xae: {  	_ =	swait.ge [sflag:s11], $0x80  }
0xaf: {  	[sflag:s11] =	ssyncset.done $0x0  }
0xb0: {  	s26 =	sadd.s32 $0x300, s25;
	[sflag:s11] =	ssyncadd.s32 $0xFFFFFF80  }
0xb1: {  	[tilespmem:s14], [sflag:$0x2] =	stream.indirect.gather [hbm4b:s4+s13], $0x1, s26, s13, $0xb8;
	[tilespmem:$0x5600] =	vst v63  }
0xb2: {  	_ =	swait.ge [sflag:s17], $0x80  }
0xb3: {  	[sflag:s17] =	ssyncset.done $0x0  }
0xb4: {  	s26 =	sadd.s32 $0x2A80, s25;
	[sflag:s17] =	ssyncadd.s32 $0xFFFFFF80  }
0xb5: {  	[spmem:s2] =	stream.indirect.scatter.add.f32 [tilespmem:s15], [sflag:$0x3], $0x1, s26, s13, $0xb8;
	[tilespmem:$0x5600] =	vst v63  }
0xb6: {  	_ =	swait.ge [sflag:s11], $0x80  }
0xb7: {  	[sflag:s11] =	ssyncset.done $0x0  }
0xb8: {  	s26 =	sadd.s32 $0x380, s25;
	[sflag:s11] =	ssyncadd.s32 $0xFFFFFF80  }
0xb9: {  	[tilespmem:s15], [sflag:$0x2] =	stream.indirect.gather [hbm4b:s4+s13], $0x1, s26, s13, $0xb8;
	[tilespmem:$0x5600] =	vst v63  }
0xba: {  	_ =	swait.ge [sflag:s17], $0x80  }
0xbb: {  	[sflag:s17] =	ssyncset.done $0x0  }
0xbc: {  	s26 =	sadd.s32 $0x2B00, s25;
	[sflag:s17] =	ssyncadd.s32 $0xFFFFFF80  }
0xbd: {  	[spmem:s2] =	stream.indirect.scatter.add.f32 [tilespmem:s14], [sflag:$0x3], $0x1, s26, s13, $0xb8;
	[tilespmem:$0x5600] =	vst v63  }
0xbe: {  	_ =	swait.ge [sflag:s11], $0x80  }
0xbf: {  	[sflag:s11] =	ssyncset.done $0x0  }
0xc0: {  	[sflag:s11] =	ssyncadd.s32 $0xFFFFFF80  }
0xc1: {  	_ =	swait.ge [sflag:s17], $0x80  }
.Ltmp0:
0xc2: {  	[sflag:s17] =	ssyncset.done $0x0;
	(pc) =	sbr.rel @p0 .LBB2_2-.Ltmp0, $4  }
0xc3: {  	s25 =	sadd.s32 $0x2B80, s25;
	[sflag:s17] =	ssyncadd.s32 $0xFFFFFF80  }
0xc4: {  	[spmem:s2] =	stream.indirect.scatter.add.f32 [tilespmem:s15], [sflag:$0x3], $0x1, s25, s13, $0xb8;
	[tilespmem:$0x5600] =	vst v63  }
0xc5: {  	_ =	swait.ge [sflag:s11], $0x80  }
0xc6: {  	s26 =	smov.u32 s24;
	[sflag:s11] =	ssyncset.done $0x0  }
0xc7: {  	s23 =	sshra.s32 s23, $0x2;
	[sflag:s11] =	ssyncadd.s32 $0xFFFFFF80  }
0xc8: {  	[tilespmem:s14], [sflag:$0x1] =	stream.indirect.gather [hbm4b:s4+s13], $0x1, s23, s13, $0xb8;
	[tilespmem:$0x5600] =	vst v63  }
0xc9: {  	s24 =	sadd.s32 $0x80, s23  }
0xca: {  	[tilespmem:s15], [sflag:$0x2] =	stream.indirect.gather [hbm4b:s4+s13], $0x1, s24, s13, $0xb8;
	[tilespmem:$0x5600] =	vst v63  }
0xcb: {  	_ =	swait.ge [sflag:s16], $0x80  }
0xcc: {  	[sflag:s16] =	ssyncset.done $0x0  }
0xcd: {  	s31 =	sadd.s32 $0x2800, s23;
	[sflag:s16] =	ssyncadd.s32 $0xFFFFFF80  }
0xce: {  	[spmem:s2] =	stream.indirect.scatter.add.f32 [tilespmem:s14], [sflag:$0x3], $0x1, s31, s13, $0xb8;
	[tilespmem:$0x5600] =	vst v63  }
0xcf: {  	_ =	swait.ge [sflag:s11], $0x80  }
0xd0: {  	[sflag:s11] =	ssyncset.done $0x0  }
0xd1: {  	s25 =	sadd.s32 $0x100, s23;
	[sflag:s11] =	ssyncadd.s32 $0xFFFFFF80  }
0xd2: {  	[tilespmem:s14], [sflag:$0x2] =	stream.indirect.gather [hbm4b:s4+s13], $0x1, s25, s13, $0xb8;
	[tilespmem:$0x5600] =	vst v63  }
0xd3: {  	_ =	swait.ge [sflag:s17], $0x80  }
0xd4: {  	[sflag:s17] =	ssyncset.done $0x0  }
0xd5: {  	s26 =	sadd.s32 $0x2880, s23;
	[sflag:s17] =	ssyncadd.s32 $0xFFFFFF80  }
0xd6: {  	[spmem:s2] =	stream.indirect.scatter.add.f32 [tilespmem:s15], [sflag:$0x3], $0x1, s26, s13, $0xb8;
	[tilespmem:$0x5600] =	vst v63  }
0xd7: {  	_ =	swait.ge [sflag:s11], $0x80  }
0xd8: {  	[sflag:s11] =	ssyncset.done $0x0  }
0xd9: {  	s28 =	sadd.s32 $0x180, s23;
	[sflag:s11] =	ssyncadd.s32 $0xFFFFFF80  }
0xda: {  	[tilespmem:s15], [sflag:$0x2] =	stream.indirect.gather [hbm4b:s4+s13], $0x1, s28, s13, $0xb8;
	[tilespmem:$0x5600] =	vst v63  }
0xdb: {  	_ =	swait.ge [sflag:s17], $0x80  }
0xdc: {  	[sflag:s17] =	ssyncset.done $0x0  }
0xdd: {  	s29 =	sadd.s32 $0x2900, s23;
	[sflag:s17] =	ssyncadd.s32 $0xFFFFFF80  }
0xde: {  	[spmem:s2] =	stream.indirect.scatter.add.f32 [tilespmem:s14], [sflag:$0x3], $0x1, s29, s13, $0xb8;
	[tilespmem:$0x5600] =	vst v63  }
0xdf: {  	_ =	swait.ge [sflag:s11], $0x80  }
0xe0: {  	[sflag:s11] =	ssyncset.done $0x0  }
0xe1: {  	s30 =	sadd.s32 $0x200, s23;
	[sflag:s11] =	ssyncadd.s32 $0xFFFFFF80  }
0xe2: {  	[tilespmem:s14], [sflag:$0x2] =	stream.indirect.gather [hbm4b:s4+s13], $0x1, s30, s13, $0xb8;
	[tilespmem:$0x5600] =	vst v63  }
0xe3: {  	_ =	swait.ge [sflag:s17], $0x80  }
0xe4: {  	[sflag:s17] =	ssyncset.done $0x0  }
0xe5: {  	s31 =	sadd.s32 $0x2980, s23;
	[sflag:s17] =	ssyncadd.s32 $0xFFFFFF80  }
0xe6: {  	[spmem:s2] =	stream.indirect.scatter.add.f32 [tilespmem:s15], [sflag:$0x3], $0x1, s31, s13, $0xb8;
	[tilespmem:$0x5600] =	vst v63  }
0xe7: {  	_ =	swait.ge [sflag:s11], $0x80  }
0xe8: {  	[sflag:s11] =	ssyncset.done $0x0  }
0xe9: {  	s25 =	sadd.s32 $0x280, s23;
	[sflag:s11] =	ssyncadd.s32 $0xFFFFFF80  }
0xea: {  	[tilespmem:s15], [sflag:$0x2] =	stream.indirect.gather [hbm4b:s4+s13], $0x1, s25, s13, $0xb8;
	[tilespmem:$0x5600] =	vst v63  }
0xeb: {  	_ =	swait.ge [sflag:s17], $0x80  }
0xec: {  	[sflag:s17] =	ssyncset.done $0x0  }
0xed: {  	s26 =	sadd.s32 $0x2A00, s23;
	[sflag:s17] =	ssyncadd.s32 $0xFFFFFF80  }
0xee: {  	[spmem:s2] =	stream.indirect.scatter.add.f32 [tilespmem:s14], [sflag:$0x3], $0x1, s26, s13, $0xb8;
	[tilespmem:$0x5600] =	vst v63  }
0xef: {  	_ =	swait.ge [sflag:s11], $0x80  }
0xf0: {  	[sflag:s11] =	ssyncset.done $0x0  }
0xf1: {  	s28 =	sadd.s32 $0x300, s23;
	[sflag:s11] =	ssyncadd.s32 $0xFFFFFF80  }
0xf2: {  	[tilespmem:s14], [sflag:$0x2] =	stream.indirect.gather [hbm4b:s4+s13], $0x1, s28, s13, $0xb8;
	[tilespmem:$0x5600] =	vst v63  }
0xf3: {  	_ =	swait.ge [sflag:s17], $0x80  }
0xf4: {  	[sflag:s17] =	ssyncset.done $0x0  }
0xf5: {  	s29 =	sadd.s32 $0x2A80, s23;
	[sflag:s17] =	ssyncadd.s32 $0xFFFFFF80  }
0xf6: {  	[spmem:s2] =	stream.indirect.scatter.add.f32 [tilespmem:s15], [sflag:$0x3], $0x1, s29, s13, $0xb8;
	[tilespmem:$0x5600] =	vst v63  }
0xf7: {  	_ =	swait.ge [sflag:s11], $0x80  }
0xf8: {  	[sflag:s11] =	ssyncset.done $0x0  }
0xf9: {  	s30 =	sadd.s32 $0x380, s23;
	[sflag:s11] =	ssyncadd.s32 $0xFFFFFF80  }
0xfa: {  	[tilespmem:s15], [sflag:$0x2] =	stream.indirect.gather [hbm4b:s4+s13], $0x1, s30, s13, $0xb8;
	[tilespmem:$0x5600] =	vst v63  }
0xfb: {  	_ =	swait.ge [sflag:s17], $0x80  }
0xfc: {  	[sflag:s17] =	ssyncset.done $0x0  }
0xfd: {  	s31 =	sadd.s32 $0x2B00, s23;
	[sflag:s17] =	ssyncadd.s32 $0xFFFFFF80  }
0xfe: {  	[spmem:s2] =	stream.indirect.scatter.add.f32 [tilespmem:s14], [sflag:$0x3], $0x1, s31, s13, $0xb8;
	[tilespmem:$0x5600] =	vst v63  }
0xff: {  	_ =	swait.ge [sflag:s11], $0x80  }
0x100: {  	[sflag:s11] =	ssyncset.done $0x0  }
0x101: {  	[sflag:s11] =	ssyncadd.s32 $0xFFFFFF80  }
0x102: {  	_ =	swait.ge [sflag:s17], $0x80  }
0x103: {  	[sflag:s17] =	ssyncset.done $0x0  }
0x104: {  	s23 =	sadd.s32 $0x2B80, s23;
	[sflag:s17] =	ssyncadd.s32 $0xFFFFFF80  }
0x105: {  	[spmem:s2] =	stream.indirect.scatter.add.f32 [tilespmem:s15], [sflag:$0x3], $0x1, s23, s13, $0xb8;
	[tilespmem:$0x5600] =	vst v63  }
0x106: {  	_ =	swait.ge [sflag:s11], $0x80  }
0x107: {  	s22 =	sadd.s32 $0x1, s22;
	[sflag:s11] =	ssyncset.done $0x0  }
0x108: {  	p0 =	sne.s32 s22, s9;
	[sflag:s11] =	ssyncadd.s32 $0xFFFFFF80  }
.Ltmp1:
0x109: {  	[bflag:$0x0] =	sbarrier.arrive $0xFFFF;
	(pc) =	sbr.rel @p0 .LBB2_1-.Ltmp1, $4  }
0x10a: {  	[hbm:s8@s20], [sflag:s18] =	dma.strided [spmem:s19@s21], $0x50, s16, $0x10   }
0x10b: {  	_ =	swait.ge [sflag:s11], $0x50  }
0x10c: {  	[sflag:s11] =	ssyncset.done $0x0  }
0x10d: {  	[sflag:s11] =	ssyncadd.s32 $0xFFFFFFB0  }
0x10e: {  	_ =	sfence.sel $0x180000  }
0x10f: {  	[bflag:$0x0] =	sbarrier.arrive $0xFFFF  }
0x110: {  	p0 =	sne.s32 s1, $0x0;
	_ =	strace $0x90000047  }
0x111: {  	s0 =	sadd.s32 @!p0 $0x100000, s0;
	[bflag:$0x2] =	sbarrier.arrive $0xFFFF  }
0x112: {  	[sflag:s0] =	ssyncadd.tile.s32 @!p0 $0x1;
	_ =	shalt  }
.Lfunc_end2:
_tile_overlayer_lowered:
.L_overlay_start_2:
0x113: {  	(tag) =	ssettag $0x2  }
0x114: {  	s0 =	rddreg [dreg:$0x0];
	s2 =	stileid.u32  }
0x115: {  	s1 =	rddreg [dreg:$0x1];
	p0 =	sne.s32 s2, $0x0  }
0x116: {  	s3 =	rddreg [dreg:$0x2];
	[bflag:$0x3] =	sbarrier.arrive $0xFFFF;
	s2 =	simm.s32 @!p0 $0x1C03  }
0x117: {  	[timem:s3], [sflag:s2] =	dma.local @!p0 [hbm:s0], s1  }
0x118: {  	s0 =	simm.s32 @!p0 $0x3  }
0x119: {  	_ =	swait.ge @!p0 [sflag:s0], s1  }
0x11a: {  	s1 =	ssub.s32 @!p0 $0x0, s1;
	[sflag:s0] =	ssyncset.done @!p0 $0x0  }
0x11b: {  	[sflag:s0] =	ssyncadd.s32 @!p0 s1  }
0x11c: {  	[bflag:$0x3] =	sbarrier.arrive $0xFFFF  }
0x11d: {  	_ =	shalt  }

// kernel: kernel.13.cloned.1.call-start
scs
__scs_entry_jumppad:
0x0: {  	(pc) =	sbr.rel $0x88, $3  }
0x1: {  	(tag) =	ssettag $0x0;
	lr =	simm.s32 $0x1  }
0x2: {  	[smem:$0x3F96] =	sst lr;
	_ =	strace $0xD0000000  }
0x3: {  	_ = 	snop  }
0x4: {  	_ = 	snop  }
0x5: {  	_ = 	snop  }
0x6: {  	_ = 	snop  }
0x7: {  	_ = 	snop  }
__scs_overlays_trampoline_lowered:
0x8: {  	[smem:$0x3FA5] =	sst s0  }
0x9: {  	[smem:$0x3FA6] =	sst s1  }
0xa: {  	[smem:$0x3FA7] =	sst s2  }
0xb: {  	[smem:$0x3FA8] =	sst s3  }
0xc: {  	[smem:$0x3FA9] =	sst s4  }
0xd: {  	[smem:$0x3FAA] =	sst s5  }
0xe: {  	[smem:$0x3FAB] =	sst s6  }
0xf: {  	[smem:$0x3FAC] =	sst s7  }
0x10: {  	[smem:$0x3FAD] =	sst s8  }
0x11: {  	[smem:$0x3FAE] =	sst s9;
	s0 =	simm.s32 @!p0 $0x0  }
0x12: {  	s1 =	sld [smem:$0x3F94];
	s0 =	simm.s32 @p0 $0x1  }
0x13: {  	[smem:$0x3FAF] =	sst s0;
	s0 =	simm.s32 @!p1 $0x0  }
0x14: {  	s2 =	sld [smem:$0x3F93];
	s0 =	simm.s32 @p1 $0x1  }
0x15: {  	[smem:$0x3FB0] =	sst s0;
	s0 =	simm.s32 @!p2 $0x0  }
0x16: {  	s3 =	sld [smem:$0x3FDB];
	s0 =	simm.s32 @p2 $0x1  }
0x17: {  	s4 =	simm.s32 $0x1BF5;
	[smem:$0x3FB2] =	sst s0  }
0x18: {  	s0 =	sld [smem:$0x3F95];
	_ =	swait.ge [sflag:s4], $0x0  }
0x19: {  	s7 =	sld [smem:$0x3F96]  }
0x1a: {  	s8 =	sadd.s32 $0xFFFFE003, lr  }
0x1b: {  	s9 =	sadd.s32 $0xFFFFFEF7, lr;
	s5 =	simm.s32 $0xFFFFFFFF;
	p2 =	slt.u32 s8, $0xFFFFF086  }
0x1c: {  	p1 =	slt.u32 s9, $0xF7A;
	s5 =	simm.s32 @!p2 $0x0  }
0x1d: {  	s5 =	simm.s32 @p1 $0x1;
	p0 =	seq.s32 s7, s2  }
0x1e: {  	s7 =	smul.u32 @!p0 $0xF7A, s2;
	p2 =	seq.s32 @!p0 s5, $0x0  }
0x1f: {  	s9 =	smul.u32 $0xF7A, s1;
	s8 =	simm.s32 @!p0 $0x1BF5;
	p2 =	por !p2, p0  }
0x20: {  	[sflag:s8] =	ssyncset.s32 @!p0 $0xFFFFF086;
	s6 =	sadd.s32 @!p0 s3, s7;
	s7 =	simm.s32 @!p0 $0x108  }
0x21: {  	s3 =	sadd.s32 s3, s9;
	s6 =	sadd.s32 @!p0 $0x88, s6;
	s7 =	simm.s32 @p2 $0x1082  }
0x22: {  	[simem:s7], [sflag:s8] =	dma.local @!p0 [hbm:s6], $0xF7A  }
0x23: {  	s9 =	sor.u32 $0xD0000000, s2;
	s6 =	simm.s32 $0x108;
	_ =	swait.ge @!p0 [sflag:s8], $0x0  }
0x24: {  	s3 =	sadd.s32 $0x88, s3;
	s6 =	simm.s32 @!p1 $0x1082;
	[sflag:s4] =	ssyncset.s32 $0xFFFFF086  }
0x25: {  	[simem:s6], [sflag:s4] =	dma.local [hbm:s3], $0xF7A  }
0x26: {  	[smem:$0x3F96] =	sst s1;
	(tag) =	ssettag s2;
	_ =	strace s9  }
0x27: {  	s1 =	sld [smem:$0x3FA6]  }
0x28: {  	s2 =	sld [smem:$0x3FA7]  }
0x29: {  	s4 =	sld [smem:$0x3FA9]  }
0x2a: {  	p0 =	seq.s32 s5, $0x0;
	s5 =	sld [smem:$0x3FAA]  }
0x2b: {  	s6 =	sld [smem:$0x3FAB]  }
0x2c: {  	s7 =	sld [smem:$0x3FAC]  }
0x2d: {  	s3 =	simm.s32 $0x108;
	s8 =	sld [smem:$0x3FAD]  }
0x2e: {  	s3 =	simm.s32 @!p0 $0x1082;
	s9 =	sld [smem:$0x3FAE]  }
0x2f: {  	lr =	sadd.s32 s0, s3;
	s0 =	sld [smem:$0x3FA5]  }
0x30: {  	s3 =	sld [smem:$0x3FA8]  }
0x31: {  	[smem:$0x3FB1] =	sst s10  }
0x32: {  	s10 =	sld [smem:$0x3FAF];
	_ =	sdelay $0x3  }
0x33: {  	p0 =	seq.s32 s10, $0x1;
	s10 =	sld [smem:$0x3FB1];
	_ =	sdelay $0x3  }
0x34: {  	[smem:$0x3FB1] =	sst s10  }
0x35: {  	s10 =	sld [smem:$0x3FB0];
	_ =	sdelay $0x3  }
0x36: {  	p1 =	seq.s32 s10, $0x1;
	s10 =	sld [smem:$0x3FB1];
	_ =	sdelay $0x3  }
0x37: {  	[smem:$0x3FB1] =	sst s10  }
0x38: {  	s10 =	sld [smem:$0x3FB2]  }
0x39: {  	_ = 	snop;
	(pc) =	sbr.ind lr, $3  }
0x3a: {  	_ = 	snop  }
0x3b: {  	_ = 	snop  }
0x3c: {  	p2 =	seq.s32 s10, $0x1;
	s10 =	sld [smem:$0x3FB1]  }
0x3d: {  	_ =	shalt  }
0x3e: {  	_ =	shalt  }
0x3f: {  	_ =	shalt  }
0x40: {  	_ =	shalt  }
0x41: {  	_ =	shalt  }
0x42: {  	_ =	shalt  }
0x43: {  	_ =	shalt  }
0x44: {  	_ =	shalt  }
0x45: {  	_ =	shalt  }
0x46: {  	_ =	shalt  }
0x47: {  	_ =	shalt  }
0x48: {  	_ =	shalt  }
0x49: {  	_ =	shalt  }
0x4a: {  	_ =	shalt  }
0x4b: {  	_ =	shalt  }
0x4c: {  	_ =	shalt  }
0x4d: {  	_ =	shalt  }
0x4e: {  	_ =	shalt  }
0x4f: {  	_ =	shalt  }
0x50: {  	_ =	shalt  }
0x51: {  	_ =	shalt  }
0x52: {  	_ =	shalt  }
0x53: {  	_ =	shalt  }
0x54: {  	_ =	shalt  }
0x55: {  	_ =	shalt  }
0x56: {  	_ =	shalt  }
0x57: {  	_ =	shalt  }
0x58: {  	_ =	shalt  }
0x59: {  	_ =	shalt  }
0x5a: {  	_ =	shalt  }
0x5b: {  	_ =	shalt  }
0x5c: {  	_ =	shalt  }
0x5d: {  	_ =	shalt  }
0x5e: {  	_ =	shalt  }
0x5f: {  	_ =	shalt  }
0x60: {  	_ =	shalt  }
0x61: {  	_ =	shalt  }
0x62: {  	_ =	shalt  }
0x63: {  	_ =	shalt  }
0x64: {  	_ =	shalt  }
0x65: {  	_ =	shalt  }
0x66: {  	_ =	shalt  }
0x67: {  	_ =	shalt  }
0x68: {  	_ =	shalt  }
0x69: {  	_ =	shalt  }
0x6a: {  	_ =	shalt  }
0x6b: {  	_ =	shalt  }
0x6c: {  	_ =	shalt  }
0x6d: {  	_ =	shalt  }
0x6e: {  	_ =	shalt  }
0x6f: {  	_ =	shalt  }
0x70: {  	_ =	shalt  }
0x71: {  	_ =	shalt  }
0x72: {  	_ =	shalt  }
0x73: {  	_ =	shalt  }
0x74: {  	_ =	shalt  }
0x75: {  	_ =	shalt  }
0x76: {  	_ =	shalt  }
0x77: {  	_ =	shalt  }
0x78: {  	_ =	shalt  }
0x79: {  	_ =	shalt  }
0x7a: {  	_ =	shalt  }
0x7b: {  	_ =	shalt  }
0x7c: {  	_ =	shalt  }
0x7d: {  	_ =	shalt  }
0x7e: {  	_ =	shalt  }
0x7f: {  	_ =	shalt  }
0x80: {  	_ =	shalt  }
0x81: {  	_ =	shalt  }
0x82: {  	_ =	shalt  }
0x83: {  	_ =	shalt  }
0x84: {  	_ =	shalt  }
0x85: {  	_ =	shalt  }
0x86: {  	_ =	shalt  }
0x87: {  	_ =	shalt  }
.Lfunc_end0:
.L_simem_size_0:
called_computation.1_lowered:
.L_overlay_start_0:
0x88: {  	s2 =	sld [smem:$0x3FD9]  }
0x89: {  	s3 =	sld [smem:$0x3FFE];
	_ =	sdelay $0x1  }
0x8a: {  	s1 =	srdreg.scid  }
0x8b: {  	s0 =	sand.u32 $0x1, s1  }
0x8c: {  	s17 =	sshll.u32 s0, $0xA;
	s2 =	sadd.s32 s3, s2  }
0x8d: {  	s2 =	sadd.s32 s2, s17  }
0x8e: {  	[smem:$0x3FBD] =	sst s2  }
0x8f: {  	_ = 	snop  }
0x90: {  	(tm) =	ssettm $0x1  }
0x91: {  	s18 =	sld [smem:$0x3FFB];
	_ =	sdelay $0x3  }
0x92: {  	_ =	strace s18  }
0x93: {  	s2 =	sld [smem:$0x3FFC];
	_ =	sdelay $0x3  }
0x94: {  	_ =	strace s2  }
0x95: {  	s2 =	sld [smem:$0x3FFD];
	_ =	sdelay $0x3  }
0x96: {  	_ =	strace s2  }
0x97: {  	_ =	strace $0x8FFFFFFF  }
0x98: {  	s19 =	sld [smem:$0x3FDB];
	_ =	sdelay $0x1  }
0x99: {  	s20 =	simm.s32 $_scs_section_size  }
0x9a: {  	s4 =	simm.s32 $_size__tile_overlayer_lowered;
	s5 =	simm.s32 $_tile_overlayer_lowered  }
0x9b: {  	s6 =	simm.s32 $0x1BFF;
	s21 =	sshll.u32 s5, $0x1;
	s3 =	sadd.s32 s20, s19  }
0x9c: {  	s22 =	simm.s32 $0x0;
	s4 =	sshll.u32 s4, $0x1;
	s5 =	sadd.s32 s21, s3  }
0x9d: {  	[timem:s22], [sflag:s6] =	dma.local [hbm:s5], s4  }
0x9e: {  	_ =	swait.ge [sflag:s6], s4  }
0x9f: {  	s4 =	ssub.s32 $0x0, s4;
	[sflag:s6] =	ssyncset.done $0x0  }
0xa0: {  	[sflag:s6] =	ssyncadd.s32 s4;
	_ =	sdelay $0x1  }
0xa1: {  	s23 =	simm.s32 $0x1B8B  }
0xa2: {  	_ =	swait.ge [sflag:s23], $0x1  }
0xa3: {  	[sflag:s23] =	ssyncset.done $0x0  }
0xa4: {  	[sflag:s23] =	ssyncadd.s32 $0xFFFFFFFF  }
0xa5: {  	s4 =	sld [smem:$0x0]  }
0xa6: {  	s5 =	sand.u32 $0xFFFFFFFE, s1  }
0xa7: {  	p0 =	sne.s32 s1, s5  }
0xa8: {  	s5 =	sshll.u32 @p0 s5, $0xE  }
0xa9: {  	s5 =	sadd.s32 @p0 $0x11B8D, s5;
	s6 =	sshll.u32 @p0 s4, $0x11  }
0xaa: {  	s5 =	sor.u32 @p0 s6, s5  }
0xab: {  	[sflag:s5] =	ssyncadd.remote.s32 @p0 $0x1;
	_ =	sdelay $0x1  }
0xac: {  	s5 =	simm.s32 @p0 $0x1B8D  }
0xad: {  	_ =	swait.eq @p0 [sflag:s5], $0x1  }
0xae: {  	[sflag:s5] =	ssyncadd.s32 @p0 $0xFFFFFFFF  }
0xaf: {  	s6 =	sshll.u32 @!p0 s1, $0xE  }
0xb0: {  	s6 =	sor.u32 @!p0 $0x4000, s6;
	s5 =	simm.s32 @!p0 $0x1B8D  }
0xb1: {  	s4 =	sshll.u32 @!p0 s4, $0x11;
	s6 =	sadd.s32 @!p0 $0x11B8D, s6;
	_ =	swait.eq @!p0 [sflag:s5], $0x1  }
0xb2: {  	s4 =	sor.u32 @!p0 s4, s6;
	[sflag:s5] =	ssyncadd.s32 @!p0 $0xFFFFFFFF  }
0xb3: {  	s25 =	simm.s32 $0x1B8E;
	s24 =	sld [smem:$0x3FFE];
	[sflag:s4] =	ssyncadd.remote.s32 @!p0 $0x1  }
0xb4: {  	s26 =	simm.s32 $execute0_lowered;
	[smem:$0x3FD2] =	sst s25  }
0xb5: {  	s5 =	sshll.u32 s26, $0x1;
	_ =	strace $0x80000049;
	[dreg:$0x1] =	wrdreg $0xFFFFFFFF  }
0xb6: {  	s28 =	simm.s32 $_size_execute0_lowered;
	s3 =	sadd.s32 s3, s5;
	[dreg:$0x0] =	wrdreg $0x0  }
0xb7: {  	s5 =	sshll.u32 s28, $0x1;
	[dreg:$0x2] =	wrdreg s3  }
0xb8: {  	[dreg:$0x3] =	wrdreg s5  }
0xb9: {  	[dreg:$0x4] =	wrdreg $0xC0  }
0xba: {  	_ =	task [dreg:s22], $0x5FFFF  }
0xbb: {  	[dreg:$0x1] =	wrdreg $0xFFFFFFFF  }
0xbc: {  	[dreg:$0x0] =	wrdreg $0x60  }
0xbd: {  	[dreg:$0x2] =	wrdreg s24  }
0xbe: {  	[dreg:$0x3] =	wrdreg $0x90000  }
0xbf: {  	[dreg:$0x4] =	wrdreg $0xA  }
0xc0: {  	_ =	task.clear_ibuf [dreg:s22], $0x5FFFF;
	_ =	strace $0x90000049  }
0xc1: {  	s29 =	simm.s32 $0xA;
	_ =	strace $0x8000004B  }
0xc2: {  	_ =	swait.ge [sflag:s29], $0x1  }
0xc3: {  	[sflag:s29] =	ssyncadd.s32 $0xFFFFFFFF  }
0xc4: {  	_ =	strace $0x9000004B  }
0xc5: {  	_ =	sfence  }
0xc6: {  	s30 =	sld [smem:$0x0];
	_ =	sdelay $0x2  }
0xc7: {  	s31 =	sshll.u32 s1, $0xD;
	s1 =	sshrl.u32 s1, $0x2  }
0xc8: {  	s4 =	sand.u32 $0x4000, s31;
	s1 =	sadd.s32 s1, s30  }
0xc9: {  	s0 =	sor.u32 s4, s0;
	s1 =	sshll.u32 s1, $0x11  }
0xca: {  	s0 =	sor.u32 s1, s0  }
0xcb: {  	s0 =	sadd.s32 $0x8F2B, s0  }
0xcc: {  	[sflag:s0] =	ssyncadd.remote.s32 $0x1  }
0xcd: {  	_ =	sfence.sel $0xFFFF  }
0xce: {  	[dreg:$0x0] =	wrdreg $0xFFFFFFFF;
	(pc) =	sbr.abs _section_cstart, $3  }
0xcf: {  	[dreg:$0x1] =	wrdreg $0xFFFFFFFF  }
0xd0: {  	_ =	task.clear_ibuf [dreg:s22], $0x2FFFF;
	_ =	strace $0x9FFFFFFF  }
0xd1: {  	(tm) =	ssettm $0x7FFFFFFF  }
tec
execute0_lowered:
.L_overlay_start_1:
0x0: {  	(tag) =	ssettag $0x1  }
0x1: {  	s0 =	rddreg [dreg:$0x0]  }
0x2: {  	s1 =	rddreg [dreg:$0x1]  }
0x3: {  	s3 =	srdreg.scid;
	s2 =	simm.s32 $0x0;
	s11 =	stileid.u32  }
0x4: {  	s12 =	simm.s32 $0x3;
	s13 =	simm.s32 $0x400;
	s14 =	simm.s32 $0x80  }
0x5: {  	s15 =	simm.s32 $0x800;
	s16 =	simm.s32 $0x4800;
	s17 =	simm.s32 $0x1  }
0x6: {  	s18 =	simm.s32 $0x100;
	s19 =	simm.s32 $0x2;
	s20 =	simm.s32 $0x480  }
0x7: {  	s28 =	simm.s32 $0x300;
	s3 =	sand.u32 $0x1, s3;
	s8 =	smul.u32 $0x14000, s11  }
0x8: {  	s29 =	simm.s32 $0x680;
	s30 =	simm.s32 $0x380;
	s5 =	smul.u32 $0x140000, s3  }
0x9: {  	s31 =	simm.s32 $0x700;
	[smem:$0x7FF] =	sst s2;
	s6 =	smul.u32 $0xFFFFFF70, s3  }
0xa: {  	s4 =	sadd.s32 $0x18000, s0;
	s7 =	sadd.s32 $0xD000, s0;
	s21 =	smul.u32 $0x980, s3  }
0xb: {  	_ =	strace $0x8000004A;
	s22 =	ssub.s32 $0x2, s3;
	s3 =	smul.u32 $0x12, s3  }
0xc: {  	[dreg:$0x3] =	wrdreg s7;
	s10 =	sshrl.u32 s22, $0x1;
	s6 =	sadd.s32 $0x98, s6  }
0xd: {  	s5 =	sadd.s32 s8, s5;
	s8 =	ssub.s32 s22, s10;
	s25 =	ssub.s32 $0x13, s3  }
0xe: {  	s22 =	simm.s32 $0x500;
	s3 =	simm.s32 $0x0;
	s6 =	smul.u32 s11, s6  }
0xf: {  	s9 =	sshrl.u32 s5, $0x3;
	s11 =	smul.u32 $0x50000, s11;
	s5 =	sadd.s32 $0x3000, s0  }
0x10: {  	s24 =	smax.u32 s8, $0x1;
	[dreg:$0x6] =	wrdreg s25;
	s25 =	simm.s32 $0x280  }
0x11: {  	s0 =	sadd.s32 s9, s0;
	[dreg:$0x5] =	wrdreg s24;
	s24 =	simm.s32 $0x580  }
0x12: {  	s7 =	sadd.s32 s21, s6;
	s23 =	sshrl.u32 s11, $0x2;
	s0 =	sadd.s32 $0x3F200, s0  }
0x13: {  	s11 =	simm.s32 $0x8800;
	s21 =	simm.s32 $0x180;
	s6 =	sadd.s32 s23, s1  }
0x14: {  	[dreg:$0x4] =	wrdreg s0;
	s26 =	sshll.u32 s7, $0x4;
	s23 =	simm.s32 $0x200  }
0x15: {  	v0 =	vimm.f32 $0.0e+00;
	s0 =	simm.s32 $0x780;
	[dreg:$0x7] =	wrdreg s26;
	s26 =	simm.s32 $0x600  }
.LBB2_1:
0x16: {  	s7 =	simm.s32 $0x0;
	s10 =	simm.s32 $0x200  }
.LBB2_2:
0x17: {  	p0 =	sne.s32 s10, $0x1E00;
	[tilespmem:s7+$0x8870] =	vst v0  }
0x18: {  	[tilespmem:s7+$0x8800] =	vst v0  }
0x19: {  	[tilespmem:s7+$0x8810] =	vst v0  }
.Ltmp0:
0x1a: {  	[tilespmem:s7+$0x8820] =	vst v0;
	(pc) =	sbr.rel @p0 .LBB2_2-.Ltmp0, $4  }
0x1b: {  	[tilespmem:s7+$0x8830] =	vst v0  }
0x1c: {  	[tilespmem:s7+$0x8840] =	vst v0  }
0x1d: {  	[tilespmem:s7+$0x8850] =	vst v0  }
0x1e: {  	[tilespmem:s7+$0x8860] =	vst v0;
	s7 =	sshra.s32 s10, $0x2;
	s10 =	sadd.s32 $0x200, s10  }
0x1f: {  	[tilespmem:s7+$0x8870] =	vst v0  }
0x20: {  	[tilespmem:s7+$0x8800] =	vst v0  }
0x21: {  	[tilespmem:s7+$0x8810] =	vst v0  }
0x22: {  	[tilespmem:s7+$0x8820] =	vst v0  }
0x23: {  	[tilespmem:s7+$0x8830] =	vst v0  }
0x24: {  	[tilespmem:s7+$0x8840] =	vst v0  }
0x25: {  	[tilespmem:s7+$0x8850] =	vst v0  }
0x26: {  	[tilespmem:s7+$0x8860] =	vst v0;
	s10 =	sadd.s32 $0x0, s6  }
0x27: {  	[spmem:s10] =	stream.linear.scatter [tilespmem:s11], [sflag:$0x3], $0x800, $0x38;
	[tilespmem:$0x1D000] =	vst v63  }
0x28: {  	s7 =	simm.s32 $0x2000;
	_ =	swait.ge [sflag:s12], $0x800  }
.LBB2_4:
0x29: {  	s10 =	sshra.s32 s7, $0x2;
	[sflag:s12] =	ssyncset.done $0x0;
	p0 =	sne.s32 s7, $0x4E000  }
.Ltmp1:
0x2a: {  	s10 =	sadd.s32 s10, s6;
	[sflag:s12] =	ssyncadd.s32 $0xFFFFF800;
	(pc) =	sbr.rel @p0 .LBB2_4-.Ltmp1, $3  }
0x2b: {  	[spmem:s10] =	stream.linear.scatter [tilespmem:s11], [sflag:$0x3], $0x800, $0x38;
	[tilespmem:$0x1D000] =	vst v63  }
0x2c: {  	s7 =	sadd.s32 $0x2000, s7;
	_ =	sdelay $0x1  }
0x2d: {  	_ =	swait.ge [sflag:s12], $0x800  }
0x2e: {  	[sflag:s12] =	ssyncset.done $0x0  }
0x2f: {  	[sflag:s12] =	ssyncadd.s32 $0xFFFFF800  }
0x30: {  	[bflag:$0x0] =	sbarrier.arrive $0xFFFF  }
0x31: {  	s8 =	rddreg [dreg:$0x7]  }
0x32: {  	s7 =	rddreg [dreg:$0x3];
	s10 =	sand.u32 $0x1FFFFF80, s8  }
0x33: {  	s7 =	sadd.s32 s7, s10  }
0x34: {  	[tilespmem:s2], [sflag:$0x3] =	stream.linear.gather [hbm4b:s7+s2], $0x400, $0x38;
	[tilespmem:$0x1D000] =	vst v63  }
0x35: {  	_ =	swait.ge [sflag:s12], $0x400  }
0x36: {  	[sflag:s12] =	ssyncset.done $0x0  }
0x37: {  	s9 =	sadd.s32 s5, s10;
	[sflag:s12] =	ssyncadd.s32 $0xFFFFFC00  }
0x38: {  	[tilespmem:s13], [sflag:$0x3] =	stream.linear.gather [hbm4b:s9+s2], $0x400, $0x38;
	[tilespmem:$0x1D000] =	vst v63  }
0x39: {  	_ =	swait.ge [sflag:s12], $0x400  }
0x3a: {  	[sflag:s12] =	ssyncset.done $0x0  }
0x3b: {  	[sflag:s12] =	ssyncadd.s32 $0xFFFFFC00  }
0x3c: {  	[tilespmem:s15], [sflag:$0x1] =	stream.indirect.gather [hbm4b:s4+s14], $0x80, s2, s14, $0xb8;
	[tilespmem:$0x1D000] =	vst v63  }
0x3d: {  	_ = 	snop  }
0x3e: {  	[tilespmem:s16], [sflag:$0x2] =	stream.indirect.gather [hbm4b:s4+s14], $0x80, s14, s14, $0xb8;
	[tilespmem:$0x1D000] =	vst v63  }
0x3f: {  	_ =	swait.ge [sflag:s17], $0x4000  }
0x40: {  	[sflag:s17] =	ssyncset.done $0x0  }
0x41: {  	[sflag:s17] =	ssyncadd.s32 $0xFFFFC000  }
0x42: {  	[spmem:s1] =	stream.indirect.scatter.add.f32 [tilespmem:s15], [sflag:$0x3], $0x80, s13, s14, $0xb8;
	[tilespmem:$0x1D000] =	vst v63  }
0x43: {  	_ =	swait.ge [sflag:s12], $0x4000  }
0x44: {  	[sflag:s12] =	ssyncset.done $0x0  }
0x45: {  	[sflag:s12] =	ssyncadd.s32 $0xFFFFC000  }
0x46: {  	[tilespmem:s15], [sflag:$0x2] =	stream.indirect.gather [hbm4b:s4+s14], $0x80, s18, s14, $0xb8;
	[tilespmem:$0x1D000] =	vst v63  }
0x47: {  	_ =	swait.ge [sflag:s19], $0x4000  }
0x48: {  	[sflag:s19] =	ssyncset.done $0x0  }
0x49: {  	[sflag:s19] =	ssyncadd.s32 $0xFFFFC000  }
0x4a: {  	[spmem:s1] =	stream.indirect.scatter.add.f32 [tilespmem:s16], [sflag:$0x3], $0x80, s20, s14, $0xb8;
	[tilespmem:$0x1D000] =	vst v63  }
0x4b: {  	_ =	swait.ge [sflag:s12], $0x4000  }
0x4c: {  	[sflag:s12] =	ssyncset.done $0x0  }
0x4d: {  	[sflag:s12] =	ssyncadd.s32 $0xFFFFC000  }
0x4e: {  	[tilespmem:s16], [sflag:$0x2] =	stream.indirect.gather [hbm4b:s4+s14], $0x80, s21, s14, $0xb8;
	[tilespmem:$0x1D000] =	vst v63  }
0x4f: {  	_ =	swait.ge [sflag:s19], $0x4000  }
0x50: {  	[sflag:s19] =	ssyncset.done $0x0  }
0x51: {  	[sflag:s19] =	ssyncadd.s32 $0xFFFFC000  }
0x52: {  	[spmem:s1] =	stream.indirect.scatter.add.f32 [tilespmem:s15], [sflag:$0x3], $0x80, s22, s14, $0xb8;
	[tilespmem:$0x1D000] =	vst v63  }
0x53: {  	_ =	swait.ge [sflag:s12], $0x4000  }
0x54: {  	[sflag:s12] =	ssyncset.done $0x0  }
0x55: {  	[sflag:s12] =	ssyncadd.s32 $0xFFFFC000  }
0x56: {  	[tilespmem:s15], [sflag:$0x2] =	stream.indirect.gather [hbm4b:s4+s14], $0x80, s23, s14, $0xb8;
	[tilespmem:$0x1D000] =	vst v63  }
0x57: {  	_ =	swait.ge [sflag:s19], $0x4000  }
0x58: {  	[sflag:s19] =	ssyncset.done $0x0  }
0x59: {  	[sflag:s19] =	ssyncadd.s32 $0xFFFFC000  }
0x5a: {  	[spmem:s1] =	stream.indirect.scatter.add.f32 [tilespmem:s16], [sflag:$0x3], $0x80, s24, s14, $0xb8;
	[tilespmem:$0x1D000] =	vst v63  }
0x5b: {  	_ =	swait.ge [sflag:s12], $0x4000  }
0x5c: {  	[sflag:s12] =	ssyncset.done $0x0  }
0x5d: {  	[sflag:s12] =	ssyncadd.s32 $0xFFFFC000  }
0x5e: {  	[tilespmem:s16], [sflag:$0x2] =	stream.indirect.gather [hbm4b:s4+s14], $0x80, s25, s14, $0xb8;
	[tilespmem:$0x1D000] =	vst v63  }
0x5f: {  	_ =	swait.ge [sflag:s19], $0x4000  }
0x60: {  	[sflag:s19] =	ssyncset.done $0x0  }
0x61: {  	[sflag:s19] =	ssyncadd.s32 $0xFFFFC000  }
0x62: {  	[spmem:s1] =	stream.indirect.scatter.add.f32 [tilespmem:s15], [sflag:$0x3], $0x80, s26, s14, $0xb8;
	[tilespmem:$0x1D000] =	vst v63  }
0x63: {  	_ =	swait.ge [sflag:s12], $0x4000  }
0x64: {  	[sflag:s12] =	ssyncset.done $0x0  }
0x65: {  	[sflag:s12] =	ssyncadd.s32 $0xFFFFC000  }
0x66: {  	[tilespmem:s15], [sflag:$0x2] =	stream.indirect.gather [hbm4b:s4+s14], $0x80, s28, s14, $0xb8;
	[tilespmem:$0x1D000] =	vst v63  }
0x67: {  	_ =	swait.ge [sflag:s19], $0x4000  }
0x68: {  	[sflag:s19] =	ssyncset.done $0x0  }
0x69: {  	[sflag:s19] =	ssyncadd.s32 $0xFFFFC000  }
0x6a: {  	[spmem:s1] =	stream.indirect.scatter.add.f32 [tilespmem:s16], [sflag:$0x3], $0x80, s29, s14, $0xb8;
	[tilespmem:$0x1D000] =	vst v63  }
0x6b: {  	_ =	swait.ge [sflag:s12], $0x4000  }
0x6c: {  	[sflag:s12] =	ssyncset.done $0x0  }
0x6d: {  	[sflag:s12] =	ssyncadd.s32 $0xFFFFC000  }
0x6e: {  	[tilespmem:s16], [sflag:$0x2] =	stream.indirect.gather [hbm4b:s4+s14], $0x80, s30, s14, $0xb8;
	[tilespmem:$0x1D000] =	vst v63  }
0x6f: {  	_ =	swait.ge [sflag:s19], $0x4000  }
0x70: {  	[sflag:s19] =	ssyncset.done $0x0  }
0x71: {  	[sflag:s19] =	ssyncadd.s32 $0xFFFFC000  }
0x72: {  	[spmem:s1] =	stream.indirect.scatter.add.f32 [tilespmem:s15], [sflag:$0x3], $0x80, s31, s14, $0xb8;
	[tilespmem:$0x1D000] =	vst v63  }
0x73: {  	_ =	swait.ge [sflag:s12], $0x4000  }
0x74: {  	[sflag:s12] =	ssyncset.done $0x0  }
0x75: {  	[sflag:s12] =	ssyncadd.s32 $0xFFFFC000  }
0x76: {  	_ =	swait.ge [sflag:s19], $0x4000  }
0x77: {  	s10 =	rddreg [dreg:$0x6]  }
0x78: {  	p0 =	sne.s32 s10, $0x1  }
.Ltmp2:
0x79: {  	_ = 	snop;
	(pc) =	sbr.rel @!p0 .LBB2_7-.Ltmp2, $4  }
0x7a: {  	[sflag:s19] =	ssyncset.done $0x0  }
0x7b: {  	[sflag:s19] =	ssyncadd.s32 $0xFFFFC000  }
0x7c: {  	[spmem:s1] =	stream.indirect.scatter.add.f32 [tilespmem:s16], [sflag:$0x3], $0x80, s0, s14, $0xb8;
	[tilespmem:$0x1D000] =	vst v63  }
0x7d: {  	s7 =	sadd.s32 $0xFFFFFFFF, s10;
	s10 =	smov.u32 s8;
	_ =	swait.ge [sflag:s12], $0x4000  }
.LBB2_6:
0x7e: {  	s10 =	sadd.s32 $0x80, s10  }
0x7f: {  	s9 =	rddreg [dreg:$0x3];
	[sflag:s12] =	ssyncset.done $0x0;
	s8 =	sand.u32 $0x1FFFFF80, s10  }
0x80: {  	[sflag:s12] =	ssyncadd.s32 $0xFFFFC000;
	s9 =	sadd.s32 s9, s8  }
0x81: {  	[tilespmem:s2], [sflag:$0x3] =	stream.linear.gather [hbm4b:s9+s2], $0x400, $0x38;
	[tilespmem:$0x1D000] =	vst v63  }
0x82: {  	_ =	swait.ge [sflag:s12], $0x400  }
0x83: {  	[sflag:s12] =	ssyncset.done $0x0  }
0x84: {  	s8 =	sadd.s32 s5, s8;
	[sflag:s12] =	ssyncadd.s32 $0xFFFFFC00  }
0x85: {  	[tilespmem:s13], [sflag:$0x3] =	stream.linear.gather [hbm4b:s8+s2], $0x400, $0x38;
	[tilespmem:$0x1D000] =	vst v63  }
0x86: {  	_ =	swait.ge [sflag:s12], $0x400  }
0x87: {  	[sflag:s12] =	ssyncset.done $0x0  }
0x88: {  	[sflag:s12] =	ssyncadd.s32 $0xFFFFFC00  }
0x89: {  	[tilespmem:s15], [sflag:$0x1] =	stream.indirect.gather [hbm4b:s4+s14], $0x80, s2, s14, $0xb8;
	[tilespmem:$0x1D000] =	vst v63  }
0x8a: {  	_ = 	snop  }
0x8b: {  	[tilespmem:s16], [sflag:$0x2] =	stream.indirect.gather [hbm4b:s4+s14], $0x80, s14, s14, $0xb8;
	[tilespmem:$0x1D000] =	vst v63  }
0x8c: {  	_ =	swait.ge [sflag:s17], $0x4000  }
0x8d: {  	[sflag:s17] =	ssyncset.done $0x0  }
0x8e: {  	[sflag:s17] =	ssyncadd.s32 $0xFFFFC000  }
0x8f: {  	[spmem:s1] =	stream.indirect.scatter.add.f32 [tilespmem:s15], [sflag:$0x3], $0x80, s13, s14, $0xb8;
	[tilespmem:$0x1D000] =	vst v63  }
0x90: {  	_ =	swait.ge [sflag:s12], $0x4000  }
0x91: {  	[sflag:s12] =	ssyncset.done $0x0  }
0x92: {  	[sflag:s12] =	ssyncadd.s32 $0xFFFFC000  }
0x93: {  	[tilespmem:s15], [sflag:$0x2] =	stream.indirect.gather [hbm4b:s4+s14], $0x80, s18, s14, $0xb8;
	[tilespmem:$0x1D000] =	vst v63  }
0x94: {  	_ =	swait.ge [sflag:s19], $0x4000  }
0x95: {  	[sflag:s19] =	ssyncset.done $0x0  }
0x96: {  	[sflag:s19] =	ssyncadd.s32 $0xFFFFC000  }
0x97: {  	[spmem:s1] =	stream.indirect.scatter.add.f32 [tilespmem:s16], [sflag:$0x3], $0x80, s20, s14, $0xb8;
	[tilespmem:$0x1D000] =	vst v63  }
0x98: {  	_ =	swait.ge [sflag:s12], $0x4000  }
0x99: {  	[sflag:s12] =	ssyncset.done $0x0  }
0x9a: {  	[sflag:s12] =	ssyncadd.s32 $0xFFFFC000  }
0x9b: {  	[tilespmem:s16], [sflag:$0x2] =	stream.indirect.gather [hbm4b:s4+s14], $0x80, s21, s14, $0xb8;
	[tilespmem:$0x1D000] =	vst v63  }
0x9c: {  	_ =	swait.ge [sflag:s19], $0x4000  }
0x9d: {  	[sflag:s19] =	ssyncset.done $0x0  }
0x9e: {  	[sflag:s19] =	ssyncadd.s32 $0xFFFFC000  }
0x9f: {  	[spmem:s1] =	stream.indirect.scatter.add.f32 [tilespmem:s15], [sflag:$0x3], $0x80, s22, s14, $0xb8;
	[tilespmem:$0x1D000] =	vst v63  }
0xa0: {  	_ =	swait.ge [sflag:s12], $0x4000  }
0xa1: {  	[sflag:s12] =	ssyncset.done $0x0  }
0xa2: {  	[sflag:s12] =	ssyncadd.s32 $0xFFFFC000  }
0xa3: {  	[tilespmem:s15], [sflag:$0x2] =	stream.indirect.gather [hbm4b:s4+s14], $0x80, s23, s14, $0xb8;
	[tilespmem:$0x1D000] =	vst v63  }
0xa4: {  	_ =	swait.ge [sflag:s19], $0x4000  }
0xa5: {  	[sflag:s19] =	ssyncset.done $0x0  }
0xa6: {  	[sflag:s19] =	ssyncadd.s32 $0xFFFFC000  }
0xa7: {  	[spmem:s1] =	stream.indirect.scatter.add.f32 [tilespmem:s16], [sflag:$0x3], $0x80, s24, s14, $0xb8;
	[tilespmem:$0x1D000] =	vst v63  }
0xa8: {  	_ =	swait.ge [sflag:s12], $0x4000  }
0xa9: {  	[sflag:s12] =	ssyncset.done $0x0  }
0xaa: {  	[sflag:s12] =	ssyncadd.s32 $0xFFFFC000  }
0xab: {  	[tilespmem:s16], [sflag:$0x2] =	stream.indirect.gather [hbm4b:s4+s14], $0x80, s25, s14, $0xb8;
	[tilespmem:$0x1D000] =	vst v63  }
0xac: {  	_ =	swait.ge [sflag:s19], $0x4000  }
0xad: {  	[sflag:s19] =	ssyncset.done $0x0  }
0xae: {  	[sflag:s19] =	ssyncadd.s32 $0xFFFFC000  }
0xaf: {  	[spmem:s1] =	stream.indirect.scatter.add.f32 [tilespmem:s15], [sflag:$0x3], $0x80, s26, s14, $0xb8;
	[tilespmem:$0x1D000] =	vst v63  }
0xb0: {  	_ =	swait.ge [sflag:s12], $0x4000  }
0xb1: {  	[sflag:s12] =	ssyncset.done $0x0  }
0xb2: {  	[sflag:s12] =	ssyncadd.s32 $0xFFFFC000  }
0xb3: {  	[tilespmem:s15], [sflag:$0x2] =	stream.indirect.gather [hbm4b:s4+s14], $0x80, s28, s14, $0xb8;
	[tilespmem:$0x1D000] =	vst v63  }
0xb4: {  	_ =	swait.ge [sflag:s19], $0x4000  }
0xb5: {  	[sflag:s19] =	ssyncset.done $0x0  }
0xb6: {  	[sflag:s19] =	ssyncadd.s32 $0xFFFFC000  }
0xb7: {  	[spmem:s1] =	stream.indirect.scatter.add.f32 [tilespmem:s16], [sflag:$0x3], $0x80, s29, s14, $0xb8;
	[tilespmem:$0x1D000] =	vst v63  }
0xb8: {  	_ =	swait.ge [sflag:s12], $0x4000  }
0xb9: {  	[sflag:s12] =	ssyncset.done $0x0  }
0xba: {  	[sflag:s12] =	ssyncadd.s32 $0xFFFFC000  }
0xbb: {  	[tilespmem:s16], [sflag:$0x2] =	stream.indirect.gather [hbm4b:s4+s14], $0x80, s30, s14, $0xb8;
	[tilespmem:$0x1D000] =	vst v63  }
0xbc: {  	_ =	swait.ge [sflag:s19], $0x4000  }
0xbd: {  	[sflag:s19] =	ssyncset.done $0x0  }
0xbe: {  	[sflag:s19] =	ssyncadd.s32 $0xFFFFC000  }
0xbf: {  	[spmem:s1] =	stream.indirect.scatter.add.f32 [tilespmem:s15], [sflag:$0x3], $0x80, s31, s14, $0xb8;
	[tilespmem:$0x1D000] =	vst v63  }
0xc0: {  	_ =	swait.ge [sflag:s12], $0x4000  }
0xc1: {  	[sflag:s12] =	ssyncset.done $0x0  }
0xc2: {  	p0 =	sne.s32 s7, $0x1;
	[sflag:s12] =	ssyncadd.s32 $0xFFFFC000  }
.Ltmp3:
0xc3: {  	_ =	swait.ge [sflag:s19], $0x4000;
	(pc) =	sbr.rel @p0 .LBB2_6-.Ltmp3, $4  }
0xc4: {  	[sflag:s19] =	ssyncset.done $0x0  }
0xc5: {  	[sflag:s19] =	ssyncadd.s32 $0xFFFFC000  }
0xc6: {  	[spmem:s1] =	stream.indirect.scatter.add.f32 [tilespmem:s16], [sflag:$0x3], $0x80, s0, s14, $0xb8;
	[tilespmem:$0x1D000] =	vst v63  }
0xc7: {  	s7 =	sadd.s32 $0xFFFFFFFF, s7;
	_ =	swait.ge [sflag:s12], $0x4000  }
.LBB2_7:
0xc8: {  	[sflag:s12] =	ssyncset.done $0x0  }
0xc9: {  	s7 =	stileid.u32;
	[sflag:s12] =	ssyncadd.s32 $0xFFFFC000  }
0xca: {  	s7 =	sshll.u32 s7, $0x6;
	[bflag:$0x0] =	sbarrier.arrive $0xFFFF  }
0xcb: {  	s8 =	sshrl.u32 s6, $0x3;
	s7 =	sor.u32 $0x1C03, s7;
	s9 =	rddreg [dreg:$0x4]  }
0xcc: {  	[hbm:s9], [sflag:s7] =	dma.local [spmem:s8], $0x2800  }
0xcd: {  	_ =	swait.ge [sflag:s12], $0x2800  }
0xce: {  	s3 =	sadd.s32 $0x1, s3;
	s10 =	rddreg [dreg:$0x5]  }
0xcf: {  	p0 =	sne.s32 s3, s10  }
.Ltmp4:
0xd0: {  	_ = 	snop;
	(pc) =	sbr.rel @p0 .LBB2_1-.Ltmp4, $3  }
0xd1: {  	_ =	sdelay $0x1  }
0xd2: {  	[sflag:s12] =	ssyncset.done $0x0  }
0xd3: {  	[sflag:s12] =	ssyncadd.s32 $0xFFFFD800  }
0xd4: {  	_ =	sfence.sel $0x180000  }
0xd5: {  	[bflag:$0x0] =	sbarrier.arrive $0xFFFF  }
0xd6: {  	_ =	strace $0x9000004A  }
0xd7: {  	s0 =	stileid.u32;
	[bflag:$0x2] =	sbarrier.arrive $0xFFFF  }
0xd8: {  	p0 =	sne.s32 s0, $0x0;
	s0 =	rddreg [dreg:$0x2]  }
0xd9: {  	s0 =	sadd.s32 @!p0 $0x100000, s0  }
0xda: {  	[sflag:s0] =	ssyncadd.tile.s32 @!p0 $0x1;
	_ =	shalt  }
.Lfunc_end2:
_tile_overlayer_lowered:
.L_overlay_start_2:
0xdb: {  	(tag) =	ssettag $0x2  }
0xdc: {  	s0 =	rddreg [dreg:$0x0];
	s2 =	stileid.u32  }
0xdd: {  	s1 =	rddreg [dreg:$0x1];
	p0 =	sne.s32 s2, $0x0  }
0xde: {  	s3 =	rddreg [dreg:$0x2];
	[bflag:$0x3] =	sbarrier.arrive $0xFFFF;
	s2 =	simm.s32 @!p0 $0x1C03  }
0xdf: {  	[timem:s3], [sflag:s2] =	dma.local @!p0 [hbm:s0], s1  }
0xe0: {  	s0 =	simm.s32 @!p0 $0x3  }
0xe1: {  	_ =	swait.ge @!p0 [sflag:s0], s1  }
0xe2: {  	s1 =	ssub.s32 @!p0 $0x0, s1;
	[sflag:s0] =	ssyncset.done @!p0 $0x0  }
0xe3: {  	[sflag:s0] =	ssyncadd.s32 @!p0 s1  }
0xe4: {  	[bflag:$0x3] =	sbarrier.arrive $0xFFFF  }
0xe5: {  	_ =	shalt  }

// kernel: kernel.16.cloned.1.call-start
scs
__scs_entry_jumppad:
0x0: {  	(pc) =	sbr.rel $0x88, $3  }
0x1: {  	(tag) =	ssettag $0x0;
	lr =	simm.s32 $0x1  }
0x2: {  	[smem:$0x3F96] =	sst lr;
	_ =	strace $0xD0000000  }
0x3: {  	_ = 	snop  }
0x4: {  	_ = 	snop  }
0x5: {  	_ = 	snop  }
0x6: {  	_ = 	snop  }
0x7: {  	_ = 	snop  }
__scs_overlays_trampoline_lowered:
0x8: {  	[smem:$0x3FA5] =	sst s0  }
0x9: {  	[smem:$0x3FA6] =	sst s1  }
0xa: {  	[smem:$0x3FA7] =	sst s2  }
0xb: {  	[smem:$0x3FA8] =	sst s3  }
0xc: {  	[smem:$0x3FA9] =	sst s4  }
0xd: {  	[smem:$0x3FAA] =	sst s5  }
0xe: {  	[smem:$0x3FAB] =	sst s6  }
0xf: {  	[smem:$0x3FAC] =	sst s7  }
0x10: {  	[smem:$0x3FAD] =	sst s8  }
0x11: {  	[smem:$0x3FAE] =	sst s9;
	s0 =	simm.s32 @!p0 $0x0  }
0x12: {  	s1 =	sld [smem:$0x3F94];
	s0 =	simm.s32 @p0 $0x1  }
0x13: {  	[smem:$0x3FAF] =	sst s0;
	s0 =	simm.s32 @!p1 $0x0  }
0x14: {  	s2 =	sld [smem:$0x3F93];
	s0 =	simm.s32 @p1 $0x1  }
0x15: {  	[smem:$0x3FB0] =	sst s0;
	s0 =	simm.s32 @!p2 $0x0  }
0x16: {  	s3 =	sld [smem:$0x3FDB];
	s0 =	simm.s32 @p2 $0x1  }
0x17: {  	s4 =	simm.s32 $0x1BF5;
	[smem:$0x3FB2] =	sst s0  }
0x18: {  	s0 =	sld [smem:$0x3F95];
	_ =	swait.ge [sflag:s4], $0x0  }
0x19: {  	s7 =	sld [smem:$0x3F96]  }
0x1a: {  	s8 =	sadd.s32 $0xFFFFE003, lr  }
0x1b: {  	s9 =	sadd.s32 $0xFFFFFEF7, lr;
	s5 =	simm.s32 $0xFFFFFFFF;
	p2 =	slt.u32 s8, $0xFFFFF086  }
0x1c: {  	p1 =	slt.u32 s9, $0xF7A;
	s5 =	simm.s32 @!p2 $0x0  }
0x1d: {  	s5 =	simm.s32 @p1 $0x1;
	p0 =	seq.s32 s7, s2  }
0x1e: {  	s7 =	smul.u32 @!p0 $0xF7A, s2;
	p2 =	seq.s32 @!p0 s5, $0x0  }
0x1f: {  	s9 =	smul.u32 $0xF7A, s1;
	s8 =	simm.s32 @!p0 $0x1BF5;
	p2 =	por !p2, p0  }
0x20: {  	[sflag:s8] =	ssyncset.s32 @!p0 $0xFFFFF086;
	s6 =	sadd.s32 @!p0 s3, s7;
	s7 =	simm.s32 @!p0 $0x108  }
0x21: {  	s3 =	sadd.s32 s3, s9;
	s6 =	sadd.s32 @!p0 $0x88, s6;
	s7 =	simm.s32 @p2 $0x1082  }
0x22: {  	[simem:s7], [sflag:s8] =	dma.local @!p0 [hbm:s6], $0xF7A  }
0x23: {  	s9 =	sor.u32 $0xD0000000, s2;
	s6 =	simm.s32 $0x108;
	_ =	swait.ge @!p0 [sflag:s8], $0x0  }
0x24: {  	s3 =	sadd.s32 $0x88, s3;
	s6 =	simm.s32 @!p1 $0x1082;
	[sflag:s4] =	ssyncset.s32 $0xFFFFF086  }
0x25: {  	[simem:s6], [sflag:s4] =	dma.local [hbm:s3], $0xF7A  }
0x26: {  	[smem:$0x3F96] =	sst s1;
	(tag) =	ssettag s2;
	_ =	strace s9  }
0x27: {  	s1 =	sld [smem:$0x3FA6]  }
0x28: {  	s2 =	sld [smem:$0x3FA7]  }
0x29: {  	s4 =	sld [smem:$0x3FA9]  }
0x2a: {  	p0 =	seq.s32 s5, $0x0;
	s5 =	sld [smem:$0x3FAA]  }
0x2b: {  	s6 =	sld [smem:$0x3FAB]  }
0x2c: {  	s7 =	sld [smem:$0x3FAC]  }
0x2d: {  	s3 =	simm.s32 $0x108;
	s8 =	sld [smem:$0x3FAD]  }
0x2e: {  	s3 =	simm.s32 @!p0 $0x1082;
	s9 =	sld [smem:$0x3FAE]  }
0x2f: {  	lr =	sadd.s32 s0, s3;
	s0 =	sld [smem:$0x3FA5]  }
0x30: {  	s3 =	sld [smem:$0x3FA8]  }
0x31: {  	[smem:$0x3FB1] =	sst s10  }
0x32: {  	s10 =	sld [smem:$0x3FAF];
	_ =	sdelay $0x3  }
0x33: {  	p0 =	seq.s32 s10, $0x1;
	s10 =	sld [smem:$0x3FB1];
	_ =	sdelay $0x3  }
0x34: {  	[smem:$0x3FB1] =	sst s10  }
0x35: {  	s10 =	sld [smem:$0x3FB0];
	_ =	sdelay $0x3  }
0x36: {  	p1 =	seq.s32 s10, $0x1;
	s10 =	sld [smem:$0x3FB1];
	_ =	sdelay $0x3  }
0x37: {  	[smem:$0x3FB1] =	sst s10  }
0x38: {  	s10 =	sld [smem:$0x3FB2]  }
0x39: {  	_ = 	snop;
	(pc) =	sbr.ind lr, $3  }
0x3a: {  	_ = 	snop  }
0x3b: {  	_ = 	snop  }
0x3c: {  	p2 =	seq.s32 s10, $0x1;
	s10 =	sld [smem:$0x3FB1]  }
0x3d: {  	_ =	shalt  }
0x3e: {  	_ =	shalt  }
0x3f: {  	_ =	shalt  }
0x40: {  	_ =	shalt  }
0x41: {  	_ =	shalt  }
0x42: {  	_ =	shalt  }
0x43: {  	_ =	shalt  }
0x44: {  	_ =	shalt  }
0x45: {  	_ =	shalt  }
0x46: {  	_ =	shalt  }
0x47: {  	_ =	shalt  }
0x48: {  	_ =	shalt  }
0x49: {  	_ =	shalt  }
0x4a: {  	_ =	shalt  }
0x4b: {  	_ =	shalt  }
0x4c: {  	_ =	shalt  }
0x4d: {  	_ =	shalt  }
0x4e: {  	_ =	shalt  }
0x4f: {  	_ =	shalt  }
0x50: {  	_ =	shalt  }
0x51: {  	_ =	shalt  }
0x52: {  	_ =	shalt  }
0x53: {  	_ =	shalt  }
0x54: {  	_ =	shalt  }
0x55: {  	_ =	shalt  }
0x56: {  	_ =	shalt  }
0x57: {  	_ =	shalt  }
0x58: {  	_ =	shalt  }
0x59: {  	_ =	shalt  }
0x5a: {  	_ =	shalt  }
0x5b: {  	_ =	shalt  }
0x5c: {  	_ =	shalt  }
0x5d: {  	_ =	shalt  }
0x5e: {  	_ =	shalt  }
0x5f: {  	_ =	shalt  }
0x60: {  	_ =	shalt  }
0x61: {  	_ =	shalt  }
0x62: {  	_ =	shalt  }
0x63: {  	_ =	shalt  }
0x64: {  	_ =	shalt  }
0x65: {  	_ =	shalt  }
0x66: {  	_ =	shalt  }
0x67: {  	_ =	shalt  }
0x68: {  	_ =	shalt  }
0x69: {  	_ =	shalt  }
0x6a: {  	_ =	shalt  }
0x6b: {  	_ =	shalt  }
0x6c: {  	_ =	shalt  }
0x6d: {  	_ =	shalt  }
0x6e: {  	_ =	shalt  }
0x6f: {  	_ =	shalt  }
0x70: {  	_ =	shalt  }
0x71: {  	_ =	shalt  }
0x72: {  	_ =	shalt  }
0x73: {  	_ =	shalt  }
0x74: {  	_ =	shalt  }
0x75: {  	_ =	shalt  }
0x76: {  	_ =	shalt  }
0x77: {  	_ =	shalt  }
0x78: {  	_ =	shalt  }
0x79: {  	_ =	shalt  }
0x7a: {  	_ =	shalt  }
0x7b: {  	_ =	shalt  }
0x7c: {  	_ =	shalt  }
0x7d: {  	_ =	shalt  }
0x7e: {  	_ =	shalt  }
0x7f: {  	_ =	shalt  }
0x80: {  	_ =	shalt  }
0x81: {  	_ =	shalt  }
0x82: {  	_ =	shalt  }
0x83: {  	_ =	shalt  }
0x84: {  	_ =	shalt  }
0x85: {  	_ =	shalt  }
0x86: {  	_ =	shalt  }
0x87: {  	_ =	shalt  }
.Lfunc_end0:
.L_simem_size_0:
called_computation.2_lowered:
.L_overlay_start_0:
0x88: {  	s2 =	sld [smem:$0x3FD9]  }
0x89: {  	s3 =	sld [smem:$0x3FFE];
	_ =	sdelay $0x1  }
0x8a: {  	s1 =	srdreg.scid  }
0x8b: {  	s0 =	sand.u32 $0x1, s1  }
0x8c: {  	s16 =	sshll.u32 s0, $0xA;
	s2 =	sadd.s32 s3, s2  }
0x8d: {  	s2 =	sadd.s32 s2, s16  }
0x8e: {  	[smem:$0x3FBD] =	sst s2  }
0x8f: {  	_ = 	snop  }
0x90: {  	(tm) =	ssettm $0x1  }
0x91: {  	s17 =	sld [smem:$0x3FFB];
	_ =	sdelay $0x3  }
0x92: {  	_ =	strace s17  }
0x93: {  	s2 =	sld [smem:$0x3FFC];
	_ =	sdelay $0x3  }
0x94: {  	_ =	strace s2  }
0x95: {  	s2 =	sld [smem:$0x3FFD];
	_ =	sdelay $0x3  }
0x96: {  	_ =	strace s2  }
0x97: {  	_ =	strace $0x8FFFFFFF  }
0x98: {  	s18 =	sld [smem:$0x3FDB];
	_ =	sdelay $0x1  }
0x99: {  	s19 =	simm.s32 $_scs_section_size  }
0x9a: {  	s4 =	simm.s32 $_size__tile_overlayer_lowered;
	s5 =	simm.s32 $_tile_overlayer_lowered  }
0x9b: {  	s22 =	simm.s32 $0x1BFF;
	s21 =	sshll.u32 s5, $0x1;
	s2 =	sadd.s32 s19, s18  }
0x9c: {  	s6 =	simm.s32 $0x0;
	s20 =	sshll.u32 s4, $0x1;
	s4 =	sadd.s32 s21, s2  }
0x9d: {  	[timem:s6], [sflag:s22] =	dma.local [hbm:s4], s20  }
0x9e: {  	_ =	swait.ge [sflag:s22], s20  }
0x9f: {  	s3 =	ssub.s32 $0x0, s20;
	[sflag:s22] =	ssyncset.done $0x0  }
0xa0: {  	[sflag:s22] =	ssyncadd.s32 s3;
	_ =	sdelay $0x1  }
0xa1: {  	s23 =	simm.s32 $0x1B8B  }
0xa2: {  	_ =	swait.ge [sflag:s23], $0x1  }
0xa3: {  	[sflag:s23] =	ssyncset.done $0x0  }
0xa4: {  	s25 =	simm.s32 $0x1B8E;
	s24 =	sld [smem:$0x3FFE];
	[sflag:s23] =	ssyncadd.s32 $0xFFFFFFFF  }
0xa5: {  	s26 =	simm.s32 $execute0_lowered;
	[smem:$0x3FD2] =	sst s25  }
0xa6: {  	s4 =	sshll.u32 s26, $0x1;
	_ =	strace $0x8000004C;
	[dreg:$0x1] =	wrdreg $0xFFFFFFFF  }
0xa7: {  	s28 =	simm.s32 $_size_execute0_lowered;
	s2 =	sadd.s32 s2, s4;
	[dreg:$0x0] =	wrdreg $0x0  }
0xa8: {  	s4 =	sshll.u32 s28, $0x1;
	[dreg:$0x2] =	wrdreg s2  }
0xa9: {  	[dreg:$0x3] =	wrdreg s4  }
0xaa: {  	[dreg:$0x4] =	wrdreg $0xC0  }
0xab: {  	_ =	task [dreg:s6], $0x5FFFF  }
0xac: {  	[dreg:$0x1] =	wrdreg $0xFFFFFFFF  }
0xad: {  	[dreg:$0x0] =	wrdreg $0x60  }
0xae: {  	[dreg:$0x2] =	wrdreg s24  }
0xaf: {  	[dreg:$0x3] =	wrdreg $0x90000  }
0xb0: {  	[dreg:$0x4] =	wrdreg $0x9  }
0xb1: {  	_ =	task.clear_ibuf [dreg:s6], $0x5FFFF;
	_ =	strace $0x9000004C  }
0xb2: {  	s29 =	simm.s32 $0x9;
	_ =	strace $0x8000004E  }
0xb3: {  	_ =	swait.ge [sflag:s29], $0x1  }
0xb4: {  	[sflag:s29] =	ssyncadd.s32 $0xFFFFFFFF  }
0xb5: {  	_ =	strace $0x9000004E  }
0xb6: {  	_ =	sfence  }
0xb7: {  	s30 =	sld [smem:$0x0];
	_ =	sdelay $0x2  }
0xb8: {  	s31 =	sshll.u32 s1, $0xD;
	s1 =	sshrl.u32 s1, $0x2  }
0xb9: {  	s3 =	sand.u32 $0x4000, s31;
	s1 =	sadd.s32 s1, s30  }
0xba: {  	s0 =	sor.u32 s3, s0;
	s1 =	sshll.u32 s1, $0x11  }
0xbb: {  	s0 =	sor.u32 s1, s0  }
0xbc: {  	s0 =	sadd.s32 $0x8F2B, s0  }
0xbd: {  	[sflag:s0] =	ssyncadd.remote.s32 $0x1  }
0xbe: {  	_ =	sfence.sel $0xFFFF  }
0xbf: {  	[dreg:$0x0] =	wrdreg $0xFFFFFFFF;
	(pc) =	sbr.abs _section_cstart, $3  }
0xc0: {  	[dreg:$0x1] =	wrdreg $0xFFFFFFFF  }
0xc1: {  	_ =	task.clear_ibuf [dreg:s6], $0x2FFFF;
	_ =	strace $0x9FFFFFFF  }
0xc2: {  	(tm) =	ssettm $0x7FFFFFFF  }
0xc3: {  	_ =	shalt  }
tec
execute0_lowered:
.L_overlay_start_1:
0x0: {  	(tag) =	ssettag $0x1  }
0x1: {  	s0 =	rddreg [dreg:$0x0]  }
0x2: {  	s1 =	rddreg [dreg:$0x1]  }
0x3: {  	s3 =	srdreg.scid;
	s2 =	simm.s32 $0x0;
	s11 =	stileid.u32  }
0x4: {  	s12 =	simm.s32 $0x3;
	s13 =	simm.s32 $0x400;
	s14 =	simm.s32 $0x80  }
0x5: {  	s15 =	simm.s32 $0x800;
	s16 =	simm.s32 $0x4800;
	s17 =	simm.s32 $0x1  }
0x6: {  	s18 =	simm.s32 $0x100;
	s19 =	simm.s32 $0x2;
	s20 =	simm.s32 $0x480  }
0x7: {  	s28 =	simm.s32 $0x300;
	s3 =	sand.u32 $0x1, s3;
	s8 =	smul.u32 $0x14000, s11  }
0x8: {  	s29 =	simm.s32 $0x680;
	s30 =	simm.s32 $0x380;
	s5 =	smul.u32 $0x140000, s3  }
0x9: {  	s31 =	simm.s32 $0x700;
	[smem:$0x7FF] =	sst s2;
	s6 =	smul.u32 $0xFFFFFF70, s3  }
0xa: {  	s4 =	sadd.s32 $0x17000, s0;
	s7 =	sadd.s32 $0xD000, s0;
	s21 =	smul.u32 $0x980, s3  }
0xb: {  	_ =	strace $0x8000004D;
	s22 =	ssub.s32 $0x2, s3;
	s3 =	smul.u32 $0x12, s3  }
0xc: {  	[dreg:$0x3] =	wrdreg s7;
	s10 =	sshrl.u32 s22, $0x1;
	s6 =	sadd.s32 $0x98, s6  }
0xd: {  	s5 =	sadd.s32 s8, s5;
	s8 =	ssub.s32 s22, s10;
	s25 =	ssub.s32 $0x13, s3  }
0xe: {  	s22 =	simm.s32 $0x500;
	s3 =	simm.s32 $0x0;
	s6 =	smul.u32 s11, s6  }
0xf: {  	s9 =	sshrl.u32 s5, $0x3;
	s11 =	smul.u32 $0x50000, s11;
	s5 =	sadd.s32 $0x3000, s0  }
0x10: {  	s24 =	smax.u32 s8, $0x1;
	[dreg:$0x6] =	wrdreg s25;
	s25 =	simm.s32 $0x280  }
0x11: {  	s0 =	sadd.s32 s9, s0;
	[dreg:$0x5] =	wrdreg s24;
	s24 =	simm.s32 $0x580  }
0x12: {  	s7 =	sadd.s32 s21, s6;
	s23 =	sshrl.u32 s11, $0x2;
	s0 =	sadd.s32 $0x65400, s0  }
0x13: {  	s11 =	simm.s32 $0x8800;
	s21 =	simm.s32 $0x180;
	s6 =	sadd.s32 s23, s1  }
0x14: {  	[dreg:$0x4] =	wrdreg s0;
	s26 =	sshll.u32 s7, $0x4;
	s23 =	simm.s32 $0x200  }
0x15: {  	v0 =	vimm.f32 $0.0e+00;
	s0 =	simm.s32 $0x780;
	[dreg:$0x7] =	wrdreg s26;
	s26 =	simm.s32 $0x600  }
.LBB2_1:
0x16: {  	s7 =	simm.s32 $0x0;
	s10 =	simm.s32 $0x200  }
.LBB2_2:
0x17: {  	p0 =	sne.s32 s10, $0x1E00;
	[tilespmem:s7+$0x8870] =	vst v0  }
0x18: {  	[tilespmem:s7+$0x8800] =	vst v0  }
0x19: {  	[tilespmem:s7+$0x8810] =	vst v0  }
.Ltmp0:
0x1a: {  	[tilespmem:s7+$0x8820] =	vst v0;
	(pc) =	sbr.rel @p0 .LBB2_2-.Ltmp0, $4  }
0x1b: {  	[tilespmem:s7+$0x8830] =	vst v0  }
0x1c: {  	[tilespmem:s7+$0x8840] =	vst v0  }
0x1d: {  	[tilespmem:s7+$0x8850] =	vst v0  }
0x1e: {  	[tilespmem:s7+$0x8860] =	vst v0;
	s7 =	sshra.s32 s10, $0x2;
	s10 =	sadd.s32 $0x200, s10  }
0x1f: {  	[tilespmem:s7+$0x8870] =	vst v0  }
0x20: {  	[tilespmem:s7+$0x8800] =	vst v0  }
0x21: {  	[tilespmem:s7+$0x8810] =	vst v0  }
0x22: {  	[tilespmem:s7+$0x8820] =	vst v0  }
0x23: {  	[tilespmem:s7+$0x8830] =	vst v0  }
0x24: {  	[tilespmem:s7+$0x8840] =	vst v0  }
0x25: {  	[tilespmem:s7+$0x8850] =	vst v0  }
0x26: {  	[tilespmem:s7+$0x8860] =	vst v0;
	s10 =	sadd.s32 $0x0, s6  }
0x27: {  	[spmem:s10] =	stream.linear.scatter [tilespmem:s11], [sflag:$0x3], $0x800, $0x38;
	[tilespmem:$0x1D000] =	vst v63  }
0x28: {  	s7 =	simm.s32 $0x2000;
	_ =	swait.ge [sflag:s12], $0x800  }
.LBB2_4:
0x29: {  	s10 =	sshra.s32 s7, $0x2;
	[sflag:s12] =	ssyncset.done $0x0;
	p0 =	sne.s32 s7, $0x4E000  }
.Ltmp1:
0x2a: {  	s10 =	sadd.s32 s10, s6;
	[sflag:s12] =	ssyncadd.s32 $0xFFFFF800;
	(pc) =	sbr.rel @p0 .LBB2_4-.Ltmp1, $3  }
0x2b: {  	[spmem:s10] =	stream.linear.scatter [tilespmem:s11], [sflag:$0x3], $0x800, $0x38;
	[tilespmem:$0x1D000] =	vst v63  }
0x2c: {  	s7 =	sadd.s32 $0x2000, s7;
	_ =	sdelay $0x1  }
0x2d: {  	_ =	swait.ge [sflag:s12], $0x800  }
0x2e: {  	[sflag:s12] =	ssyncset.done $0x0  }
0x2f: {  	[sflag:s12] =	ssyncadd.s32 $0xFFFFF800  }
0x30: {  	[bflag:$0x0] =	sbarrier.arrive $0xFFFF  }
0x31: {  	s8 =	rddreg [dreg:$0x7]  }
0x32: {  	s7 =	rddreg [dreg:$0x3];
	s10 =	sand.u32 $0x1FFFFF80, s8  }
0x33: {  	s7 =	sadd.s32 s7, s10  }
0x34: {  	[tilespmem:s2], [sflag:$0x3] =	stream.linear.gather [hbm4b:s7+s2], $0x400, $0x38;
	[tilespmem:$0x1D000] =	vst v63  }
0x35: {  	_ =	swait.ge [sflag:s12], $0x400  }
0x36: {  	[sflag:s12] =	ssyncset.done $0x0  }
0x37: {  	s9 =	sadd.s32 s5, s10;
	[sflag:s12] =	ssyncadd.s32 $0xFFFFFC00  }
0x38: {  	[tilespmem:s13], [sflag:$0x3] =	stream.linear.gather [hbm4b:s9+s2], $0x400, $0x38;
	[tilespmem:$0x1D000] =	vst v63  }
0x39: {  	_ =	swait.ge [sflag:s12], $0x400  }
0x3a: {  	[sflag:s12] =	ssyncset.done $0x0  }
0x3b: {  	[sflag:s12] =	ssyncadd.s32 $0xFFFFFC00  }
0x3c: {  	[tilespmem:s15], [sflag:$0x1] =	stream.indirect.gather [hbm4b:s4+s14], $0x80, s2, s14, $0xb8;
	[tilespmem:$0x1D000] =	vst v63  }
0x3d: {  	_ = 	snop  }
0x3e: {  	[tilespmem:s16], [sflag:$0x2] =	stream.indirect.gather [hbm4b:s4+s14], $0x80, s14, s14, $0xb8;
	[tilespmem:$0x1D000] =	vst v63  }
0x3f: {  	_ =	swait.ge [sflag:s17], $0x4000  }
0x40: {  	[sflag:s17] =	ssyncset.done $0x0  }
0x41: {  	[sflag:s17] =	ssyncadd.s32 $0xFFFFC000  }
0x42: {  	[spmem:s1] =	stream.indirect.scatter.add.f32 [tilespmem:s15], [sflag:$0x3], $0x80, s13, s14, $0xb8;
	[tilespmem:$0x1D000] =	vst v63  }
0x43: {  	_ =	swait.ge [sflag:s12], $0x4000  }
0x44: {  	[sflag:s12] =	ssyncset.done $0x0  }
0x45: {  	[sflag:s12] =	ssyncadd.s32 $0xFFFFC000  }
0x46: {  	[tilespmem:s15], [sflag:$0x2] =	stream.indirect.gather [hbm4b:s4+s14], $0x80, s18, s14, $0xb8;
	[tilespmem:$0x1D000] =	vst v63  }
0x47: {  	_ =	swait.ge [sflag:s19], $0x4000  }
0x48: {  	[sflag:s19] =	ssyncset.done $0x0  }
0x49: {  	[sflag:s19] =	ssyncadd.s32 $0xFFFFC000  }
0x4a: {  	[spmem:s1] =	stream.indirect.scatter.add.f32 [tilespmem:s16], [sflag:$0x3], $0x80, s20, s14, $0xb8;
	[tilespmem:$0x1D000] =	vst v63  }
0x4b: {  	_ =	swait.ge [sflag:s12], $0x4000  }
0x4c: {  	[sflag:s12] =	ssyncset.done $0x0  }
0x4d: {  	[sflag:s12] =	ssyncadd.s32 $0xFFFFC000  }
0x4e: {  	[tilespmem:s16], [sflag:$0x2] =	stream.indirect.gather [hbm4b:s4+s14], $0x80, s21, s14, $0xb8;
	[tilespmem:$0x1D000] =	vst v63  }
0x4f: {  	_ =	swait.ge [sflag:s19], $0x4000  }
0x50: {  	[sflag:s19] =	ssyncset.done $0x0  }
0x51: {  	[sflag:s19] =	ssyncadd.s32 $0xFFFFC000  }
0x52: {  	[spmem:s1] =	stream.indirect.scatter.add.f32 [tilespmem:s15], [sflag:$0x3], $0x80, s22, s14, $0xb8;
	[tilespmem:$0x1D000] =	vst v63  }
0x53: {  	_ =	swait.ge [sflag:s12], $0x4000  }
0x54: {  	[sflag:s12] =	ssyncset.done $0x0  }
0x55: {  	[sflag:s12] =	ssyncadd.s32 $0xFFFFC000  }
0x56: {  	[tilespmem:s15], [sflag:$0x2] =	stream.indirect.gather [hbm4b:s4+s14], $0x80, s23, s14, $0xb8;
	[tilespmem:$0x1D000] =	vst v63  }
0x57: {  	_ =	swait.ge [sflag:s19], $0x4000  }
0x58: {  	[sflag:s19] =	ssyncset.done $0x0  }
0x59: {  	[sflag:s19] =	ssyncadd.s32 $0xFFFFC000  }
0x5a: {  	[spmem:s1] =	stream.indirect.scatter.add.f32 [tilespmem:s16], [sflag:$0x3], $0x80, s24, s14, $0xb8;
	[tilespmem:$0x1D000] =	vst v63  }
0x5b: {  	_ =	swait.ge [sflag:s12], $0x4000  }
0x5c: {  	[sflag:s12] =	ssyncset.done $0x0  }
0x5d: {  	[sflag:s12] =	ssyncadd.s32 $0xFFFFC000  }
0x5e: {  	[tilespmem:s16], [sflag:$0x2] =	stream.indirect.gather [hbm4b:s4+s14], $0x80, s25, s14, $0xb8;
	[tilespmem:$0x1D000] =	vst v63  }
0x5f: {  	_ =	swait.ge [sflag:s19], $0x4000  }
0x60: {  	[sflag:s19] =	ssyncset.done $0x0  }
0x61: {  	[sflag:s19] =	ssyncadd.s32 $0xFFFFC000  }
0x62: {  	[spmem:s1] =	stream.indirect.scatter.add.f32 [tilespmem:s15], [sflag:$0x3], $0x80, s26, s14, $0xb8;
	[tilespmem:$0x1D000] =	vst v63  }
0x63: {  	_ =	swait.ge [sflag:s12], $0x4000  }
0x64: {  	[sflag:s12] =	ssyncset.done $0x0  }
0x65: {  	[sflag:s12] =	ssyncadd.s32 $0xFFFFC000  }
0x66: {  	[tilespmem:s15], [sflag:$0x2] =	stream.indirect.gather [hbm4b:s4+s14], $0x80, s28, s14, $0xb8;
	[tilespmem:$0x1D000] =	vst v63  }
0x67: {  	_ =	swait.ge [sflag:s19], $0x4000  }
0x68: {  	[sflag:s19] =	ssyncset.done $0x0  }
0x69: {  	[sflag:s19] =	ssyncadd.s32 $0xFFFFC000  }
0x6a: {  	[spmem:s1] =	stream.indirect.scatter.add.f32 [tilespmem:s16], [sflag:$0x3], $0x80, s29, s14, $0xb8;
	[tilespmem:$0x1D000] =	vst v63  }
0x6b: {  	_ =	swait.ge [sflag:s12], $0x4000  }
0x6c: {  	[sflag:s12] =	ssyncset.done $0x0  }
0x6d: {  	[sflag:s12] =	ssyncadd.s32 $0xFFFFC000  }
0x6e: {  	[tilespmem:s16], [sflag:$0x2] =	stream.indirect.gather [hbm4b:s4+s14], $0x80, s30, s14, $0xb8;
	[tilespmem:$0x1D000] =	vst v63  }
0x6f: {  	_ =	swait.ge [sflag:s19], $0x4000  }
0x70: {  	[sflag:s19] =	ssyncset.done $0x0  }
0x71: {  	[sflag:s19] =	ssyncadd.s32 $0xFFFFC000  }
0x72: {  	[spmem:s1] =	stream.indirect.scatter.add.f32 [tilespmem:s15], [sflag:$0x3], $0x80, s31, s14, $0xb8;
	[tilespmem:$0x1D000] =	vst v63  }
0x73: {  	_ =	swait.ge [sflag:s12], $0x4000  }
0x74: {  	[sflag:s12] =	ssyncset.done $0x0  }
0x75: {  	[sflag:s12] =	ssyncadd.s32 $0xFFFFC000  }
0x76: {  	_ =	swait.ge [sflag:s19], $0x4000  }
0x77: {  	s10 =	rddreg [dreg:$0x6]  }
0x78: {  	p0 =	sne.s32 s10, $0x1  }
.Ltmp2:
0x79: {  	_ = 	snop;
	(pc) =	sbr.rel @!p0 .LBB2_7-.Ltmp2, $4  }
0x7a: {  	[sflag:s19] =	ssyncset.done $0x0  }
0x7b: {  	[sflag:s19] =	ssyncadd.s32 $0xFFFFC000  }
0x7c: {  	[spmem:s1] =	stream.indirect.scatter.add.f32 [tilespmem:s16], [sflag:$0x3], $0x80, s0, s14, $0xb8;
	[tilespmem:$0x1D000] =	vst v63  }
0x7d: {  	s7 =	sadd.s32 $0xFFFFFFFF, s10;
	s10 =	smov.u32 s8;
	_ =	swait.ge [sflag:s12], $0x4000  }
.LBB2_6:
0x7e: {  	s10 =	sadd.s32 $0x80, s10  }
0x7f: {  	s9 =	rddreg [dreg:$0x3];
	[sflag:s12] =	ssyncset.done $0x0;
	s8 =	sand.u32 $0x1FFFFF80, s10  }
0x80: {  	[sflag:s12] =	ssyncadd.s32 $0xFFFFC000;
	s9 =	sadd.s32 s9, s8  }
0x81: {  	[tilespmem:s2], [sflag:$0x3] =	stream.linear.gather [hbm4b:s9+s2], $0x400, $0x38;
	[tilespmem:$0x1D000] =	vst v63  }
0x82: {  	_ =	swait.ge [sflag:s12], $0x400  }
0x83: {  	[sflag:s12] =	ssyncset.done $0x0  }
0x84: {  	s8 =	sadd.s32 s5, s8;
	[sflag:s12] =	ssyncadd.s32 $0xFFFFFC00  }
0x85: {  	[tilespmem:s13], [sflag:$0x3] =	stream.linear.gather [hbm4b:s8+s2], $0x400, $0x38;
	[tilespmem:$0x1D000] =	vst v63  }
0x86: {  	_ =	swait.ge [sflag:s12], $0x400  }
0x87: {  	[sflag:s12] =	ssyncset.done $0x0  }
0x88: {  	[sflag:s12] =	ssyncadd.s32 $0xFFFFFC00  }
0x89: {  	[tilespmem:s15], [sflag:$0x1] =	stream.indirect.gather [hbm4b:s4+s14], $0x80, s2, s14, $0xb8;
	[tilespmem:$0x1D000] =	vst v63  }
0x8a: {  	_ = 	snop  }
0x8b: {  	[tilespmem:s16], [sflag:$0x2] =	stream.indirect.gather [hbm4b:s4+s14], $0x80, s14, s14, $0xb8;
	[tilespmem:$0x1D000] =	vst v63  }
0x8c: {  	_ =	swait.ge [sflag:s17], $0x4000  }
0x8d: {  	[sflag:s17] =	ssyncset.done $0x0  }
0x8e: {  	[sflag:s17] =	ssyncadd.s32 $0xFFFFC000  }
0x8f: {  	[spmem:s1] =	stream.indirect.scatter.add.f32 [tilespmem:s15], [sflag:$0x3], $0x80, s13, s14, $0xb8;
	[tilespmem:$0x1D000] =	vst v63  }
0x90: {  	_ =	swait.ge [sflag:s12], $0x4000  }
0x91: {  	[sflag:s12] =	ssyncset.done $0x0  }
0x92: {  	[sflag:s12] =	ssyncadd.s32 $0xFFFFC000  }
0x93: {  	[tilespmem:s15], [sflag:$0x2] =	stream.indirect.gather [hbm4b:s4+s14], $0x80, s18, s14, $0xb8;
	[tilespmem:$0x1D000] =	vst v63  }
0x94: {  	_ =	swait.ge [sflag:s19], $0x4000  }
0x95: {  	[sflag:s19] =	ssyncset.done $0x0  }
0x96: {  	[sflag:s19] =	ssyncadd.s32 $0xFFFFC000  }
0x97: {  	[spmem:s1] =	stream.indirect.scatter.add.f32 [tilespmem:s16], [sflag:$0x3], $0x80, s20, s14, $0xb8;
	[tilespmem:$0x1D000] =	vst v63  }
0x98: {  	_ =	swait.ge [sflag:s12], $0x4000  }
0x99: {  	[sflag:s12] =	ssyncset.done $0x0  }
0x9a: {  	[sflag:s12] =	ssyncadd.s32 $0xFFFFC000  }
0x9b: {  	[tilespmem:s16], [sflag:$0x2] =	stream.indirect.gather [hbm4b:s4+s14], $0x80, s21, s14, $0xb8;
	[tilespmem:$0x1D000] =	vst v63  }
0x9c: {  	_ =	swait.ge [sflag:s19], $0x4000  }
0x9d: {  	[sflag:s19] =	ssyncset.done $0x0  }
0x9e: {  	[sflag:s19] =	ssyncadd.s32 $0xFFFFC000  }
0x9f: {  	[spmem:s1] =	stream.indirect.scatter.add.f32 [tilespmem:s15], [sflag:$0x3], $0x80, s22, s14, $0xb8;
	[tilespmem:$0x1D000] =	vst v63  }
0xa0: {  	_ =	swait.ge [sflag:s12], $0x4000  }
0xa1: {  	[sflag:s12] =	ssyncset.done $0x0  }
0xa2: {  	[sflag:s12] =	ssyncadd.s32 $0xFFFFC000  }
0xa3: {  	[tilespmem:s15], [sflag:$0x2] =	stream.indirect.gather [hbm4b:s4+s14], $0x80, s23, s14, $0xb8;
	[tilespmem:$0x1D000] =	vst v63  }
0xa4: {  	_ =	swait.ge [sflag:s19], $0x4000  }
0xa5: {  	[sflag:s19] =	ssyncset.done $0x0  }
0xa6: {  	[sflag:s19] =	ssyncadd.s32 $0xFFFFC000  }
0xa7: {  	[spmem:s1] =	stream.indirect.scatter.add.f32 [tilespmem:s16], [sflag:$0x3], $0x80, s24, s14, $0xb8;
	[tilespmem:$0x1D000] =	vst v63  }
0xa8: {  	_ =	swait.ge [sflag:s12], $0x4000  }
0xa9: {  	[sflag:s12] =	ssyncset.done $0x0  }
0xaa: {  	[sflag:s12] =	ssyncadd.s32 $0xFFFFC000  }
0xab: {  	[tilespmem:s16], [sflag:$0x2] =	stream.indirect.gather [hbm4b:s4+s14], $0x80, s25, s14, $0xb8;
	[tilespmem:$0x1D000] =	vst v63  }
0xac: {  	_ =	swait.ge [sflag:s19], $0x4000  }
0xad: {  	[sflag:s19] =	ssyncset.done $0x0  }
0xae: {  	[sflag:s19] =	ssyncadd.s32 $0xFFFFC000  }
0xaf: {  	[spmem:s1] =	stream.indirect.scatter.add.f32 [tilespmem:s15], [sflag:$0x3], $0x80, s26, s14, $0xb8;
	[tilespmem:$0x1D000] =	vst v63  }
0xb0: {  	_ =	swait.ge [sflag:s12], $0x4000  }
0xb1: {  	[sflag:s12] =	ssyncset.done $0x0  }
0xb2: {  	[sflag:s12] =	ssyncadd.s32 $0xFFFFC000  }
0xb3: {  	[tilespmem:s15], [sflag:$0x2] =	stream.indirect.gather [hbm4b:s4+s14], $0x80, s28, s14, $0xb8;
	[tilespmem:$0x1D000] =	vst v63  }
0xb4: {  	_ =	swait.ge [sflag:s19], $0x4000  }
0xb5: {  	[sflag:s19] =	ssyncset.done $0x0  }
0xb6: {  	[sflag:s19] =	ssyncadd.s32 $0xFFFFC000  }
0xb7: {  	[spmem:s1] =	stream.indirect.scatter.add.f32 [tilespmem:s16], [sflag:$0x3], $0x80, s29, s14, $0xb8;
	[tilespmem:$0x1D000] =	vst v63  }
0xb8: {  	_ =	swait.ge [sflag:s12], $0x4000  }
0xb9: {  	[sflag:s12] =	ssyncset.done $0x0  }
0xba: {  	[sflag:s12] =	ssyncadd.s32 $0xFFFFC000  }
0xbb: {  	[tilespmem:s16], [sflag:$0x2] =	stream.indirect.gather [hbm4b:s4+s14], $0x80, s30, s14, $0xb8;
	[tilespmem:$0x1D000] =	vst v63  }
0xbc: {  	_ =	swait.ge [sflag:s19], $0x4000  }
0xbd: {  	[sflag:s19] =	ssyncset.done $0x0  }
0xbe: {  	[sflag:s19] =	ssyncadd.s32 $0xFFFFC000  }
0xbf: {  	[spmem:s1] =	stream.indirect.scatter.add.f32 [tilespmem:s15], [sflag:$0x3], $0x80, s31, s14, $0xb8;
	[tilespmem:$0x1D000] =	vst v63  }
0xc0: {  	_ =	swait.ge [sflag:s12], $0x4000  }
0xc1: {  	[sflag:s12] =	ssyncset.done $0x0  }
0xc2: {  	p0 =	sne.s32 s7, $0x1;
	[sflag:s12] =	ssyncadd.s32 $0xFFFFC000  }
.Ltmp3:
0xc3: {  	_ =	swait.ge [sflag:s19], $0x4000;
	(pc) =	sbr.rel @p0 .LBB2_6-.Ltmp3, $4  }
0xc4: {  	[sflag:s19] =	ssyncset.done $0x0  }
0xc5: {  	[sflag:s19] =	ssyncadd.s32 $0xFFFFC000  }
0xc6: {  	[spmem:s1] =	stream.indirect.scatter.add.f32 [tilespmem:s16], [sflag:$0x3], $0x80, s0, s14, $0xb8;
	[tilespmem:$0x1D000] =	vst v63  }
0xc7: {  	s7 =	sadd.s32 $0xFFFFFFFF, s7;
	_ =	swait.ge [sflag:s12], $0x4000  }
.LBB2_7:
0xc8: {  	[sflag:s12] =	ssyncset.done $0x0  }
0xc9: {  	s7 =	stileid.u32;
	[sflag:s12] =	ssyncadd.s32 $0xFFFFC000  }
0xca: {  	s7 =	sshll.u32 s7, $0x6;
	[bflag:$0x0] =	sbarrier.arrive $0xFFFF  }
0xcb: {  	s8 =	sshrl.u32 s6, $0x3;
	s7 =	sor.u32 $0x1C03, s7;
	s9 =	rddreg [dreg:$0x4]  }
0xcc: {  	[hbm:s9], [sflag:s7] =	dma.local [spmem:s8], $0x2800  }
0xcd: {  	_ =	swait.ge [sflag:s12], $0x2800  }
0xce: {  	s3 =	sadd.s32 $0x1, s3;
	s10 =	rddreg [dreg:$0x5]  }
0xcf: {  	p0 =	sne.s32 s3, s10  }
.Ltmp4:
0xd0: {  	_ = 	snop;
	(pc) =	sbr.rel @p0 .LBB2_1-.Ltmp4, $3  }
0xd1: {  	_ =	sdelay $0x1  }
0xd2: {  	[sflag:s12] =	ssyncset.done $0x0  }
0xd3: {  	[sflag:s12] =	ssyncadd.s32 $0xFFFFD800  }
0xd4: {  	_ =	sfence.sel $0x180000  }
0xd5: {  	[bflag:$0x0] =	sbarrier.arrive $0xFFFF  }
0xd6: {  	_ =	strace $0x9000004D  }
0xd7: {  	s0 =	stileid.u32;
	[bflag:$0x2] =	sbarrier.arrive $0xFFFF  }
0xd8: {  	p0 =	sne.s32 s0, $0x0;
	s0 =	rddreg [dreg:$0x2]  }
0xd9: {  	s0 =	sadd.s32 @!p0 $0x100000, s0  }
0xda: {  	[sflag:s0] =	ssyncadd.tile.s32 @!p0 $0x1;
	_ =	shalt  }
.Lfunc_end2:
_tile_overlayer_lowered:
.L_overlay_start_2:
0xdb: {  	(tag) =	ssettag $0x2  }
0xdc: {  	s0 =	rddreg [dreg:$0x0];
	s2 =	stileid.u32  }
0xdd: {  	s1 =	rddreg [dreg:$0x1];
	p0 =	sne.s32 s2, $0x0  }
0xde: {  	s3 =	rddreg [dreg:$0x2];
	[bflag:$0x3] =	sbarrier.arrive $0xFFFF;
	s2 =	simm.s32 @!p0 $0x1C03  }
0xdf: {  	[timem:s3], [sflag:s2] =	dma.local @!p0 [hbm:s0], s1  }
0xe0: {  	s0 =	simm.s32 @!p0 $0x3  }
0xe1: {  	_ =	swait.ge @!p0 [sflag:s0], s1  }
0xe2: {  	s1 =	ssub.s32 @!p0 $0x0, s1;
	[sflag:s0] =	ssyncset.done @!p0 $0x0  }
0xe3: {  	[sflag:s0] =	ssyncadd.s32 @!p0 s1  }
0xe4: {  	[bflag:$0x3] =	sbarrier.arrive $0xFFFF  }
0xe5: {  	_ =	shalt  }

// kernel: kernel.19.cloned.1.call-start
scs
__scs_entry_jumppad:
0x0: {  	(pc) =	sbr.rel $0x88, $3  }
0x1: {  	(tag) =	ssettag $0x0;
	lr =	simm.s32 $0x1  }
0x2: {  	[smem:$0x3F96] =	sst lr;
	_ =	strace $0xD0000000  }
0x3: {  	_ = 	snop  }
0x4: {  	_ = 	snop  }
0x5: {  	_ = 	snop  }
0x6: {  	_ = 	snop  }
0x7: {  	_ = 	snop  }
__scs_overlays_trampoline_lowered:
0x8: {  	[smem:$0x3FA5] =	sst s0  }
0x9: {  	[smem:$0x3FA6] =	sst s1  }
0xa: {  	[smem:$0x3FA7] =	sst s2  }
0xb: {  	[smem:$0x3FA8] =	sst s3  }
0xc: {  	[smem:$0x3FA9] =	sst s4  }
0xd: {  	[smem:$0x3FAA] =	sst s5  }
0xe: {  	[smem:$0x3FAB] =	sst s6  }
0xf: {  	[smem:$0x3FAC] =	sst s7  }
0x10: {  	[smem:$0x3FAD] =	sst s8  }
0x11: {  	[smem:$0x3FAE] =	sst s9;
	s0 =	simm.s32 @!p0 $0x0  }
0x12: {  	s1 =	sld [smem:$0x3F94];
	s0 =	simm.s32 @p0 $0x1  }
0x13: {  	[smem:$0x3FAF] =	sst s0;
	s0 =	simm.s32 @!p1 $0x0  }
0x14: {  	s2 =	sld [smem:$0x3F93];
	s0 =	simm.s32 @p1 $0x1  }
0x15: {  	[smem:$0x3FB0] =	sst s0;
	s0 =	simm.s32 @!p2 $0x0  }
0x16: {  	s3 =	sld [smem:$0x3FDB];
	s0 =	simm.s32 @p2 $0x1  }
0x17: {  	s4 =	simm.s32 $0x1BF5;
	[smem:$0x3FB2] =	sst s0  }
0x18: {  	s0 =	sld [smem:$0x3F95];
	_ =	swait.ge [sflag:s4], $0x0  }
0x19: {  	s7 =	sld [smem:$0x3F96]  }
0x1a: {  	s8 =	sadd.s32 $0xFFFFE003, lr  }
0x1b: {  	s9 =	sadd.s32 $0xFFFFFEF7, lr;
	s5 =	simm.s32 $0xFFFFFFFF;
	p2 =	slt.u32 s8, $0xFFFFF086  }
0x1c: {  	p1 =	slt.u32 s9, $0xF7A;
	s5 =	simm.s32 @!p2 $0x0  }
0x1d: {  	s5 =	simm.s32 @p1 $0x1;
	p0 =	seq.s32 s7, s2  }
0x1e: {  	s7 =	smul.u32 @!p0 $0xF7A, s2;
	p2 =	seq.s32 @!p0 s5, $0x0  }
0x1f: {  	s9 =	smul.u32 $0xF7A, s1;
	s8 =	simm.s32 @!p0 $0x1BF5;
	p2 =	por !p2, p0  }
0x20: {  	[sflag:s8] =	ssyncset.s32 @!p0 $0xFFFFF086;
	s6 =	sadd.s32 @!p0 s3, s7;
	s7 =	simm.s32 @!p0 $0x108  }
0x21: {  	s3 =	sadd.s32 s3, s9;
	s6 =	sadd.s32 @!p0 $0x88, s6;
	s7 =	simm.s32 @p2 $0x1082  }
0x22: {  	[simem:s7], [sflag:s8] =	dma.local @!p0 [hbm:s6], $0xF7A  }
0x23: {  	s9 =	sor.u32 $0xD0000000, s2;
	s6 =	simm.s32 $0x108;
	_ =	swait.ge @!p0 [sflag:s8], $0x0  }
0x24: {  	s3 =	sadd.s32 $0x88, s3;
	s6 =	simm.s32 @!p1 $0x1082;
	[sflag:s4] =	ssyncset.s32 $0xFFFFF086  }
0x25: {  	[simem:s6], [sflag:s4] =	dma.local [hbm:s3], $0xF7A  }
0x26: {  	[smem:$0x3F96] =	sst s1;
	(tag) =	ssettag s2;
	_ =	strace s9  }
0x27: {  	s1 =	sld [smem:$0x3FA6]  }
0x28: {  	s2 =	sld [smem:$0x3FA7]  }
0x29: {  	s4 =	sld [smem:$0x3FA9]  }
0x2a: {  	p0 =	seq.s32 s5, $0x0;
	s5 =	sld [smem:$0x3FAA]  }
0x2b: {  	s6 =	sld [smem:$0x3FAB]  }
0x2c: {  	s7 =	sld [smem:$0x3FAC]  }
0x2d: {  	s3 =	simm.s32 $0x108;
	s8 =	sld [smem:$0x3FAD]  }
0x2e: {  	s3 =	simm.s32 @!p0 $0x1082;
	s9 =	sld [smem:$0x3FAE]  }
0x2f: {  	lr =	sadd.s32 s0, s3;
	s0 =	sld [smem:$0x3FA5]  }
0x30: {  	s3 =	sld [smem:$0x3FA8]  }
0x31: {  	[smem:$0x3FB1] =	sst s10  }
0x32: {  	s10 =	sld [smem:$0x3FAF];
	_ =	sdelay $0x3  }
0x33: {  	p0 =	seq.s32 s10, $0x1;
	s10 =	sld [smem:$0x3FB1];
	_ =	sdelay $0x3  }
0x34: {  	[smem:$0x3FB1] =	sst s10  }
0x35: {  	s10 =	sld [smem:$0x3FB0];
	_ =	sdelay $0x3  }
0x36: {  	p1 =	seq.s32 s10, $0x1;
	s10 =	sld [smem:$0x3FB1];
	_ =	sdelay $0x3  }
0x37: {  	[smem:$0x3FB1] =	sst s10  }
0x38: {  	s10 =	sld [smem:$0x3FB2]  }
0x39: {  	_ = 	snop;
	(pc) =	sbr.ind lr, $3  }
0x3a: {  	_ = 	snop  }
0x3b: {  	_ = 	snop  }
0x3c: {  	p2 =	seq.s32 s10, $0x1;
	s10 =	sld [smem:$0x3FB1]  }
0x3d: {  	_ =	shalt  }
0x3e: {  	_ =	shalt  }
0x3f: {  	_ =	shalt  }
0x40: {  	_ =	shalt  }
0x41: {  	_ =	shalt  }
0x42: {  	_ =	shalt  }
0x43: {  	_ =	shalt  }
0x44: {  	_ =	shalt  }
0x45: {  	_ =	shalt  }
0x46: {  	_ =	shalt  }
0x47: {  	_ =	shalt  }
0x48: {  	_ =	shalt  }
0x49: {  	_ =	shalt  }
0x4a: {  	_ =	shalt  }
0x4b: {  	_ =	shalt  }
0x4c: {  	_ =	shalt  }
0x4d: {  	_ =	shalt  }
0x4e: {  	_ =	shalt  }
0x4f: {  	_ =	shalt  }
0x50: {  	_ =	shalt  }
0x51: {  	_ =	shalt  }
0x52: {  	_ =	shalt  }
0x53: {  	_ =	shalt  }
0x54: {  	_ =	shalt  }
0x55: {  	_ =	shalt  }
0x56: {  	_ =	shalt  }
0x57: {  	_ =	shalt  }
0x58: {  	_ =	shalt  }
0x59: {  	_ =	shalt  }
0x5a: {  	_ =	shalt  }
0x5b: {  	_ =	shalt  }
0x5c: {  	_ =	shalt  }
0x5d: {  	_ =	shalt  }
0x5e: {  	_ =	shalt  }
0x5f: {  	_ =	shalt  }
0x60: {  	_ =	shalt  }
0x61: {  	_ =	shalt  }
0x62: {  	_ =	shalt  }
0x63: {  	_ =	shalt  }
0x64: {  	_ =	shalt  }
0x65: {  	_ =	shalt  }
0x66: {  	_ =	shalt  }
0x67: {  	_ =	shalt  }
0x68: {  	_ =	shalt  }
0x69: {  	_ =	shalt  }
0x6a: {  	_ =	shalt  }
0x6b: {  	_ =	shalt  }
0x6c: {  	_ =	shalt  }
0x6d: {  	_ =	shalt  }
0x6e: {  	_ =	shalt  }
0x6f: {  	_ =	shalt  }
0x70: {  	_ =	shalt  }
0x71: {  	_ =	shalt  }
0x72: {  	_ =	shalt  }
0x73: {  	_ =	shalt  }
0x74: {  	_ =	shalt  }
0x75: {  	_ =	shalt  }
0x76: {  	_ =	shalt  }
0x77: {  	_ =	shalt  }
0x78: {  	_ =	shalt  }
0x79: {  	_ =	shalt  }
0x7a: {  	_ =	shalt  }
0x7b: {  	_ =	shalt  }
0x7c: {  	_ =	shalt  }
0x7d: {  	_ =	shalt  }
0x7e: {  	_ =	shalt  }
0x7f: {  	_ =	shalt  }
0x80: {  	_ =	shalt  }
0x81: {  	_ =	shalt  }
0x82: {  	_ =	shalt  }
0x83: {  	_ =	shalt  }
0x84: {  	_ =	shalt  }
0x85: {  	_ =	shalt  }
0x86: {  	_ =	shalt  }
0x87: {  	_ =	shalt  }
.Lfunc_end0:
.L_simem_size_0:
called_computation.3_lowered:
.L_overlay_start_0:
0x88: {  	s2 =	sld [smem:$0x3FD9]  }
0x89: {  	s3 =	sld [smem:$0x3FFE];
	_ =	sdelay $0x1  }
0x8a: {  	s1 =	srdreg.scid  }
0x8b: {  	s0 =	sand.u32 $0x1, s1  }
0x8c: {  	s16 =	sshll.u32 s0, $0xA;
	s2 =	sadd.s32 s3, s2  }
0x8d: {  	s2 =	sadd.s32 s2, s16  }
0x8e: {  	[smem:$0x3FBD] =	sst s2  }
0x8f: {  	_ = 	snop  }
0x90: {  	(tm) =	ssettm $0x1  }
0x91: {  	s17 =	sld [smem:$0x3FFB];
	_ =	sdelay $0x3  }
0x92: {  	_ =	strace s17  }
0x93: {  	s2 =	sld [smem:$0x3FFC];
	_ =	sdelay $0x3  }
0x94: {  	_ =	strace s2  }
0x95: {  	s2 =	sld [smem:$0x3FFD];
	_ =	sdelay $0x3  }
0x96: {  	_ =	strace s2  }
0x97: {  	_ =	strace $0x8FFFFFFF  }
0x98: {  	s18 =	sld [smem:$0x3FDB];
	_ =	sdelay $0x1  }
0x99: {  	s19 =	simm.s32 $_scs_section_size  }
0x9a: {  	s4 =	simm.s32 $_size__tile_overlayer_lowered;
	s5 =	simm.s32 $_tile_overlayer_lowered  }
0x9b: {  	s22 =	simm.s32 $0x1BFF;
	s21 =	sshll.u32 s5, $0x1;
	s2 =	sadd.s32 s19, s18  }
0x9c: {  	s6 =	simm.s32 $0x0;
	s20 =	sshll.u32 s4, $0x1;
	s4 =	sadd.s32 s21, s2  }
0x9d: {  	[timem:s6], [sflag:s22] =	dma.local [hbm:s4], s20  }
0x9e: {  	_ =	swait.ge [sflag:s22], s20  }
0x9f: {  	s3 =	ssub.s32 $0x0, s20;
	[sflag:s22] =	ssyncset.done $0x0  }
0xa0: {  	[sflag:s22] =	ssyncadd.s32 s3;
	_ =	sdelay $0x1  }
0xa1: {  	s23 =	simm.s32 $0x1B8B  }
0xa2: {  	_ =	swait.ge [sflag:s23], $0x1  }
0xa3: {  	[sflag:s23] =	ssyncset.done $0x0  }
0xa4: {  	s25 =	simm.s32 $0x1B8E;
	s24 =	sld [smem:$0x3FFE];
	[sflag:s23] =	ssyncadd.s32 $0xFFFFFFFF  }
0xa5: {  	s26 =	simm.s32 $execute0_lowered;
	[smem:$0x3FD2] =	sst s25  }
0xa6: {  	s4 =	sshll.u32 s26, $0x1;
	_ =	strace $0x8000004F;
	[dreg:$0x1] =	wrdreg $0xFFFFFFFF  }
0xa7: {  	s28 =	simm.s32 $_size_execute0_lowered;
	s2 =	sadd.s32 s2, s4;
	[dreg:$0x0] =	wrdreg $0x0  }
0xa8: {  	s4 =	sshll.u32 s28, $0x1;
	[dreg:$0x2] =	wrdreg s2  }
0xa9: {  	[dreg:$0x3] =	wrdreg s4  }
0xaa: {  	[dreg:$0x4] =	wrdreg $0xC0  }
0xab: {  	_ =	task [dreg:s6], $0x5FFFF  }
0xac: {  	[dreg:$0x1] =	wrdreg $0xFFFFFFFF  }
0xad: {  	[dreg:$0x0] =	wrdreg $0x60  }
0xae: {  	[dreg:$0x2] =	wrdreg s24  }
0xaf: {  	[dreg:$0x3] =	wrdreg $0x53800  }
0xb0: {  	[dreg:$0x4] =	wrdreg $0x9  }
0xb1: {  	_ =	task.clear_ibuf [dreg:s6], $0x5FFFF;
	_ =	strace $0x9000004F  }
0xb2: {  	s29 =	simm.s32 $0x9;
	_ =	strace $0x80000051  }
0xb3: {  	_ =	swait.ge [sflag:s29], $0x1  }
0xb4: {  	[sflag:s29] =	ssyncadd.s32 $0xFFFFFFFF  }
0xb5: {  	_ =	strace $0x90000051  }
0xb6: {  	_ =	sfence  }
0xb7: {  	s30 =	sld [smem:$0x0];
	_ =	sdelay $0x2  }
0xb8: {  	s31 =	sshll.u32 s1, $0xD;
	s1 =	sshrl.u32 s1, $0x2  }
0xb9: {  	s3 =	sand.u32 $0x4000, s31;
	s1 =	sadd.s32 s1, s30  }
0xba: {  	s0 =	sor.u32 s3, s0;
	s1 =	sshll.u32 s1, $0x11  }
0xbb: {  	s0 =	sor.u32 s1, s0  }
0xbc: {  	s0 =	sadd.s32 $0x8F2B, s0  }
0xbd: {  	[sflag:s0] =	ssyncadd.remote.s32 $0x1  }
0xbe: {  	_ =	sfence.sel $0xFFFF  }
0xbf: {  	[dreg:$0x0] =	wrdreg $0xFFFFFFFF;
	(pc) =	sbr.abs _section_cstart, $3  }
0xc0: {  	[dreg:$0x1] =	wrdreg $0xFFFFFFFF  }
0xc1: {  	_ =	task.clear_ibuf [dreg:s6], $0x2FFFF;
	_ =	strace $0x9FFFFFFF  }
0xc2: {  	(tm) =	ssettm $0x7FFFFFFF  }
0xc3: {  	_ =	shalt  }
tec
execute0_lowered:
.L_overlay_start_1:
0x0: {  	(tag) =	ssettag $0x1  }
0x1: {  	s0 =	srdreg.scid;
	s5 =	rddreg [dreg:$0x0]  }
0x2: {  	s2 =	rddreg [dreg:$0x1];
	s1 =	stileid.u32  }
0x3: {  	s3 =	simm.s32 $0x0;
	s11 =	simm.s32 $0x3;
	s12 =	simm.s32 $0x2800  }
0x4: {  	s13 =	simm.s32 $0x80;
	s14 =	simm.s32 $0x5000;
	s15 =	simm.s32 $0x5080  }
0x5: {  	s16 =	simm.s32 $0x1;
	s17 =	simm.s32 $0x2;
	s20 =	simm.s32 $0x20  }
0x6: {  	s21 =	simm.s32 $0x10;
	s6 =	sand.u32 $0x1, s0;
	s0 =	rddreg [dreg:$0x2]  }
0x7: {  	s22 =	simm.s32 $0x0;
	[smem:$0x7FF] =	sst s3;
	s8 =	smul.u32 $0x500, s1  }
0x8: {  	s10 =	smul.u32 $0xA00, s1;
	s18 =	sshll.u32 s1, $0x6;
	s4 =	sshll.u32 s6, $0x4  }
0x9: {  	_ =	strace $0x80000050;
	s9 =	sshll.u32 s6, $0x7;
	s6 =	ssub.s32 $0x2, s6  }
0xa: {  	s18 =	sor.u32 $0x1C03, s18;
	s4 =	sor.u32 s1, s4;
	s8 =	sor.u32 s9, s8  }
0xb: {  	s31 =	sshrl.u32 s6, $0x1;
	s10 =	sshrl.u32 s10, $0x2;
	s7 =	smul.u32 $0x500, s4  }
0xc: {  	s4 =	sadd.s32 $0x17000, s5;
	s8 =	sshrl.u32 s8, $0x3;
	s9 =	ssub.s32 s6, s31  }
0xd: {  	s8 =	sadd.s32 s8, s5;
	s9 =	smax.u32 s9, $0x1;
	s7 =	sadd.s32 s7, s5  }
0xe: {  	s5 =	sadd.s32 s10, s2;
	s8 =	sadd.s32 $0x17600, s8;
	s10 =	simm.s32 $0x5100  }
0xf: {  	v0 =	vimm.f32 $0.0e+00;
	s6 =	sadd.s32 $0xD000, s7;
	s7 =	sadd.s32 $0x3000, s7;
	s19 =	sshrl.u32 s5, $0x3  }
.LBB2_1:
0x10: {  	[tilespmem:$0x5100] =	vst v0  }
0x11: {  	[tilespmem:$0x5110] =	vst v0  }
0x12: {  	[tilespmem:$0x5120] =	vst v0  }
0x13: {  	[tilespmem:$0x5130] =	vst v0  }
0x14: {  	[tilespmem:$0x5140] =	vst v0  }
0x15: {  	[tilespmem:$0x5150] =	vst v0  }
0x16: {  	[tilespmem:$0x5160] =	vst v0  }
0x17: {  	[tilespmem:$0x5170] =	vst v0  }
0x18: {  	[tilespmem:$0x5180] =	vst v0  }
0x19: {  	[tilespmem:$0x5190] =	vst v0  }
0x1a: {  	[tilespmem:$0x51A0] =	vst v0  }
0x1b: {  	[tilespmem:$0x51B0] =	vst v0  }
0x1c: {  	[tilespmem:$0x51C0] =	vst v0  }
0x1d: {  	[tilespmem:$0x51D0] =	vst v0  }
0x1e: {  	[tilespmem:$0x51E0] =	vst v0  }
0x1f: {  	[tilespmem:$0x51F0] =	vst v0  }
0x20: {  	[tilespmem:$0x5200] =	vst v0  }
0x21: {  	[tilespmem:$0x5210] =	vst v0  }
0x22: {  	[tilespmem:$0x5220] =	vst v0  }
0x23: {  	[tilespmem:$0x5230] =	vst v0  }
0x24: {  	[tilespmem:$0x5240] =	vst v0  }
0x25: {  	[tilespmem:$0x5250] =	vst v0  }
0x26: {  	[tilespmem:$0x5260] =	vst v0  }
0x27: {  	[tilespmem:$0x5270] =	vst v0  }
0x28: {  	[tilespmem:$0x5280] =	vst v0  }
0x29: {  	[tilespmem:$0x5290] =	vst v0  }
0x2a: {  	[tilespmem:$0x52A0] =	vst v0  }
0x2b: {  	[tilespmem:$0x52B0] =	vst v0  }
0x2c: {  	[tilespmem:$0x52C0] =	vst v0  }
0x2d: {  	[tilespmem:$0x52D0] =	vst v0  }
0x2e: {  	[tilespmem:$0x52E0] =	vst v0  }
0x2f: {  	[tilespmem:$0x52F0] =	vst v0  }
0x30: {  	[tilespmem:$0x5300] =	vst v0  }
0x31: {  	[tilespmem:$0x5310] =	vst v0  }
0x32: {  	[tilespmem:$0x5320] =	vst v0  }
0x33: {  	[tilespmem:$0x5330] =	vst v0  }
0x34: {  	[tilespmem:$0x5340] =	vst v0  }
0x35: {  	[tilespmem:$0x5350] =	vst v0  }
0x36: {  	[tilespmem:$0x5360] =	vst v0  }
0x37: {  	[tilespmem:$0x5370] =	vst v0  }
0x38: {  	[spmem:s5] =	stream.linear.scatter [tilespmem:s10], [sflag:$0x3], $0x280, $0x38;
	[tilespmem:$0x5600] =	vst v63  }
0x39: {  	_ =	swait.ge [sflag:s11], $0x280  }
0x3a: {  	[sflag:s11] =	ssyncset.done $0x0  }
0x3b: {  	[sflag:s11] =	ssyncadd.s32 $0xFFFFFD80  }
0x3c: {  	[tilespmem:s3], [sflag:$0x3] =	stream.linear.gather [hbm4b:s6+s3], $0x2800, $0x38;
	[tilespmem:$0x5600] =	vst v63  }
0x3d: {  	_ =	swait.ge [sflag:s11], $0x2800  }
0x3e: {  	[sflag:s11] =	ssyncset.done $0x0  }
0x3f: {  	[sflag:s11] =	ssyncadd.s32 $0xFFFFD800  }
0x40: {  	[tilespmem:s12], [sflag:$0x3] =	stream.linear.gather [hbm4b:s7+s3], $0x2800, $0x38;
	[tilespmem:$0x5600] =	vst v63  }
0x41: {  	_ =	swait.ge [sflag:s11], $0x2800  }
0x42: {  	[sflag:s11] =	ssyncset.done $0x0  }
0x43: {  	[sflag:s11] =	ssyncadd.s32 $0xFFFFD800  }
0x44: {  	s23 =	simm.s32 $0x0;
	[bflag:$0x0] =	sbarrier.arrive $0xFFFF  }
0x45: {  	[tilespmem:s14], [sflag:$0x1] =	stream.indirect.gather [hbm4b:s4+s13], $0x1, s23, s13, $0xb8;
	[tilespmem:$0x5600] =	vst v63  }
0x46: {  	s31 =	simm.s32 $0x80  }
0x47: {  	[tilespmem:s15], [sflag:$0x2] =	stream.indirect.gather [hbm4b:s4+s13], $0x1, s31, s13, $0xb8;
	[tilespmem:$0x5600] =	vst v63  }
0x48: {  	_ =	swait.ge [sflag:s16], $0x80  }
0x49: {  	[sflag:s16] =	ssyncset.done $0x0  }
0x4a: {  	s24 =	simm.s32 $0x2800;
	[sflag:s16] =	ssyncadd.s32 $0xFFFFFF80  }
0x4b: {  	[spmem:s2] =	stream.indirect.scatter.add.f32 [tilespmem:s14], [sflag:$0x3], $0x1, s24, s13, $0xb8;
	[tilespmem:$0x5600] =	vst v63  }
0x4c: {  	_ =	swait.ge [sflag:s11], $0x80  }
0x4d: {  	[sflag:s11] =	ssyncset.done $0x0  }
0x4e: {  	s25 =	simm.s32 $0x100;
	[sflag:s11] =	ssyncadd.s32 $0xFFFFFF80  }
0x4f: {  	[tilespmem:s14], [sflag:$0x2] =	stream.indirect.gather [hbm4b:s4+s13], $0x1, s25, s13, $0xb8;
	[tilespmem:$0x5600] =	vst v63  }
0x50: {  	_ =	swait.ge [sflag:s17], $0x80  }
0x51: {  	[sflag:s17] =	ssyncset.done $0x0  }
0x52: {  	s26 =	simm.s32 $0x2880;
	[sflag:s17] =	ssyncadd.s32 $0xFFFFFF80  }
0x53: {  	[spmem:s2] =	stream.indirect.scatter.add.f32 [tilespmem:s15], [sflag:$0x3], $0x1, s26, s13, $0xb8;
	[tilespmem:$0x5600] =	vst v63  }
0x54: {  	_ =	swait.ge [sflag:s11], $0x80  }
0x55: {  	[sflag:s11] =	ssyncset.done $0x0  }
0x56: {  	s28 =	simm.s32 $0x180;
	[sflag:s11] =	ssyncadd.s32 $0xFFFFFF80  }
0x57: {  	[tilespmem:s15], [sflag:$0x2] =	stream.indirect.gather [hbm4b:s4+s13], $0x1, s28, s13, $0xb8;
	[tilespmem:$0x5600] =	vst v63  }
0x58: {  	_ =	swait.ge [sflag:s17], $0x80  }
0x59: {  	[sflag:s17] =	ssyncset.done $0x0  }
0x5a: {  	s29 =	simm.s32 $0x2900;
	[sflag:s17] =	ssyncadd.s32 $0xFFFFFF80  }
0x5b: {  	[spmem:s2] =	stream.indirect.scatter.add.f32 [tilespmem:s14], [sflag:$0x3], $0x1, s29, s13, $0xb8;
	[tilespmem:$0x5600] =	vst v63  }
0x5c: {  	_ =	swait.ge [sflag:s11], $0x80  }
0x5d: {  	[sflag:s11] =	ssyncset.done $0x0  }
0x5e: {  	s30 =	simm.s32 $0x200;
	[sflag:s11] =	ssyncadd.s32 $0xFFFFFF80  }
0x5f: {  	[tilespmem:s14], [sflag:$0x2] =	stream.indirect.gather [hbm4b:s4+s13], $0x1, s30, s13, $0xb8;
	[tilespmem:$0x5600] =	vst v63  }
0x60: {  	_ =	swait.ge [sflag:s17], $0x80  }
0x61: {  	[sflag:s17] =	ssyncset.done $0x0  }
0x62: {  	s31 =	simm.s32 $0x2980;
	[sflag:s17] =	ssyncadd.s32 $0xFFFFFF80  }
0x63: {  	[spmem:s2] =	stream.indirect.scatter.add.f32 [tilespmem:s15], [sflag:$0x3], $0x1, s31, s13, $0xb8;
	[tilespmem:$0x5600] =	vst v63  }
0x64: {  	_ =	swait.ge [sflag:s11], $0x80  }
0x65: {  	[sflag:s11] =	ssyncset.done $0x0  }
0x66: {  	s24 =	simm.s32 $0x280;
	[sflag:s11] =	ssyncadd.s32 $0xFFFFFF80  }
0x67: {  	[tilespmem:s15], [sflag:$0x2] =	stream.indirect.gather [hbm4b:s4+s13], $0x1, s24, s13, $0xb8;
	[tilespmem:$0x5600] =	vst v63  }
0x68: {  	_ =	swait.ge [sflag:s17], $0x80  }
0x69: {  	[sflag:s17] =	ssyncset.done $0x0  }
0x6a: {  	s25 =	simm.s32 $0x2A00;
	[sflag:s17] =	ssyncadd.s32 $0xFFFFFF80  }
0x6b: {  	[spmem:s2] =	stream.indirect.scatter.add.f32 [tilespmem:s14], [sflag:$0x3], $0x1, s25, s13, $0xb8;
	[tilespmem:$0x5600] =	vst v63  }
0x6c: {  	_ =	swait.ge [sflag:s11], $0x80  }
0x6d: {  	[sflag:s11] =	ssyncset.done $0x0  }
0x6e: {  	s26 =	simm.s32 $0x300;
	[sflag:s11] =	ssyncadd.s32 $0xFFFFFF80  }
0x6f: {  	[tilespmem:s14], [sflag:$0x2] =	stream.indirect.gather [hbm4b:s4+s13], $0x1, s26, s13, $0xb8;
	[tilespmem:$0x5600] =	vst v63  }
0x70: {  	_ =	swait.ge [sflag:s17], $0x80  }
0x71: {  	[sflag:s17] =	ssyncset.done $0x0  }
0x72: {  	s28 =	simm.s32 $0x2A80;
	[sflag:s17] =	ssyncadd.s32 $0xFFFFFF80  }
0x73: {  	[spmem:s2] =	stream.indirect.scatter.add.f32 [tilespmem:s15], [sflag:$0x3], $0x1, s28, s13, $0xb8;
	[tilespmem:$0x5600] =	vst v63  }
0x74: {  	_ =	swait.ge [sflag:s11], $0x80  }
0x75: {  	[sflag:s11] =	ssyncset.done $0x0  }
0x76: {  	s29 =	simm.s32 $0x380;
	[sflag:s11] =	ssyncadd.s32 $0xFFFFFF80  }
0x77: {  	[tilespmem:s15], [sflag:$0x2] =	stream.indirect.gather [hbm4b:s4+s13], $0x1, s29, s13, $0xb8;
	[tilespmem:$0x5600] =	vst v63  }
0x78: {  	_ =	swait.ge [sflag:s17], $0x80  }
0x79: {  	[sflag:s17] =	ssyncset.done $0x0  }
0x7a: {  	s30 =	simm.s32 $0x2B00;
	[sflag:s17] =	ssyncadd.s32 $0xFFFFFF80  }
0x7b: {  	[spmem:s2] =	stream.indirect.scatter.add.f32 [tilespmem:s14], [sflag:$0x3], $0x1, s30, s13, $0xb8;
	[tilespmem:$0x5600] =	vst v63  }
0x7c: {  	_ =	swait.ge [sflag:s11], $0x80  }
0x7d: {  	[sflag:s11] =	ssyncset.done $0x0  }
0x7e: {  	[sflag:s11] =	ssyncadd.s32 $0xFFFFFF80  }
0x7f: {  	_ =	swait.ge [sflag:s17], $0x80  }
0x80: {  	[sflag:s17] =	ssyncset.done $0x0  }
0x81: {  	s31 =	simm.s32 $0x2B80;
	[sflag:s17] =	ssyncadd.s32 $0xFFFFFF80  }
0x82: {  	[spmem:s2] =	stream.indirect.scatter.add.f32 [tilespmem:s15], [sflag:$0x3], $0x1, s31, s13, $0xb8;
	[tilespmem:$0x5600] =	vst v63  }
0x83: {  	_ =	swait.ge [sflag:s11], $0x80  }
0x84: {  	s23 =	simm.s32 $0x1000;
	s26 =	simm.s32 $0x2000;
	[sflag:s11] =	ssyncset.done $0x0  }
.LBB2_2:
0x85: {  	s25 =	sshra.s32 s23, $0x2  }
0x86: {  	[sflag:s11] =	ssyncadd.s32 $0xFFFFFF80;
	s23 =	smov.u32 s26;
	s24 =	sadd.s32 $0x1000, s26  }
0x87: {  	[tilespmem:s14], [sflag:$0x1] =	stream.indirect.gather [hbm4b:s4+s13], $0x1, s25, s13, $0xb8;
	[tilespmem:$0x5600] =	vst v63  }
0x88: {  	p0 =	sne.s32 s26, $0x9000;
	s26 =	sadd.s32 $0x80, s25  }
0x89: {  	[tilespmem:s15], [sflag:$0x2] =	stream.indirect.gather [hbm4b:s4+s13], $0x1, s26, s13, $0xb8;
	[tilespmem:$0x5600] =	vst v63  }
0x8a: {  	_ =	swait.ge [sflag:s16], $0x80  }
0x8b: {  	[sflag:s16] =	ssyncset.done $0x0  }
0x8c: {  	s26 =	sadd.s32 $0x2800, s25;
	[sflag:s16] =	ssyncadd.s32 $0xFFFFFF80  }
0x8d: {  	[spmem:s2] =	stream.indirect.scatter.add.f32 [tilespmem:s14], [sflag:$0x3], $0x1, s26, s13, $0xb8;
	[tilespmem:$0x5600] =	vst v63  }
0x8e: {  	_ =	swait.ge [sflag:s11], $0x80  }
0x8f: {  	[sflag:s11] =	ssyncset.done $0x0  }
0x90: {  	s26 =	sadd.s32 $0x100, s25;
	[sflag:s11] =	ssyncadd.s32 $0xFFFFFF80  }
0x91: {  	[tilespmem:s14], [sflag:$0x2] =	stream.indirect.gather [hbm4b:s4+s13], $0x1, s26, s13, $0xb8;
	[tilespmem:$0x5600] =	vst v63  }
0x92: {  	_ =	swait.ge [sflag:s17], $0x80  }
0x93: {  	[sflag:s17] =	ssyncset.done $0x0  }
0x94: {  	s26 =	sadd.s32 $0x2880, s25;
	[sflag:s17] =	ssyncadd.s32 $0xFFFFFF80  }
0x95: {  	[spmem:s2] =	stream.indirect.scatter.add.f32 [tilespmem:s15], [sflag:$0x3], $0x1, s26, s13, $0xb8;
	[tilespmem:$0x5600] =	vst v63  }
0x96: {  	_ =	swait.ge [sflag:s11], $0x80  }
0x97: {  	[sflag:s11] =	ssyncset.done $0x0  }
0x98: {  	s26 =	sadd.s32 $0x180, s25;
	[sflag:s11] =	ssyncadd.s32 $0xFFFFFF80  }
0x99: {  	[tilespmem:s15], [sflag:$0x2] =	stream.indirect.gather [hbm4b:s4+s13], $0x1, s26, s13, $0xb8;
	[tilespmem:$0x5600] =	vst v63  }
0x9a: {  	_ =	swait.ge [sflag:s17], $0x80  }
0x9b: {  	[sflag:s17] =	ssyncset.done $0x0  }
0x9c: {  	s26 =	sadd.s32 $0x2900, s25;
	[sflag:s17] =	ssyncadd.s32 $0xFFFFFF80  }
0x9d: {  	[spmem:s2] =	stream.indirect.scatter.add.f32 [tilespmem:s14], [sflag:$0x3], $0x1, s26, s13, $0xb8;
	[tilespmem:$0x5600] =	vst v63  }
0x9e: {  	_ =	swait.ge [sflag:s11], $0x80  }
0x9f: {  	[sflag:s11] =	ssyncset.done $0x0  }
0xa0: {  	s26 =	sadd.s32 $0x200, s25;
	[sflag:s11] =	ssyncadd.s32 $0xFFFFFF80  }
0xa1: {  	[tilespmem:s14], [sflag:$0x2] =	stream.indirect.gather [hbm4b:s4+s13], $0x1, s26, s13, $0xb8;
	[tilespmem:$0x5600] =	vst v63  }
0xa2: {  	_ =	swait.ge [sflag:s17], $0x80  }
0xa3: {  	[sflag:s17] =	ssyncset.done $0x0  }
0xa4: {  	s26 =	sadd.s32 $0x2980, s25;
	[sflag:s17] =	ssyncadd.s32 $0xFFFFFF80  }
0xa5: {  	[spmem:s2] =	stream.indirect.scatter.add.f32 [tilespmem:s15], [sflag:$0x3], $0x1, s26, s13, $0xb8;
	[tilespmem:$0x5600] =	vst v63  }
0xa6: {  	_ =	swait.ge [sflag:s11], $0x80  }
0xa7: {  	[sflag:s11] =	ssyncset.done $0x0  }
0xa8: {  	s26 =	sadd.s32 $0x280, s25;
	[sflag:s11] =	ssyncadd.s32 $0xFFFFFF80  }
0xa9: {  	[tilespmem:s15], [sflag:$0x2] =	stream.indirect.gather [hbm4b:s4+s13], $0x1, s26, s13, $0xb8;
	[tilespmem:$0x5600] =	vst v63  }
0xaa: {  	_ =	swait.ge [sflag:s17], $0x80  }
0xab: {  	[sflag:s17] =	ssyncset.done $0x0  }
0xac: {  	s26 =	sadd.s32 $0x2A00, s25;
	[sflag:s17] =	ssyncadd.s32 $0xFFFFFF80  }
0xad: {  	[spmem:s2] =	stream.indirect.scatter.add.f32 [tilespmem:s14], [sflag:$0x3], $0x1, s26, s13, $0xb8;
	[tilespmem:$0x5600] =	vst v63  }
0xae: {  	_ =	swait.ge [sflag:s11], $0x80  }
0xaf: {  	[sflag:s11] =	ssyncset.done $0x0  }
0xb0: {  	s26 =	sadd.s32 $0x300, s25;
	[sflag:s11] =	ssyncadd.s32 $0xFFFFFF80  }
0xb1: {  	[tilespmem:s14], [sflag:$0x2] =	stream.indirect.gather [hbm4b:s4+s13], $0x1, s26, s13, $0xb8;
	[tilespmem:$0x5600] =	vst v63  }
0xb2: {  	_ =	swait.ge [sflag:s17], $0x80  }
0xb3: {  	[sflag:s17] =	ssyncset.done $0x0  }
0xb4: {  	s26 =	sadd.s32 $0x2A80, s25;
	[sflag:s17] =	ssyncadd.s32 $0xFFFFFF80  }
0xb5: {  	[spmem:s2] =	stream.indirect.scatter.add.f32 [tilespmem:s15], [sflag:$0x3], $0x1, s26, s13, $0xb8;
	[tilespmem:$0x5600] =	vst v63  }
0xb6: {  	_ =	swait.ge [sflag:s11], $0x80  }
0xb7: {  	[sflag:s11] =	ssyncset.done $0x0  }
0xb8: {  	s26 =	sadd.s32 $0x380, s25;
	[sflag:s11] =	ssyncadd.s32 $0xFFFFFF80  }
0xb9: {  	[tilespmem:s15], [sflag:$0x2] =	stream.indirect.gather [hbm4b:s4+s13], $0x1, s26, s13, $0xb8;
	[tilespmem:$0x5600] =	vst v63  }
0xba: {  	_ =	swait.ge [sflag:s17], $0x80  }
0xbb: {  	[sflag:s17] =	ssyncset.done $0x0  }
0xbc: {  	s26 =	sadd.s32 $0x2B00, s25;
	[sflag:s17] =	ssyncadd.s32 $0xFFFFFF80  }
0xbd: {  	[spmem:s2] =	stream.indirect.scatter.add.f32 [tilespmem:s14], [sflag:$0x3], $0x1, s26, s13, $0xb8;
	[tilespmem:$0x5600] =	vst v63  }
0xbe: {  	_ =	swait.ge [sflag:s11], $0x80  }
0xbf: {  	[sflag:s11] =	ssyncset.done $0x0  }
0xc0: {  	[sflag:s11] =	ssyncadd.s32 $0xFFFFFF80  }
0xc1: {  	_ =	swait.ge [sflag:s17], $0x80  }
.Ltmp0:
0xc2: {  	[sflag:s17] =	ssyncset.done $0x0;
	(pc) =	sbr.rel @p0 .LBB2_2-.Ltmp0, $4  }
0xc3: {  	s25 =	sadd.s32 $0x2B80, s25;
	[sflag:s17] =	ssyncadd.s32 $0xFFFFFF80  }
0xc4: {  	[spmem:s2] =	stream.indirect.scatter.add.f32 [tilespmem:s15], [sflag:$0x3], $0x1, s25, s13, $0xb8;
	[tilespmem:$0x5600] =	vst v63  }
0xc5: {  	_ =	swait.ge [sflag:s11], $0x80  }
0xc6: {  	s26 =	smov.u32 s24;
	[sflag:s11] =	ssyncset.done $0x0  }
0xc7: {  	s23 =	sshra.s32 s23, $0x2;
	[sflag:s11] =	ssyncadd.s32 $0xFFFFFF80  }
0xc8: {  	[tilespmem:s14], [sflag:$0x1] =	stream.indirect.gather [hbm4b:s4+s13], $0x1, s23, s13, $0xb8;
	[tilespmem:$0x5600] =	vst v63  }
0xc9: {  	s24 =	sadd.s32 $0x80, s23  }
0xca: {  	[tilespmem:s15], [sflag:$0x2] =	stream.indirect.gather [hbm4b:s4+s13], $0x1, s24, s13, $0xb8;
	[tilespmem:$0x5600] =	vst v63  }
0xcb: {  	_ =	swait.ge [sflag:s16], $0x80  }
0xcc: {  	[sflag:s16] =	ssyncset.done $0x0  }
0xcd: {  	s31 =	sadd.s32 $0x2800, s23;
	[sflag:s16] =	ssyncadd.s32 $0xFFFFFF80  }
0xce: {  	[spmem:s2] =	stream.indirect.scatter.add.f32 [tilespmem:s14], [sflag:$0x3], $0x1, s31, s13, $0xb8;
	[tilespmem:$0x5600] =	vst v63  }
0xcf: {  	_ =	swait.ge [sflag:s11], $0x80  }
0xd0: {  	[sflag:s11] =	ssyncset.done $0x0  }
0xd1: {  	s25 =	sadd.s32 $0x100, s23;
	[sflag:s11] =	ssyncadd.s32 $0xFFFFFF80  }
0xd2: {  	[tilespmem:s14], [sflag:$0x2] =	stream.indirect.gather [hbm4b:s4+s13], $0x1, s25, s13, $0xb8;
	[tilespmem:$0x5600] =	vst v63  }
0xd3: {  	_ =	swait.ge [sflag:s17], $0x80  }
0xd4: {  	[sflag:s17] =	ssyncset.done $0x0  }
0xd5: {  	s26 =	sadd.s32 $0x2880, s23;
	[sflag:s17] =	ssyncadd.s32 $0xFFFFFF80  }
0xd6: {  	[spmem:s2] =	stream.indirect.scatter.add.f32 [tilespmem:s15], [sflag:$0x3], $0x1, s26, s13, $0xb8;
	[tilespmem:$0x5600] =	vst v63  }
0xd7: {  	_ =	swait.ge [sflag:s11], $0x80  }
0xd8: {  	[sflag:s11] =	ssyncset.done $0x0  }
0xd9: {  	s28 =	sadd.s32 $0x180, s23;
	[sflag:s11] =	ssyncadd.s32 $0xFFFFFF80  }
0xda: {  	[tilespmem:s15], [sflag:$0x2] =	stream.indirect.gather [hbm4b:s4+s13], $0x1, s28, s13, $0xb8;
	[tilespmem:$0x5600] =	vst v63  }
0xdb: {  	_ =	swait.ge [sflag:s17], $0x80  }
0xdc: {  	[sflag:s17] =	ssyncset.done $0x0  }
0xdd: {  	s29 =	sadd.s32 $0x2900, s23;
	[sflag:s17] =	ssyncadd.s32 $0xFFFFFF80  }
0xde: {  	[spmem:s2] =	stream.indirect.scatter.add.f32 [tilespmem:s14], [sflag:$0x3], $0x1, s29, s13, $0xb8;
	[tilespmem:$0x5600] =	vst v63  }
0xdf: {  	_ =	swait.ge [sflag:s11], $0x80  }
0xe0: {  	[sflag:s11] =	ssyncset.done $0x0  }
0xe1: {  	s30 =	sadd.s32 $0x200, s23;
	[sflag:s11] =	ssyncadd.s32 $0xFFFFFF80  }
0xe2: {  	[tilespmem:s14], [sflag:$0x2] =	stream.indirect.gather [hbm4b:s4+s13], $0x1, s30, s13, $0xb8;
	[tilespmem:$0x5600] =	vst v63  }
0xe3: {  	_ =	swait.ge [sflag:s17], $0x80  }
0xe4: {  	[sflag:s17] =	ssyncset.done $0x0  }
0xe5: {  	s31 =	sadd.s32 $0x2980, s23;
	[sflag:s17] =	ssyncadd.s32 $0xFFFFFF80  }
0xe6: {  	[spmem:s2] =	stream.indirect.scatter.add.f32 [tilespmem:s15], [sflag:$0x3], $0x1, s31, s13, $0xb8;
	[tilespmem:$0x5600] =	vst v63  }
0xe7: {  	_ =	swait.ge [sflag:s11], $0x80  }
0xe8: {  	[sflag:s11] =	ssyncset.done $0x0  }
0xe9: {  	s25 =	sadd.s32 $0x280, s23;
	[sflag:s11] =	ssyncadd.s32 $0xFFFFFF80  }
0xea: {  	[tilespmem:s15], [sflag:$0x2] =	stream.indirect.gather [hbm4b:s4+s13], $0x1, s25, s13, $0xb8;
	[tilespmem:$0x5600] =	vst v63  }
0xeb: {  	_ =	swait.ge [sflag:s17], $0x80  }
0xec: {  	[sflag:s17] =	ssyncset.done $0x0  }
0xed: {  	s26 =	sadd.s32 $0x2A00, s23;
	[sflag:s17] =	ssyncadd.s32 $0xFFFFFF80  }
0xee: {  	[spmem:s2] =	stream.indirect.scatter.add.f32 [tilespmem:s14], [sflag:$0x3], $0x1, s26, s13, $0xb8;
	[tilespmem:$0x5600] =	vst v63  }
0xef: {  	_ =	swait.ge [sflag:s11], $0x80  }
0xf0: {  	[sflag:s11] =	ssyncset.done $0x0  }
0xf1: {  	s28 =	sadd.s32 $0x300, s23;
	[sflag:s11] =	ssyncadd.s32 $0xFFFFFF80  }
0xf2: {  	[tilespmem:s14], [sflag:$0x2] =	stream.indirect.gather [hbm4b:s4+s13], $0x1, s28, s13, $0xb8;
	[tilespmem:$0x5600] =	vst v63  }
0xf3: {  	_ =	swait.ge [sflag:s17], $0x80  }
0xf4: {  	[sflag:s17] =	ssyncset.done $0x0  }
0xf5: {  	s29 =	sadd.s32 $0x2A80, s23;
	[sflag:s17] =	ssyncadd.s32 $0xFFFFFF80  }
0xf6: {  	[spmem:s2] =	stream.indirect.scatter.add.f32 [tilespmem:s15], [sflag:$0x3], $0x1, s29, s13, $0xb8;
	[tilespmem:$0x5600] =	vst v63  }
0xf7: {  	_ =	swait.ge [sflag:s11], $0x80  }
0xf8: {  	[sflag:s11] =	ssyncset.done $0x0  }
0xf9: {  	s30 =	sadd.s32 $0x380, s23;
	[sflag:s11] =	ssyncadd.s32 $0xFFFFFF80  }
0xfa: {  	[tilespmem:s15], [sflag:$0x2] =	stream.indirect.gather [hbm4b:s4+s13], $0x1, s30, s13, $0xb8;
	[tilespmem:$0x5600] =	vst v63  }
0xfb: {  	_ =	swait.ge [sflag:s17], $0x80  }
0xfc: {  	[sflag:s17] =	ssyncset.done $0x0  }
0xfd: {  	s31 =	sadd.s32 $0x2B00, s23;
	[sflag:s17] =	ssyncadd.s32 $0xFFFFFF80  }
0xfe: {  	[spmem:s2] =	stream.indirect.scatter.add.f32 [tilespmem:s14], [sflag:$0x3], $0x1, s31, s13, $0xb8;
	[tilespmem:$0x5600] =	vst v63  }
0xff: {  	_ =	swait.ge [sflag:s11], $0x80  }
0x100: {  	[sflag:s11] =	ssyncset.done $0x0  }
0x101: {  	[sflag:s11] =	ssyncadd.s32 $0xFFFFFF80  }
0x102: {  	_ =	swait.ge [sflag:s17], $0x80  }
0x103: {  	[sflag:s17] =	ssyncset.done $0x0  }
0x104: {  	s23 =	sadd.s32 $0x2B80, s23;
	[sflag:s17] =	ssyncadd.s32 $0xFFFFFF80  }
0x105: {  	[spmem:s2] =	stream.indirect.scatter.add.f32 [tilespmem:s15], [sflag:$0x3], $0x1, s23, s13, $0xb8;
	[tilespmem:$0x5600] =	vst v63  }
0x106: {  	_ =	swait.ge [sflag:s11], $0x80  }
0x107: {  	s22 =	sadd.s32 $0x1, s22;
	[sflag:s11] =	ssyncset.done $0x0  }
0x108: {  	p0 =	sne.s32 s22, s9;
	[sflag:s11] =	ssyncadd.s32 $0xFFFFFF80  }
.Ltmp1:
0x109: {  	[bflag:$0x0] =	sbarrier.arrive $0xFFFF;
	(pc) =	sbr.rel @p0 .LBB2_1-.Ltmp1, $4  }
0x10a: {  	[hbm:s8@s20], [sflag:s18] =	dma.strided [spmem:s19@s21], $0x50, s16, $0x10   }
0x10b: {  	_ =	swait.ge [sflag:s11], $0x50  }
0x10c: {  	[sflag:s11] =	ssyncset.done $0x0  }
0x10d: {  	[sflag:s11] =	ssyncadd.s32 $0xFFFFFFB0  }
0x10e: {  	_ =	sfence.sel $0x180000  }
0x10f: {  	[bflag:$0x0] =	sbarrier.arrive $0xFFFF  }
0x110: {  	p0 =	sne.s32 s1, $0x0;
	_ =	strace $0x90000050  }
0x111: {  	s0 =	sadd.s32 @!p0 $0x100000, s0;
	[bflag:$0x2] =	sbarrier.arrive $0xFFFF  }
0x112: {  	[sflag:s0] =	ssyncadd.tile.s32 @!p0 $0x1;
	_ =	shalt  }
.Lfunc_end2:
_tile_overlayer_lowered:
.L_overlay_start_2:
0x113: {  	(tag) =	ssettag $0x2  }
0x114: {  	s0 =	rddreg [dreg:$0x0];
	s2 =	stileid.u32  }
0x115: {  	s1 =	rddreg [dreg:$0x1];
	p0 =	sne.s32 s2, $0x0  }
0x116: {  	s3 =	rddreg [dreg:$0x2];
	[bflag:$0x3] =	sbarrier.arrive $0xFFFF;
	s2 =	simm.s32 @!p0 $0x1C03  }
0x117: {  	[timem:s3], [sflag:s2] =	dma.local @!p0 [hbm:s0], s1  }
0x118: {  	s0 =	simm.s32 @!p0 $0x3  }
0x119: {  	_ =	swait.ge @!p0 [sflag:s0], s1  }
0x11a: {  	s1 =	ssub.s32 @!p0 $0x0, s1;
	[sflag:s0] =	ssyncset.done @!p0 $0x0  }
0x11b: {  	[sflag:s0] =	ssyncadd.s32 @!p0 s1  }
0x11c: {  	[bflag:$0x3] =	sbarrier.arrive $0xFFFF  }
0x11d: {  	_ =	shalt  }

</sc_bundles>
